<compile_context>
chip_gen: v7x
topology: tpu7x:2x2x1
jax: 0.10.2.dev20260603
libtpu: 0.0.44.dev20260713+nightly
codegen_flags: <defaults>
</compile_context>

<pallas_src>
import functools

import jax
import jax.numpy as jnp
from jax import lax
from jax.experimental import pallas as pl
from jax.experimental.pallas import tpu as pltpu
from jax.experimental.pallas import tpu_sc as plsc

F32 = jnp.float32
I32 = jnp.int32

NS = 16
NC = 2
NW = NS * NC
CH = 1024
CHROWS = CH // 128
ROWW = 16


def _node_stage(rt):
    def body(th_ref, c_ref, s_ref):
        th = th_ref[...]
        c_ref[...] = jnp.cos(th)
        s_ref[...] = jnp.sin(th)

    return pl.pallas_call(
        body,
        out_shape=(jax.ShapeDtypeStruct((rt, 128), F32),
                   jax.ShapeDtypeStruct((rt, 128), F32)),
    )


def _finalize_stage(rt):
    def body(c_ref, s_ref, a0m_ref, a1m_ref, a0c_ref, a1c_ref, v0_ref,
             vx_ref, vy_ref, tq_ref):
        v0v = v0_ref[...]
        msum = a0m_ref[...] + a1m_ref[...]
        cnt = a0c_ref[...] + a1c_ref[...]
        tq_ref[...] = msum / jnp.maximum(cnt, 1.0)
        vx_ref[...] = v0v * c_ref[...]
        vy_ref[...] = v0v * s_ref[...]

    return pl.pallas_call(
        body,
        out_shape=(jax.ShapeDtypeStruct((rt, 128), F32),
                   jax.ShapeDtypeStruct((rt, 128), F32),
                   jax.ShapeDtypeStruct((rt, 128), F32)),
    )


def _sc_edge_stage(npad, n_chunks):
    q, r = divmod(n_chunks, NW)
    rows_per_tile = npad // NS
    mesh = plsc.VectorSubcoreMesh(core_axis_name="c", subcore_axis_name="s")

    @functools.partial(
        pl.kernel,
        out_type=(jax.ShapeDtypeStruct((NC, npad), F32),
                  jax.ShapeDtypeStruct((NC, npad), F32)),
        mesh=mesh,
        compiler_params=pltpu.CompilerParams(needs_layout_passes=False,
                                             use_tc_tiling_on_sc=False),
        scratch_types=[
            pltpu.VMEM((CHROWS, 128), I32),
            pltpu.VMEM((CHROWS, 128), I32),
            pltpu.VMEM((CH, ROWW), F32),
            pltpu.VMEM((CH, ROWW), F32),
            pltpu.VMEM((CH,), F32),
            pltpu.VMEM((128,), F32),
            pltpu.VMEM((97 * 16,), F32),
            pltpu.VMEM_SHARED((npad,), F32),
            pltpu.VMEM_SHARED((npad,), F32),
            pltpu.SemaphoreType.DMA,
        ],
    )
    def sck(tab_hbm, src_hbm, dst_hbm, zeros_hbm, w_hbm, outm_hbm, outc_hbm,
            sidx, didx, srows, drows, mbuf, onesb, wv, macc_sh, cacc_sh, sem):
        cid = lax.axis_index("c")
        sid = lax.axis_index("s")
        wid = sid * NC + cid

        pltpu.sync_copy(w_hbm, wv)
        pltpu.sync_copy(zeros_hbm.at[pl.ds(sid * rows_per_tile, rows_per_tile)],
                        macc_sh.at[pl.ds(sid * rows_per_tile, rows_per_tile)])
        pltpu.sync_copy(zeros_hbm.at[pl.ds(sid * rows_per_tile, rows_per_tile)],
                        cacc_sh.at[pl.ds(sid * rows_per_tile, rows_per_tile)])

        iota = lax.iota(I32, 16)
        col0 = jnp.full((16,), 0, I32)
        col1 = jnp.full((16,), 1, I32)
        col2 = jnp.full((16,), 2, I32)
        col3 = jnp.full((16,), 3, I32)
        onesf = jnp.full((16,), 1.0, F32)
        for i in range(128 // 16):
            onesb[pl.ds(i * 16, 16)] = onesf
        plsc.subcore_barrier()

        niter = q + (wid < r).astype(I32)
        start_chunk = wid * q + jnp.minimum(wid, r)

        def wload(widx):
            return wv[pl.ds(widx * 16, 16)]

        def chunk_body(it, carry):
            crow = (start_chunk + it) * CHROWS
            pltpu.sync_copy(src_hbm.at[pl.ds(crow, CHROWS)], sidx)
            pltpu.sync_copy(dst_hbm.at[pl.ds(crow, CHROWS)], didx)
            descs = []
            for j in range(CHROWS):
                descs.append(pltpu.async_copy(
                    tab_hbm.at[sidx.at[j]], srows.at[pl.ds(j * 128, 128)],
                    sem))
                descs.append(pltpu.async_copy(
                    tab_hbm.at[didx.at[j]], drows.at[pl.ds(j * 128, 128)],
                    sem))
            for d in descs:
                d.wait()

            def block_body(b, bcarry):
                b1s = wload(96)
                feats = []
                maccs = []
                evs = []
                for kk in range(4):
                    e = (b * 4 + kk) * 16 + iota
                    evs.append(e)
                    xs0 = plsc.load_gather(srows, [e, col0])
                    xs1 = plsc.load_gather(srows, [e, col1])
                    cs = plsc.load_gather(srows, [e, col2])
                    ss = plsc.load_gather(srows, [e, col3])
                    xd0 = plsc.load_gather(drows, [e, col0])
                    xd1 = plsc.load_gather(drows, [e, col1])
                    cd = plsc.load_gather(drows, [e, col2])
                    sd = plsc.load_gather(drows, [e, col3])
                    dxw = xd0 - xs0
                    dyw = xd1 - xs1
                    dx = dxw * cs + dyw * ss
                    dy = dyw * cs - dxw * ss
                    cc = cd * cs + sd * ss
                    sn = sd * cs - cd * ss
                    feats.append((dx, dy, cc, sn))
                    maccs.append(b1s)
                for j in range(16):
                    w0a = wload(j)
                    w0b = wload(16 + j)
                    w0c = wload(32 + j)
                    w0d = wload(48 + j)
                    b0j = wload(64 + j)
                    w1j = wload(80 + j)
                    for kk in range(4):
                        dx, dy, cc, sn = feats[kk]
                        h = dx * w0a + dy * w0b + cc * w0c + sn * w0d + b0j
                        h = jnp.maximum(h, 0.0)
                        maccs[kk] = maccs[kk] + h * w1j
                for kk in range(4):
                    plsc.store_scatter(mbuf, [evs[kk]], maccs[kk])
                return bcarry

            lax.fori_loop(0, CH // 64, block_body, None)
            for j in range(CHROWS):
                pltpu.sync_copy(mbuf.at[pl.ds(j * 128, 128)],
                                macc_sh.at[didx.at[j]], add=True)
                pltpu.sync_copy(onesb, cacc_sh.at[didx.at[j]], add=True)
            return carry

        lax.fori_loop(0, niter, chunk_body, None)
        plsc.subcore_barrier()
        pltpu.sync_copy(macc_sh.at[pl.ds(sid * rows_per_tile, rows_per_tile)],
                        outm_hbm.at[cid].at[pl.ds(sid * rows_per_tile,
                                                  rows_per_tile)])
        pltpu.sync_copy(cacc_sh.at[pl.ds(sid * rows_per_tile, rows_per_tile)],
                        outc_hbm.at[cid].at[pl.ds(sid * rows_per_tile,
                                                  rows_per_tile)])

    return sck


def kernel(x, theta, edge_index, W0, b0, W1, b1, v0):
    n = x.shape[0]
    e = edge_index.shape[1]
    npad = ((n + 2047) // 2048) * 2048
    rt = npad // 128
    pad = npad - n

    thp = jnp.pad(theta[:, 0], (0, pad))
    c2, s2 = _node_stage(rt)(thp.reshape(rt, 128))
    cflat = c2.reshape(-1)
    sflat = s2.reshape(-1)
    xp0 = jnp.pad(x[:, 0], (0, pad))
    xp1 = jnp.pad(x[:, 1], (0, pad))
    zcol = jnp.zeros_like(cflat)
    table = jnp.stack([xp0, xp1, cflat, sflat] + [zcol] * (ROWW - 4), axis=1)

    src2 = edge_index[0].reshape(e // 128, 128)
    dst2 = edge_index[1].reshape(e // 128, 128)

    wflat = jnp.concatenate([W0.reshape(-1), b0, W1.reshape(-1), b1])
    wvb = jnp.broadcast_to(wflat[:, None], (97, 16)).reshape(-1)
    zeros1 = jnp.zeros((npad,), F32)

    accm, accc = _sc_edge_stage(npad, e // CH)(table, src2, dst2, zeros1, wvb)

    a0m = accm[0].reshape(rt, 128)
    a1m = accm[1].reshape(rt, 128)
    a0c = accc[0].reshape(rt, 128)
    a1c = accc[1].reshape(rt, 128)
    vx, vy, tq = _finalize_stage(rt)(
        c2, s2, a0m, a1m, a0c, a1c, v0.reshape(1, 1))
    out = jnp.stack([vx.reshape(-1), vy.reshape(-1), tq.reshape(-1)], axis=1)
    return out[:n]

# --- scband reference (transcript-rebuilt; emitter-appended) ---
"""Pipeline reference for scband-interaction-module-non-parametric-torque-28269474742524 (READ-ONLY COPY).

The authoritative reference and input builder live on the scoring server;
editing this copy changes nothing except your own understanding.
"""

import jax, jax.numpy as jnp
import numpy as np

N = 100000
E = 6400000
H = 16

def setup_inputs(seed: int = 0) -> dict:
    key = jax.random.key(seed)
    ks = jax.random.split(key, 8)
    x = jax.random.normal(ks[0], (N, 2), dtype=jnp.float32)
    theta = jax.random.uniform(ks[1], (N, 1), dtype=jnp.float32, minval=0.0, maxval=2.0 * np.pi)
    edge_index = jax.random.randint(ks[2], (2, E), 0, N, dtype=jnp.int32)
    # fNN: Linear(4 -> 16) + ReLU + Linear(16 -> 1), per fNNshape=[16], bias=True
    W0 = jax.random.normal(ks[3], (4, H), dtype=jnp.float32) * (1.0 / np.sqrt(4.0))
    b0 = jax.random.normal(ks[4], (H,), dtype=jnp.float32) * 0.01
    W1 = jax.random.normal(ks[5], (H, 1), dtype=jnp.float32) * (1.0 / np.sqrt(float(H)))
    b1 = jax.random.normal(ks[6], (1,), dtype=jnp.float32) * 0.01
    v0 = jnp.asarray(0.5, dtype=jnp.float32)
    return {"x": x, "theta": theta, "edge_index": edge_index,
            "W0": W0, "b0": b0, "W1": W1, "b1": b1, "v0": v0}

def reference(x, theta, edge_index, W0, b0, W1, b1, v0):
    src = edge_index[0]
    dst = edge_index[1]
    # gather node data to edges (DGL edges.src / edges.dst)
    theta_s = jnp.take(theta, src, axis=0)
    theta_d = jnp.take(theta, dst, axis=0)
    x_s = jnp.take(x, src, axis=0)
    x_d = jnp.take(x, dst, axis=0)
    # distanceCalcModule(dst_pos, src_pos) -> simple displacement
    dr = x_d - x_s
    dtheta = theta_d - theta_s
    c = jnp.cos(dtheta)
    s = jnp.sin(dtheta)
    c_src = jnp.cos(theta_s)
    s_src = jnp.sin(theta_s)
    dx = dr[:, 0:1] * c_src + dr[:, 1:2] * s_src
    dy = -dr[:, 0:1] * s_src + dr[:, 1:2] * c_src
    feat = jnp.concatenate((dx, dy, c, s), axis=-1)  # [E, 4]
    # fNN message
    h = jax.nn.relu(feat @ W0 + b0)
    m = h @ W1 + b1  # [E, 1]
    # aggregate_message: mean over mailbox per dst node -> segment mean
    msum = jax.ops.segment_sum(m, dst, num_segments=N)
    cnt = jax.ops.segment_sum(jnp.ones((E, 1), dtype=jnp.float32), dst, num_segments=N)
    torque = msum / jnp.maximum(cnt, 1.0)  # [N, 1]
    # ndata[velocityName] = v0 * [cos(theta), sin(theta)]
    v = v0 * jnp.concatenate((jnp.cos(theta), jnp.sin(theta)), axis=-1)  # [N, 2]
    return jnp.concatenate((v, torque), axis=-1)  # [N, 3]

if __name__ == "__main__":
    import jax
    _d = setup_inputs()
    print(jax.jit(kernel)(*tuple(_d.values())))

</pallas_src>

<mosaic_0001>
#map = affine_map<(d0, d1) -> (0, 0)>
#map1 = affine_map<(d0, d1) -> (0)>
module attributes {stable_mosaic.version = 14 : i64} {
  func.func @sck(%arg0: i32, %arg1: i32, %arg2: memref<100352x16xf32, #tpu.memory_space<hbm>>, %arg3: memref<50000x128xi32, #tpu.memory_space<hbm>>, %arg4: memref<50000x128xi32, #tpu.memory_space<hbm>>, %arg5: memref<100352xf32, #tpu.memory_space<hbm>>, %arg6: memref<1552xf32, #tpu.memory_space<hbm>>, %arg7: memref<2x100352xf32, #tpu.memory_space<hbm>>, %arg8: memref<2x100352xf32, #tpu.memory_space<hbm>>, %arg9: memref<8x128xi32, #tpu.memory_space<vmem>>, %arg10: memref<8x128xi32, #tpu.memory_space<vmem>>, %arg11: memref<1024x16xf32, #tpu.memory_space<vmem>>, %arg12: memref<1024x16xf32, #tpu.memory_space<vmem>>, %arg13: memref<1024xf32, #tpu.memory_space<vmem>>, %arg14: memref<128xf32, #tpu.memory_space<vmem>>, %arg15: memref<1552xf32, #tpu.memory_space<vmem>>, %arg16: memref<100352xf32, #tpu.memory_space<vmem_shared>>, %arg17: memref<100352xf32, #tpu.memory_space<vmem_shared>>, %arg18: memref<!tpu.dma_semaphore, #tpu.memory_space<semaphore_mem>>) attributes {dimension_semantics = [#tpu.dimension_semantics<core_parallel>, #tpu.dimension_semantics<subcore_parallel>], iteration_bounds = array<i64: 2, 16>, scalar_prefetch = 0 : i64, scratch_operands = 10 : i64, tpu.core_type = #tpu.core_type<sc_vector_subcore>, window_params = [{transform_indices = #map}, {transform_indices = #map}, {transform_indices = #map}, {transform_indices = #map1}, {transform_indices = #map1}, {transform_indices = #map}, {transform_indices = #map}]} {
    %mul3A = arith.constant 2 : i32
    %mul3A_0 = arith.muli %arg1, %mul3A : i32
    %add3A = arith.addi %mul3A_0, %arg0 : i32
    "tpu.region"() ({
      %run_scoped3A = tpu.sem_alloc : memref<!tpu.dma_semaphore, #tpu.memory_space<semaphore_mem>>
      tpu.enqueue_dma source(%arg6 : memref<1552xf32, #tpu.memory_space<hbm>>) target(%arg15 : memref<1552xf32, #tpu.memory_space<vmem>>) target_semaphore(%run_scoped3A : memref<!tpu.dma_semaphore, #tpu.memory_space<semaphore_mem>>)
      tpu.wait_dma2 semaphore(%run_scoped3A : memref<!tpu.dma_semaphore, #tpu.memory_space<semaphore_mem>>) src(%arg6 : memref<1552xf32, #tpu.memory_space<hbm>>) dst(%arg15 : memref<1552xf32, #tpu.memory_space<vmem>>)
      tpu.yield
    }) : () -> ()
    %mul3A_1 = arith.constant 6272 : i32
    %mul3A_2 = arith.muli %arg1, %mul3A_1 : i32
    %mul3A_3 = arith.constant 6272 : i32
    %mul3A_4 = arith.muli %arg1, %mul3A_3 : i32
    "tpu.region"() ({
      %run_scoped3A = tpu.sem_alloc : memref<!tpu.dma_semaphore, #tpu.memory_space<semaphore_mem>>
      %dma_start3A = tpu.memref_slice %arg16[%mul3A_4] : memref<100352xf32, #tpu.memory_space<vmem_shared>> -> memref<6272xf32, #tpu.memory_space<vmem_shared>>
      %dma_start3A_57 = tpu.memref_slice %arg5[%mul3A_2] : memref<100352xf32, #tpu.memory_space<hbm>> -> memref<6272xf32, #tpu.memory_space<hbm>>
      tpu.enqueue_dma source(%dma_start3A_57 : memref<6272xf32, #tpu.memory_space<hbm>>) target(%dma_start3A : memref<6272xf32, #tpu.memory_space<vmem_shared>>) target_semaphore(%run_scoped3A : memref<!tpu.dma_semaphore, #tpu.memory_space<semaphore_mem>>)
      %dma_wait3A = tpu.memref_slice %arg16[%mul3A_4] : memref<100352xf32, #tpu.memory_space<vmem_shared>> -> memref<6272xf32, #tpu.memory_space<vmem_shared>>
      %dma_wait3A_58 = tpu.memref_slice %arg5[%mul3A_2] : memref<100352xf32, #tpu.memory_space<hbm>> -> memref<6272xf32, #tpu.memory_space<hbm>>
      tpu.wait_dma2 semaphore(%run_scoped3A : memref<!tpu.dma_semaphore, #tpu.memory_space<semaphore_mem>>) src(%dma_wait3A_58 : memref<6272xf32, #tpu.memory_space<hbm>>) dst(%dma_wait3A : memref<6272xf32, #tpu.memory_space<vmem_shared>>)
      tpu.yield
    }) : () -> ()
    %mul3A_5 = arith.constant 6272 : i32
    %mul3A_6 = arith.muli %arg1, %mul3A_5 : i32
    %mul3A_7 = arith.constant 6272 : i32
    %mul3A_8 = arith.muli %arg1, %mul3A_7 : i32
    "tpu.region"() ({
      %run_scoped3A = tpu.sem_alloc : memref<!tpu.dma_semaphore, #tpu.memory_space<semaphore_mem>>
      %dma_start3A = tpu.memref_slice %arg17[%mul3A_8] : memref<100352xf32, #tpu.memory_space<vmem_shared>> -> memref<6272xf32, #tpu.memory_space<vmem_shared>>
      %dma_start3A_57 = tpu.memref_slice %arg5[%mul3A_6] : memref<100352xf32, #tpu.memory_space<hbm>> -> memref<6272xf32, #tpu.memory_space<hbm>>
      tpu.enqueue_dma source(%dma_start3A_57 : memref<6272xf32, #tpu.memory_space<hbm>>) target(%dma_start3A : memref<6272xf32, #tpu.memory_space<vmem_shared>>) target_semaphore(%run_scoped3A : memref<!tpu.dma_semaphore, #tpu.memory_space<semaphore_mem>>)
      %dma_wait3A = tpu.memref_slice %arg17[%mul3A_8] : memref<100352xf32, #tpu.memory_space<vmem_shared>> -> memref<6272xf32, #tpu.memory_space<vmem_shared>>
      %dma_wait3A_58 = tpu.memref_slice %arg5[%mul3A_6] : memref<100352xf32, #tpu.memory_space<hbm>> -> memref<6272xf32, #tpu.memory_space<hbm>>
      tpu.wait_dma2 semaphore(%run_scoped3A : memref<!tpu.dma_semaphore, #tpu.memory_space<semaphore_mem>>) src(%dma_wait3A_58 : memref<6272xf32, #tpu.memory_space<hbm>>) dst(%dma_wait3A : memref<6272xf32, #tpu.memory_space<vmem_shared>>)
      tpu.yield
    }) : () -> ()
    %iota3A = tpu.iota {dimensions = array<i32: 0>} : vector<16xi32>
    %broadcast_in_dim3A = arith.constant 0 : i32
    %broadcast_in_dim3A_9 = vector.broadcast %broadcast_in_dim3A : i32 to vector<16xi32>
    %broadcast_in_dim3A_10 = arith.constant 1 : i32
    %broadcast_in_dim3A_11 = vector.broadcast %broadcast_in_dim3A_10 : i32 to vector<16xi32>
    %broadcast_in_dim3A_12 = arith.constant 2 : i32
    %broadcast_in_dim3A_13 = vector.broadcast %broadcast_in_dim3A_12 : i32 to vector<16xi32>
    %broadcast_in_dim3A_14 = arith.constant 3 : i32
    %broadcast_in_dim3A_15 = vector.broadcast %broadcast_in_dim3A_14 : i32 to vector<16xi32>
    %broadcast_in_dim3A_16 = arith.constant 1.000000e+00 : f32
    %broadcast_in_dim3A_17 = vector.broadcast %broadcast_in_dim3A_16 : f32 to vector<16xf32>
    %swap3A = arith.constant 0 : index
    %swap3A_18 = tpu.vector_load %arg14[%swap3A] {strides = array<i32>} : memref<128xf32, #tpu.memory_space<vmem>>, vector<16xf32>,
    tpu.vector_store %arg14[%swap3A], %broadcast_in_dim3A_17 {strides = array<i32>} : memref<128xf32, #tpu.memory_space<vmem>>, vector<16xf32>,
    %swap3A_19 = arith.constant 16 : index
    %swap3A_20 = tpu.vector_load %arg14[%swap3A_19] {strides = array<i32>} : memref<128xf32, #tpu.memory_space<vmem>>, vector<16xf32>,
    tpu.vector_store %arg14[%swap3A_19], %broadcast_in_dim3A_17 {strides = array<i32>} : memref<128xf32, #tpu.memory_space<vmem>>, vector<16xf32>,
    %swap3A_21 = arith.constant 32 : index
    %swap3A_22 = tpu.vector_load %arg14[%swap3A_21] {strides = array<i32>} : memref<128xf32, #tpu.memory_space<vmem>>, vector<16xf32>,
    tpu.vector_store %arg14[%swap3A_21], %broadcast_in_dim3A_17 {strides = array<i32>} : memref<128xf32, #tpu.memory_space<vmem>>, vector<16xf32>,
    %swap3A_23 = arith.constant 48 : index
    %swap3A_24 = tpu.vector_load %arg14[%swap3A_23] {strides = array<i32>} : memref<128xf32, #tpu.memory_space<vmem>>, vector<16xf32>,
    tpu.vector_store %arg14[%swap3A_23], %broadcast_in_dim3A_17 {strides = array<i32>} : memref<128xf32, #tpu.memory_space<vmem>>, vector<16xf32>,
    %swap3A_25 = arith.constant 64 : index
    %swap3A_26 = tpu.vector_load %arg14[%swap3A_25] {strides = array<i32>} : memref<128xf32, #tpu.memory_space<vmem>>, vector<16xf32>,
    tpu.vector_store %arg14[%swap3A_25], %broadcast_in_dim3A_17 {strides = array<i32>} : memref<128xf32, #tpu.memory_space<vmem>>, vector<16xf32>,
    %swap3A_27 = arith.constant 80 : index
    %swap3A_28 = tpu.vector_load %arg14[%swap3A_27] {strides = array<i32>} : memref<128xf32, #tpu.memory_space<vmem>>, vector<16xf32>,
    tpu.vector_store %arg14[%swap3A_27], %broadcast_in_dim3A_17 {strides = array<i32>} : memref<128xf32, #tpu.memory_space<vmem>>, vector<16xf32>,
    %swap3A_29 = arith.constant 96 : index
    %swap3A_30 = tpu.vector_load %arg14[%swap3A_29] {strides = array<i32>} : memref<128xf32, #tpu.memory_space<vmem>>, vector<16xf32>,
    tpu.vector_store %arg14[%swap3A_29], %broadcast_in_dim3A_17 {strides = array<i32>} : memref<128xf32, #tpu.memory_space<vmem>>, vector<16xf32>,
    %swap3A_31 = arith.constant 112 : index
    %swap3A_32 = tpu.vector_load %arg14[%swap3A_31] {strides = array<i32>} : memref<128xf32, #tpu.memory_space<vmem>>, vector<16xf32>,
    tpu.vector_store %arg14[%swap3A_31], %broadcast_in_dim3A_17 {strides = array<i32>} : memref<128xf32, #tpu.memory_space<vmem>>, vector<16xf32>,
    %barrier3A = arith.constant 0 : index
    tpu.barrier barrier_id(%barrier3A)
    %lt3A = arith.constant 10 : i32
    %lt3A_33 = arith.cmpi slt, %add3A, %lt3A : i32
    %convert_element_type3A = arith.extui %lt3A_33 : i1 to i32
    %add3A_34 = arith.constant 195 : i32
    %add3A_35 = arith.addi %add3A_34, %convert_element_type3A : i32
    %mul3A_36 = arith.constant 195 : i32
    %mul3A_37 = arith.muli %add3A, %mul3A_36 : i32
    %min3A = arith.constant 10 : i32
    %min3A_38 = arith.minsi %add3A, %min3A : i32
    %add3A_39 = arith.addi %mul3A_37, %min3A_38 : i32
    %while3A = arith.constant 0 : i32
    %while3A_40 = arith.subi %add3A_35, %while3A : i32
    %while3A_41 = arith.addi %while3A, %while3A_40 : i32
    %while3A_42 = arith.constant 1 : i32
    %while3A_43 = arith.divsi %while3A_40, %while3A_42 : i32
    %while3A_44 = arith.muli %while3A_43, %while3A_42 : i32
    %while3A_45 = arith.addi %while3A, %while3A_44 : i32
    %while3A_46 = arith.constant 1 : i32
    scf.for %while3A_57 = %while3A to %while3A_45 step %while3A_46  : i32 {
      %add3A_58 = arith.addi %add3A_39, %while3A_57 : i32
      %mul3A_59 = arith.constant 8 : i32
      %mul3A_60 = arith.muli %add3A_58, %mul3A_59 : i32
      "tpu.region"() ({
        %run_scoped3A_398 = tpu.sem_alloc : memref<!tpu.dma_semaphore, #tpu.memory_space<semaphore_mem>>
        %dma_start3A_399 = arith.constant 0 : i32
        %dma_start3A_400 = tpu.memref_slice %arg3[%mul3A_60, %dma_start3A_399] : memref<50000x128xi32, #tpu.memory_space<hbm>> -> memref<8x128xi32, #tpu.memory_space<hbm>>
        %dma_start3A_401 = arith.constant 0 : i32
        %dma_start3A_402 = tpu.memref_slice %arg3[%mul3A_60, %dma_start3A_401] : memref<50000x128xi32, #tpu.memory_space<hbm>> -> memref<8x128xi32, #tpu.memory_space<hbm>>
        tpu.enqueue_dma source(%dma_start3A_402 : memref<8x128xi32, #tpu.memory_space<hbm>>) target(%arg9 : memref<8x128xi32, #tpu.memory_space<vmem>>) target_semaphore(%run_scoped3A_398 : memref<!tpu.dma_semaphore, #tpu.memory_space<semaphore_mem>>)
        %dma_wait3A_403 = arith.constant 0 : i32
        %dma_wait3A_404 = tpu.memref_slice %arg3[%mul3A_60, %dma_wait3A_403] : memref<50000x128xi32, #tpu.memory_space<hbm>> -> memref<8x128xi32, #tpu.memory_space<hbm>>
        %dma_wait3A_405 = arith.constant 0 : i32
        %dma_wait3A_406 = tpu.memref_slice %arg3[%mul3A_60, %dma_wait3A_405] : memref<50000x128xi32, #tpu.memory_space<hbm>> -> memref<8x128xi32, #tpu.memory_space<hbm>>
        tpu.wait_dma2 semaphore(%run_scoped3A_398 : memref<!tpu.dma_semaphore, #tpu.memory_space<semaphore_mem>>) src(%dma_wait3A_406 : memref<8x128xi32, #tpu.memory_space<hbm>>) dst(%arg9 : memref<8x128xi32, #tpu.memory_space<vmem>>)
        tpu.yield
      }) : () -> ()
      "tpu.region"() ({
        %run_scoped3A_398 = tpu.sem_alloc : memref<!tpu.dma_semaphore, #tpu.memory_space<semaphore_mem>>
        %dma_start3A_399 = arith.constant 0 : i32
        %dma_start3A_400 = tpu.memref_slice %arg4[%mul3A_60, %dma_start3A_399] : memref<50000x128xi32, #tpu.memory_space<hbm>> -> memref<8x128xi32, #tpu.memory_space<hbm>>
        %dma_start3A_401 = arith.constant 0 : i32
        %dma_start3A_402 = tpu.memref_slice %arg4[%mul3A_60, %dma_start3A_401] : memref<50000x128xi32, #tpu.memory_space<hbm>> -> memref<8x128xi32, #tpu.memory_space<hbm>>
        tpu.enqueue_dma source(%dma_start3A_402 : memref<8x128xi32, #tpu.memory_space<hbm>>) target(%arg10 : memref<8x128xi32, #tpu.memory_space<vmem>>) target_semaphore(%run_scoped3A_398 : memref<!tpu.dma_semaphore, #tpu.memory_space<semaphore_mem>>)
        %dma_wait3A_403 = arith.constant 0 : i32
        %dma_wait3A_404 = tpu.memref_slice %arg4[%mul3A_60, %dma_wait3A_403] : memref<50000x128xi32, #tpu.memory_space<hbm>> -> memref<8x128xi32, #tpu.memory_space<hbm>>
        %dma_wait3A_405 = arith.constant 0 : i32
        %dma_wait3A_406 = tpu.memref_slice %arg4[%mul3A_60, %dma_wait3A_405] : memref<50000x128xi32, #tpu.memory_space<hbm>> -> memref<8x128xi32, #tpu.memory_space<hbm>>
        tpu.wait_dma2 semaphore(%run_scoped3A_398 : memref<!tpu.dma_semaphore, #tpu.memory_space<semaphore_mem>>) src(%dma_wait3A_406 : memref<8x128xi32, #tpu.memory_space<hbm>>) dst(%arg10 : memref<8x128xi32, #tpu.memory_space<vmem>>)
        tpu.yield
      }) : () -> ()
      %dma_start3A = arith.constant 0 : i32
      %dma_start3A_61 = arith.constant 0 : i32
      %dma_start3A_62 = arith.constant 0 : i32
      %dma_start3A_63 = tpu.memref_slice %arg11[%dma_start3A_61, %dma_start3A_62] : memref<1024x16xf32, #tpu.memory_space<vmem>> -> memref<128x16xf32, #tpu.memory_space<vmem>>
      %dma_start3A_64 = arith.constant 0 : i32
      %dma_start3A_65 = tpu.memref_slice %arg9[%dma_start3A, %dma_start3A_64] : memref<8x128xi32, #tpu.memory_space<vmem>> -> memref<1x128xi32, #tpu.memory_space<vmem>>
      %dma_start3A_66 = tpu.memref_squeeze %dma_start3A_65 : memref<1x128xi32, #tpu.memory_space<vmem>> -> memref<128xi32, #tpu.memory_space<vmem>>
      %dma_start3A_67 = arith.constant 0 : i32
      %dma_start3A_68 = arith.constant 0 : i32
      %dma_start3A_69 = tpu.memref_slice %arg2[%dma_start3A_67, %dma_start3A_68] : memref<100352x16xf32, #tpu.memory_space<hbm>> -> memref<100352x16xf32, #tpu.memory_space<hbm>>
      tpu.enqueue_indirect_dma source(%dma_start3A_69 : memref<100352x16xf32, #tpu.memory_space<hbm>>) target(%dma_start3A_63 : memref<128x16xf32, #tpu.memory_space<vmem>>) offsets(%dma_start3A_66 : memref<128xi32, #tpu.memory_space<vmem>>) semaphore(%arg18 : memref<!tpu.dma_semaphore, #tpu.memory_space<semaphore_mem>>)
      %dma_start3A_70 = arith.constant 0 : i32
      %dma_start3A_71 = arith.constant 0 : i32
      %dma_start3A_72 = arith.constant 0 : i32
      %dma_start3A_73 = tpu.memref_slice %arg12[%dma_start3A_71, %dma_start3A_72] : memref<1024x16xf32, #tpu.memory_space<vmem>> -> memref<128x16xf32, #tpu.memory_space<vmem>>
      %dma_start3A_74 = arith.constant 0 : i32
      %dma_start3A_75 = tpu.memref_slice %arg10[%dma_start3A_70, %dma_start3A_74] : memref<8x128xi32, #tpu.memory_space<vmem>> -> memref<1x128xi32, #tpu.memory_space<vmem>>
      %dma_start3A_76 = tpu.memref_squeeze %dma_start3A_75 : memref<1x128xi32, #tpu.memory_space<vmem>> -> memref<128xi32, #tpu.memory_space<vmem>>
      %dma_start3A_77 = arith.constant 0 : i32
      %dma_start3A_78 = arith.constant 0 : i32
      %dma_start3A_79 = tpu.memref_slice %arg2[%dma_start3A_77, %dma_start3A_78] : memref<100352x16xf32, #tpu.memory_space<hbm>> -> memref<100352x16xf32, #tpu.memory_space<hbm>>
      tpu.enqueue_indirect_dma source(%dma_start3A_79 : memref<100352x16xf32, #tpu.memory_space<hbm>>) target(%dma_start3A_73 : memref<128x16xf32, #tpu.memory_space<vmem>>) offsets(%dma_start3A_76 : memref<128xi32, #tpu.memory_space<vmem>>) semaphore(%arg18 : memref<!tpu.dma_semaphore, #tpu.memory_space<semaphore_mem>>)
      %dma_start3A_80 = arith.constant 1 : i32
      %dma_start3A_81 = arith.constant 128 : i32
      %dma_start3A_82 = arith.constant 0 : i32
      %dma_start3A_83 = tpu.memref_slice %arg11[%dma_start3A_81, %dma_start3A_82] : memref<1024x16xf32, #tpu.memory_space<vmem>> -> memref<128x16xf32, #tpu.memory_space<vmem>>
      %dma_start3A_84 = arith.constant 0 : i32
      %dma_start3A_85 = tpu.memref_slice %arg9[%dma_start3A_80, %dma_start3A_84] : memref<8x128xi32, #tpu.memory_space<vmem>> -> memref<1x128xi32, #tpu.memory_space<vmem>>
      %dma_start3A_86 = tpu.memref_squeeze %dma_start3A_85 : memref<1x128xi32, #tpu.memory_space<vmem>> -> memref<128xi32, #tpu.memory_space<vmem>>
      %dma_start3A_87 = arith.constant 0 : i32
      %dma_start3A_88 = arith.constant 0 : i32
      %dma_start3A_89 = tpu.memref_slice %arg2[%dma_start3A_87, %dma_start3A_88] : memref<100352x16xf32, #tpu.memory_space<hbm>> -> memref<100352x16xf32, #tpu.memory_space<hbm>>
      tpu.enqueue_indirect_dma source(%dma_start3A_89 : memref<100352x16xf32, #tpu.memory_space<hbm>>) target(%dma_start3A_83 : memref<128x16xf32, #tpu.memory_space<vmem>>) offsets(%dma_start3A_86 : memref<128xi32, #tpu.memory_space<vmem>>) semaphore(%arg18 : memref<!tpu.dma_semaphore, #tpu.memory_space<semaphore_mem>>)
      %dma_start3A_90 = arith.constant 1 : i32
      %dma_start3A_91 = arith.constant 128 : i32
      %dma_start3A_92 = arith.constant 0 : i32
      %dma_start3A_93 = tpu.memref_slice %arg12[%dma_start3A_91, %dma_start3A_92] : memref<1024x16xf32, #tpu.memory_space<vmem>> -> memref<128x16xf32, #tpu.memory_space<vmem>>
      %dma_start3A_94 = arith.constant 0 : i32
      %dma_start3A_95 = tpu.memref_slice %arg10[%dma_start3A_90, %dma_start3A_94] : memref<8x128xi32, #tpu.memory_space<vmem>> -> memref<1x128xi32, #tpu.memory_space<vmem>>
      %dma_start3A_96 = tpu.memref_squeeze %dma_start3A_95 : memref<1x128xi32, #tpu.memory_space<vmem>> -> memref<128xi32, #tpu.memory_space<vmem>>
      %dma_start3A_97 = arith.constant 0 : i32
      %dma_start3A_98 = arith.constant 0 : i32
      %dma_start3A_99 = tpu.memref_slice %arg2[%dma_start3A_97, %dma_start3A_98] : memref<100352x16xf32, #tpu.memory_space<hbm>> -> memref<100352x16xf32, #tpu.memory_space<hbm>>
      tpu.enqueue_indirect_dma source(%dma_start3A_99 : memref<100352x16xf32, #tpu.memory_space<hbm>>) target(%dma_start3A_93 : memref<128x16xf32, #tpu.memory_space<vmem>>) offsets(%dma_start3A_96 : memref<128xi32, #tpu.memory_space<vmem>>) semaphore(%arg18 : memref<!tpu.dma_semaphore, #tpu.memory_space<semaphore_mem>>)
      %dma_start3A_100 = arith.constant 2 : i32
      %dma_start3A_101 = arith.constant 256 : i32
      %dma_start3A_102 = arith.constant 0 : i32
      %dma_start3A_103 = tpu.memref_slice %arg11[%dma_start3A_101, %dma_start3A_102] : memref<1024x16xf32, #tpu.memory_space<vmem>> -> memref<128x16xf32, #tpu.memory_space<vmem>>
      %dma_start3A_104 = arith.constant 0 : i32
      %dma_start3A_105 = tpu.memref_slice %arg9[%dma_start3A_100, %dma_start3A_104] : memref<8x128xi32, #tpu.memory_space<vmem>> -> memref<1x128xi32, #tpu.memory_space<vmem>>
      %dma_start3A_106 = tpu.memref_squeeze %dma_start3A_105 : memref<1x128xi32, #tpu.memory_space<vmem>> -> memref<128xi32, #tpu.memory_space<vmem>>
      %dma_start3A_107 = arith.constant 0 : i32
      %dma_start3A_108 = arith.constant 0 : i32
      %dma_start3A_109 = tpu.memref_slice %arg2[%dma_start3A_107, %dma_start3A_108] : memref<100352x16xf32, #tpu.memory_space<hbm>> -> memref<100352x16xf32, #tpu.memory_space<hbm>>
      tpu.enqueue_indirect_dma source(%dma_start3A_109 : memref<100352x16xf32, #tpu.memory_space<hbm>>) target(%dma_start3A_103 : memref<128x16xf32, #tpu.memory_space<vmem>>) offsets(%dma_start3A_106 : memref<128xi32, #tpu.memory_space<vmem>>) semaphore(%arg18 : memref<!tpu.dma_semaphore, #tpu.memory_space<semaphore_mem>>)
      %dma_start3A_110 = arith.constant 2 : i32
      %dma_start3A_111 = arith.constant 256 : i32
      %dma_start3A_112 = arith.constant 0 : i32
      %dma_start3A_113 = tpu.memref_slice %arg12[%dma_start3A_111, %dma_start3A_112] : memref<1024x16xf32, #tpu.memory_space<vmem>> -> memref<128x16xf32, #tpu.memory_space<vmem>>
      %dma_start3A_114 = arith.constant 0 : i32
      %dma_start3A_115 = tpu.memref_slice %arg10[%dma_start3A_110, %dma_start3A_114] : memref<8x128xi32, #tpu.memory_space<vmem>> -> memref<1x128xi32, #tpu.memory_space<vmem>>
      %dma_start3A_116 = tpu.memref_squeeze %dma_start3A_115 : memref<1x128xi32, #tpu.memory_space<vmem>> -> memref<128xi32, #tpu.memory_space<vmem>>
      %dma_start3A_117 = arith.constant 0 : i32
      %dma_start3A_118 = arith.constant 0 : i32
      %dma_start3A_119 = tpu.memref_slice %arg2[%dma_start3A_117, %dma_start3A_118] : memref<100352x16xf32, #tpu.memory_space<hbm>> -> memref<100352x16xf32, #tpu.memory_space<hbm>>
      tpu.enqueue_indirect_dma source(%dma_start3A_119 : memref<100352x16xf32, #tpu.memory_space<hbm>>) target(%dma_start3A_113 : memref<128x16xf32, #tpu.memory_space<vmem>>) offsets(%dma_start3A_116 : memref<128xi32, #tpu.memory_space<vmem>>) semaphore(%arg18 : memref<!tpu.dma_semaphore, #tpu.memory_space<semaphore_mem>>)
      %dma_start3A_120 = arith.constant 3 : i32
      %dma_start3A_121 = arith.constant 384 : i32
      %dma_start3A_122 = arith.constant 0 : i32
      %dma_start3A_123 = tpu.memref_slice %arg11[%dma_start3A_121, %dma_start3A_122] : memref<1024x16xf32, #tpu.memory_space<vmem>> -> memref<128x16xf32, #tpu.memory_space<vmem>>
      %dma_start3A_124 = arith.constant 0 : i32
      %dma_start3A_125 = tpu.memref_slice %arg9[%dma_start3A_120, %dma_start3A_124] : memref<8x128xi32, #tpu.memory_space<vmem>> -> memref<1x128xi32, #tpu.memory_space<vmem>>
      %dma_start3A_126 = tpu.memref_squeeze %dma_start3A_125 : memref<1x128xi32, #tpu.memory_space<vmem>> -> memref<128xi32, #tpu.memory_space<vmem>>
      %dma_start3A_127 = arith.constant 0 : i32
      %dma_start3A_128 = arith.constant 0 : i32
      %dma_start3A_129 = tpu.memref_slice %arg2[%dma_start3A_127, %dma_start3A_128] : memref<100352x16xf32, #tpu.memory_space<hbm>> -> memref<100352x16xf32, #tpu.memory_space<hbm>>
      tpu.enqueue_indirect_dma source(%dma_start3A_129 : memref<100352x16xf32, #tpu.memory_space<hbm>>) target(%dma_start3A_123 : memref<128x16xf32, #tpu.memory_space<vmem>>) offsets(%dma_start3A_126 : memref<128xi32, #tpu.memory_space<vmem>>) semaphore(%arg18 : memref<!tpu.dma_semaphore, #tpu.memory_space<semaphore_mem>>)
      %dma_start3A_130 = arith.constant 3 : i32
      %dma_start3A_131 = arith.constant 384 : i32
      %dma_start3A_132 = arith.constant 0 : i32
      %dma_start3A_133 = tpu.memref_slice %arg12[%dma_start3A_131, %dma_start3A_132] : memref<1024x16xf32, #tpu.memory_space<vmem>> -> memref<128x16xf32, #tpu.memory_space<vmem>>
      %dma_start3A_134 = arith.constant 0 : i32
      %dma_start3A_135 = tpu.memref_slice %arg10[%dma_start3A_130, %dma_start3A_134] : memref<8x128xi32, #tpu.memory_space<vmem>> -> memref<1x128xi32, #tpu.memory_space<vmem>>
      %dma_start3A_136 = tpu.memref_squeeze %dma_start3A_135 : memref<1x128xi32, #tpu.memory_space<vmem>> -> memref<128xi32, #tpu.memory_space<vmem>>
      %dma_start3A_137 = arith.constant 0 : i32
      %dma_start3A_138 = arith.constant 0 : i32
      %dma_start3A_139 = tpu.memref_slice %arg2[%dma_start3A_137, %dma_start3A_138] : memref<100352x16xf32, #tpu.memory_space<hbm>> -> memref<100352x16xf32, #tpu.memory_space<hbm>>
      tpu.enqueue_indirect_dma source(%dma_start3A_139 : memref<100352x16xf32, #tpu.memory_space<hbm>>) target(%dma_start3A_133 : memref<128x16xf32, #tpu.memory_space<vmem>>) offsets(%dma_start3A_136 : memref<128xi32, #tpu.memory_space<vmem>>) semaphore(%arg18 : memref<!tpu.dma_semaphore, #tpu.memory_space<semaphore_mem>>)
      %dma_start3A_140 = arith.constant 4 : i32
      %dma_start3A_141 = arith.constant 512 : i32
      %dma_start3A_142 = arith.constant 0 : i32
      %dma_start3A_143 = tpu.memref_slice %arg11[%dma_start3A_141, %dma_start3A_142] : memref<1024x16xf32, #tpu.memory_space<vmem>> -> memref<128x16xf32, #tpu.memory_space<vmem>>
      %dma_start3A_144 = arith.constant 0 : i32
      %dma_start3A_145 = tpu.memref_slice %arg9[%dma_start3A_140, %dma_start3A_144] : memref<8x128xi32, #tpu.memory_space<vmem>> -> memref<1x128xi32, #tpu.memory_space<vmem>>
      %dma_start3A_146 = tpu.memref_squeeze %dma_start3A_145 : memref<1x128xi32, #tpu.memory_space<vmem>> -> memref<128xi32, #tpu.memory_space<vmem>>
      %dma_start3A_147 = arith.constant 0 : i32
      %dma_start3A_148 = arith.constant 0 : i32
      %dma_start3A_149 = tpu.memref_slice %arg2[%dma_start3A_147, %dma_start3A_148] : memref<100352x16xf32, #tpu.memory_space<hbm>> -> memref<100352x16xf32, #tpu.memory_space<hbm>>
      tpu.enqueue_indirect_dma source(%dma_start3A_149 : memref<100352x16xf32, #tpu.memory_space<hbm>>) target(%dma_start3A_143 : memref<128x16xf32, #tpu.memory_space<vmem>>) offsets(%dma_start3A_146 : memref<128xi32, #tpu.memory_space<vmem>>) semaphore(%arg18 : memref<!tpu.dma_semaphore, #tpu.memory_space<semaphore_mem>>)
      %dma_start3A_150 = arith.constant 4 : i32
      %dma_start3A_151 = arith.constant 512 : i32
      %dma_start3A_152 = arith.constant 0 : i32
      %dma_start3A_153 = tpu.memref_slice %arg12[%dma_start3A_151, %dma_start3A_152] : memref<1024x16xf32, #tpu.memory_space<vmem>> -> memref<128x16xf32, #tpu.memory_space<vmem>>
      %dma_start3A_154 = arith.constant 0 : i32
      %dma_start3A_155 = tpu.memref_slice %arg10[%dma_start3A_150, %dma_start3A_154] : memref<8x128xi32, #tpu.memory_space<vmem>> -> memref<1x128xi32, #tpu.memory_space<vmem>>
      %dma_start3A_156 = tpu.memref_squeeze %dma_start3A_155 : memref<1x128xi32, #tpu.memory_space<vmem>> -> memref<128xi32, #tpu.memory_space<vmem>>
      %dma_start3A_157 = arith.constant 0 : i32
      %dma_start3A_158 = arith.constant 0 : i32
      %dma_start3A_159 = tpu.memref_slice %arg2[%dma_start3A_157, %dma_start3A_158] : memref<100352x16xf32, #tpu.memory_space<hbm>> -> memref<100352x16xf32, #tpu.memory_space<hbm>>
      tpu.enqueue_indirect_dma source(%dma_start3A_159 : memref<100352x16xf32, #tpu.memory_space<hbm>>) target(%dma_start3A_153 : memref<128x16xf32, #tpu.memory_space<vmem>>) offsets(%dma_start3A_156 : memref<128xi32, #tpu.memory_space<vmem>>) semaphore(%arg18 : memref<!tpu.dma_semaphore, #tpu.memory_space<semaphore_mem>>)
      %dma_start3A_160 = arith.constant 5 : i32
      %dma_start3A_161 = arith.constant 640 : i32
      %dma_start3A_162 = arith.constant 0 : i32
      %dma_start3A_163 = tpu.memref_slice %arg11[%dma_start3A_161, %dma_start3A_162] : memref<1024x16xf32, #tpu.memory_space<vmem>> -> memref<128x16xf32, #tpu.memory_space<vmem>>
      %dma_start3A_164 = arith.constant 0 : i32
      %dma_start3A_165 = tpu.memref_slice %arg9[%dma_start3A_160, %dma_start3A_164] : memref<8x128xi32, #tpu.memory_space<vmem>> -> memref<1x128xi32, #tpu.memory_space<vmem>>
      %dma_start3A_166 = tpu.memref_squeeze %dma_start3A_165 : memref<1x128xi32, #tpu.memory_space<vmem>> -> memref<128xi32, #tpu.memory_space<vmem>>
      %dma_start3A_167 = arith.constant 0 : i32
      %dma_start3A_168 = arith.constant 0 : i32
      %dma_start3A_169 = tpu.memref_slice %arg2[%dma_start3A_167, %dma_start3A_168] : memref<100352x16xf32, #tpu.memory_space<hbm>> -> memref<100352x16xf32, #tpu.memory_space<hbm>>
      tpu.enqueue_indirect_dma source(%dma_start3A_169 : memref<100352x16xf32, #tpu.memory_space<hbm>>) target(%dma_start3A_163 : memref<128x16xf32, #tpu.memory_space<vmem>>) offsets(%dma_start3A_166 : memref<128xi32, #tpu.memory_space<vmem>>) semaphore(%arg18 : memref<!tpu.dma_semaphore, #tpu.memory_space<semaphore_mem>>)
      %dma_start3A_170 = arith.constant 5 : i32
      %dma_start3A_171 = arith.constant 640 : i32
      %dma_start3A_172 = arith.constant 0 : i32
      %dma_start3A_173 = tpu.memref_slice %arg12[%dma_start3A_171, %dma_start3A_172] : memref<1024x16xf32, #tpu.memory_space<vmem>> -> memref<128x16xf32, #tpu.memory_space<vmem>>
      %dma_start3A_174 = arith.constant 0 : i32
      %dma_start3A_175 = tpu.memref_slice %arg10[%dma_start3A_170, %dma_start3A_174] : memref<8x128xi32, #tpu.memory_space<vmem>> -> memref<1x128xi32, #tpu.memory_space<vmem>>
      %dma_start3A_176 = tpu.memref_squeeze %dma_start3A_175 : memref<1x128xi32, #tpu.memory_space<vmem>> -> memref<128xi32, #tpu.memory_space<vmem>>
      %dma_start3A_177 = arith.constant 0 : i32
      %dma_start3A_178 = arith.constant 0 : i32
      %dma_start3A_179 = tpu.memref_slice %arg2[%dma_start3A_177, %dma_start3A_178] : memref<100352x16xf32, #tpu.memory_space<hbm>> -> memref<100352x16xf32, #tpu.memory_space<hbm>>
      tpu.enqueue_indirect_dma source(%dma_start3A_179 : memref<100352x16xf32, #tpu.memory_space<hbm>>) target(%dma_start3A_173 : memref<128x16xf32, #tpu.memory_space<vmem>>) offsets(%dma_start3A_176 : memref<128xi32, #tpu.memory_space<vmem>>) semaphore(%arg18 : memref<!tpu.dma_semaphore, #tpu.memory_space<semaphore_mem>>)
      %dma_start3A_180 = arith.constant 6 : i32
      %dma_start3A_181 = arith.constant 768 : i32
      %dma_start3A_182 = arith.constant 0 : i32
      %dma_start3A_183 = tpu.memref_slice %arg11[%dma_start3A_181, %dma_start3A_182] : memref<1024x16xf32, #tpu.memory_space<vmem>> -> memref<128x16xf32, #tpu.memory_space<vmem>>
      %dma_start3A_184 = arith.constant 0 : i32
      %dma_start3A_185 = tpu.memref_slice %arg9[%dma_start3A_180, %dma_start3A_184] : memref<8x128xi32, #tpu.memory_space<vmem>> -> memref<1x128xi32, #tpu.memory_space<vmem>>
      %dma_start3A_186 = tpu.memref_squeeze %dma_start3A_185 : memref<1x128xi32, #tpu.memory_space<vmem>> -> memref<128xi32, #tpu.memory_space<vmem>>
      %dma_start3A_187 = arith.constant 0 : i32
      %dma_start3A_188 = arith.constant 0 : i32
      %dma_start3A_189 = tpu.memref_slice %arg2[%dma_start3A_187, %dma_start3A_188] : memref<100352x16xf32, #tpu.memory_space<hbm>> -> memref<100352x16xf32, #tpu.memory_space<hbm>>
      tpu.enqueue_indirect_dma source(%dma_start3A_189 : memref<100352x16xf32, #tpu.memory_space<hbm>>) target(%dma_start3A_183 : memref<128x16xf32, #tpu.memory_space<vmem>>) offsets(%dma_start3A_186 : memref<128xi32, #tpu.memory_space<vmem>>) semaphore(%arg18 : memref<!tpu.dma_semaphore, #tpu.memory_space<semaphore_mem>>)
      %dma_start3A_190 = arith.constant 6 : i32
      %dma_start3A_191 = arith.constant 768 : i32
      %dma_start3A_192 = arith.constant 0 : i32
      %dma_start3A_193 = tpu.memref_slice %arg12[%dma_start3A_191, %dma_start3A_192] : memref<1024x16xf32, #tpu.memory_space<vmem>> -> memref<128x16xf32, #tpu.memory_space<vmem>>
      %dma_start3A_194 = arith.constant 0 : i32
      %dma_start3A_195 = tpu.memref_slice %arg10[%dma_start3A_190, %dma_start3A_194] : memref<8x128xi32, #tpu.memory_space<vmem>> -> memref<1x128xi32, #tpu.memory_space<vmem>>
      %dma_start3A_196 = tpu.memref_squeeze %dma_start3A_195 : memref<1x128xi32, #tpu.memory_space<vmem>> -> memref<128xi32, #tpu.memory_space<vmem>>
      %dma_start3A_197 = arith.constant 0 : i32
      %dma_start3A_198 = arith.constant 0 : i32
      %dma_start3A_199 = tpu.memref_slice %arg2[%dma_start3A_197, %dma_start3A_198] : memref<100352x16xf32, #tpu.memory_space<hbm>> -> memref<100352x16xf32, #tpu.memory_space<hbm>>
      tpu.enqueue_indirect_dma source(%dma_start3A_199 : memref<100352x16xf32, #tpu.memory_space<hbm>>) target(%dma_start3A_193 : memref<128x16xf32, #tpu.memory_space<vmem>>) offsets(%dma_start3A_196 : memref<128xi32, #tpu.memory_space<vmem>>) semaphore(%arg18 : memref<!tpu.dma_semaphore, #tpu.memory_space<semaphore_mem>>)
      %dma_start3A_200 = arith.constant 7 : i32
      %dma_start3A_201 = arith.constant 896 : i32
      %dma_start3A_202 = arith.constant 0 : i32
      %dma_start3A_203 = tpu.memref_slice %arg11[%dma_start3A_201, %dma_start3A_202] : memref<1024x16xf32, #tpu.memory_space<vmem>> -> memref<128x16xf32, #tpu.memory_space<vmem>>
      %dma_start3A_204 = arith.constant 0 : i32
      %dma_start3A_205 = tpu.memref_slice %arg9[%dma_start3A_200, %dma_start3A_204] : memref<8x128xi32, #tpu.memory_space<vmem>> -> memref<1x128xi32, #tpu.memory_space<vmem>>
      %dma_start3A_206 = tpu.memref_squeeze %dma_start3A_205 : memref<1x128xi32, #tpu.memory_space<vmem>> -> memref<128xi32, #tpu.memory_space<vmem>>
      %dma_start3A_207 = arith.constant 0 : i32
      %dma_start3A_208 = arith.constant 0 : i32
      %dma_start3A_209 = tpu.memref_slice %arg2[%dma_start3A_207, %dma_start3A_208] : memref<100352x16xf32, #tpu.memory_space<hbm>> -> memref<100352x16xf32, #tpu.memory_space<hbm>>
      tpu.enqueue_indirect_dma source(%dma_start3A_209 : memref<100352x16xf32, #tpu.memory_space<hbm>>) target(%dma_start3A_203 : memref<128x16xf32, #tpu.memory_space<vmem>>) offsets(%dma_start3A_206 : memref<128xi32, #tpu.memory_space<vmem>>) semaphore(%arg18 : memref<!tpu.dma_semaphore, #tpu.memory_space<semaphore_mem>>)
      %dma_start3A_210 = arith.constant 7 : i32
      %dma_start3A_211 = arith.constant 896 : i32
      %dma_start3A_212 = arith.constant 0 : i32
      %dma_start3A_213 = tpu.memref_slice %arg12[%dma_start3A_211, %dma_start3A_212] : memref<1024x16xf32, #tpu.memory_space<vmem>> -> memref<128x16xf32, #tpu.memory_space<vmem>>
      %dma_start3A_214 = arith.constant 0 : i32
      %dma_start3A_215 = tpu.memref_slice %arg10[%dma_start3A_210, %dma_start3A_214] : memref<8x128xi32, #tpu.memory_space<vmem>> -> memref<1x128xi32, #tpu.memory_space<vmem>>
      %dma_start3A_216 = tpu.memref_squeeze %dma_start3A_215 : memref<1x128xi32, #tpu.memory_space<vmem>> -> memref<128xi32, #tpu.memory_space<vmem>>
      %dma_start3A_217 = arith.constant 0 : i32
      %dma_start3A_218 = arith.constant 0 : i32
      %dma_start3A_219 = tpu.memref_slice %arg2[%dma_start3A_217, %dma_start3A_218] : memref<100352x16xf32, #tpu.memory_space<hbm>> -> memref<100352x16xf32, #tpu.memory_space<hbm>>
      tpu.enqueue_indirect_dma source(%dma_start3A_219 : memref<100352x16xf32, #tpu.memory_space<hbm>>) target(%dma_start3A_213 : memref<128x16xf32, #tpu.memory_space<vmem>>) offsets(%dma_start3A_216 : memref<128xi32, #tpu.memory_space<vmem>>) semaphore(%arg18 : memref<!tpu.dma_semaphore, #tpu.memory_space<semaphore_mem>>)
      %dma_wait3A = arith.constant 0 : i32
      %dma_wait3A_220 = arith.constant 0 : i32
      %dma_wait3A_221 = arith.constant 0 : i32
      %dma_wait3A_222 = tpu.memref_slice %arg11[%dma_wait3A_220, %dma_wait3A_221] : memref<1024x16xf32, #tpu.memory_space<vmem>> -> memref<128x16xf32, #tpu.memory_space<vmem>>
      %dma_wait3A_223 = arith.constant 0 : i32
      %dma_wait3A_224 = tpu.memref_slice %arg9[%dma_wait3A, %dma_wait3A_223] : memref<8x128xi32, #tpu.memory_space<vmem>> -> memref<1x128xi32, #tpu.memory_space<vmem>>
      %dma_wait3A_225 = tpu.memref_squeeze %dma_wait3A_224 : memref<1x128xi32, #tpu.memory_space<vmem>> -> memref<128xi32, #tpu.memory_space<vmem>>
      %dma_wait3A_226 = arith.constant 0 : i32
      %dma_wait3A_227 = arith.constant 0 : i32
      %dma_wait3A_228 = tpu.memref_slice %arg2[%dma_wait3A_226, %dma_wait3A_227] : memref<100352x16xf32, #tpu.memory_space<hbm>> -> memref<100352x16xf32, #tpu.memory_space<hbm>>
      tpu.wait_indirect_dma semaphore(%arg18 : memref<!tpu.dma_semaphore, #tpu.memory_space<semaphore_mem>>) src(%dma_wait3A_228 : memref<100352x16xf32, #tpu.memory_space<hbm>>) dst(%dma_wait3A_222 : memref<128x16xf32, #tpu.memory_space<vmem>>)
      %dma_wait3A_229 = arith.constant 0 : i32
      %dma_wait3A_230 = arith.constant 0 : i32
      %dma_wait3A_231 = arith.constant 0 : i32
      %dma_wait3A_232 = tpu.memref_slice %arg12[%dma_wait3A_230, %dma_wait3A_231] : memref<1024x16xf32, #tpu.memory_space<vmem>> -> memref<128x16xf32, #tpu.memory_space<vmem>>
      %dma_wait3A_233 = arith.constant 0 : i32
      %dma_wait3A_234 = tpu.memref_slice %arg10[%dma_wait3A_229, %dma_wait3A_233] : memref<8x128xi32, #tpu.memory_space<vmem>> -> memref<1x128xi32, #tpu.memory_space<vmem>>
      %dma_wait3A_235 = tpu.memref_squeeze %dma_wait3A_234 : memref<1x128xi32, #tpu.memory_space<vmem>> -> memref<128xi32, #tpu.memory_space<vmem>>
      %dma_wait3A_236 = arith.constant 0 : i32
      %dma_wait3A_237 = arith.constant 0 : i32
      %dma_wait3A_238 = tpu.memref_slice %arg2[%dma_wait3A_236, %dma_wait3A_237] : memref<100352x16xf32, #tpu.memory_space<hbm>> -> memref<100352x16xf32, #tpu.memory_space<hbm>>
      tpu.wait_indirect_dma semaphore(%arg18 : memref<!tpu.dma_semaphore, #tpu.memory_space<semaphore_mem>>) src(%dma_wait3A_238 : memref<100352x16xf32, #tpu.memory_space<hbm>>) dst(%dma_wait3A_232 : memref<128x16xf32, #tpu.memory_space<vmem>>)
      %dma_wait3A_239 = arith.constant 1 : i32
      %dma_wait3A_240 = arith.constant 128 : i32
      %dma_wait3A_241 = arith.constant 0 : i32
      %dma_wait3A_242 = tpu.memref_slice %arg11[%dma_wait3A_240, %dma_wait3A_241] : memref<1024x16xf32, #tpu.memory_space<vmem>> -> memref<128x16xf32, #tpu.memory_space<vmem>>
      %dma_wait3A_243 = arith.constant 0 : i32
      %dma_wait3A_244 = tpu.memref_slice %arg9[%dma_wait3A_239, %dma_wait3A_243] : memref<8x128xi32, #tpu.memory_space<vmem>> -> memref<1x128xi32, #tpu.memory_space<vmem>>
      %dma_wait3A_245 = tpu.memref_squeeze %dma_wait3A_244 : memref<1x128xi32, #tpu.memory_space<vmem>> -> memref<128xi32, #tpu.memory_space<vmem>>
      %dma_wait3A_246 = arith.constant 0 : i32
      %dma_wait3A_247 = arith.constant 0 : i32
      %dma_wait3A_248 = tpu.memref_slice %arg2[%dma_wait3A_246, %dma_wait3A_247] : memref<100352x16xf32, #tpu.memory_space<hbm>> -> memref<100352x16xf32, #tpu.memory_space<hbm>>
      tpu.wait_indirect_dma semaphore(%arg18 : memref<!tpu.dma_semaphore, #tpu.memory_space<semaphore_mem>>) src(%dma_wait3A_248 : memref<100352x16xf32, #tpu.memory_space<hbm>>) dst(%dma_wait3A_242 : memref<128x16xf32, #tpu.memory_space<vmem>>)
      %dma_wait3A_249 = arith.constant 1 : i32
      %dma_wait3A_250 = arith.constant 128 : i32
      %dma_wait3A_251 = arith.constant 0 : i32
      %dma_wait3A_252 = tpu.memref_slice %arg12[%dma_wait3A_250, %dma_wait3A_251] : memref<1024x16xf32, #tpu.memory_space<vmem>> -> memref<128x16xf32, #tpu.memory_space<vmem>>
      %dma_wait3A_253 = arith.constant 0 : i32
      %dma_wait3A_254 = tpu.memref_slice %arg10[%dma_wait3A_249, %dma_wait3A_253] : memref<8x128xi32, #tpu.memory_space<vmem>> -> memref<1x128xi32, #tpu.memory_space<vmem>>
      %dma_wait3A_255 = tpu.memref_squeeze %dma_wait3A_254 : memref<1x128xi32, #tpu.memory_space<vmem>> -> memref<128xi32, #tpu.memory_space<vmem>>
      %dma_wait3A_256 = arith.constant 0 : i32
      %dma_wait3A_257 = arith.constant 0 : i32
      %dma_wait3A_258 = tpu.memref_slice %arg2[%dma_wait3A_256, %dma_wait3A_257] : memref<100352x16xf32, #tpu.memory_space<hbm>> -> memref<100352x16xf32, #tpu.memory_space<hbm>>
      tpu.wait_indirect_dma semaphore(%arg18 : memref<!tpu.dma_semaphore, #tpu.memory_space<semaphore_mem>>) src(%dma_wait3A_258 : memref<100352x16xf32, #tpu.memory_space<hbm>>) dst(%dma_wait3A_252 : memref<128x16xf32, #tpu.memory_space<vmem>>)
      %dma_wait3A_259 = arith.constant 2 : i32
      %dma_wait3A_260 = arith.constant 256 : i32
      %dma_wait3A_261 = arith.constant 0 : i32
      %dma_wait3A_262 = tpu.memref_slice %arg11[%dma_wait3A_260, %dma_wait3A_261] : memref<1024x16xf32, #tpu.memory_space<vmem>> -> memref<128x16xf32, #tpu.memory_space<vmem>>
      %dma_wait3A_263 = arith.constant 0 : i32
      %dma_wait3A_264 = tpu.memref_slice %arg9[%dma_wait3A_259, %dma_wait3A_263] : memref<8x128xi32, #tpu.memory_space<vmem>> -> memref<1x128xi32, #tpu.memory_space<vmem>>
      %dma_wait3A_265 = tpu.memref_squeeze %dma_wait3A_264 : memref<1x128xi32, #tpu.memory_space<vmem>> -> memref<128xi32, #tpu.memory_space<vmem>>
      %dma_wait3A_266 = arith.constant 0 : i32
      %dma_wait3A_267 = arith.constant 0 : i32
      %dma_wait3A_268 = tpu.memref_slice %arg2[%dma_wait3A_266, %dma_wait3A_267] : memref<100352x16xf32, #tpu.memory_space<hbm>> -> memref<100352x16xf32, #tpu.memory_space<hbm>>
      tpu.wait_indirect_dma semaphore(%arg18 : memref<!tpu.dma_semaphore, #tpu.memory_space<semaphore_mem>>) src(%dma_wait3A_268 : memref<100352x16xf32, #tpu.memory_space<hbm>>) dst(%dma_wait3A_262 : memref<128x16xf32, #tpu.memory_space<vmem>>)
      %dma_wait3A_269 = arith.constant 2 : i32
      %dma_wait3A_270 = arith.constant 256 : i32
      %dma_wait3A_271 = arith.constant 0 : i32
      %dma_wait3A_272 = tpu.memref_slice %arg12[%dma_wait3A_270, %dma_wait3A_271] : memref<1024x16xf32, #tpu.memory_space<vmem>> -> memref<128x16xf32, #tpu.memory_space<vmem>>
      %dma_wait3A_273 = arith.constant 0 : i32
      %dma_wait3A_274 = tpu.memref_slice %arg10[%dma_wait3A_269, %dma_wait3A_273] : memref<8x128xi32, #tpu.memory_space<vmem>> -> memref<1x128xi32, #tpu.memory_space<vmem>>
      %dma_wait3A_275 = tpu.memref_squeeze %dma_wait3A_274 : memref<1x128xi32, #tpu.memory_space<vmem>> -> memref<128xi32, #tpu.memory_space<vmem>>
      %dma_wait3A_276 = arith.constant 0 : i32
      %dma_wait3A_277 = arith.constant 0 : i32
      %dma_wait3A_278 = tpu.memref_slice %arg2[%dma_wait3A_276, %dma_wait3A_277] : memref<100352x16xf32, #tpu.memory_space<hbm>> -> memref<100352x16xf32, #tpu.memory_space<hbm>>
      tpu.wait_indirect_dma semaphore(%arg18 : memref<!tpu.dma_semaphore, #tpu.memory_space<semaphore_mem>>) src(%dma_wait3A_278 : memref<100352x16xf32, #tpu.memory_space<hbm>>) dst(%dma_wait3A_272 : memref<128x16xf32, #tpu.memory_space<vmem>>)
      %dma_wait3A_279 = arith.constant 3 : i32
      %dma_wait3A_280 = arith.constant 384 : i32
      %dma_wait3A_281 = arith.constant 0 : i32
      %dma_wait3A_282 = tpu.memref_slice %arg11[%dma_wait3A_280, %dma_wait3A_281] : memref<1024x16xf32, #tpu.memory_space<vmem>> -> memref<128x16xf32, #tpu.memory_space<vmem>>
      %dma_wait3A_283 = arith.constant 0 : i32
      %dma_wait3A_284 = tpu.memref_slice %arg9[%dma_wait3A_279, %dma_wait3A_283] : memref<8x128xi32, #tpu.memory_space<vmem>> -> memref<1x128xi32, #tpu.memory_space<vmem>>
      %dma_wait3A_285 = tpu.memref_squeeze %dma_wait3A_284 : memref<1x128xi32, #tpu.memory_space<vmem>> -> memref<128xi32, #tpu.memory_space<vmem>>
      %dma_wait3A_286 = arith.constant 0 : i32
      %dma_wait3A_287 = arith.constant 0 : i32
      %dma_wait3A_288 = tpu.memref_slice %arg2[%dma_wait3A_286, %dma_wait3A_287] : memref<100352x16xf32, #tpu.memory_space<hbm>> -> memref<100352x16xf32, #tpu.memory_space<hbm>>
      tpu.wait_indirect_dma semaphore(%arg18 : memref<!tpu.dma_semaphore, #tpu.memory_space<semaphore_mem>>) src(%dma_wait3A_288 : memref<100352x16xf32, #tpu.memory_space<hbm>>) dst(%dma_wait3A_282 : memref<128x16xf32, #tpu.memory_space<vmem>>)
      %dma_wait3A_289 = arith.constant 3 : i32
      %dma_wait3A_290 = arith.constant 384 : i32
      %dma_wait3A_291 = arith.constant 0 : i32
      %dma_wait3A_292 = tpu.memref_slice %arg12[%dma_wait3A_290, %dma_wait3A_291] : memref<1024x16xf32, #tpu.memory_space<vmem>> -> memref<128x16xf32, #tpu.memory_space<vmem>>
      %dma_wait3A_293 = arith.constant 0 : i32
      %dma_wait3A_294 = tpu.memref_slice %arg10[%dma_wait3A_289, %dma_wait3A_293] : memref<8x128xi32, #tpu.memory_space<vmem>> -> memref<1x128xi32, #tpu.memory_space<vmem>>
      %dma_wait3A_295 = tpu.memref_squeeze %dma_wait3A_294 : memref<1x128xi32, #tpu.memory_space<vmem>> -> memref<128xi32, #tpu.memory_space<vmem>>
      %dma_wait3A_296 = arith.constant 0 : i32
      %dma_wait3A_297 = arith.constant 0 : i32
      %dma_wait3A_298 = tpu.memref_slice %arg2[%dma_wait3A_296, %dma_wait3A_297] : memref<100352x16xf32, #tpu.memory_space<hbm>> -> memref<100352x16xf32, #tpu.memory_space<hbm>>
      tpu.wait_indirect_dma semaphore(%arg18 : memref<!tpu.dma_semaphore, #tpu.memory_space<semaphore_mem>>) src(%dma_wait3A_298 : memref<100352x16xf32, #tpu.memory_space<hbm>>) dst(%dma_wait3A_292 : memref<128x16xf32, #tpu.memory_space<vmem>>)
      %dma_wait3A_299 = arith.constant 4 : i32
      %dma_wait3A_300 = arith.constant 512 : i32
      %dma_wait3A_301 = arith.constant 0 : i32
      %dma_wait3A_302 = tpu.memref_slice %arg11[%dma_wait3A_300, %dma_wait3A_301] : memref<1024x16xf32, #tpu.memory_space<vmem>> -> memref<128x16xf32, #tpu.memory_space<vmem>>
      %dma_wait3A_303 = arith.constant 0 : i32
      %dma_wait3A_304 = tpu.memref_slice %arg9[%dma_wait3A_299, %dma_wait3A_303] : memref<8x128xi32, #tpu.memory_space<vmem>> -> memref<1x128xi32, #tpu.memory_space<vmem>>
      %dma_wait3A_305 = tpu.memref_squeeze %dma_wait3A_304 : memref<1x128xi32, #tpu.memory_space<vmem>> -> memref<128xi32, #tpu.memory_space<vmem>>
      %dma_wait3A_306 = arith.constant 0 : i32
      %dma_wait3A_307 = arith.constant 0 : i32
      %dma_wait3A_308 = tpu.memref_slice %arg2[%dma_wait3A_306, %dma_wait3A_307] : memref<100352x16xf32, #tpu.memory_space<hbm>> -> memref<100352x16xf32, #tpu.memory_space<hbm>>
      tpu.wait_indirect_dma semaphore(%arg18 : memref<!tpu.dma_semaphore, #tpu.memory_space<semaphore_mem>>) src(%dma_wait3A_308 : memref<100352x16xf32, #tpu.memory_space<hbm>>) dst(%dma_wait3A_302 : memref<128x16xf32, #tpu.memory_space<vmem>>)
      %dma_wait3A_309 = arith.constant 4 : i32
      %dma_wait3A_310 = arith.constant 512 : i32
      %dma_wait3A_311 = arith.constant 0 : i32
      %dma_wait3A_312 = tpu.memref_slice %arg12[%dma_wait3A_310, %dma_wait3A_311] : memref<1024x16xf32, #tpu.memory_space<vmem>> -> memref<128x16xf32, #tpu.memory_space<vmem>>
      %dma_wait3A_313 = arith.constant 0 : i32
      %dma_wait3A_314 = tpu.memref_slice %arg10[%dma_wait3A_309, %dma_wait3A_313] : memref<8x128xi32, #tpu.memory_space<vmem>> -> memref<1x128xi32, #tpu.memory_space<vmem>>
      %dma_wait3A_315 = tpu.memref_squeeze %dma_wait3A_314 : memref<1x128xi32, #tpu.memory_space<vmem>> -> memref<128xi32, #tpu.memory_space<vmem>>
      %dma_wait3A_316 = arith.constant 0 : i32
      %dma_wait3A_317 = arith.constant 0 : i32
      %dma_wait3A_318 = tpu.memref_slice %arg2[%dma_wait3A_316, %dma_wait3A_317] : memref<100352x16xf32, #tpu.memory_space<hbm>> -> memref<100352x16xf32, #tpu.memory_space<hbm>>
      tpu.wait_indirect_dma semaphore(%arg18 : memref<!tpu.dma_semaphore, #tpu.memory_space<semaphore_mem>>) src(%dma_wait3A_318 : memref<100352x16xf32, #tpu.memory_space<hbm>>) dst(%dma_wait3A_312 : memref<128x16xf32, #tpu.memory_space<vmem>>)
      %dma_wait3A_319 = arith.constant 5 : i32
      %dma_wait3A_320 = arith.constant 640 : i32
      %dma_wait3A_321 = arith.constant 0 : i32
      %dma_wait3A_322 = tpu.memref_slice %arg11[%dma_wait3A_320, %dma_wait3A_321] : memref<1024x16xf32, #tpu.memory_space<vmem>> -> memref<128x16xf32, #tpu.memory_space<vmem>>
      %dma_wait3A_323 = arith.constant 0 : i32
      %dma_wait3A_324 = tpu.memref_slice %arg9[%dma_wait3A_319, %dma_wait3A_323] : memref<8x128xi32, #tpu.memory_space<vmem>> -> memref<1x128xi32, #tpu.memory_space<vmem>>
      %dma_wait3A_325 = tpu.memref_squeeze %dma_wait3A_324 : memref<1x128xi32, #tpu.memory_space<vmem>> -> memref<128xi32, #tpu.memory_space<vmem>>
      %dma_wait3A_326 = arith.constant 0 : i32
      %dma_wait3A_327 = arith.constant 0 : i32
      %dma_wait3A_328 = tpu.memref_slice %arg2[%dma_wait3A_326, %dma_wait3A_327] : memref<100352x16xf32, #tpu.memory_space<hbm>> -> memref<100352x16xf32, #tpu.memory_space<hbm>>
      tpu.wait_indirect_dma semaphore(%arg18 : memref<!tpu.dma_semaphore, #tpu.memory_space<semaphore_mem>>) src(%dma_wait3A_328 : memref<100352x16xf32, #tpu.memory_space<hbm>>) dst(%dma_wait3A_322 : memref<128x16xf32, #tpu.memory_space<vmem>>)
      %dma_wait3A_329 = arith.constant 5 : i32
      %dma_wait3A_330 = arith.constant 640 : i32
      %dma_wait3A_331 = arith.constant 0 : i32
      %dma_wait3A_332 = tpu.memref_slice %arg12[%dma_wait3A_330, %dma_wait3A_331] : memref<1024x16xf32, #tpu.memory_space<vmem>> -> memref<128x16xf32, #tpu.memory_space<vmem>>
      %dma_wait3A_333 = arith.constant 0 : i32
      %dma_wait3A_334 = tpu.memref_slice %arg10[%dma_wait3A_329, %dma_wait3A_333] : memref<8x128xi32, #tpu.memory_space<vmem>> -> memref<1x128xi32, #tpu.memory_space<vmem>>
      %dma_wait3A_335 = tpu.memref_squeeze %dma_wait3A_334 : memref<1x128xi32, #tpu.memory_space<vmem>> -> memref<128xi32, #tpu.memory_space<vmem>>
      %dma_wait3A_336 = arith.constant 0 : i32
      %dma_wait3A_337 = arith.constant 0 : i32
      %dma_wait3A_338 = tpu.memref_slice %arg2[%dma_wait3A_336, %dma_wait3A_337] : memref<100352x16xf32, #tpu.memory_space<hbm>> -> memref<100352x16xf32, #tpu.memory_space<hbm>>
      tpu.wait_indirect_dma semaphore(%arg18 : memref<!tpu.dma_semaphore, #tpu.memory_space<semaphore_mem>>) src(%dma_wait3A_338 : memref<100352x16xf32, #tpu.memory_space<hbm>>) dst(%dma_wait3A_332 : memref<128x16xf32, #tpu.memory_space<vmem>>)
      %dma_wait3A_339 = arith.constant 6 : i32
      %dma_wait3A_340 = arith.constant 768 : i32
      %dma_wait3A_341 = arith.constant 0 : i32
      %dma_wait3A_342 = tpu.memref_slice %arg11[%dma_wait3A_340, %dma_wait3A_341] : memref<1024x16xf32, #tpu.memory_space<vmem>> -> memref<128x16xf32, #tpu.memory_space<vmem>>
      %dma_wait3A_343 = arith.constant 0 : i32
      %dma_wait3A_344 = tpu.memref_slice %arg9[%dma_wait3A_339, %dma_wait3A_343] : memref<8x128xi32, #tpu.memory_space<vmem>> -> memref<1x128xi32, #tpu.memory_space<vmem>>
      %dma_wait3A_345 = tpu.memref_squeeze %dma_wait3A_344 : memref<1x128xi32, #tpu.memory_space<vmem>> -> memref<128xi32, #tpu.memory_space<vmem>>
      %dma_wait3A_346 = arith.constant 0 : i32
      %dma_wait3A_347 = arith.constant 0 : i32
      %dma_wait3A_348 = tpu.memref_slice %arg2[%dma_wait3A_346, %dma_wait3A_347] : memref<100352x16xf32, #tpu.memory_space<hbm>> -> memref<100352x16xf32, #tpu.memory_space<hbm>>
      tpu.wait_indirect_dma semaphore(%arg18 : memref<!tpu.dma_semaphore, #tpu.memory_space<semaphore_mem>>) src(%dma_wait3A_348 : memref<100352x16xf32, #tpu.memory_space<hbm>>) dst(%dma_wait3A_342 : memref<128x16xf32, #tpu.memory_space<vmem>>)
      %dma_wait3A_349 = arith.constant 6 : i32
      %dma_wait3A_350 = arith.constant 768 : i32
      %dma_wait3A_351 = arith.constant 0 : i32
      %dma_wait3A_352 = tpu.memref_slice %arg12[%dma_wait3A_350, %dma_wait3A_351] : memref<1024x16xf32, #tpu.memory_space<vmem>> -> memref<128x16xf32, #tpu.memory_space<vmem>>
      %dma_wait3A_353 = arith.constant 0 : i32
      %dma_wait3A_354 = tpu.memref_slice %arg10[%dma_wait3A_349, %dma_wait3A_353] : memref<8x128xi32, #tpu.memory_space<vmem>> -> memref<1x128xi32, #tpu.memory_space<vmem>>
      %dma_wait3A_355 = tpu.memref_squeeze %dma_wait3A_354 : memref<1x128xi32, #tpu.memory_space<vmem>> -> memref<128xi32, #tpu.memory_space<vmem>>
      %dma_wait3A_356 = arith.constant 0 : i32
      %dma_wait3A_357 = arith.constant 0 : i32
      %dma_wait3A_358 = tpu.memref_slice %arg2[%dma_wait3A_356, %dma_wait3A_357] : memref<100352x16xf32, #tpu.memory_space<hbm>> -> memref<100352x16xf32, #tpu.memory_space<hbm>>
      tpu.wait_indirect_dma semaphore(%arg18 : memref<!tpu.dma_semaphore, #tpu.memory_space<semaphore_mem>>) src(%dma_wait3A_358 : memref<100352x16xf32, #tpu.memory_space<hbm>>) dst(%dma_wait3A_352 : memref<128x16xf32, #tpu.memory_space<vmem>>)
      %dma_wait3A_359 = arith.constant 7 : i32
      %dma_wait3A_360 = arith.constant 896 : i32
      %dma_wait3A_361 = arith.constant 0 : i32
      %dma_wait3A_362 = tpu.memref_slice %arg11[%dma_wait3A_360, %dma_wait3A_361] : memref<1024x16xf32, #tpu.memory_space<vmem>> -> memref<128x16xf32, #tpu.memory_space<vmem>>
      %dma_wait3A_363 = arith.constant 0 : i32
      %dma_wait3A_364 = tpu.memref_slice %arg9[%dma_wait3A_359, %dma_wait3A_363] : memref<8x128xi32, #tpu.memory_space<vmem>> -> memref<1x128xi32, #tpu.memory_space<vmem>>
      %dma_wait3A_365 = tpu.memref_squeeze %dma_wait3A_364 : memref<1x128xi32, #tpu.memory_space<vmem>> -> memref<128xi32, #tpu.memory_space<vmem>>
      %dma_wait3A_366 = arith.constant 0 : i32
      %dma_wait3A_367 = arith.constant 0 : i32
      %dma_wait3A_368 = tpu.memref_slice %arg2[%dma_wait3A_366, %dma_wait3A_367] : memref<100352x16xf32, #tpu.memory_space<hbm>> -> memref<100352x16xf32, #tpu.memory_space<hbm>>
      tpu.wait_indirect_dma semaphore(%arg18 : memref<!tpu.dma_semaphore, #tpu.memory_space<semaphore_mem>>) src(%dma_wait3A_368 : memref<100352x16xf32, #tpu.memory_space<hbm>>) dst(%dma_wait3A_362 : memref<128x16xf32, #tpu.memory_space<vmem>>)
      %dma_wait3A_369 = arith.constant 7 : i32
      %dma_wait3A_370 = arith.constant 896 : i32
      %dma_wait3A_371 = arith.constant 0 : i32
      %dma_wait3A_372 = tpu.memref_slice %arg12[%dma_wait3A_370, %dma_wait3A_371] : memref<1024x16xf32, #tpu.memory_space<vmem>> -> memref<128x16xf32, #tpu.memory_space<vmem>>
      %dma_wait3A_373 = arith.constant 0 : i32
      %dma_wait3A_374 = tpu.memref_slice %arg10[%dma_wait3A_369, %dma_wait3A_373] : memref<8x128xi32, #tpu.memory_space<vmem>> -> memref<1x128xi32, #tpu.memory_space<vmem>>
      %dma_wait3A_375 = tpu.memref_squeeze %dma_wait3A_374 : memref<1x128xi32, #tpu.memory_space<vmem>> -> memref<128xi32, #tpu.memory_space<vmem>>
      %dma_wait3A_376 = arith.constant 0 : i32
      %dma_wait3A_377 = arith.constant 0 : i32
      %dma_wait3A_378 = tpu.memref_slice %arg2[%dma_wait3A_376, %dma_wait3A_377] : memref<100352x16xf32, #tpu.memory_space<hbm>> -> memref<100352x16xf32, #tpu.memory_space<hbm>>
      tpu.wait_indirect_dma semaphore(%arg18 : memref<!tpu.dma_semaphore, #tpu.memory_space<semaphore_mem>>) src(%dma_wait3A_378 : memref<100352x16xf32, #tpu.memory_space<hbm>>) dst(%dma_wait3A_372 : memref<128x16xf32, #tpu.memory_space<vmem>>)
      %scan3A = arith.constant 0 : i32
      %scan3A_379 = arith.constant 16 : i32
      %scan3A_380 = arith.addi %scan3A, %scan3A_379 : i32
      %scan3A_381 = arith.constant 1 : i32
      scf.for %scan3A_398 = %scan3A to %scan3A_380 step %scan3A_381  : i32 {
        %get3A = arith.constant 1536 : index
        %get3A_399 = tpu.vector_load %arg15[%get3A] {strides = array<i32>} : memref<1552xf32, #tpu.memory_space<vmem>>, vector<16xf32>,
        %mul3A_400 = arith.constant 4 : i32
        %mul3A_401 = arith.muli %scan3A_398, %mul3A_400 : i32
        %add3A_402 = arith.constant 0 : i32
        %add3A_403 = arith.addi %mul3A_401, %add3A_402 : i32
        %mul3A_404 = arith.constant 16 : i32
        %mul3A_405 = arith.muli %add3A_403, %mul3A_404 : i32
        %add3A_406 = vector.broadcast %mul3A_405 : i32 to vector<16xi32>
        %add3A_407 = arith.addi %add3A_406, %iota3A : vector<16xi32>
        %gather3A = tpu.vector_load_idx %arg11[%add3A_407, %broadcast_in_dim3A_9] : memref<1024x16xf32, #tpu.memory_space<vmem>>[vector<16xi32>, vector<16xi32>], vector<16xf32>,
        %gather3A_408 = tpu.vector_load_idx %arg11[%add3A_407, %broadcast_in_dim3A_11] : memref<1024x16xf32, #tpu.memory_space<vmem>>[vector<16xi32>, vector<16xi32>], vector<16xf32>,
        %gather3A_409 = tpu.vector_load_idx %arg11[%add3A_407, %broadcast_in_dim3A_13] : memref<1024x16xf32, #tpu.memory_space<vmem>>[vector<16xi32>, vector<16xi32>], vector<16xf32>,
        %gather3A_410 = tpu.vector_load_idx %arg11[%add3A_407, %broadcast_in_dim3A_15] : memref<1024x16xf32, #tpu.memory_space<vmem>>[vector<16xi32>, vector<16xi32>], vector<16xf32>,
        %gather3A_411 = tpu.vector_load_idx %arg12[%add3A_407, %broadcast_in_dim3A_9] : memref<1024x16xf32, #tpu.memory_space<vmem>>[vector<16xi32>, vector<16xi32>], vector<16xf32>,
        %gather3A_412 = tpu.vector_load_idx %arg12[%add3A_407, %broadcast_in_dim3A_11] : memref<1024x16xf32, #tpu.memory_space<vmem>>[vector<16xi32>, vector<16xi32>], vector<16xf32>,
        %gather3A_413 = tpu.vector_load_idx %arg12[%add3A_407, %broadcast_in_dim3A_13] : memref<1024x16xf32, #tpu.memory_space<vmem>>[vector<16xi32>, vector<16xi32>], vector<16xf32>,
        %gather3A_414 = tpu.vector_load_idx %arg12[%add3A_407, %broadcast_in_dim3A_15] : memref<1024x16xf32, #tpu.memory_space<vmem>>[vector<16xi32>, vector<16xi32>], vector<16xf32>,
        %sub3A = arith.subf %gather3A_411, %gather3A : vector<16xf32>
        %sub3A_415 = arith.subf %gather3A_412, %gather3A_408 : vector<16xf32>
        %mul3A_416 = arith.mulf %sub3A, %gather3A_409 : vector<16xf32>
        %mul3A_417 = arith.mulf %sub3A_415, %gather3A_410 : vector<16xf32>
        %add3A_418 = arith.addf %mul3A_416, %mul3A_417 : vector<16xf32>
        %mul3A_419 = arith.mulf %sub3A_415, %gather3A_409 : vector<16xf32>
        %mul3A_420 = arith.mulf %sub3A, %gather3A_410 : vector<16xf32>
        %sub3A_421 = arith.subf %mul3A_419, %mul3A_420 : vector<16xf32>
        %mul3A_422 = arith.mulf %gather3A_413, %gather3A_409 : vector<16xf32>
        %mul3A_423 = arith.mulf %gather3A_414, %gather3A_410 : vector<16xf32>
        %add3A_424 = arith.addf %mul3A_422, %mul3A_423 : vector<16xf32>
        %mul3A_425 = arith.mulf %gather3A_414, %gather3A_409 : vector<16xf32>
        %mul3A_426 = arith.mulf %gather3A_413, %gather3A_410 : vector<16xf32>
        %sub3A_427 = arith.subf %mul3A_425, %mul3A_426 : vector<16xf32>
        %mul3A_428 = arith.constant 4 : i32
        %mul3A_429 = arith.muli %scan3A_398, %mul3A_428 : i32
        %add3A_430 = arith.constant 1 : i32
        %add3A_431 = arith.addi %mul3A_429, %add3A_430 : i32
        %mul3A_432 = arith.constant 16 : i32
        %mul3A_433 = arith.muli %add3A_431, %mul3A_432 : i32
        %add3A_434 = vector.broadcast %mul3A_433 : i32 to vector<16xi32>
        %add3A_435 = arith.addi %add3A_434, %iota3A : vector<16xi32>
        %gather3A_436 = tpu.vector_load_idx %arg11[%add3A_435, %broadcast_in_dim3A_9] : memref<1024x16xf32, #tpu.memory_space<vmem>>[vector<16xi32>, vector<16xi32>], vector<16xf32>,
        %gather3A_437 = tpu.vector_load_idx %arg11[%add3A_435, %broadcast_in_dim3A_11] : memref<1024x16xf32, #tpu.memory_space<vmem>>[vector<16xi32>, vector<16xi32>], vector<16xf32>,
        %gather3A_438 = tpu.vector_load_idx %arg11[%add3A_435, %broadcast_in_dim3A_13] : memref<1024x16xf32, #tpu.memory_space<vmem>>[vector<16xi32>, vector<16xi32>], vector<16xf32>,
        %gather3A_439 = tpu.vector_load_idx %arg11[%add3A_435, %broadcast_in_dim3A_15] : memref<1024x16xf32, #tpu.memory_space<vmem>>[vector<16xi32>, vector<16xi32>], vector<16xf32>,
        %gather3A_440 = tpu.vector_load_idx %arg12[%add3A_435, %broadcast_in_dim3A_9] : memref<1024x16xf32, #tpu.memory_space<vmem>>[vector<16xi32>, vector<16xi32>], vector<16xf32>,
        %gather3A_441 = tpu.vector_load_idx %arg12[%add3A_435, %broadcast_in_dim3A_11] : memref<1024x16xf32, #tpu.memory_space<vmem>>[vector<16xi32>, vector<16xi32>], vector<16xf32>,
        %gather3A_442 = tpu.vector_load_idx %arg12[%add3A_435, %broadcast_in_dim3A_13] : memref<1024x16xf32, #tpu.memory_space<vmem>>[vector<16xi32>, vector<16xi32>], vector<16xf32>,
        %gather3A_443 = tpu.vector_load_idx %arg12[%add3A_435, %broadcast_in_dim3A_15] : memref<1024x16xf32, #tpu.memory_space<vmem>>[vector<16xi32>, vector<16xi32>], vector<16xf32>,
        %sub3A_444 = arith.subf %gather3A_440, %gather3A_436 : vector<16xf32>
        %sub3A_445 = arith.subf %gather3A_441, %gather3A_437 : vector<16xf32>
        %mul3A_446 = arith.mulf %sub3A_444, %gather3A_438 : vector<16xf32>
        %mul3A_447 = arith.mulf %sub3A_445, %gather3A_439 : vector<16xf32>
        %add3A_448 = arith.addf %mul3A_446, %mul3A_447 : vector<16xf32>
        %mul3A_449 = arith.mulf %sub3A_445, %gather3A_438 : vector<16xf32>
        %mul3A_450 = arith.mulf %sub3A_444, %gather3A_439 : vector<16xf32>
        %sub3A_451 = arith.subf %mul3A_449, %mul3A_450 : vector<16xf32>
        %mul3A_452 = arith.mulf %gather3A_442, %gather3A_438 : vector<16xf32>
        %mul3A_453 = arith.mulf %gather3A_443, %gather3A_439 : vector<16xf32>
        %add3A_454 = arith.addf %mul3A_452, %mul3A_453 : vector<16xf32>
        %mul3A_455 = arith.mulf %gather3A_443, %gather3A_438 : vector<16xf32>
        %mul3A_456 = arith.mulf %gather3A_442, %gather3A_439 : vector<16xf32>
        %sub3A_457 = arith.subf %mul3A_455, %mul3A_456 : vector<16xf32>
        %mul3A_458 = arith.constant 4 : i32
        %mul3A_459 = arith.muli %scan3A_398, %mul3A_458 : i32
        %add3A_460 = arith.constant 2 : i32
        %add3A_461 = arith.addi %mul3A_459, %add3A_460 : i32
        %mul3A_462 = arith.constant 16 : i32
        %mul3A_463 = arith.muli %add3A_461, %mul3A_462 : i32
        %add3A_464 = vector.broadcast %mul3A_463 : i32 to vector<16xi32>
        %add3A_465 = arith.addi %add3A_464, %iota3A : vector<16xi32>
        %gather3A_466 = tpu.vector_load_idx %arg11[%add3A_465, %broadcast_in_dim3A_9] : memref<1024x16xf32, #tpu.memory_space<vmem>>[vector<16xi32>, vector<16xi32>], vector<16xf32>,
        %gather3A_467 = tpu.vector_load_idx %arg11[%add3A_465, %broadcast_in_dim3A_11] : memref<1024x16xf32, #tpu.memory_space<vmem>>[vector<16xi32>, vector<16xi32>], vector<16xf32>,
        %gather3A_468 = tpu.vector_load_idx %arg11[%add3A_465, %broadcast_in_dim3A_13] : memref<1024x16xf32, #tpu.memory_space<vmem>>[vector<16xi32>, vector<16xi32>], vector<16xf32>,
        %gather3A_469 = tpu.vector_load_idx %arg11[%add3A_465, %broadcast_in_dim3A_15] : memref<1024x16xf32, #tpu.memory_space<vmem>>[vector<16xi32>, vector<16xi32>], vector<16xf32>,
        %gather3A_470 = tpu.vector_load_idx %arg12[%add3A_465, %broadcast_in_dim3A_9] : memref<1024x16xf32, #tpu.memory_space<vmem>>[vector<16xi32>, vector<16xi32>], vector<16xf32>,
        %gather3A_471 = tpu.vector_load_idx %arg12[%add3A_465, %broadcast_in_dim3A_11] : memref<1024x16xf32, #tpu.memory_space<vmem>>[vector<16xi32>, vector<16xi32>], vector<16xf32>,
        %gather3A_472 = tpu.vector_load_idx %arg12[%add3A_465, %broadcast_in_dim3A_13] : memref<1024x16xf32, #tpu.memory_space<vmem>>[vector<16xi32>, vector<16xi32>], vector<16xf32>,
        %gather3A_473 = tpu.vector_load_idx %arg12[%add3A_465, %broadcast_in_dim3A_15] : memref<1024x16xf32, #tpu.memory_space<vmem>>[vector<16xi32>, vector<16xi32>], vector<16xf32>,
        %sub3A_474 = arith.subf %gather3A_470, %gather3A_466 : vector<16xf32>
        %sub3A_475 = arith.subf %gather3A_471, %gather3A_467 : vector<16xf32>
        %mul3A_476 = arith.mulf %sub3A_474, %gather3A_468 : vector<16xf32>
        %mul3A_477 = arith.mulf %sub3A_475, %gather3A_469 : vector<16xf32>
        %add3A_478 = arith.addf %mul3A_476, %mul3A_477 : vector<16xf32>
        %mul3A_479 = arith.mulf %sub3A_475, %gather3A_468 : vector<16xf32>
        %mul3A_480 = arith.mulf %sub3A_474, %gather3A_469 : vector<16xf32>
        %sub3A_481 = arith.subf %mul3A_479, %mul3A_480 : vector<16xf32>
        %mul3A_482 = arith.mulf %gather3A_472, %gather3A_468 : vector<16xf32>
        %mul3A_483 = arith.mulf %gather3A_473, %gather3A_469 : vector<16xf32>
        %add3A_484 = arith.addf %mul3A_482, %mul3A_483 : vector<16xf32>
        %mul3A_485 = arith.mulf %gather3A_473, %gather3A_468 : vector<16xf32>
        %mul3A_486 = arith.mulf %gather3A_472, %gather3A_469 : vector<16xf32>
        %sub3A_487 = arith.subf %mul3A_485, %mul3A_486 : vector<16xf32>
        %mul3A_488 = arith.constant 4 : i32
        %mul3A_489 = arith.muli %scan3A_398, %mul3A_488 : i32
        %add3A_490 = arith.constant 3 : i32
        %add3A_491 = arith.addi %mul3A_489, %add3A_490 : i32
        %mul3A_492 = arith.constant 16 : i32
        %mul3A_493 = arith.muli %add3A_491, %mul3A_492 : i32
        %add3A_494 = vector.broadcast %mul3A_493 : i32 to vector<16xi32>
        %add3A_495 = arith.addi %add3A_494, %iota3A : vector<16xi32>
        %gather3A_496 = tpu.vector_load_idx %arg11[%add3A_495, %broadcast_in_dim3A_9] : memref<1024x16xf32, #tpu.memory_space<vmem>>[vector<16xi32>, vector<16xi32>], vector<16xf32>,
        %gather3A_497 = tpu.vector_load_idx %arg11[%add3A_495, %broadcast_in_dim3A_11] : memref<1024x16xf32, #tpu.memory_space<vmem>>[vector<16xi32>, vector<16xi32>], vector<16xf32>,
        %gather3A_498 = tpu.vector_load_idx %arg11[%add3A_495, %broadcast_in_dim3A_13] : memref<1024x16xf32, #tpu.memory_space<vmem>>[vector<16xi32>, vector<16xi32>], vector<16xf32>,
        %gather3A_499 = tpu.vector_load_idx %arg11[%add3A_495, %broadcast_in_dim3A_15] : memref<1024x16xf32, #tpu.memory_space<vmem>>[vector<16xi32>, vector<16xi32>], vector<16xf32>,
        %gather3A_500 = tpu.vector_load_idx %arg12[%add3A_495, %broadcast_in_dim3A_9] : memref<1024x16xf32, #tpu.memory_space<vmem>>[vector<16xi32>, vector<16xi32>], vector<16xf32>,
        %gather3A_501 = tpu.vector_load_idx %arg12[%add3A_495, %broadcast_in_dim3A_11] : memref<1024x16xf32, #tpu.memory_space<vmem>>[vector<16xi32>, vector<16xi32>], vector<16xf32>,
        %gather3A_502 = tpu.vector_load_idx %arg12[%add3A_495, %broadcast_in_dim3A_13] : memref<1024x16xf32, #tpu.memory_space<vmem>>[vector<16xi32>, vector<16xi32>], vector<16xf32>,
        %gather3A_503 = tpu.vector_load_idx %arg12[%add3A_495, %broadcast_in_dim3A_15] : memref<1024x16xf32, #tpu.memory_space<vmem>>[vector<16xi32>, vector<16xi32>], vector<16xf32>,
        %sub3A_504 = arith.subf %gather3A_500, %gather3A_496 : vector<16xf32>
        %sub3A_505 = arith.subf %gather3A_501, %gather3A_497 : vector<16xf32>
        %mul3A_506 = arith.mulf %sub3A_504, %gather3A_498 : vector<16xf32>
        %mul3A_507 = arith.mulf %sub3A_505, %gather3A_499 : vector<16xf32>
        %add3A_508 = arith.addf %mul3A_506, %mul3A_507 : vector<16xf32>
        %mul3A_509 = arith.mulf %sub3A_505, %gather3A_498 : vector<16xf32>
        %mul3A_510 = arith.mulf %sub3A_504, %gather3A_499 : vector<16xf32>
        %sub3A_511 = arith.subf %mul3A_509, %mul3A_510 : vector<16xf32>
        %mul3A_512 = arith.mulf %gather3A_502, %gather3A_498 : vector<16xf32>
        %mul3A_513 = arith.mulf %gather3A_503, %gather3A_499 : vector<16xf32>
        %add3A_514 = arith.addf %mul3A_512, %mul3A_513 : vector<16xf32>
        %mul3A_515 = arith.mulf %gather3A_503, %gather3A_498 : vector<16xf32>
        %mul3A_516 = arith.mulf %gather3A_502, %gather3A_499 : vector<16xf32>
        %sub3A_517 = arith.subf %mul3A_515, %mul3A_516 : vector<16xf32>
        %get3A_518 = arith.constant 0 : index
        %get3A_519 = tpu.vector_load %arg15[%get3A_518] {strides = array<i32>} : memref<1552xf32, #tpu.memory_space<vmem>>, vector<16xf32>,
        %get3A_520 = arith.constant 256 : index
        %get3A_521 = tpu.vector_load %arg15[%get3A_520] {strides = array<i32>} : memref<1552xf32, #tpu.memory_space<vmem>>, vector<16xf32>,
        %get3A_522 = arith.constant 512 : index
        %get3A_523 = tpu.vector_load %arg15[%get3A_522] {strides = array<i32>} : memref<1552xf32, #tpu.memory_space<vmem>>, vector<16xf32>,
        %get3A_524 = arith.constant 768 : index
        %get3A_525 = tpu.vector_load %arg15[%get3A_524] {strides = array<i32>} : memref<1552xf32, #tpu.memory_space<vmem>>, vector<16xf32>,
        %get3A_526 = arith.constant 1024 : index
        %get3A_527 = tpu.vector_load %arg15[%get3A_526] {strides = array<i32>} : memref<1552xf32, #tpu.memory_space<vmem>>, vector<16xf32>,
        %get3A_528 = arith.constant 1280 : index
        %get3A_529 = tpu.vector_load %arg15[%get3A_528] {strides = array<i32>} : memref<1552xf32, #tpu.memory_space<vmem>>, vector<16xf32>,
        %mul3A_530 = arith.mulf %add3A_418, %get3A_519 : vector<16xf32>
        %mul3A_531 = arith.mulf %sub3A_421, %get3A_521 : vector<16xf32>
        %add3A_532 = arith.addf %mul3A_530, %mul3A_531 : vector<16xf32>
        %mul3A_533 = arith.mulf %add3A_424, %get3A_523 : vector<16xf32>
        %add3A_534 = arith.addf %add3A_532, %mul3A_533 : vector<16xf32>
        %mul3A_535 = arith.mulf %sub3A_427, %get3A_525 : vector<16xf32>
        %add3A_536 = arith.addf %add3A_534, %mul3A_535 : vector<16xf32>
        %add3A_537 = arith.addf %add3A_536, %get3A_527 : vector<16xf32>
        %max3A = arith.constant 0.000000e+00 : f32
        %max3A_538 = vector.broadcast %max3A : f32 to vector<16xf32>
        %max3A_539 = arith.maximumf %add3A_537, %max3A_538 : vector<16xf32>
        %mul3A_540 = arith.mulf %max3A_539, %get3A_529 : vector<16xf32>
        %add3A_541 = arith.addf %get3A_399, %mul3A_540 : vector<16xf32>
        %mul3A_542 = arith.mulf %add3A_448, %get3A_519 : vector<16xf32>
        %mul3A_543 = arith.mulf %sub3A_451, %get3A_521 : vector<16xf32>
        %add3A_544 = arith.addf %mul3A_542, %mul3A_543 : vector<16xf32>
        %mul3A_545 = arith.mulf %add3A_454, %get3A_523 : vector<16xf32>
        %add3A_546 = arith.addf %add3A_544, %mul3A_545 : vector<16xf32>
        %mul3A_547 = arith.mulf %sub3A_457, %get3A_525 : vector<16xf32>
        %add3A_548 = arith.addf %add3A_546, %mul3A_547 : vector<16xf32>
        %add3A_549 = arith.addf %add3A_548, %get3A_527 : vector<16xf32>
        %max3A_550 = arith.constant 0.000000e+00 : f32
        %max3A_551 = vector.broadcast %max3A_550 : f32 to vector<16xf32>
        %max3A_552 = arith.maximumf %add3A_549, %max3A_551 : vector<16xf32>
        %mul3A_553 = arith.mulf %max3A_552, %get3A_529 : vector<16xf32>
        %add3A_554 = arith.addf %get3A_399, %mul3A_553 : vector<16xf32>
        %mul3A_555 = arith.mulf %add3A_478, %get3A_519 : vector<16xf32>
        %mul3A_556 = arith.mulf %sub3A_481, %get3A_521 : vector<16xf32>
        %add3A_557 = arith.addf %mul3A_555, %mul3A_556 : vector<16xf32>
        %mul3A_558 = arith.mulf %add3A_484, %get3A_523 : vector<16xf32>
        %add3A_559 = arith.addf %add3A_557, %mul3A_558 : vector<16xf32>
        %mul3A_560 = arith.mulf %sub3A_487, %get3A_525 : vector<16xf32>
        %add3A_561 = arith.addf %add3A_559, %mul3A_560 : vector<16xf32>
        %add3A_562 = arith.addf %add3A_561, %get3A_527 : vector<16xf32>
        %max3A_563 = arith.constant 0.000000e+00 : f32
        %max3A_564 = vector.broadcast %max3A_563 : f32 to vector<16xf32>
        %max3A_565 = arith.maximumf %add3A_562, %max3A_564 : vector<16xf32>
        %mul3A_566 = arith.mulf %max3A_565, %get3A_529 : vector<16xf32>
        %add3A_567 = arith.addf %get3A_399, %mul3A_566 : vector<16xf32>
        %mul3A_568 = arith.mulf %add3A_508, %get3A_519 : vector<16xf32>
        %mul3A_569 = arith.mulf %sub3A_511, %get3A_521 : vector<16xf32>
        %add3A_570 = arith.addf %mul3A_568, %mul3A_569 : vector<16xf32>
        %mul3A_571 = arith.mulf %add3A_514, %get3A_523 : vector<16xf32>
        %add3A_572 = arith.addf %add3A_570, %mul3A_571 : vector<16xf32>
        %mul3A_573 = arith.mulf %sub3A_517, %get3A_525 : vector<16xf32>
        %add3A_574 = arith.addf %add3A_572, %mul3A_573 : vector<16xf32>
        %add3A_575 = arith.addf %add3A_574, %get3A_527 : vector<16xf32>
        %max3A_576 = arith.constant 0.000000e+00 : f32
        %max3A_577 = vector.broadcast %max3A_576 : f32 to vector<16xf32>
        %max3A_578 = arith.maximumf %add3A_575, %max3A_577 : vector<16xf32>
        %mul3A_579 = arith.mulf %max3A_578, %get3A_529 : vector<16xf32>
        %add3A_580 = arith.addf %get3A_399, %mul3A_579 : vector<16xf32>
        %get3A_581 = arith.constant 16 : index
        %get3A_582 = tpu.vector_load %arg15[%get3A_581] {strides = array<i32>} : memref<1552xf32, #tpu.memory_space<vmem>>, vector<16xf32>,
        %get3A_583 = arith.constant 272 : index
        %get3A_584 = tpu.vector_load %arg15[%get3A_583] {strides = array<i32>} : memref<1552xf32, #tpu.memory_space<vmem>>, vector<16xf32>,
        %get3A_585 = arith.constant 528 : index
        %get3A_586 = tpu.vector_load %arg15[%get3A_585] {strides = array<i32>} : memref<1552xf32, #tpu.memory_space<vmem>>, vector<16xf32>,
        %get3A_587 = arith.constant 784 : index
        %get3A_588 = tpu.vector_load %arg15[%get3A_587] {strides = array<i32>} : memref<1552xf32, #tpu.memory_space<vmem>>, vector<16xf32>,
        %get3A_589 = arith.constant 1040 : index
        %get3A_590 = tpu.vector_load %arg15[%get3A_589] {strides = array<i32>} : memref<1552xf32, #tpu.memory_space<vmem>>, vector<16xf32>,
        %get3A_591 = arith.constant 1296 : index
        %get3A_592 = tpu.vector_load %arg15[%get3A_591] {strides = array<i32>} : memref<1552xf32, #tpu.memory_space<vmem>>, vector<16xf32>,
        %mul3A_593 = arith.mulf %add3A_418, %get3A_582 : vector<16xf32>
        %mul3A_594 = arith.mulf %sub3A_421, %get3A_584 : vector<16xf32>
        %add3A_595 = arith.addf %mul3A_593, %mul3A_594 : vector<16xf32>
        %mul3A_596 = arith.mulf %add3A_424, %get3A_586 : vector<16xf32>
        %add3A_597 = arith.addf %add3A_595, %mul3A_596 : vector<16xf32>
        %mul3A_598 = arith.mulf %sub3A_427, %get3A_588 : vector<16xf32>
        %add3A_599 = arith.addf %add3A_597, %mul3A_598 : vector<16xf32>
        %add3A_600 = arith.addf %add3A_599, %get3A_590 : vector<16xf32>
        %max3A_601 = arith.constant 0.000000e+00 : f32
        %max3A_602 = vector.broadcast %max3A_601 : f32 to vector<16xf32>
        %max3A_603 = arith.maximumf %add3A_600, %max3A_602 : vector<16xf32>
        %mul3A_604 = arith.mulf %max3A_603, %get3A_592 : vector<16xf32>
        %add3A_605 = arith.addf %add3A_541, %mul3A_604 : vector<16xf32>
        %mul3A_606 = arith.mulf %add3A_448, %get3A_582 : vector<16xf32>
        %mul3A_607 = arith.mulf %sub3A_451, %get3A_584 : vector<16xf32>
        %add3A_608 = arith.addf %mul3A_606, %mul3A_607 : vector<16xf32>
        %mul3A_609 = arith.mulf %add3A_454, %get3A_586 : vector<16xf32>
        %add3A_610 = arith.addf %add3A_608, %mul3A_609 : vector<16xf32>
        %mul3A_611 = arith.mulf %sub3A_457, %get3A_588 : vector<16xf32>
        %add3A_612 = arith.addf %add3A_610, %mul3A_611 : vector<16xf32>
        %add3A_613 = arith.addf %add3A_612, %get3A_590 : vector<16xf32>
        %max3A_614 = arith.constant 0.000000e+00 : f32
        %max3A_615 = vector.broadcast %max3A_614 : f32 to vector<16xf32>
        %max3A_616 = arith.maximumf %add3A_613, %max3A_615 : vector<16xf32>
        %mul3A_617 = arith.mulf %max3A_616, %get3A_592 : vector<16xf32>
        %add3A_618 = arith.addf %add3A_554, %mul3A_617 : vector<16xf32>
        %mul3A_619 = arith.mulf %add3A_478, %get3A_582 : vector<16xf32>
        %mul3A_620 = arith.mulf %sub3A_481, %get3A_584 : vector<16xf32>
        %add3A_621 = arith.addf %mul3A_619, %mul3A_620 : vector<16xf32>
        %mul3A_622 = arith.mulf %add3A_484, %get3A_586 : vector<16xf32>
        %add3A_623 = arith.addf %add3A_621, %mul3A_622 : vector<16xf32>
        %mul3A_624 = arith.mulf %sub3A_487, %get3A_588 : vector<16xf32>
        %add3A_625 = arith.addf %add3A_623, %mul3A_624 : vector<16xf32>
        %add3A_626 = arith.addf %add3A_625, %get3A_590 : vector<16xf32>
        %max3A_627 = arith.constant 0.000000e+00 : f32
        %max3A_628 = vector.broadcast %max3A_627 : f32 to vector<16xf32>
        %max3A_629 = arith.maximumf %add3A_626, %max3A_628 : vector<16xf32>
        %mul3A_630 = arith.mulf %max3A_629, %get3A_592 : vector<16xf32>
        %add3A_631 = arith.addf %add3A_567, %mul3A_630 : vector<16xf32>
        %mul3A_632 = arith.mulf %add3A_508, %get3A_582 : vector<16xf32>
        %mul3A_633 = arith.mulf %sub3A_511, %get3A_584 : vector<16xf32>
        %add3A_634 = arith.addf %mul3A_632, %mul3A_633 : vector<16xf32>
        %mul3A_635 = arith.mulf %add3A_514, %get3A_586 : vector<16xf32>
        %add3A_636 = arith.addf %add3A_634, %mul3A_635 : vector<16xf32>
        %mul3A_637 = arith.mulf %sub3A_517, %get3A_588 : vector<16xf32>
        %add3A_638 = arith.addf %add3A_636, %mul3A_637 : vector<16xf32>
        %add3A_639 = arith.addf %add3A_638, %get3A_590 : vector<16xf32>
        %max3A_640 = arith.constant 0.000000e+00 : f32
        %max3A_641 = vector.broadcast %max3A_640 : f32 to vector<16xf32>
        %max3A_642 = arith.maximumf %add3A_639, %max3A_641 : vector<16xf32>
        %mul3A_643 = arith.mulf %max3A_642, %get3A_592 : vector<16xf32>
        %add3A_644 = arith.addf %add3A_580, %mul3A_643 : vector<16xf32>
        %get3A_645 = arith.constant 32 : index
        %get3A_646 = tpu.vector_load %arg15[%get3A_645] {strides = array<i32>} : memref<1552xf32, #tpu.memory_space<vmem>>, vector<16xf32>,
        %get3A_647 = arith.constant 288 : index
        %get3A_648 = tpu.vector_load %arg15[%get3A_647] {strides = array<i32>} : memref<1552xf32, #tpu.memory_space<vmem>>, vector<16xf32>,
        %get3A_649 = arith.constant 544 : index
        %get3A_650 = tpu.vector_load %arg15[%get3A_649] {strides = array<i32>} : memref<1552xf32, #tpu.memory_space<vmem>>, vector<16xf32>,
        %get3A_651 = arith.constant 800 : index
        %get3A_652 = tpu.vector_load %arg15[%get3A_651] {strides = array<i32>} : memref<1552xf32, #tpu.memory_space<vmem>>, vector<16xf32>,
        %get3A_653 = arith.constant 1056 : index
        %get3A_654 = tpu.vector_load %arg15[%get3A_653] {strides = array<i32>} : memref<1552xf32, #tpu.memory_space<vmem>>, vector<16xf32>,
        %get3A_655 = arith.constant 1312 : index
        %get3A_656 = tpu.vector_load %arg15[%get3A_655] {strides = array<i32>} : memref<1552xf32, #tpu.memory_space<vmem>>, vector<16xf32>,
        %mul3A_657 = arith.mulf %add3A_418, %get3A_646 : vector<16xf32>
        %mul3A_658 = arith.mulf %sub3A_421, %get3A_648 : vector<16xf32>
        %add3A_659 = arith.addf %mul3A_657, %mul3A_658 : vector<16xf32>
        %mul3A_660 = arith.mulf %add3A_424, %get3A_650 : vector<16xf32>
        %add3A_661 = arith.addf %add3A_659, %mul3A_660 : vector<16xf32>
        %mul3A_662 = arith.mulf %sub3A_427, %get3A_652 : vector<16xf32>
        %add3A_663 = arith.addf %add3A_661, %mul3A_662 : vector<16xf32>
        %add3A_664 = arith.addf %add3A_663, %get3A_654 : vector<16xf32>
        %max3A_665 = arith.constant 0.000000e+00 : f32
        %max3A_666 = vector.broadcast %max3A_665 : f32 to vector<16xf32>
        %max3A_667 = arith.maximumf %add3A_664, %max3A_666 : vector<16xf32>
        %mul3A_668 = arith.mulf %max3A_667, %get3A_656 : vector<16xf32>
        %add3A_669 = arith.addf %add3A_605, %mul3A_668 : vector<16xf32>
        %mul3A_670 = arith.mulf %add3A_448, %get3A_646 : vector<16xf32>
        %mul3A_671 = arith.mulf %sub3A_451, %get3A_648 : vector<16xf32>
        %add3A_672 = arith.addf %mul3A_670, %mul3A_671 : vector<16xf32>
        %mul3A_673 = arith.mulf %add3A_454, %get3A_650 : vector<16xf32>
        %add3A_674 = arith.addf %add3A_672, %mul3A_673 : vector<16xf32>
        %mul3A_675 = arith.mulf %sub3A_457, %get3A_652 : vector<16xf32>
        %add3A_676 = arith.addf %add3A_674, %mul3A_675 : vector<16xf32>
        %add3A_677 = arith.addf %add3A_676, %get3A_654 : vector<16xf32>
        %max3A_678 = arith.constant 0.000000e+00 : f32
        %max3A_679 = vector.broadcast %max3A_678 : f32 to vector<16xf32>
        %max3A_680 = arith.maximumf %add3A_677, %max3A_679 : vector<16xf32>
        %mul3A_681 = arith.mulf %max3A_680, %get3A_656 : vector<16xf32>
        %add3A_682 = arith.addf %add3A_618, %mul3A_681 : vector<16xf32>
        %mul3A_683 = arith.mulf %add3A_478, %get3A_646 : vector<16xf32>
        %mul3A_684 = arith.mulf %sub3A_481, %get3A_648 : vector<16xf32>
        %add3A_685 = arith.addf %mul3A_683, %mul3A_684 : vector<16xf32>
        %mul3A_686 = arith.mulf %add3A_484, %get3A_650 : vector<16xf32>
        %add3A_687 = arith.addf %add3A_685, %mul3A_686 : vector<16xf32>
        %mul3A_688 = arith.mulf %sub3A_487, %get3A_652 : vector<16xf32>
        %add3A_689 = arith.addf %add3A_687, %mul3A_688 : vector<16xf32>
        %add3A_690 = arith.addf %add3A_689, %get3A_654 : vector<16xf32>
        %max3A_691 = arith.constant 0.000000e+00 : f32
        %max3A_692 = vector.broadcast %max3A_691 : f32 to vector<16xf32>
        %max3A_693 = arith.maximumf %add3A_690, %max3A_692 : vector<16xf32>
        %mul3A_694 = arith.mulf %max3A_693, %get3A_656 : vector<16xf32>
        %add3A_695 = arith.addf %add3A_631, %mul3A_694 : vector<16xf32>
        %mul3A_696 = arith.mulf %add3A_508, %get3A_646 : vector<16xf32>
        %mul3A_697 = arith.mulf %sub3A_511, %get3A_648 : vector<16xf32>
        %add3A_698 = arith.addf %mul3A_696, %mul3A_697 : vector<16xf32>
        %mul3A_699 = arith.mulf %add3A_514, %get3A_650 : vector<16xf32>
        %add3A_700 = arith.addf %add3A_698, %mul3A_699 : vector<16xf32>
        %mul3A_701 = arith.mulf %sub3A_517, %get3A_652 : vector<16xf32>
        %add3A_702 = arith.addf %add3A_700, %mul3A_701 : vector<16xf32>
        %add3A_703 = arith.addf %add3A_702, %get3A_654 : vector<16xf32>
        %max3A_704 = arith.constant 0.000000e+00 : f32
        %max3A_705 = vector.broadcast %max3A_704 : f32 to vector<16xf32>
        %max3A_706 = arith.maximumf %add3A_703, %max3A_705 : vector<16xf32>
        %mul3A_707 = arith.mulf %max3A_706, %get3A_656 : vector<16xf32>
        %add3A_708 = arith.addf %add3A_644, %mul3A_707 : vector<16xf32>
        %get3A_709 = arith.constant 48 : index
        %get3A_710 = tpu.vector_load %arg15[%get3A_709] {strides = array<i32>} : memref<1552xf32, #tpu.memory_space<vmem>>, vector<16xf32>,
        %get3A_711 = arith.constant 304 : index
        %get3A_712 = tpu.vector_load %arg15[%get3A_711] {strides = array<i32>} : memref<1552xf32, #tpu.memory_space<vmem>>, vector<16xf32>,
        %get3A_713 = arith.constant 560 : index
        %get3A_714 = tpu.vector_load %arg15[%get3A_713] {strides = array<i32>} : memref<1552xf32, #tpu.memory_space<vmem>>, vector<16xf32>,
        %get3A_715 = arith.constant 816 : index
        %get3A_716 = tpu.vector_load %arg15[%get3A_715] {strides = array<i32>} : memref<1552xf32, #tpu.memory_space<vmem>>, vector<16xf32>,
        %get3A_717 = arith.constant 1072 : index
        %get3A_718 = tpu.vector_load %arg15[%get3A_717] {strides = array<i32>} : memref<1552xf32, #tpu.memory_space<vmem>>, vector<16xf32>,
        %get3A_719 = arith.constant 1328 : index
        %get3A_720 = tpu.vector_load %arg15[%get3A_719] {strides = array<i32>} : memref<1552xf32, #tpu.memory_space<vmem>>, vector<16xf32>,
        %mul3A_721 = arith.mulf %add3A_418, %get3A_710 : vector<16xf32>
        %mul3A_722 = arith.mulf %sub3A_421, %get3A_712 : vector<16xf32>
        %add3A_723 = arith.addf %mul3A_721, %mul3A_722 : vector<16xf32>
        %mul3A_724 = arith.mulf %add3A_424, %get3A_714 : vector<16xf32>
        %add3A_725 = arith.addf %add3A_723, %mul3A_724 : vector<16xf32>
        %mul3A_726 = arith.mulf %sub3A_427, %get3A_716 : vector<16xf32>
        %add3A_727 = arith.addf %add3A_725, %mul3A_726 : vector<16xf32>
        %add3A_728 = arith.addf %add3A_727, %get3A_718 : vector<16xf32>
        %max3A_729 = arith.constant 0.000000e+00 : f32
        %max3A_730 = vector.broadcast %max3A_729 : f32 to vector<16xf32>
        %max3A_731 = arith.maximumf %add3A_728, %max3A_730 : vector<16xf32>
        %mul3A_732 = arith.mulf %max3A_731, %get3A_720 : vector<16xf32>
        %add3A_733 = arith.addf %add3A_669, %mul3A_732 : vector<16xf32>
        %mul3A_734 = arith.mulf %add3A_448, %get3A_710 : vector<16xf32>
        %mul3A_735 = arith.mulf %sub3A_451, %get3A_712 : vector<16xf32>
        %add3A_736 = arith.addf %mul3A_734, %mul3A_735 : vector<16xf32>
        %mul3A_737 = arith.mulf %add3A_454, %get3A_714 : vector<16xf32>
        %add3A_738 = arith.addf %add3A_736, %mul3A_737 : vector<16xf32>
        %mul3A_739 = arith.mulf %sub3A_457, %get3A_716 : vector<16xf32>
        %add3A_740 = arith.addf %add3A_738, %mul3A_739 : vector<16xf32>
        %add3A_741 = arith.addf %add3A_740, %get3A_718 : vector<16xf32>
        %max3A_742 = arith.constant 0.000000e+00 : f32
        %max3A_743 = vector.broadcast %max3A_742 : f32 to vector<16xf32>
        %max3A_744 = arith.maximumf %add3A_741, %max3A_743 : vector<16xf32>
        %mul3A_745 = arith.mulf %max3A_744, %get3A_720 : vector<16xf32>
        %add3A_746 = arith.addf %add3A_682, %mul3A_745 : vector<16xf32>
        %mul3A_747 = arith.mulf %add3A_478, %get3A_710 : vector<16xf32>
        %mul3A_748 = arith.mulf %sub3A_481, %get3A_712 : vector<16xf32>
        %add3A_749 = arith.addf %mul3A_747, %mul3A_748 : vector<16xf32>
        %mul3A_750 = arith.mulf %add3A_484, %get3A_714 : vector<16xf32>
        %add3A_751 = arith.addf %add3A_749, %mul3A_750 : vector<16xf32>
        %mul3A_752 = arith.mulf %sub3A_487, %get3A_716 : vector<16xf32>
        %add3A_753 = arith.addf %add3A_751, %mul3A_752 : vector<16xf32>
        %add3A_754 = arith.addf %add3A_753, %get3A_718 : vector<16xf32>
        %max3A_755 = arith.constant 0.000000e+00 : f32
        %max3A_756 = vector.broadcast %max3A_755 : f32 to vector<16xf32>
        %max3A_757 = arith.maximumf %add3A_754, %max3A_756 : vector<16xf32>
        %mul3A_758 = arith.mulf %max3A_757, %get3A_720 : vector<16xf32>
        %add3A_759 = arith.addf %add3A_695, %mul3A_758 : vector<16xf32>
        %mul3A_760 = arith.mulf %add3A_508, %get3A_710 : vector<16xf32>
        %mul3A_761 = arith.mulf %sub3A_511, %get3A_712 : vector<16xf32>
        %add3A_762 = arith.addf %mul3A_760, %mul3A_761 : vector<16xf32>
        %mul3A_763 = arith.mulf %add3A_514, %get3A_714 : vector<16xf32>
        %add3A_764 = arith.addf %add3A_762, %mul3A_763 : vector<16xf32>
        %mul3A_765 = arith.mulf %sub3A_517, %get3A_716 : vector<16xf32>
        %add3A_766 = arith.addf %add3A_764, %mul3A_765 : vector<16xf32>
        %add3A_767 = arith.addf %add3A_766, %get3A_718 : vector<16xf32>
        %max3A_768 = arith.constant 0.000000e+00 : f32
        %max3A_769 = vector.broadcast %max3A_768 : f32 to vector<16xf32>
        %max3A_770 = arith.maximumf %add3A_767, %max3A_769 : vector<16xf32>
        %mul3A_771 = arith.mulf %max3A_770, %get3A_720 : vector<16xf32>
        %add3A_772 = arith.addf %add3A_708, %mul3A_771 : vector<16xf32>
        %get3A_773 = arith.constant 64 : index
        %get3A_774 = tpu.vector_load %arg15[%get3A_773] {strides = array<i32>} : memref<1552xf32, #tpu.memory_space<vmem>>, vector<16xf32>,
        %get3A_775 = arith.constant 320 : index
        %get3A_776 = tpu.vector_load %arg15[%get3A_775] {strides = array<i32>} : memref<1552xf32, #tpu.memory_space<vmem>>, vector<16xf32>,
        %get3A_777 = arith.constant 576 : index
        %get3A_778 = tpu.vector_load %arg15[%get3A_777] {strides = array<i32>} : memref<1552xf32, #tpu.memory_space<vmem>>, vector<16xf32>,
        %get3A_779 = arith.constant 832 : index
        %get3A_780 = tpu.vector_load %arg15[%get3A_779] {strides = array<i32>} : memref<1552xf32, #tpu.memory_space<vmem>>, vector<16xf32>,
        %get3A_781 = arith.constant 1088 : index
        %get3A_782 = tpu.vector_load %arg15[%get3A_781] {strides = array<i32>} : memref<1552xf32, #tpu.memory_space<vmem>>, vector<16xf32>,
        %get3A_783 = arith.constant 1344 : index
        %get3A_784 = tpu.vector_load %arg15[%get3A_783] {strides = array<i32>} : memref<1552xf32, #tpu.memory_space<vmem>>, vector<16xf32>,
        %mul3A_785 = arith.mulf %add3A_418, %get3A_774 : vector<16xf32>
        %mul3A_786 = arith.mulf %sub3A_421, %get3A_776 : vector<16xf32>
        %add3A_787 = arith.addf %mul3A_785, %mul3A_786 : vector<16xf32>
        %mul3A_788 = arith.mulf %add3A_424, %get3A_778 : vector<16xf32>
        %add3A_789 = arith.addf %add3A_787, %mul3A_788 : vector<16xf32>
        %mul3A_790 = arith.mulf %sub3A_427, %get3A_780 : vector<16xf32>
        %add3A_791 = arith.addf %add3A_789, %mul3A_790 : vector<16xf32>
        %add3A_792 = arith.addf %add3A_791, %get3A_782 : vector<16xf32>
        %max3A_793 = arith.constant 0.000000e+00 : f32
        %max3A_794 = vector.broadcast %max3A_793 : f32 to vector<16xf32>
        %max3A_795 = arith.maximumf %add3A_792, %max3A_794 : vector<16xf32>
        %mul3A_796 = arith.mulf %max3A_795, %get3A_784 : vector<16xf32>
        %add3A_797 = arith.addf %add3A_733, %mul3A_796 : vector<16xf32>
        %mul3A_798 = arith.mulf %add3A_448, %get3A_774 : vector<16xf32>
        %mul3A_799 = arith.mulf %sub3A_451, %get3A_776 : vector<16xf32>
        %add3A_800 = arith.addf %mul3A_798, %mul3A_799 : vector<16xf32>
        %mul3A_801 = arith.mulf %add3A_454, %get3A_778 : vector<16xf32>
        %add3A_802 = arith.addf %add3A_800, %mul3A_801 : vector<16xf32>
        %mul3A_803 = arith.mulf %sub3A_457, %get3A_780 : vector<16xf32>
        %add3A_804 = arith.addf %add3A_802, %mul3A_803 : vector<16xf32>
        %add3A_805 = arith.addf %add3A_804, %get3A_782 : vector<16xf32>
        %max3A_806 = arith.constant 0.000000e+00 : f32
        %max3A_807 = vector.broadcast %max3A_806 : f32 to vector<16xf32>
        %max3A_808 = arith.maximumf %add3A_805, %max3A_807 : vector<16xf32>
        %mul3A_809 = arith.mulf %max3A_808, %get3A_784 : vector<16xf32>
        %add3A_810 = arith.addf %add3A_746, %mul3A_809 : vector<16xf32>
        %mul3A_811 = arith.mulf %add3A_478, %get3A_774 : vector<16xf32>
        %mul3A_812 = arith.mulf %sub3A_481, %get3A_776 : vector<16xf32>
        %add3A_813 = arith.addf %mul3A_811, %mul3A_812 : vector<16xf32>
        %mul3A_814 = arith.mulf %add3A_484, %get3A_778 : vector<16xf32>
        %add3A_815 = arith.addf %add3A_813, %mul3A_814 : vector<16xf32>
        %mul3A_816 = arith.mulf %sub3A_487, %get3A_780 : vector<16xf32>
        %add3A_817 = arith.addf %add3A_815, %mul3A_816 : vector<16xf32>
        %add3A_818 = arith.addf %add3A_817, %get3A_782 : vector<16xf32>
        %max3A_819 = arith.constant 0.000000e+00 : f32
        %max3A_820 = vector.broadcast %max3A_819 : f32 to vector<16xf32>
        %max3A_821 = arith.maximumf %add3A_818, %max3A_820 : vector<16xf32>
        %mul3A_822 = arith.mulf %max3A_821, %get3A_784 : vector<16xf32>
        %add3A_823 = arith.addf %add3A_759, %mul3A_822 : vector<16xf32>
        %mul3A_824 = arith.mulf %add3A_508, %get3A_774 : vector<16xf32>
        %mul3A_825 = arith.mulf %sub3A_511, %get3A_776 : vector<16xf32>
        %add3A_826 = arith.addf %mul3A_824, %mul3A_825 : vector<16xf32>
        %mul3A_827 = arith.mulf %add3A_514, %get3A_778 : vector<16xf32>
        %add3A_828 = arith.addf %add3A_826, %mul3A_827 : vector<16xf32>
        %mul3A_829 = arith.mulf %sub3A_517, %get3A_780 : vector<16xf32>
        %add3A_830 = arith.addf %add3A_828, %mul3A_829 : vector<16xf32>
        %add3A_831 = arith.addf %add3A_830, %get3A_782 : vector<16xf32>
        %max3A_832 = arith.constant 0.000000e+00 : f32
        %max3A_833 = vector.broadcast %max3A_832 : f32 to vector<16xf32>
        %max3A_834 = arith.maximumf %add3A_831, %max3A_833 : vector<16xf32>
        %mul3A_835 = arith.mulf %max3A_834, %get3A_784 : vector<16xf32>
        %add3A_836 = arith.addf %add3A_772, %mul3A_835 : vector<16xf32>
        %get3A_837 = arith.constant 80 : index
        %get3A_838 = tpu.vector_load %arg15[%get3A_837] {strides = array<i32>} : memref<1552xf32, #tpu.memory_space<vmem>>, vector<16xf32>,
        %get3A_839 = arith.constant 336 : index
        %get3A_840 = tpu.vector_load %arg15[%get3A_839] {strides = array<i32>} : memref<1552xf32, #tpu.memory_space<vmem>>, vector<16xf32>,
        %get3A_841 = arith.constant 592 : index
        %get3A_842 = tpu.vector_load %arg15[%get3A_841] {strides = array<i32>} : memref<1552xf32, #tpu.memory_space<vmem>>, vector<16xf32>,
        %get3A_843 = arith.constant 848 : index
        %get3A_844 = tpu.vector_load %arg15[%get3A_843] {strides = array<i32>} : memref<1552xf32, #tpu.memory_space<vmem>>, vector<16xf32>,
        %get3A_845 = arith.constant 1104 : index
        %get3A_846 = tpu.vector_load %arg15[%get3A_845] {strides = array<i32>} : memref<1552xf32, #tpu.memory_space<vmem>>, vector<16xf32>,
        %get3A_847 = arith.constant 1360 : index
        %get3A_848 = tpu.vector_load %arg15[%get3A_847] {strides = array<i32>} : memref<1552xf32, #tpu.memory_space<vmem>>, vector<16xf32>,
        %mul3A_849 = arith.mulf %add3A_418, %get3A_838 : vector<16xf32>
        %mul3A_850 = arith.mulf %sub3A_421, %get3A_840 : vector<16xf32>
        %add3A_851 = arith.addf %mul3A_849, %mul3A_850 : vector<16xf32>
        %mul3A_852 = arith.mulf %add3A_424, %get3A_842 : vector<16xf32>
        %add3A_853 = arith.addf %add3A_851, %mul3A_852 : vector<16xf32>
        %mul3A_854 = arith.mulf %sub3A_427, %get3A_844 : vector<16xf32>
        %add3A_855 = arith.addf %add3A_853, %mul3A_854 : vector<16xf32>
        %add3A_856 = arith.addf %add3A_855, %get3A_846 : vector<16xf32>
        %max3A_857 = arith.constant 0.000000e+00 : f32
        %max3A_858 = vector.broadcast %max3A_857 : f32 to vector<16xf32>
        %max3A_859 = arith.maximumf %add3A_856, %max3A_858 : vector<16xf32>
        %mul3A_860 = arith.mulf %max3A_859, %get3A_848 : vector<16xf32>
        %add3A_861 = arith.addf %add3A_797, %mul3A_860 : vector<16xf32>
        %mul3A_862 = arith.mulf %add3A_448, %get3A_838 : vector<16xf32>
        %mul3A_863 = arith.mulf %sub3A_451, %get3A_840 : vector<16xf32>
        %add3A_864 = arith.addf %mul3A_862, %mul3A_863 : vector<16xf32>
        %mul3A_865 = arith.mulf %add3A_454, %get3A_842 : vector<16xf32>
        %add3A_866 = arith.addf %add3A_864, %mul3A_865 : vector<16xf32>
        %mul3A_867 = arith.mulf %sub3A_457, %get3A_844 : vector<16xf32>
        %add3A_868 = arith.addf %add3A_866, %mul3A_867 : vector<16xf32>
        %add3A_869 = arith.addf %add3A_868, %get3A_846 : vector<16xf32>
        %max3A_870 = arith.constant 0.000000e+00 : f32
        %max3A_871 = vector.broadcast %max3A_870 : f32 to vector<16xf32>
        %max3A_872 = arith.maximumf %add3A_869, %max3A_871 : vector<16xf32>
        %mul3A_873 = arith.mulf %max3A_872, %get3A_848 : vector<16xf32>
        %add3A_874 = arith.addf %add3A_810, %mul3A_873 : vector<16xf32>
        %mul3A_875 = arith.mulf %add3A_478, %get3A_838 : vector<16xf32>
        %mul3A_876 = arith.mulf %sub3A_481, %get3A_840 : vector<16xf32>
        %add3A_877 = arith.addf %mul3A_875, %mul3A_876 : vector<16xf32>
        %mul3A_878 = arith.mulf %add3A_484, %get3A_842 : vector<16xf32>
        %add3A_879 = arith.addf %add3A_877, %mul3A_878 : vector<16xf32>
        %mul3A_880 = arith.mulf %sub3A_487, %get3A_844 : vector<16xf32>
        %add3A_881 = arith.addf %add3A_879, %mul3A_880 : vector<16xf32>
        %add3A_882 = arith.addf %add3A_881, %get3A_846 : vector<16xf32>
        %max3A_883 = arith.constant 0.000000e+00 : f32
        %max3A_884 = vector.broadcast %max3A_883 : f32 to vector<16xf32>
        %max3A_885 = arith.maximumf %add3A_882, %max3A_884 : vector<16xf32>
        %mul3A_886 = arith.mulf %max3A_885, %get3A_848 : vector<16xf32>
        %add3A_887 = arith.addf %add3A_823, %mul3A_886 : vector<16xf32>
        %mul3A_888 = arith.mulf %add3A_508, %get3A_838 : vector<16xf32>
        %mul3A_889 = arith.mulf %sub3A_511, %get3A_840 : vector<16xf32>
        %add3A_890 = arith.addf %mul3A_888, %mul3A_889 : vector<16xf32>
        %mul3A_891 = arith.mulf %add3A_514, %get3A_842 : vector<16xf32>
        %add3A_892 = arith.addf %add3A_890, %mul3A_891 : vector<16xf32>
        %mul3A_893 = arith.mulf %sub3A_517, %get3A_844 : vector<16xf32>
        %add3A_894 = arith.addf %add3A_892, %mul3A_893 : vector<16xf32>
        %add3A_895 = arith.addf %add3A_894, %get3A_846 : vector<16xf32>
        %max3A_896 = arith.constant 0.000000e+00 : f32
        %max3A_897 = vector.broadcast %max3A_896 : f32 to vector<16xf32>
        %max3A_898 = arith.maximumf %add3A_895, %max3A_897 : vector<16xf32>
        %mul3A_899 = arith.mulf %max3A_898, %get3A_848 : vector<16xf32>
        %add3A_900 = arith.addf %add3A_836, %mul3A_899 : vector<16xf32>
        %get3A_901 = arith.constant 96 : index
        %get3A_902 = tpu.vector_load %arg15[%get3A_901] {strides = array<i32>} : memref<1552xf32, #tpu.memory_space<vmem>>, vector<16xf32>,
        %get3A_903 = arith.constant 352 : index
        %get3A_904 = tpu.vector_load %arg15[%get3A_903] {strides = array<i32>} : memref<1552xf32, #tpu.memory_space<vmem>>, vector<16xf32>,
        %get3A_905 = arith.constant 608 : index
        %get3A_906 = tpu.vector_load %arg15[%get3A_905] {strides = array<i32>} : memref<1552xf32, #tpu.memory_space<vmem>>, vector<16xf32>,
        %get3A_907 = arith.constant 864 : index
        %get3A_908 = tpu.vector_load %arg15[%get3A_907] {strides = array<i32>} : memref<1552xf32, #tpu.memory_space<vmem>>, vector<16xf32>,
        %get3A_909 = arith.constant 1120 : index
        %get3A_910 = tpu.vector_load %arg15[%get3A_909] {strides = array<i32>} : memref<1552xf32, #tpu.memory_space<vmem>>, vector<16xf32>,
        %get3A_911 = arith.constant 1376 : index
        %get3A_912 = tpu.vector_load %arg15[%get3A_911] {strides = array<i32>} : memref<1552xf32, #tpu.memory_space<vmem>>, vector<16xf32>,
        %mul3A_913 = arith.mulf %add3A_418, %get3A_902 : vector<16xf32>
        %mul3A_914 = arith.mulf %sub3A_421, %get3A_904 : vector<16xf32>
        %add3A_915 = arith.addf %mul3A_913, %mul3A_914 : vector<16xf32>
        %mul3A_916 = arith.mulf %add3A_424, %get3A_906 : vector<16xf32>
        %add3A_917 = arith.addf %add3A_915, %mul3A_916 : vector<16xf32>
        %mul3A_918 = arith.mulf %sub3A_427, %get3A_908 : vector<16xf32>
        %add3A_919 = arith.addf %add3A_917, %mul3A_918 : vector<16xf32>
        %add3A_920 = arith.addf %add3A_919, %get3A_910 : vector<16xf32>
        %max3A_921 = arith.constant 0.000000e+00 : f32
        %max3A_922 = vector.broadcast %max3A_921 : f32 to vector<16xf32>
        %max3A_923 = arith.maximumf %add3A_920, %max3A_922 : vector<16xf32>
        %mul3A_924 = arith.mulf %max3A_923, %get3A_912 : vector<16xf32>
        %add3A_925 = arith.addf %add3A_861, %mul3A_924 : vector<16xf32>
        %mul3A_926 = arith.mulf %add3A_448, %get3A_902 : vector<16xf32>
        %mul3A_927 = arith.mulf %sub3A_451, %get3A_904 : vector<16xf32>
        %add3A_928 = arith.addf %mul3A_926, %mul3A_927 : vector<16xf32>
        %mul3A_929 = arith.mulf %add3A_454, %get3A_906 : vector<16xf32>
        %add3A_930 = arith.addf %add3A_928, %mul3A_929 : vector<16xf32>
        %mul3A_931 = arith.mulf %sub3A_457, %get3A_908 : vector<16xf32>
        %add3A_932 = arith.addf %add3A_930, %mul3A_931 : vector<16xf32>
        %add3A_933 = arith.addf %add3A_932, %get3A_910 : vector<16xf32>
        %max3A_934 = arith.constant 0.000000e+00 : f32
        %max3A_935 = vector.broadcast %max3A_934 : f32 to vector<16xf32>
        %max3A_936 = arith.maximumf %add3A_933, %max3A_935 : vector<16xf32>
        %mul3A_937 = arith.mulf %max3A_936, %get3A_912 : vector<16xf32>
        %add3A_938 = arith.addf %add3A_874, %mul3A_937 : vector<16xf32>
        %mul3A_939 = arith.mulf %add3A_478, %get3A_902 : vector<16xf32>
        %mul3A_940 = arith.mulf %sub3A_481, %get3A_904 : vector<16xf32>
        %add3A_941 = arith.addf %mul3A_939, %mul3A_940 : vector<16xf32>
        %mul3A_942 = arith.mulf %add3A_484, %get3A_906 : vector<16xf32>
        %add3A_943 = arith.addf %add3A_941, %mul3A_942 : vector<16xf32>
        %mul3A_944 = arith.mulf %sub3A_487, %get3A_908 : vector<16xf32>
        %add3A_945 = arith.addf %add3A_943, %mul3A_944 : vector<16xf32>
        %add3A_946 = arith.addf %add3A_945, %get3A_910 : vector<16xf32>
        %max3A_947 = arith.constant 0.000000e+00 : f32
        %max3A_948 = vector.broadcast %max3A_947 : f32 to vector<16xf32>
        %max3A_949 = arith.maximumf %add3A_946, %max3A_948 : vector<16xf32>
        %mul3A_950 = arith.mulf %max3A_949, %get3A_912 : vector<16xf32>
        %add3A_951 = arith.addf %add3A_887, %mul3A_950 : vector<16xf32>
        %mul3A_952 = arith.mulf %add3A_508, %get3A_902 : vector<16xf32>
        %mul3A_953 = arith.mulf %sub3A_511, %get3A_904 : vector<16xf32>
        %add3A_954 = arith.addf %mul3A_952, %mul3A_953 : vector<16xf32>
        %mul3A_955 = arith.mulf %add3A_514, %get3A_906 : vector<16xf32>
        %add3A_956 = arith.addf %add3A_954, %mul3A_955 : vector<16xf32>
        %mul3A_957 = arith.mulf %sub3A_517, %get3A_908 : vector<16xf32>
        %add3A_958 = arith.addf %add3A_956, %mul3A_957 : vector<16xf32>
        %add3A_959 = arith.addf %add3A_958, %get3A_910 : vector<16xf32>
        %max3A_960 = arith.constant 0.000000e+00 : f32
        %max3A_961 = vector.broadcast %max3A_960 : f32 to vector<16xf32>
        %max3A_962 = arith.maximumf %add3A_959, %max3A_961 : vector<16xf32>
        %mul3A_963 = arith.mulf %max3A_962, %get3A_912 : vector<16xf32>
        %add3A_964 = arith.addf %add3A_900, %mul3A_963 : vector<16xf32>
        %get3A_965 = arith.constant 112 : index
        %get3A_966 = tpu.vector_load %arg15[%get3A_965] {strides = array<i32>} : memref<1552xf32, #tpu.memory_space<vmem>>, vector<16xf32>,
        %get3A_967 = arith.constant 368 : index
        %get3A_968 = tpu.vector_load %arg15[%get3A_967] {strides = array<i32>} : memref<1552xf32, #tpu.memory_space<vmem>>, vector<16xf32>,
        %get3A_969 = arith.constant 624 : index
        %get3A_970 = tpu.vector_load %arg15[%get3A_969] {strides = array<i32>} : memref<1552xf32, #tpu.memory_space<vmem>>, vector<16xf32>,
        %get3A_971 = arith.constant 880 : index
        %get3A_972 = tpu.vector_load %arg15[%get3A_971] {strides = array<i32>} : memref<1552xf32, #tpu.memory_space<vmem>>, vector<16xf32>,
        %get3A_973 = arith.constant 1136 : index
        %get3A_974 = tpu.vector_load %arg15[%get3A_973] {strides = array<i32>} : memref<1552xf32, #tpu.memory_space<vmem>>, vector<16xf32>,
        %get3A_975 = arith.constant 1392 : index
        %get3A_976 = tpu.vector_load %arg15[%get3A_975] {strides = array<i32>} : memref<1552xf32, #tpu.memory_space<vmem>>, vector<16xf32>,
        %mul3A_977 = arith.mulf %add3A_418, %get3A_966 : vector<16xf32>
        %mul3A_978 = arith.mulf %sub3A_421, %get3A_968 : vector<16xf32>
        %add3A_979 = arith.addf %mul3A_977, %mul3A_978 : vector<16xf32>
        %mul3A_980 = arith.mulf %add3A_424, %get3A_970 : vector<16xf32>
        %add3A_981 = arith.addf %add3A_979, %mul3A_980 : vector<16xf32>
        %mul3A_982 = arith.mulf %sub3A_427, %get3A_972 : vector<16xf32>
        %add3A_983 = arith.addf %add3A_981, %mul3A_982 : vector<16xf32>
        %add3A_984 = arith.addf %add3A_983, %get3A_974 : vector<16xf32>
        %max3A_985 = arith.constant 0.000000e+00 : f32
        %max3A_986 = vector.broadcast %max3A_985 : f32 to vector<16xf32>
        %max3A_987 = arith.maximumf %add3A_984, %max3A_986 : vector<16xf32>
        %mul3A_988 = arith.mulf %max3A_987, %get3A_976 : vector<16xf32>
        %add3A_989 = arith.addf %add3A_925, %mul3A_988 : vector<16xf32>
        %mul3A_990 = arith.mulf %add3A_448, %get3A_966 : vector<16xf32>
        %mul3A_991 = arith.mulf %sub3A_451, %get3A_968 : vector<16xf32>
        %add3A_992 = arith.addf %mul3A_990, %mul3A_991 : vector<16xf32>
        %mul3A_993 = arith.mulf %add3A_454, %get3A_970 : vector<16xf32>
        %add3A_994 = arith.addf %add3A_992, %mul3A_993 : vector<16xf32>
        %mul3A_995 = arith.mulf %sub3A_457, %get3A_972 : vector<16xf32>
        %add3A_996 = arith.addf %add3A_994, %mul3A_995 : vector<16xf32>
        %add3A_997 = arith.addf %add3A_996, %get3A_974 : vector<16xf32>
        %max3A_998 = arith.constant 0.000000e+00 : f32
        %max3A_999 = vector.broadcast %max3A_998 : f32 to vector<16xf32>
        %max3A_1000 = arith.maximumf %add3A_997, %max3A_999 : vector<16xf32>
        %mul3A_1001 = arith.mulf %max3A_1000, %get3A_976 : vector<16xf32>
        %add3A_1002 = arith.addf %add3A_938, %mul3A_1001 : vector<16xf32>
        %mul3A_1003 = arith.mulf %add3A_478, %get3A_966 : vector<16xf32>
        %mul3A_1004 = arith.mulf %sub3A_481, %get3A_968 : vector<16xf32>
        %add3A_1005 = arith.addf %mul3A_1003, %mul3A_1004 : vector<16xf32>
        %mul3A_1006 = arith.mulf %add3A_484, %get3A_970 : vector<16xf32>
        %add3A_1007 = arith.addf %add3A_1005, %mul3A_1006 : vector<16xf32>
        %mul3A_1008 = arith.mulf %sub3A_487, %get3A_972 : vector<16xf32>
        %add3A_1009 = arith.addf %add3A_1007, %mul3A_1008 : vector<16xf32>
        %add3A_1010 = arith.addf %add3A_1009, %get3A_974 : vector<16xf32>
        %max3A_1011 = arith.constant 0.000000e+00 : f32
        %max3A_1012 = vector.broadcast %max3A_1011 : f32 to vector<16xf32>
        %max3A_1013 = arith.maximumf %add3A_1010, %max3A_1012 : vector<16xf32>
        %mul3A_1014 = arith.mulf %max3A_1013, %get3A_976 : vector<16xf32>
        %add3A_1015 = arith.addf %add3A_951, %mul3A_1014 : vector<16xf32>
        %mul3A_1016 = arith.mulf %add3A_508, %get3A_966 : vector<16xf32>
        %mul3A_1017 = arith.mulf %sub3A_511, %get3A_968 : vector<16xf32>
        %add3A_1018 = arith.addf %mul3A_1016, %mul3A_1017 : vector<16xf32>
        %mul3A_1019 = arith.mulf %add3A_514, %get3A_970 : vector<16xf32>
        %add3A_1020 = arith.addf %add3A_1018, %mul3A_1019 : vector<16xf32>
        %mul3A_1021 = arith.mulf %sub3A_517, %get3A_972 : vector<16xf32>
        %add3A_1022 = arith.addf %add3A_1020, %mul3A_1021 : vector<16xf32>
        %add3A_1023 = arith.addf %add3A_1022, %get3A_974 : vector<16xf32>
        %max3A_1024 = arith.constant 0.000000e+00 : f32
        %max3A_1025 = vector.broadcast %max3A_1024 : f32 to vector<16xf32>
        %max3A_1026 = arith.maximumf %add3A_1023, %max3A_1025 : vector<16xf32>
        %mul3A_1027 = arith.mulf %max3A_1026, %get3A_976 : vector<16xf32>
        %add3A_1028 = arith.addf %add3A_964, %mul3A_1027 : vector<16xf32>
        %get3A_1029 = arith.constant 128 : index
        %get3A_1030 = tpu.vector_load %arg15[%get3A_1029] {strides = array<i32>} : memref<1552xf32, #tpu.memory_space<vmem>>, vector<16xf32>,
        %get3A_1031 = arith.constant 384 : index
        %get3A_1032 = tpu.vector_load %arg15[%get3A_1031] {strides = array<i32>} : memref<1552xf32, #tpu.memory_space<vmem>>, vector<16xf32>,
        %get3A_1033 = arith.constant 640 : index
        %get3A_1034 = tpu.vector_load %arg15[%get3A_1033] {strides = array<i32>} : memref<1552xf32, #tpu.memory_space<vmem>>, vector<16xf32>,
        %get3A_1035 = arith.constant 896 : index
        %get3A_1036 = tpu.vector_load %arg15[%get3A_1035] {strides = array<i32>} : memref<1552xf32, #tpu.memory_space<vmem>>, vector<16xf32>,
        %get3A_1037 = arith.constant 1152 : index
        %get3A_1038 = tpu.vector_load %arg15[%get3A_1037] {strides = array<i32>} : memref<1552xf32, #tpu.memory_space<vmem>>, vector<16xf32>,
        %get3A_1039 = arith.constant 1408 : index
        %get3A_1040 = tpu.vector_load %arg15[%get3A_1039] {strides = array<i32>} : memref<1552xf32, #tpu.memory_space<vmem>>, vector<16xf32>,
        %mul3A_1041 = arith.mulf %add3A_418, %get3A_1030 : vector<16xf32>
        %mul3A_1042 = arith.mulf %sub3A_421, %get3A_1032 : vector<16xf32>
        %add3A_1043 = arith.addf %mul3A_1041, %mul3A_1042 : vector<16xf32>
        %mul3A_1044 = arith.mulf %add3A_424, %get3A_1034 : vector<16xf32>
        %add3A_1045 = arith.addf %add3A_1043, %mul3A_1044 : vector<16xf32>
        %mul3A_1046 = arith.mulf %sub3A_427, %get3A_1036 : vector<16xf32>
        %add3A_1047 = arith.addf %add3A_1045, %mul3A_1046 : vector<16xf32>
        %add3A_1048 = arith.addf %add3A_1047, %get3A_1038 : vector<16xf32>
        %max3A_1049 = arith.constant 0.000000e+00 : f32
        %max3A_1050 = vector.broadcast %max3A_1049 : f32 to vector<16xf32>
        %max3A_1051 = arith.maximumf %add3A_1048, %max3A_1050 : vector<16xf32>
        %mul3A_1052 = arith.mulf %max3A_1051, %get3A_1040 : vector<16xf32>
        %add3A_1053 = arith.addf %add3A_989, %mul3A_1052 : vector<16xf32>
        %mul3A_1054 = arith.mulf %add3A_448, %get3A_1030 : vector<16xf32>
        %mul3A_1055 = arith.mulf %sub3A_451, %get3A_1032 : vector<16xf32>
        %add3A_1056 = arith.addf %mul3A_1054, %mul3A_1055 : vector<16xf32>
        %mul3A_1057 = arith.mulf %add3A_454, %get3A_1034 : vector<16xf32>
        %add3A_1058 = arith.addf %add3A_1056, %mul3A_1057 : vector<16xf32>
        %mul3A_1059 = arith.mulf %sub3A_457, %get3A_1036 : vector<16xf32>
        %add3A_1060 = arith.addf %add3A_1058, %mul3A_1059 : vector<16xf32>
        %add3A_1061 = arith.addf %add3A_1060, %get3A_1038 : vector<16xf32>
        %max3A_1062 = arith.constant 0.000000e+00 : f32
        %max3A_1063 = vector.broadcast %max3A_1062 : f32 to vector<16xf32>
        %max3A_1064 = arith.maximumf %add3A_1061, %max3A_1063 : vector<16xf32>
        %mul3A_1065 = arith.mulf %max3A_1064, %get3A_1040 : vector<16xf32>
        %add3A_1066 = arith.addf %add3A_1002, %mul3A_1065 : vector<16xf32>
        %mul3A_1067 = arith.mulf %add3A_478, %get3A_1030 : vector<16xf32>
        %mul3A_1068 = arith.mulf %sub3A_481, %get3A_1032 : vector<16xf32>
        %add3A_1069 = arith.addf %mul3A_1067, %mul3A_1068 : vector<16xf32>
        %mul3A_1070 = arith.mulf %add3A_484, %get3A_1034 : vector<16xf32>
        %add3A_1071 = arith.addf %add3A_1069, %mul3A_1070 : vector<16xf32>
        %mul3A_1072 = arith.mulf %sub3A_487, %get3A_1036 : vector<16xf32>
        %add3A_1073 = arith.addf %add3A_1071, %mul3A_1072 : vector<16xf32>
        %add3A_1074 = arith.addf %add3A_1073, %get3A_1038 : vector<16xf32>
        %max3A_1075 = arith.constant 0.000000e+00 : f32
        %max3A_1076 = vector.broadcast %max3A_1075 : f32 to vector<16xf32>
        %max3A_1077 = arith.maximumf %add3A_1074, %max3A_1076 : vector<16xf32>
        %mul3A_1078 = arith.mulf %max3A_1077, %get3A_1040 : vector<16xf32>
        %add3A_1079 = arith.addf %add3A_1015, %mul3A_1078 : vector<16xf32>
        %mul3A_1080 = arith.mulf %add3A_508, %get3A_1030 : vector<16xf32>
        %mul3A_1081 = arith.mulf %sub3A_511, %get3A_1032 : vector<16xf32>
        %add3A_1082 = arith.addf %mul3A_1080, %mul3A_1081 : vector<16xf32>
        %mul3A_1083 = arith.mulf %add3A_514, %get3A_1034 : vector<16xf32>
        %add3A_1084 = arith.addf %add3A_1082, %mul3A_1083 : vector<16xf32>
        %mul3A_1085 = arith.mulf %sub3A_517, %get3A_1036 : vector<16xf32>
        %add3A_1086 = arith.addf %add3A_1084, %mul3A_1085 : vector<16xf32>
        %add3A_1087 = arith.addf %add3A_1086, %get3A_1038 : vector<16xf32>
        %max3A_1088 = arith.constant 0.000000e+00 : f32
        %max3A_1089 = vector.broadcast %max3A_1088 : f32 to vector<16xf32>
        %max3A_1090 = arith.maximumf %add3A_1087, %max3A_1089 : vector<16xf32>
        %mul3A_1091 = arith.mulf %max3A_1090, %get3A_1040 : vector<16xf32>
        %add3A_1092 = arith.addf %add3A_1028, %mul3A_1091 : vector<16xf32>
        %get3A_1093 = arith.constant 144 : index
        %get3A_1094 = tpu.vector_load %arg15[%get3A_1093] {strides = array<i32>} : memref<1552xf32, #tpu.memory_space<vmem>>, vector<16xf32>,
        %get3A_1095 = arith.constant 400 : index
        %get3A_1096 = tpu.vector_load %arg15[%get3A_1095] {strides = array<i32>} : memref<1552xf32, #tpu.memory_space<vmem>>, vector<16xf32>,
        %get3A_1097 = arith.constant 656 : index
        %get3A_1098 = tpu.vector_load %arg15[%get3A_1097] {strides = array<i32>} : memref<1552xf32, #tpu.memory_space<vmem>>, vector<16xf32>,
        %get3A_1099 = arith.constant 912 : index
        %get3A_1100 = tpu.vector_load %arg15[%get3A_1099] {strides = array<i32>} : memref<1552xf32, #tpu.memory_space<vmem>>, vector<16xf32>,
        %get3A_1101 = arith.constant 1168 : index
        %get3A_1102 = tpu.vector_load %arg15[%get3A_1101] {strides = array<i32>} : memref<1552xf32, #tpu.memory_space<vmem>>, vector<16xf32>,
        %get3A_1103 = arith.constant 1424 : index
        %get3A_1104 = tpu.vector_load %arg15[%get3A_1103] {strides = array<i32>} : memref<1552xf32, #tpu.memory_space<vmem>>, vector<16xf32>,
        %mul3A_1105 = arith.mulf %add3A_418, %get3A_1094 : vector<16xf32>
        %mul3A_1106 = arith.mulf %sub3A_421, %get3A_1096 : vector<16xf32>
        %add3A_1107 = arith.addf %mul3A_1105, %mul3A_1106 : vector<16xf32>
        %mul3A_1108 = arith.mulf %add3A_424, %get3A_1098 : vector<16xf32>
        %add3A_1109 = arith.addf %add3A_1107, %mul3A_1108 : vector<16xf32>
        %mul3A_1110 = arith.mulf %sub3A_427, %get3A_1100 : vector<16xf32>
        %add3A_1111 = arith.addf %add3A_1109, %mul3A_1110 : vector<16xf32>
        %add3A_1112 = arith.addf %add3A_1111, %get3A_1102 : vector<16xf32>
        %max3A_1113 = arith.constant 0.000000e+00 : f32
        %max3A_1114 = vector.broadcast %max3A_1113 : f32 to vector<16xf32>
        %max3A_1115 = arith.maximumf %add3A_1112, %max3A_1114 : vector<16xf32>
        %mul3A_1116 = arith.mulf %max3A_1115, %get3A_1104 : vector<16xf32>
        %add3A_1117 = arith.addf %add3A_1053, %mul3A_1116 : vector<16xf32>
        %mul3A_1118 = arith.mulf %add3A_448, %get3A_1094 : vector<16xf32>
        %mul3A_1119 = arith.mulf %sub3A_451, %get3A_1096 : vector<16xf32>
        %add3A_1120 = arith.addf %mul3A_1118, %mul3A_1119 : vector<16xf32>
        %mul3A_1121 = arith.mulf %add3A_454, %get3A_1098 : vector<16xf32>
        %add3A_1122 = arith.addf %add3A_1120, %mul3A_1121 : vector<16xf32>
        %mul3A_1123 = arith.mulf %sub3A_457, %get3A_1100 : vector<16xf32>
        %add3A_1124 = arith.addf %add3A_1122, %mul3A_1123 : vector<16xf32>
        %add3A_1125 = arith.addf %add3A_1124, %get3A_1102 : vector<16xf32>
        %max3A_1126 = arith.constant 0.000000e+00 : f32
        %max3A_1127 = vector.broadcast %max3A_1126 : f32 to vector<16xf32>
        %max3A_1128 = arith.maximumf %add3A_1125, %max3A_1127 : vector<16xf32>
        %mul3A_1129 = arith.mulf %max3A_1128, %get3A_1104 : vector<16xf32>
        %add3A_1130 = arith.addf %add3A_1066, %mul3A_1129 : vector<16xf32>
        %mul3A_1131 = arith.mulf %add3A_478, %get3A_1094 : vector<16xf32>
        %mul3A_1132 = arith.mulf %sub3A_481, %get3A_1096 : vector<16xf32>
        %add3A_1133 = arith.addf %mul3A_1131, %mul3A_1132 : vector<16xf32>
        %mul3A_1134 = arith.mulf %add3A_484, %get3A_1098 : vector<16xf32>
        %add3A_1135 = arith.addf %add3A_1133, %mul3A_1134 : vector<16xf32>
        %mul3A_1136 = arith.mulf %sub3A_487, %get3A_1100 : vector<16xf32>
        %add3A_1137 = arith.addf %add3A_1135, %mul3A_1136 : vector<16xf32>
        %add3A_1138 = arith.addf %add3A_1137, %get3A_1102 : vector<16xf32>
        %max3A_1139 = arith.constant 0.000000e+00 : f32
        %max3A_1140 = vector.broadcast %max3A_1139 : f32 to vector<16xf32>
        %max3A_1141 = arith.maximumf %add3A_1138, %max3A_1140 : vector<16xf32>
        %mul3A_1142 = arith.mulf %max3A_1141, %get3A_1104 : vector<16xf32>
        %add3A_1143 = arith.addf %add3A_1079, %mul3A_1142 : vector<16xf32>
        %mul3A_1144 = arith.mulf %add3A_508, %get3A_1094 : vector<16xf32>
        %mul3A_1145 = arith.mulf %sub3A_511, %get3A_1096 : vector<16xf32>
        %add3A_1146 = arith.addf %mul3A_1144, %mul3A_1145 : vector<16xf32>
        %mul3A_1147 = arith.mulf %add3A_514, %get3A_1098 : vector<16xf32>
        %add3A_1148 = arith.addf %add3A_1146, %mul3A_1147 : vector<16xf32>
        %mul3A_1149 = arith.mulf %sub3A_517, %get3A_1100 : vector<16xf32>
        %add3A_1150 = arith.addf %add3A_1148, %mul3A_1149 : vector<16xf32>
        %add3A_1151 = arith.addf %add3A_1150, %get3A_1102 : vector<16xf32>
        %max3A_1152 = arith.constant 0.000000e+00 : f32
        %max3A_1153 = vector.broadcast %max3A_1152 : f32 to vector<16xf32>
        %max3A_1154 = arith.maximumf %add3A_1151, %max3A_1153 : vector<16xf32>
        %mul3A_1155 = arith.mulf %max3A_1154, %get3A_1104 : vector<16xf32>
        %add3A_1156 = arith.addf %add3A_1092, %mul3A_1155 : vector<16xf32>
        %get3A_1157 = arith.constant 160 : index
        %get3A_1158 = tpu.vector_load %arg15[%get3A_1157] {strides = array<i32>} : memref<1552xf32, #tpu.memory_space<vmem>>, vector<16xf32>,
        %get3A_1159 = arith.constant 416 : index
        %get3A_1160 = tpu.vector_load %arg15[%get3A_1159] {strides = array<i32>} : memref<1552xf32, #tpu.memory_space<vmem>>, vector<16xf32>,
        %get3A_1161 = arith.constant 672 : index
        %get3A_1162 = tpu.vector_load %arg15[%get3A_1161] {strides = array<i32>} : memref<1552xf32, #tpu.memory_space<vmem>>, vector<16xf32>,
        %get3A_1163 = arith.constant 928 : index
        %get3A_1164 = tpu.vector_load %arg15[%get3A_1163] {strides = array<i32>} : memref<1552xf32, #tpu.memory_space<vmem>>, vector<16xf32>,
        %get3A_1165 = arith.constant 1184 : index
        %get3A_1166 = tpu.vector_load %arg15[%get3A_1165] {strides = array<i32>} : memref<1552xf32, #tpu.memory_space<vmem>>, vector<16xf32>,
        %get3A_1167 = arith.constant 1440 : index
        %get3A_1168 = tpu.vector_load %arg15[%get3A_1167] {strides = array<i32>} : memref<1552xf32, #tpu.memory_space<vmem>>, vector<16xf32>,
        %mul3A_1169 = arith.mulf %add3A_418, %get3A_1158 : vector<16xf32>
        %mul3A_1170 = arith.mulf %sub3A_421, %get3A_1160 : vector<16xf32>
        %add3A_1171 = arith.addf %mul3A_1169, %mul3A_1170 : vector<16xf32>
        %mul3A_1172 = arith.mulf %add3A_424, %get3A_1162 : vector<16xf32>
        %add3A_1173 = arith.addf %add3A_1171, %mul3A_1172 : vector<16xf32>
        %mul3A_1174 = arith.mulf %sub3A_427, %get3A_1164 : vector<16xf32>
        %add3A_1175 = arith.addf %add3A_1173, %mul3A_1174 : vector<16xf32>
        %add3A_1176 = arith.addf %add3A_1175, %get3A_1166 : vector<16xf32>
        %max3A_1177 = arith.constant 0.000000e+00 : f32
        %max3A_1178 = vector.broadcast %max3A_1177 : f32 to vector<16xf32>
        %max3A_1179 = arith.maximumf %add3A_1176, %max3A_1178 : vector<16xf32>
        %mul3A_1180 = arith.mulf %max3A_1179, %get3A_1168 : vector<16xf32>
        %add3A_1181 = arith.addf %add3A_1117, %mul3A_1180 : vector<16xf32>
        %mul3A_1182 = arith.mulf %add3A_448, %get3A_1158 : vector<16xf32>
        %mul3A_1183 = arith.mulf %sub3A_451, %get3A_1160 : vector<16xf32>
        %add3A_1184 = arith.addf %mul3A_1182, %mul3A_1183 : vector<16xf32>
        %mul3A_1185 = arith.mulf %add3A_454, %get3A_1162 : vector<16xf32>
        %add3A_1186 = arith.addf %add3A_1184, %mul3A_1185 : vector<16xf32>
        %mul3A_1187 = arith.mulf %sub3A_457, %get3A_1164 : vector<16xf32>
        %add3A_1188 = arith.addf %add3A_1186, %mul3A_1187 : vector<16xf32>
        %add3A_1189 = arith.addf %add3A_1188, %get3A_1166 : vector<16xf32>
        %max3A_1190 = arith.constant 0.000000e+00 : f32
        %max3A_1191 = vector.broadcast %max3A_1190 : f32 to vector<16xf32>
        %max3A_1192 = arith.maximumf %add3A_1189, %max3A_1191 : vector<16xf32>
        %mul3A_1193 = arith.mulf %max3A_1192, %get3A_1168 : vector<16xf32>
        %add3A_1194 = arith.addf %add3A_1130, %mul3A_1193 : vector<16xf32>
        %mul3A_1195 = arith.mulf %add3A_478, %get3A_1158 : vector<16xf32>
        %mul3A_1196 = arith.mulf %sub3A_481, %get3A_1160 : vector<16xf32>
        %add3A_1197 = arith.addf %mul3A_1195, %mul3A_1196 : vector<16xf32>
        %mul3A_1198 = arith.mulf %add3A_484, %get3A_1162 : vector<16xf32>
        %add3A_1199 = arith.addf %add3A_1197, %mul3A_1198 : vector<16xf32>
        %mul3A_1200 = arith.mulf %sub3A_487, %get3A_1164 : vector<16xf32>
        %add3A_1201 = arith.addf %add3A_1199, %mul3A_1200 : vector<16xf32>
        %add3A_1202 = arith.addf %add3A_1201, %get3A_1166 : vector<16xf32>
        %max3A_1203 = arith.constant 0.000000e+00 : f32
        %max3A_1204 = vector.broadcast %max3A_1203 : f32 to vector<16xf32>
        %max3A_1205 = arith.maximumf %add3A_1202, %max3A_1204 : vector<16xf32>
        %mul3A_1206 = arith.mulf %max3A_1205, %get3A_1168 : vector<16xf32>
        %add3A_1207 = arith.addf %add3A_1143, %mul3A_1206 : vector<16xf32>
        %mul3A_1208 = arith.mulf %add3A_508, %get3A_1158 : vector<16xf32>
        %mul3A_1209 = arith.mulf %sub3A_511, %get3A_1160 : vector<16xf32>
        %add3A_1210 = arith.addf %mul3A_1208, %mul3A_1209 : vector<16xf32>
        %mul3A_1211 = arith.mulf %add3A_514, %get3A_1162 : vector<16xf32>
        %add3A_1212 = arith.addf %add3A_1210, %mul3A_1211 : vector<16xf32>
        %mul3A_1213 = arith.mulf %sub3A_517, %get3A_1164 : vector<16xf32>
        %add3A_1214 = arith.addf %add3A_1212, %mul3A_1213 : vector<16xf32>
        %add3A_1215 = arith.addf %add3A_1214, %get3A_1166 : vector<16xf32>
        %max3A_1216 = arith.constant 0.000000e+00 : f32
        %max3A_1217 = vector.broadcast %max3A_1216 : f32 to vector<16xf32>
        %max3A_1218 = arith.maximumf %add3A_1215, %max3A_1217 : vector<16xf32>
        %mul3A_1219 = arith.mulf %max3A_1218, %get3A_1168 : vector<16xf32>
        %add3A_1220 = arith.addf %add3A_1156, %mul3A_1219 : vector<16xf32>
        %get3A_1221 = arith.constant 176 : index
        %get3A_1222 = tpu.vector_load %arg15[%get3A_1221] {strides = array<i32>} : memref<1552xf32, #tpu.memory_space<vmem>>, vector<16xf32>,
        %get3A_1223 = arith.constant 432 : index
        %get3A_1224 = tpu.vector_load %arg15[%get3A_1223] {strides = array<i32>} : memref<1552xf32, #tpu.memory_space<vmem>>, vector<16xf32>,
        %get3A_1225 = arith.constant 688 : index
        %get3A_1226 = tpu.vector_load %arg15[%get3A_1225] {strides = array<i32>} : memref<1552xf32, #tpu.memory_space<vmem>>, vector<16xf32>,
        %get3A_1227 = arith.constant 944 : index
        %get3A_1228 = tpu.vector_load %arg15[%get3A_1227] {strides = array<i32>} : memref<1552xf32, #tpu.memory_space<vmem>>, vector<16xf32>,
        %get3A_1229 = arith.constant 1200 : index
        %get3A_1230 = tpu.vector_load %arg15[%get3A_1229] {strides = array<i32>} : memref<1552xf32, #tpu.memory_space<vmem>>, vector<16xf32>,
        %get3A_1231 = arith.constant 1456 : index
        %get3A_1232 = tpu.vector_load %arg15[%get3A_1231] {strides = array<i32>} : memref<1552xf32, #tpu.memory_space<vmem>>, vector<16xf32>,
        %mul3A_1233 = arith.mulf %add3A_418, %get3A_1222 : vector<16xf32>
        %mul3A_1234 = arith.mulf %sub3A_421, %get3A_1224 : vector<16xf32>
        %add3A_1235 = arith.addf %mul3A_1233, %mul3A_1234 : vector<16xf32>
        %mul3A_1236 = arith.mulf %add3A_424, %get3A_1226 : vector<16xf32>
        %add3A_1237 = arith.addf %add3A_1235, %mul3A_1236 : vector<16xf32>
        %mul3A_1238 = arith.mulf %sub3A_427, %get3A_1228 : vector<16xf32>
        %add3A_1239 = arith.addf %add3A_1237, %mul3A_1238 : vector<16xf32>
        %add3A_1240 = arith.addf %add3A_1239, %get3A_1230 : vector<16xf32>
        %max3A_1241 = arith.constant 0.000000e+00 : f32
        %max3A_1242 = vector.broadcast %max3A_1241 : f32 to vector<16xf32>
        %max3A_1243 = arith.maximumf %add3A_1240, %max3A_1242 : vector<16xf32>
        %mul3A_1244 = arith.mulf %max3A_1243, %get3A_1232 : vector<16xf32>
        %add3A_1245 = arith.addf %add3A_1181, %mul3A_1244 : vector<16xf32>
        %mul3A_1246 = arith.mulf %add3A_448, %get3A_1222 : vector<16xf32>
        %mul3A_1247 = arith.mulf %sub3A_451, %get3A_1224 : vector<16xf32>
        %add3A_1248 = arith.addf %mul3A_1246, %mul3A_1247 : vector<16xf32>
        %mul3A_1249 = arith.mulf %add3A_454, %get3A_1226 : vector<16xf32>
        %add3A_1250 = arith.addf %add3A_1248, %mul3A_1249 : vector<16xf32>
        %mul3A_1251 = arith.mulf %sub3A_457, %get3A_1228 : vector<16xf32>
        %add3A_1252 = arith.addf %add3A_1250, %mul3A_1251 : vector<16xf32>
        %add3A_1253 = arith.addf %add3A_1252, %get3A_1230 : vector<16xf32>
        %max3A_1254 = arith.constant 0.000000e+00 : f32
        %max3A_1255 = vector.broadcast %max3A_1254 : f32 to vector<16xf32>
        %max3A_1256 = arith.maximumf %add3A_1253, %max3A_1255 : vector<16xf32>
        %mul3A_1257 = arith.mulf %max3A_1256, %get3A_1232 : vector<16xf32>
        %add3A_1258 = arith.addf %add3A_1194, %mul3A_1257 : vector<16xf32>
        %mul3A_1259 = arith.mulf %add3A_478, %get3A_1222 : vector<16xf32>
        %mul3A_1260 = arith.mulf %sub3A_481, %get3A_1224 : vector<16xf32>
        %add3A_1261 = arith.addf %mul3A_1259, %mul3A_1260 : vector<16xf32>
        %mul3A_1262 = arith.mulf %add3A_484, %get3A_1226 : vector<16xf32>
        %add3A_1263 = arith.addf %add3A_1261, %mul3A_1262 : vector<16xf32>
        %mul3A_1264 = arith.mulf %sub3A_487, %get3A_1228 : vector<16xf32>
        %add3A_1265 = arith.addf %add3A_1263, %mul3A_1264 : vector<16xf32>
        %add3A_1266 = arith.addf %add3A_1265, %get3A_1230 : vector<16xf32>
        %max3A_1267 = arith.constant 0.000000e+00 : f32
        %max3A_1268 = vector.broadcast %max3A_1267 : f32 to vector<16xf32>
        %max3A_1269 = arith.maximumf %add3A_1266, %max3A_1268 : vector<16xf32>
        %mul3A_1270 = arith.mulf %max3A_1269, %get3A_1232 : vector<16xf32>
        %add3A_1271 = arith.addf %add3A_1207, %mul3A_1270 : vector<16xf32>
        %mul3A_1272 = arith.mulf %add3A_508, %get3A_1222 : vector<16xf32>
        %mul3A_1273 = arith.mulf %sub3A_511, %get3A_1224 : vector<16xf32>
        %add3A_1274 = arith.addf %mul3A_1272, %mul3A_1273 : vector<16xf32>
        %mul3A_1275 = arith.mulf %add3A_514, %get3A_1226 : vector<16xf32>
        %add3A_1276 = arith.addf %add3A_1274, %mul3A_1275 : vector<16xf32>
        %mul3A_1277 = arith.mulf %sub3A_517, %get3A_1228 : vector<16xf32>
        %add3A_1278 = arith.addf %add3A_1276, %mul3A_1277 : vector<16xf32>
        %add3A_1279 = arith.addf %add3A_1278, %get3A_1230 : vector<16xf32>
        %max3A_1280 = arith.constant 0.000000e+00 : f32
        %max3A_1281 = vector.broadcast %max3A_1280 : f32 to vector<16xf32>
        %max3A_1282 = arith.maximumf %add3A_1279, %max3A_1281 : vector<16xf32>
        %mul3A_1283 = arith.mulf %max3A_1282, %get3A_1232 : vector<16xf32>
        %add3A_1284 = arith.addf %add3A_1220, %mul3A_1283 : vector<16xf32>
        %get3A_1285 = arith.constant 192 : index
        %get3A_1286 = tpu.vector_load %arg15[%get3A_1285] {strides = array<i32>} : memref<1552xf32, #tpu.memory_space<vmem>>, vector<16xf32>,
        %get3A_1287 = arith.constant 448 : index
        %get3A_1288 = tpu.vector_load %arg15[%get3A_1287] {strides = array<i32>} : memref<1552xf32, #tpu.memory_space<vmem>>, vector<16xf32>,
        %get3A_1289 = arith.constant 704 : index
        %get3A_1290 = tpu.vector_load %arg15[%get3A_1289] {strides = array<i32>} : memref<1552xf32, #tpu.memory_space<vmem>>, vector<16xf32>,
        %get3A_1291 = arith.constant 960 : index
        %get3A_1292 = tpu.vector_load %arg15[%get3A_1291] {strides = array<i32>} : memref<1552xf32, #tpu.memory_space<vmem>>, vector<16xf32>,
        %get3A_1293 = arith.constant 1216 : index
        %get3A_1294 = tpu.vector_load %arg15[%get3A_1293] {strides = array<i32>} : memref<1552xf32, #tpu.memory_space<vmem>>, vector<16xf32>,
        %get3A_1295 = arith.constant 1472 : index
        %get3A_1296 = tpu.vector_load %arg15[%get3A_1295] {strides = array<i32>} : memref<1552xf32, #tpu.memory_space<vmem>>, vector<16xf32>,
        %mul3A_1297 = arith.mulf %add3A_418, %get3A_1286 : vector<16xf32>
        %mul3A_1298 = arith.mulf %sub3A_421, %get3A_1288 : vector<16xf32>
        %add3A_1299 = arith.addf %mul3A_1297, %mul3A_1298 : vector<16xf32>
        %mul3A_1300 = arith.mulf %add3A_424, %get3A_1290 : vector<16xf32>
        %add3A_1301 = arith.addf %add3A_1299, %mul3A_1300 : vector<16xf32>
        %mul3A_1302 = arith.mulf %sub3A_427, %get3A_1292 : vector<16xf32>
        %add3A_1303 = arith.addf %add3A_1301, %mul3A_1302 : vector<16xf32>
        %add3A_1304 = arith.addf %add3A_1303, %get3A_1294 : vector<16xf32>
        %max3A_1305 = arith.constant 0.000000e+00 : f32
        %max3A_1306 = vector.broadcast %max3A_1305 : f32 to vector<16xf32>
        %max3A_1307 = arith.maximumf %add3A_1304, %max3A_1306 : vector<16xf32>
        %mul3A_1308 = arith.mulf %max3A_1307, %get3A_1296 : vector<16xf32>
        %add3A_1309 = arith.addf %add3A_1245, %mul3A_1308 : vector<16xf32>
        %mul3A_1310 = arith.mulf %add3A_448, %get3A_1286 : vector<16xf32>
        %mul3A_1311 = arith.mulf %sub3A_451, %get3A_1288 : vector<16xf32>
        %add3A_1312 = arith.addf %mul3A_1310, %mul3A_1311 : vector<16xf32>
        %mul3A_1313 = arith.mulf %add3A_454, %get3A_1290 : vector<16xf32>
        %add3A_1314 = arith.addf %add3A_1312, %mul3A_1313 : vector<16xf32>
        %mul3A_1315 = arith.mulf %sub3A_457, %get3A_1292 : vector<16xf32>
        %add3A_1316 = arith.addf %add3A_1314, %mul3A_1315 : vector<16xf32>
        %add3A_1317 = arith.addf %add3A_1316, %get3A_1294 : vector<16xf32>
        %max3A_1318 = arith.constant 0.000000e+00 : f32
        %max3A_1319 = vector.broadcast %max3A_1318 : f32 to vector<16xf32>
        %max3A_1320 = arith.maximumf %add3A_1317, %max3A_1319 : vector<16xf32>
        %mul3A_1321 = arith.mulf %max3A_1320, %get3A_1296 : vector<16xf32>
        %add3A_1322 = arith.addf %add3A_1258, %mul3A_1321 : vector<16xf32>
        %mul3A_1323 = arith.mulf %add3A_478, %get3A_1286 : vector<16xf32>
        %mul3A_1324 = arith.mulf %sub3A_481, %get3A_1288 : vector<16xf32>
        %add3A_1325 = arith.addf %mul3A_1323, %mul3A_1324 : vector<16xf32>
        %mul3A_1326 = arith.mulf %add3A_484, %get3A_1290 : vector<16xf32>
        %add3A_1327 = arith.addf %add3A_1325, %mul3A_1326 : vector<16xf32>
        %mul3A_1328 = arith.mulf %sub3A_487, %get3A_1292 : vector<16xf32>
        %add3A_1329 = arith.addf %add3A_1327, %mul3A_1328 : vector<16xf32>
        %add3A_1330 = arith.addf %add3A_1329, %get3A_1294 : vector<16xf32>
        %max3A_1331 = arith.constant 0.000000e+00 : f32
        %max3A_1332 = vector.broadcast %max3A_1331 : f32 to vector<16xf32>
        %max3A_1333 = arith.maximumf %add3A_1330, %max3A_1332 : vector<16xf32>
        %mul3A_1334 = arith.mulf %max3A_1333, %get3A_1296 : vector<16xf32>
        %add3A_1335 = arith.addf %add3A_1271, %mul3A_1334 : vector<16xf32>
        %mul3A_1336 = arith.mulf %add3A_508, %get3A_1286 : vector<16xf32>
        %mul3A_1337 = arith.mulf %sub3A_511, %get3A_1288 : vector<16xf32>
        %add3A_1338 = arith.addf %mul3A_1336, %mul3A_1337 : vector<16xf32>
        %mul3A_1339 = arith.mulf %add3A_514, %get3A_1290 : vector<16xf32>
        %add3A_1340 = arith.addf %add3A_1338, %mul3A_1339 : vector<16xf32>
        %mul3A_1341 = arith.mulf %sub3A_517, %get3A_1292 : vector<16xf32>
        %add3A_1342 = arith.addf %add3A_1340, %mul3A_1341 : vector<16xf32>
        %add3A_1343 = arith.addf %add3A_1342, %get3A_1294 : vector<16xf32>
        %max3A_1344 = arith.constant 0.000000e+00 : f32
        %max3A_1345 = vector.broadcast %max3A_1344 : f32 to vector<16xf32>
        %max3A_1346 = arith.maximumf %add3A_1343, %max3A_1345 : vector<16xf32>
        %mul3A_1347 = arith.mulf %max3A_1346, %get3A_1296 : vector<16xf32>
        %add3A_1348 = arith.addf %add3A_1284, %mul3A_1347 : vector<16xf32>
        %get3A_1349 = arith.constant 208 : index
        %get3A_1350 = tpu.vector_load %arg15[%get3A_1349] {strides = array<i32>} : memref<1552xf32, #tpu.memory_space<vmem>>, vector<16xf32>,
        %get3A_1351 = arith.constant 464 : index
        %get3A_1352 = tpu.vector_load %arg15[%get3A_1351] {strides = array<i32>} : memref<1552xf32, #tpu.memory_space<vmem>>, vector<16xf32>,
        %get3A_1353 = arith.constant 720 : index
        %get3A_1354 = tpu.vector_load %arg15[%get3A_1353] {strides = array<i32>} : memref<1552xf32, #tpu.memory_space<vmem>>, vector<16xf32>,
        %get3A_1355 = arith.constant 976 : index
        %get3A_1356 = tpu.vector_load %arg15[%get3A_1355] {strides = array<i32>} : memref<1552xf32, #tpu.memory_space<vmem>>, vector<16xf32>,
        %get3A_1357 = arith.constant 1232 : index
        %get3A_1358 = tpu.vector_load %arg15[%get3A_1357] {strides = array<i32>} : memref<1552xf32, #tpu.memory_space<vmem>>, vector<16xf32>,
        %get3A_1359 = arith.constant 1488 : index
        %get3A_1360 = tpu.vector_load %arg15[%get3A_1359] {strides = array<i32>} : memref<1552xf32, #tpu.memory_space<vmem>>, vector<16xf32>,
        %mul3A_1361 = arith.mulf %add3A_418, %get3A_1350 : vector<16xf32>
        %mul3A_1362 = arith.mulf %sub3A_421, %get3A_1352 : vector<16xf32>
        %add3A_1363 = arith.addf %mul3A_1361, %mul3A_1362 : vector<16xf32>
        %mul3A_1364 = arith.mulf %add3A_424, %get3A_1354 : vector<16xf32>
        %add3A_1365 = arith.addf %add3A_1363, %mul3A_1364 : vector<16xf32>
        %mul3A_1366 = arith.mulf %sub3A_427, %get3A_1356 : vector<16xf32>
        %add3A_1367 = arith.addf %add3A_1365, %mul3A_1366 : vector<16xf32>
        %add3A_1368 = arith.addf %add3A_1367, %get3A_1358 : vector<16xf32>
        %max3A_1369 = arith.constant 0.000000e+00 : f32
        %max3A_1370 = vector.broadcast %max3A_1369 : f32 to vector<16xf32>
        %max3A_1371 = arith.maximumf %add3A_1368, %max3A_1370 : vector<16xf32>
        %mul3A_1372 = arith.mulf %max3A_1371, %get3A_1360 : vector<16xf32>
        %add3A_1373 = arith.addf %add3A_1309, %mul3A_1372 : vector<16xf32>
        %mul3A_1374 = arith.mulf %add3A_448, %get3A_1350 : vector<16xf32>
        %mul3A_1375 = arith.mulf %sub3A_451, %get3A_1352 : vector<16xf32>
        %add3A_1376 = arith.addf %mul3A_1374, %mul3A_1375 : vector<16xf32>
        %mul3A_1377 = arith.mulf %add3A_454, %get3A_1354 : vector<16xf32>
        %add3A_1378 = arith.addf %add3A_1376, %mul3A_1377 : vector<16xf32>
        %mul3A_1379 = arith.mulf %sub3A_457, %get3A_1356 : vector<16xf32>
        %add3A_1380 = arith.addf %add3A_1378, %mul3A_1379 : vector<16xf32>
        %add3A_1381 = arith.addf %add3A_1380, %get3A_1358 : vector<16xf32>
        %max3A_1382 = arith.constant 0.000000e+00 : f32
        %max3A_1383 = vector.broadcast %max3A_1382 : f32 to vector<16xf32>
        %max3A_1384 = arith.maximumf %add3A_1381, %max3A_1383 : vector<16xf32>
        %mul3A_1385 = arith.mulf %max3A_1384, %get3A_1360 : vector<16xf32>
        %add3A_1386 = arith.addf %add3A_1322, %mul3A_1385 : vector<16xf32>
        %mul3A_1387 = arith.mulf %add3A_478, %get3A_1350 : vector<16xf32>
        %mul3A_1388 = arith.mulf %sub3A_481, %get3A_1352 : vector<16xf32>
        %add3A_1389 = arith.addf %mul3A_1387, %mul3A_1388 : vector<16xf32>
        %mul3A_1390 = arith.mulf %add3A_484, %get3A_1354 : vector<16xf32>
        %add3A_1391 = arith.addf %add3A_1389, %mul3A_1390 : vector<16xf32>
        %mul3A_1392 = arith.mulf %sub3A_487, %get3A_1356 : vector<16xf32>
        %add3A_1393 = arith.addf %add3A_1391, %mul3A_1392 : vector<16xf32>
        %add3A_1394 = arith.addf %add3A_1393, %get3A_1358 : vector<16xf32>
        %max3A_1395 = arith.constant 0.000000e+00 : f32
        %max3A_1396 = vector.broadcast %max3A_1395 : f32 to vector<16xf32>
        %max3A_1397 = arith.maximumf %add3A_1394, %max3A_1396 : vector<16xf32>
        %mul3A_1398 = arith.mulf %max3A_1397, %get3A_1360 : vector<16xf32>
        %add3A_1399 = arith.addf %add3A_1335, %mul3A_1398 : vector<16xf32>
        %mul3A_1400 = arith.mulf %add3A_508, %get3A_1350 : vector<16xf32>
        %mul3A_1401 = arith.mulf %sub3A_511, %get3A_1352 : vector<16xf32>
        %add3A_1402 = arith.addf %mul3A_1400, %mul3A_1401 : vector<16xf32>
        %mul3A_1403 = arith.mulf %add3A_514, %get3A_1354 : vector<16xf32>
        %add3A_1404 = arith.addf %add3A_1402, %mul3A_1403 : vector<16xf32>
        %mul3A_1405 = arith.mulf %sub3A_517, %get3A_1356 : vector<16xf32>
        %add3A_1406 = arith.addf %add3A_1404, %mul3A_1405 : vector<16xf32>
        %add3A_1407 = arith.addf %add3A_1406, %get3A_1358 : vector<16xf32>
        %max3A_1408 = arith.constant 0.000000e+00 : f32
        %max3A_1409 = vector.broadcast %max3A_1408 : f32 to vector<16xf32>
        %max3A_1410 = arith.maximumf %add3A_1407, %max3A_1409 : vector<16xf32>
        %mul3A_1411 = arith.mulf %max3A_1410, %get3A_1360 : vector<16xf32>
        %add3A_1412 = arith.addf %add3A_1348, %mul3A_1411 : vector<16xf32>
        %get3A_1413 = arith.constant 224 : index
        %get3A_1414 = tpu.vector_load %arg15[%get3A_1413] {strides = array<i32>} : memref<1552xf32, #tpu.memory_space<vmem>>, vector<16xf32>,
        %get3A_1415 = arith.constant 480 : index
        %get3A_1416 = tpu.vector_load %arg15[%get3A_1415] {strides = array<i32>} : memref<1552xf32, #tpu.memory_space<vmem>>, vector<16xf32>,
        %get3A_1417 = arith.constant 736 : index
        %get3A_1418 = tpu.vector_load %arg15[%get3A_1417] {strides = array<i32>} : memref<1552xf32, #tpu.memory_space<vmem>>, vector<16xf32>,
        %get3A_1419 = arith.constant 992 : index
        %get3A_1420 = tpu.vector_load %arg15[%get3A_1419] {strides = array<i32>} : memref<1552xf32, #tpu.memory_space<vmem>>, vector<16xf32>,
        %get3A_1421 = arith.constant 1248 : index
        %get3A_1422 = tpu.vector_load %arg15[%get3A_1421] {strides = array<i32>} : memref<1552xf32, #tpu.memory_space<vmem>>, vector<16xf32>,
        %get3A_1423 = arith.constant 1504 : index
        %get3A_1424 = tpu.vector_load %arg15[%get3A_1423] {strides = array<i32>} : memref<1552xf32, #tpu.memory_space<vmem>>, vector<16xf32>,
        %mul3A_1425 = arith.mulf %add3A_418, %get3A_1414 : vector<16xf32>
        %mul3A_1426 = arith.mulf %sub3A_421, %get3A_1416 : vector<16xf32>
        %add3A_1427 = arith.addf %mul3A_1425, %mul3A_1426 : vector<16xf32>
        %mul3A_1428 = arith.mulf %add3A_424, %get3A_1418 : vector<16xf32>
        %add3A_1429 = arith.addf %add3A_1427, %mul3A_1428 : vector<16xf32>
        %mul3A_1430 = arith.mulf %sub3A_427, %get3A_1420 : vector<16xf32>
        %add3A_1431 = arith.addf %add3A_1429, %mul3A_1430 : vector<16xf32>
        %add3A_1432 = arith.addf %add3A_1431, %get3A_1422 : vector<16xf32>
        %max3A_1433 = arith.constant 0.000000e+00 : f32
        %max3A_1434 = vector.broadcast %max3A_1433 : f32 to vector<16xf32>
        %max3A_1435 = arith.maximumf %add3A_1432, %max3A_1434 : vector<16xf32>
        %mul3A_1436 = arith.mulf %max3A_1435, %get3A_1424 : vector<16xf32>
        %add3A_1437 = arith.addf %add3A_1373, %mul3A_1436 : vector<16xf32>
        %mul3A_1438 = arith.mulf %add3A_448, %get3A_1414 : vector<16xf32>
        %mul3A_1439 = arith.mulf %sub3A_451, %get3A_1416 : vector<16xf32>
        %add3A_1440 = arith.addf %mul3A_1438, %mul3A_1439 : vector<16xf32>
        %mul3A_1441 = arith.mulf %add3A_454, %get3A_1418 : vector<16xf32>
        %add3A_1442 = arith.addf %add3A_1440, %mul3A_1441 : vector<16xf32>
        %mul3A_1443 = arith.mulf %sub3A_457, %get3A_1420 : vector<16xf32>
        %add3A_1444 = arith.addf %add3A_1442, %mul3A_1443 : vector<16xf32>
        %add3A_1445 = arith.addf %add3A_1444, %get3A_1422 : vector<16xf32>
        %max3A_1446 = arith.constant 0.000000e+00 : f32
        %max3A_1447 = vector.broadcast %max3A_1446 : f32 to vector<16xf32>
        %max3A_1448 = arith.maximumf %add3A_1445, %max3A_1447 : vector<16xf32>
        %mul3A_1449 = arith.mulf %max3A_1448, %get3A_1424 : vector<16xf32>
        %add3A_1450 = arith.addf %add3A_1386, %mul3A_1449 : vector<16xf32>
        %mul3A_1451 = arith.mulf %add3A_478, %get3A_1414 : vector<16xf32>
        %mul3A_1452 = arith.mulf %sub3A_481, %get3A_1416 : vector<16xf32>
        %add3A_1453 = arith.addf %mul3A_1451, %mul3A_1452 : vector<16xf32>
        %mul3A_1454 = arith.mulf %add3A_484, %get3A_1418 : vector<16xf32>
        %add3A_1455 = arith.addf %add3A_1453, %mul3A_1454 : vector<16xf32>
        %mul3A_1456 = arith.mulf %sub3A_487, %get3A_1420 : vector<16xf32>
        %add3A_1457 = arith.addf %add3A_1455, %mul3A_1456 : vector<16xf32>
        %add3A_1458 = arith.addf %add3A_1457, %get3A_1422 : vector<16xf32>
        %max3A_1459 = arith.constant 0.000000e+00 : f32
        %max3A_1460 = vector.broadcast %max3A_1459 : f32 to vector<16xf32>
        %max3A_1461 = arith.maximumf %add3A_1458, %max3A_1460 : vector<16xf32>
        %mul3A_1462 = arith.mulf %max3A_1461, %get3A_1424 : vector<16xf32>
        %add3A_1463 = arith.addf %add3A_1399, %mul3A_1462 : vector<16xf32>
        %mul3A_1464 = arith.mulf %add3A_508, %get3A_1414 : vector<16xf32>
        %mul3A_1465 = arith.mulf %sub3A_511, %get3A_1416 : vector<16xf32>
        %add3A_1466 = arith.addf %mul3A_1464, %mul3A_1465 : vector<16xf32>
        %mul3A_1467 = arith.mulf %add3A_514, %get3A_1418 : vector<16xf32>
        %add3A_1468 = arith.addf %add3A_1466, %mul3A_1467 : vector<16xf32>
        %mul3A_1469 = arith.mulf %sub3A_517, %get3A_1420 : vector<16xf32>
        %add3A_1470 = arith.addf %add3A_1468, %mul3A_1469 : vector<16xf32>
        %add3A_1471 = arith.addf %add3A_1470, %get3A_1422 : vector<16xf32>
        %max3A_1472 = arith.constant 0.000000e+00 : f32
        %max3A_1473 = vector.broadcast %max3A_1472 : f32 to vector<16xf32>
        %max3A_1474 = arith.maximumf %add3A_1471, %max3A_1473 : vector<16xf32>
        %mul3A_1475 = arith.mulf %max3A_1474, %get3A_1424 : vector<16xf32>
        %add3A_1476 = arith.addf %add3A_1412, %mul3A_1475 : vector<16xf32>
        %get3A_1477 = arith.constant 240 : index
        %get3A_1478 = tpu.vector_load %arg15[%get3A_1477] {strides = array<i32>} : memref<1552xf32, #tpu.memory_space<vmem>>, vector<16xf32>,
        %get3A_1479 = arith.constant 496 : index
        %get3A_1480 = tpu.vector_load %arg15[%get3A_1479] {strides = array<i32>} : memref<1552xf32, #tpu.memory_space<vmem>>, vector<16xf32>,
        %get3A_1481 = arith.constant 752 : index
        %get3A_1482 = tpu.vector_load %arg15[%get3A_1481] {strides = array<i32>} : memref<1552xf32, #tpu.memory_space<vmem>>, vector<16xf32>,
        %get3A_1483 = arith.constant 1008 : index
        %get3A_1484 = tpu.vector_load %arg15[%get3A_1483] {strides = array<i32>} : memref<1552xf32, #tpu.memory_space<vmem>>, vector<16xf32>,
        %get3A_1485 = arith.constant 1264 : index
        %get3A_1486 = tpu.vector_load %arg15[%get3A_1485] {strides = array<i32>} : memref<1552xf32, #tpu.memory_space<vmem>>, vector<16xf32>,
        %get3A_1487 = arith.constant 1520 : index
        %get3A_1488 = tpu.vector_load %arg15[%get3A_1487] {strides = array<i32>} : memref<1552xf32, #tpu.memory_space<vmem>>, vector<16xf32>,
        %mul3A_1489 = arith.mulf %add3A_418, %get3A_1478 : vector<16xf32>
        %mul3A_1490 = arith.mulf %sub3A_421, %get3A_1480 : vector<16xf32>
        %add3A_1491 = arith.addf %mul3A_1489, %mul3A_1490 : vector<16xf32>
        %mul3A_1492 = arith.mulf %add3A_424, %get3A_1482 : vector<16xf32>
        %add3A_1493 = arith.addf %add3A_1491, %mul3A_1492 : vector<16xf32>
        %mul3A_1494 = arith.mulf %sub3A_427, %get3A_1484 : vector<16xf32>
        %add3A_1495 = arith.addf %add3A_1493, %mul3A_1494 : vector<16xf32>
        %add3A_1496 = arith.addf %add3A_1495, %get3A_1486 : vector<16xf32>
        %max3A_1497 = arith.constant 0.000000e+00 : f32
        %max3A_1498 = vector.broadcast %max3A_1497 : f32 to vector<16xf32>
        %max3A_1499 = arith.maximumf %add3A_1496, %max3A_1498 : vector<16xf32>
        %mul3A_1500 = arith.mulf %max3A_1499, %get3A_1488 : vector<16xf32>
        %add3A_1501 = arith.addf %add3A_1437, %mul3A_1500 : vector<16xf32>
        %mul3A_1502 = arith.mulf %add3A_448, %get3A_1478 : vector<16xf32>
        %mul3A_1503 = arith.mulf %sub3A_451, %get3A_1480 : vector<16xf32>
        %add3A_1504 = arith.addf %mul3A_1502, %mul3A_1503 : vector<16xf32>
        %mul3A_1505 = arith.mulf %add3A_454, %get3A_1482 : vector<16xf32>
        %add3A_1506 = arith.addf %add3A_1504, %mul3A_1505 : vector<16xf32>
        %mul3A_1507 = arith.mulf %sub3A_457, %get3A_1484 : vector<16xf32>
        %add3A_1508 = arith.addf %add3A_1506, %mul3A_1507 : vector<16xf32>
        %add3A_1509 = arith.addf %add3A_1508, %get3A_1486 : vector<16xf32>
        %max3A_1510 = arith.constant 0.000000e+00 : f32
        %max3A_1511 = vector.broadcast %max3A_1510 : f32 to vector<16xf32>
        %max3A_1512 = arith.maximumf %add3A_1509, %max3A_1511 : vector<16xf32>
        %mul3A_1513 = arith.mulf %max3A_1512, %get3A_1488 : vector<16xf32>
        %add3A_1514 = arith.addf %add3A_1450, %mul3A_1513 : vector<16xf32>
        %mul3A_1515 = arith.mulf %add3A_478, %get3A_1478 : vector<16xf32>
        %mul3A_1516 = arith.mulf %sub3A_481, %get3A_1480 : vector<16xf32>
        %add3A_1517 = arith.addf %mul3A_1515, %mul3A_1516 : vector<16xf32>
        %mul3A_1518 = arith.mulf %add3A_484, %get3A_1482 : vector<16xf32>
        %add3A_1519 = arith.addf %add3A_1517, %mul3A_1518 : vector<16xf32>
        %mul3A_1520 = arith.mulf %sub3A_487, %get3A_1484 : vector<16xf32>
        %add3A_1521 = arith.addf %add3A_1519, %mul3A_1520 : vector<16xf32>
        %add3A_1522 = arith.addf %add3A_1521, %get3A_1486 : vector<16xf32>
        %max3A_1523 = arith.constant 0.000000e+00 : f32
        %max3A_1524 = vector.broadcast %max3A_1523 : f32 to vector<16xf32>
        %max3A_1525 = arith.maximumf %add3A_1522, %max3A_1524 : vector<16xf32>
        %mul3A_1526 = arith.mulf %max3A_1525, %get3A_1488 : vector<16xf32>
        %add3A_1527 = arith.addf %add3A_1463, %mul3A_1526 : vector<16xf32>
        %mul3A_1528 = arith.mulf %add3A_508, %get3A_1478 : vector<16xf32>
        %mul3A_1529 = arith.mulf %sub3A_511, %get3A_1480 : vector<16xf32>
        %add3A_1530 = arith.addf %mul3A_1528, %mul3A_1529 : vector<16xf32>
        %mul3A_1531 = arith.mulf %add3A_514, %get3A_1482 : vector<16xf32>
        %add3A_1532 = arith.addf %add3A_1530, %mul3A_1531 : vector<16xf32>
        %mul3A_1533 = arith.mulf %sub3A_517, %get3A_1484 : vector<16xf32>
        %add3A_1534 = arith.addf %add3A_1532, %mul3A_1533 : vector<16xf32>
        %add3A_1535 = arith.addf %add3A_1534, %get3A_1486 : vector<16xf32>
        %max3A_1536 = arith.constant 0.000000e+00 : f32
        %max3A_1537 = vector.broadcast %max3A_1536 : f32 to vector<16xf32>
        %max3A_1538 = arith.maximumf %add3A_1535, %max3A_1537 : vector<16xf32>
        %mul3A_1539 = arith.mulf %max3A_1538, %get3A_1488 : vector<16xf32>
        %add3A_1540 = arith.addf %add3A_1476, %mul3A_1539 : vector<16xf32>
        tpu.vector_store_idx %arg13[%add3A_407], %add3A_1501 : memref<1024xf32, #tpu.memory_space<vmem>>[vector<16xi32>], vector<16xf32>,
        tpu.vector_store_idx %arg13[%add3A_435], %add3A_1514 : memref<1024xf32, #tpu.memory_space<vmem>>[vector<16xi32>], vector<16xf32>,
        tpu.vector_store_idx %arg13[%add3A_465], %add3A_1527 : memref<1024xf32, #tpu.memory_space<vmem>>[vector<16xi32>], vector<16xf32>,
        tpu.vector_store_idx %arg13[%add3A_495], %add3A_1540 : memref<1024xf32, #tpu.memory_space<vmem>>[vector<16xi32>], vector<16xf32>,
      }
      %scan3A_382 = arith.constant 16 : i32
      %run_scoped3A = arith.constant 0 : i32
      "tpu.region"() ({
        %run_scoped3A_398 = tpu.sem_alloc : memref<!tpu.dma_semaphore, #tpu.memory_space<semaphore_mem>>
        %dma_start3A_399 = arith.constant 0 : i32
        %dma_start3A_400 = tpu.memref_slice %arg13[%dma_start3A_399] : memref<1024xf32, #tpu.memory_space<vmem>> -> memref<128xf32, #tpu.memory_space<vmem>>
        %dma_start3A_401 = arith.constant 0 : i32
        %dma_start3A_402 = tpu.memref_slice %arg10[%run_scoped3A, %dma_start3A_401] : memref<8x128xi32, #tpu.memory_space<vmem>> -> memref<1x128xi32, #tpu.memory_space<vmem>>
        %dma_start3A_403 = tpu.memref_squeeze %dma_start3A_402 : memref<1x128xi32, #tpu.memory_space<vmem>> -> memref<128xi32, #tpu.memory_space<vmem>>
        %dma_start3A_404 = arith.constant 0 : i32
        %dma_start3A_405 = tpu.memref_slice %arg16[%dma_start3A_404] : memref<100352xf32, #tpu.memory_space<vmem_shared>> -> memref<100352xf32, #tpu.memory_space<vmem_shared>>
        tpu.enqueue_indirect_dma source(%dma_start3A_400 : memref<128xf32, #tpu.memory_space<vmem>>) target(%dma_start3A_405 : memref<100352xf32, #tpu.memory_space<vmem_shared>>) offsets(%dma_start3A_403 : memref<128xi32, #tpu.memory_space<vmem>>) semaphore(%run_scoped3A_398 : memref<!tpu.dma_semaphore, #tpu.memory_space<semaphore_mem>>) {add = true}
        %dma_wait3A_406 = arith.constant 0 : i32
        %dma_wait3A_407 = tpu.memref_slice %arg13[%dma_wait3A_406] : memref<1024xf32, #tpu.memory_space<vmem>> -> memref<128xf32, #tpu.memory_space<vmem>>
        %dma_wait3A_408 = arith.constant 0 : i32
        %dma_wait3A_409 = tpu.memref_slice %arg10[%run_scoped3A, %dma_wait3A_408] : memref<8x128xi32, #tpu.memory_space<vmem>> -> memref<1x128xi32, #tpu.memory_space<vmem>>
        %dma_wait3A_410 = tpu.memref_squeeze %dma_wait3A_409 : memref<1x128xi32, #tpu.memory_space<vmem>> -> memref<128xi32, #tpu.memory_space<vmem>>
        %dma_wait3A_411 = arith.constant 0 : i32
        %dma_wait3A_412 = tpu.memref_slice %arg16[%dma_wait3A_411] : memref<100352xf32, #tpu.memory_space<vmem_shared>> -> memref<100352xf32, #tpu.memory_space<vmem_shared>>
        tpu.wait_indirect_dma semaphore(%run_scoped3A_398 : memref<!tpu.dma_semaphore, #tpu.memory_space<semaphore_mem>>) src(%dma_wait3A_407 : memref<128xf32, #tpu.memory_space<vmem>>) dst(%dma_wait3A_412 : memref<100352xf32, #tpu.memory_space<vmem_shared>>)
        tpu.yield
      }) : () -> ()
      %run_scoped3A_383 = arith.constant 0 : i32
      "tpu.region"() ({
        %run_scoped3A_398 = tpu.sem_alloc : memref<!tpu.dma_semaphore, #tpu.memory_space<semaphore_mem>>
        %dma_start3A_399 = arith.constant 0 : i32
        %dma_start3A_400 = tpu.memref_slice %arg10[%run_scoped3A_383, %dma_start3A_399] : memref<8x128xi32, #tpu.memory_space<vmem>> -> memref<1x128xi32, #tpu.memory_space<vmem>>
        %dma_start3A_401 = tpu.memref_squeeze %dma_start3A_400 : memref<1x128xi32, #tpu.memory_space<vmem>> -> memref<128xi32, #tpu.memory_space<vmem>>
        %dma_start3A_402 = arith.constant 0 : i32
        %dma_start3A_403 = tpu.memref_slice %arg17[%dma_start3A_402] : memref<100352xf32, #tpu.memory_space<vmem_shared>> -> memref<100352xf32, #tpu.memory_space<vmem_shared>>
        tpu.enqueue_indirect_dma source(%arg14 : memref<128xf32, #tpu.memory_space<vmem>>) target(%dma_start3A_403 : memref<100352xf32, #tpu.memory_space<vmem_shared>>) offsets(%dma_start3A_401 : memref<128xi32, #tpu.memory_space<vmem>>) semaphore(%run_scoped3A_398 : memref<!tpu.dma_semaphore, #tpu.memory_space<semaphore_mem>>) {add = true}
        %dma_wait3A_404 = arith.constant 0 : i32
        %dma_wait3A_405 = tpu.memref_slice %arg10[%run_scoped3A_383, %dma_wait3A_404] : memref<8x128xi32, #tpu.memory_space<vmem>> -> memref<1x128xi32, #tpu.memory_space<vmem>>
        %dma_wait3A_406 = tpu.memref_squeeze %dma_wait3A_405 : memref<1x128xi32, #tpu.memory_space<vmem>> -> memref<128xi32, #tpu.memory_space<vmem>>
        %dma_wait3A_407 = arith.constant 0 : i32
        %dma_wait3A_408 = tpu.memref_slice %arg17[%dma_wait3A_407] : memref<100352xf32, #tpu.memory_space<vmem_shared>> -> memref<100352xf32, #tpu.memory_space<vmem_shared>>
        tpu.wait_indirect_dma semaphore(%run_scoped3A_398 : memref<!tpu.dma_semaphore, #tpu.memory_space<semaphore_mem>>) src(%arg14 : memref<128xf32, #tpu.memory_space<vmem>>) dst(%dma_wait3A_408 : memref<100352xf32, #tpu.memory_space<vmem_shared>>)
        tpu.yield
      }) : () -> ()
      %run_scoped3A_384 = arith.constant 1 : i32
      "tpu.region"() ({
        %run_scoped3A_398 = tpu.sem_alloc : memref<!tpu.dma_semaphore, #tpu.memory_space<semaphore_mem>>
        %dma_start3A_399 = arith.constant 128 : i32
        %dma_start3A_400 = tpu.memref_slice %arg13[%dma_start3A_399] : memref<1024xf32, #tpu.memory_space<vmem>> -> memref<128xf32, #tpu.memory_space<vmem>>
        %dma_start3A_401 = arith.constant 0 : i32
        %dma_start3A_402 = tpu.memref_slice %arg10[%run_scoped3A_384, %dma_start3A_401] : memref<8x128xi32, #tpu.memory_space<vmem>> -> memref<1x128xi32, #tpu.memory_space<vmem>>
        %dma_start3A_403 = tpu.memref_squeeze %dma_start3A_402 : memref<1x128xi32, #tpu.memory_space<vmem>> -> memref<128xi32, #tpu.memory_space<vmem>>
        %dma_start3A_404 = arith.constant 0 : i32
        %dma_start3A_405 = tpu.memref_slice %arg16[%dma_start3A_404] : memref<100352xf32, #tpu.memory_space<vmem_shared>> -> memref<100352xf32, #tpu.memory_space<vmem_shared>>
        tpu.enqueue_indirect_dma source(%dma_start3A_400 : memref<128xf32, #tpu.memory_space<vmem>>) target(%dma_start3A_405 : memref<100352xf32, #tpu.memory_space<vmem_shared>>) offsets(%dma_start3A_403 : memref<128xi32, #tpu.memory_space<vmem>>) semaphore(%run_scoped3A_398 : memref<!tpu.dma_semaphore, #tpu.memory_space<semaphore_mem>>) {add = true}
        %dma_wait3A_406 = arith.constant 128 : i32
        %dma_wait3A_407 = tpu.memref_slice %arg13[%dma_wait3A_406] : memref<1024xf32, #tpu.memory_space<vmem>> -> memref<128xf32, #tpu.memory_space<vmem>>
        %dma_wait3A_408 = arith.constant 0 : i32
        %dma_wait3A_409 = tpu.memref_slice %arg10[%run_scoped3A_384, %dma_wait3A_408] : memref<8x128xi32, #tpu.memory_space<vmem>> -> memref<1x128xi32, #tpu.memory_space<vmem>>
        %dma_wait3A_410 = tpu.memref_squeeze %dma_wait3A_409 : memref<1x128xi32, #tpu.memory_space<vmem>> -> memref<128xi32, #tpu.memory_space<vmem>>
        %dma_wait3A_411 = arith.constant 0 : i32
        %dma_wait3A_412 = tpu.memref_slice %arg16[%dma_wait3A_411] : memref<100352xf32, #tpu.memory_space<vmem_shared>> -> memref<100352xf32, #tpu.memory_space<vmem_shared>>
        tpu.wait_indirect_dma semaphore(%run_scoped3A_398 : memref<!tpu.dma_semaphore, #tpu.memory_space<semaphore_mem>>) src(%dma_wait3A_407 : memref<128xf32, #tpu.memory_space<vmem>>) dst(%dma_wait3A_412 : memref<100352xf32, #tpu.memory_space<vmem_shared>>)
        tpu.yield
      }) : () -> ()
      %run_scoped3A_385 = arith.constant 1 : i32
      "tpu.region"() ({
        %run_scoped3A_398 = tpu.sem_alloc : memref<!tpu.dma_semaphore, #tpu.memory_space<semaphore_mem>>
        %dma_start3A_399 = arith.constant 0 : i32
        %dma_start3A_400 = tpu.memref_slice %arg10[%run_scoped3A_385, %dma_start3A_399] : memref<8x128xi32, #tpu.memory_space<vmem>> -> memref<1x128xi32, #tpu.memory_space<vmem>>
        %dma_start3A_401 = tpu.memref_squeeze %dma_start3A_400 : memref<1x128xi32, #tpu.memory_space<vmem>> -> memref<128xi32, #tpu.memory_space<vmem>>
        %dma_start3A_402 = arith.constant 0 : i32
        %dma_start3A_403 = tpu.memref_slice %arg17[%dma_start3A_402] : memref<100352xf32, #tpu.memory_space<vmem_shared>> -> memref<100352xf32, #tpu.memory_space<vmem_shared>>
        tpu.enqueue_indirect_dma source(%arg14 : memref<128xf32, #tpu.memory_space<vmem>>) target(%dma_start3A_403 : memref<100352xf32, #tpu.memory_space<vmem_shared>>) offsets(%dma_start3A_401 : memref<128xi32, #tpu.memory_space<vmem>>) semaphore(%run_scoped3A_398 : memref<!tpu.dma_semaphore, #tpu.memory_space<semaphore_mem>>) {add = true}
        %dma_wait3A_404 = arith.constant 0 : i32
        %dma_wait3A_405 = tpu.memref_slice %arg10[%run_scoped3A_385, %dma_wait3A_404] : memref<8x128xi32, #tpu.memory_space<vmem>> -> memref<1x128xi32, #tpu.memory_space<vmem>>
        %dma_wait3A_406 = tpu.memref_squeeze %dma_wait3A_405 : memref<1x128xi32, #tpu.memory_space<vmem>> -> memref<128xi32, #tpu.memory_space<vmem>>
        %dma_wait3A_407 = arith.constant 0 : i32
        %dma_wait3A_408 = tpu.memref_slice %arg17[%dma_wait3A_407] : memref<100352xf32, #tpu.memory_space<vmem_shared>> -> memref<100352xf32, #tpu.memory_space<vmem_shared>>
        tpu.wait_indirect_dma semaphore(%run_scoped3A_398 : memref<!tpu.dma_semaphore, #tpu.memory_space<semaphore_mem>>) src(%arg14 : memref<128xf32, #tpu.memory_space<vmem>>) dst(%dma_wait3A_408 : memref<100352xf32, #tpu.memory_space<vmem_shared>>)
        tpu.yield
      }) : () -> ()
      %run_scoped3A_386 = arith.constant 2 : i32
      "tpu.region"() ({
        %run_scoped3A_398 = tpu.sem_alloc : memref<!tpu.dma_semaphore, #tpu.memory_space<semaphore_mem>>
        %dma_start3A_399 = arith.constant 256 : i32
        %dma_start3A_400 = tpu.memref_slice %arg13[%dma_start3A_399] : memref<1024xf32, #tpu.memory_space<vmem>> -> memref<128xf32, #tpu.memory_space<vmem>>
        %dma_start3A_401 = arith.constant 0 : i32
        %dma_start3A_402 = tpu.memref_slice %arg10[%run_scoped3A_386, %dma_start3A_401] : memref<8x128xi32, #tpu.memory_space<vmem>> -> memref<1x128xi32, #tpu.memory_space<vmem>>
        %dma_start3A_403 = tpu.memref_squeeze %dma_start3A_402 : memref<1x128xi32, #tpu.memory_space<vmem>> -> memref<128xi32, #tpu.memory_space<vmem>>
        %dma_start3A_404 = arith.constant 0 : i32
        %dma_start3A_405 = tpu.memref_slice %arg16[%dma_start3A_404] : memref<100352xf32, #tpu.memory_space<vmem_shared>> -> memref<100352xf32, #tpu.memory_space<vmem_shared>>
        tpu.enqueue_indirect_dma source(%dma_start3A_400 : memref<128xf32, #tpu.memory_space<vmem>>) target(%dma_start3A_405 : memref<100352xf32, #tpu.memory_space<vmem_shared>>) offsets(%dma_start3A_403 : memref<128xi32, #tpu.memory_space<vmem>>) semaphore(%run_scoped3A_398 : memref<!tpu.dma_semaphore, #tpu.memory_space<semaphore_mem>>) {add = true}
        %dma_wait3A_406 = arith.constant 256 : i32
        %dma_wait3A_407 = tpu.memref_slice %arg13[%dma_wait3A_406] : memref<1024xf32, #tpu.memory_space<vmem>> -> memref<128xf32, #tpu.memory_space<vmem>>
        %dma_wait3A_408 = arith.constant 0 : i32
        %dma_wait3A_409 = tpu.memref_slice %arg10[%run_scoped3A_386, %dma_wait3A_408] : memref<8x128xi32, #tpu.memory_space<vmem>> -> memref<1x128xi32, #tpu.memory_space<vmem>>
        %dma_wait3A_410 = tpu.memref_squeeze %dma_wait3A_409 : memref<1x128xi32, #tpu.memory_space<vmem>> -> memref<128xi32, #tpu.memory_space<vmem>>
        %dma_wait3A_411 = arith.constant 0 : i32
        %dma_wait3A_412 = tpu.memref_slice %arg16[%dma_wait3A_411] : memref<100352xf32, #tpu.memory_space<vmem_shared>> -> memref<100352xf32, #tpu.memory_space<vmem_shared>>
        tpu.wait_indirect_dma semaphore(%run_scoped3A_398 : memref<!tpu.dma_semaphore, #tpu.memory_space<semaphore_mem>>) src(%dma_wait3A_407 : memref<128xf32, #tpu.memory_space<vmem>>) dst(%dma_wait3A_412 : memref<100352xf32, #tpu.memory_space<vmem_shared>>)
        tpu.yield
      }) : () -> ()
      %run_scoped3A_387 = arith.constant 2 : i32
      "tpu.region"() ({
        %run_scoped3A_398 = tpu.sem_alloc : memref<!tpu.dma_semaphore, #tpu.memory_space<semaphore_mem>>
        %dma_start3A_399 = arith.constant 0 : i32
        %dma_start3A_400 = tpu.memref_slice %arg10[%run_scoped3A_387, %dma_start3A_399] : memref<8x128xi32, #tpu.memory_space<vmem>> -> memref<1x128xi32, #tpu.memory_space<vmem>>
        %dma_start3A_401 = tpu.memref_squeeze %dma_start3A_400 : memref<1x128xi32, #tpu.memory_space<vmem>> -> memref<128xi32, #tpu.memory_space<vmem>>
        %dma_start3A_402 = arith.constant 0 : i32
        %dma_start3A_403 = tpu.memref_slice %arg17[%dma_start3A_402] : memref<100352xf32, #tpu.memory_space<vmem_shared>> -> memref<100352xf32, #tpu.memory_space<vmem_shared>>
        tpu.enqueue_indirect_dma source(%arg14 : memref<128xf32, #tpu.memory_space<vmem>>) target(%dma_start3A_403 : memref<100352xf32, #tpu.memory_space<vmem_shared>>) offsets(%dma_start3A_401 : memref<128xi32, #tpu.memory_space<vmem>>) semaphore(%run_scoped3A_398 : memref<!tpu.dma_semaphore, #tpu.memory_space<semaphore_mem>>) {add = true}
        %dma_wait3A_404 = arith.constant 0 : i32
        %dma_wait3A_405 = tpu.memref_slice %arg10[%run_scoped3A_387, %dma_wait3A_404] : memref<8x128xi32, #tpu.memory_space<vmem>> -> memref<1x128xi32, #tpu.memory_space<vmem>>
        %dma_wait3A_406 = tpu.memref_squeeze %dma_wait3A_405 : memref<1x128xi32, #tpu.memory_space<vmem>> -> memref<128xi32, #tpu.memory_space<vmem>>
        %dma_wait3A_407 = arith.constant 0 : i32
        %dma_wait3A_408 = tpu.memref_slice %arg17[%dma_wait3A_407] : memref<100352xf32, #tpu.memory_space<vmem_shared>> -> memref<100352xf32, #tpu.memory_space<vmem_shared>>
        tpu.wait_indirect_dma semaphore(%run_scoped3A_398 : memref<!tpu.dma_semaphore, #tpu.memory_space<semaphore_mem>>) src(%arg14 : memref<128xf32, #tpu.memory_space<vmem>>) dst(%dma_wait3A_408 : memref<100352xf32, #tpu.memory_space<vmem_shared>>)
        tpu.yield
      }) : () -> ()
      %run_scoped3A_388 = arith.constant 3 : i32
      "tpu.region"() ({
        %run_scoped3A_398 = tpu.sem_alloc : memref<!tpu.dma_semaphore, #tpu.memory_space<semaphore_mem>>
        %dma_start3A_399 = arith.constant 384 : i32
        %dma_start3A_400 = tpu.memref_slice %arg13[%dma_start3A_399] : memref<1024xf32, #tpu.memory_space<vmem>> -> memref<128xf32, #tpu.memory_space<vmem>>
        %dma_start3A_401 = arith.constant 0 : i32
        %dma_start3A_402 = tpu.memref_slice %arg10[%run_scoped3A_388, %dma_start3A_401] : memref<8x128xi32, #tpu.memory_space<vmem>> -> memref<1x128xi32, #tpu.memory_space<vmem>>
        %dma_start3A_403 = tpu.memref_squeeze %dma_start3A_402 : memref<1x128xi32, #tpu.memory_space<vmem>> -> memref<128xi32, #tpu.memory_space<vmem>>
        %dma_start3A_404 = arith.constant 0 : i32
        %dma_start3A_405 = tpu.memref_slice %arg16[%dma_start3A_404] : memref<100352xf32, #tpu.memory_space<vmem_shared>> -> memref<100352xf32, #tpu.memory_space<vmem_shared>>
        tpu.enqueue_indirect_dma source(%dma_start3A_400 : memref<128xf32, #tpu.memory_space<vmem>>) target(%dma_start3A_405 : memref<100352xf32, #tpu.memory_space<vmem_shared>>) offsets(%dma_start3A_403 : memref<128xi32, #tpu.memory_space<vmem>>) semaphore(%run_scoped3A_398 : memref<!tpu.dma_semaphore, #tpu.memory_space<semaphore_mem>>) {add = true}
        %dma_wait3A_406 = arith.constant 384 : i32
        %dma_wait3A_407 = tpu.memref_slice %arg13[%dma_wait3A_406] : memref<1024xf32, #tpu.memory_space<vmem>> -> memref<128xf32, #tpu.memory_space<vmem>>
        %dma_wait3A_408 = arith.constant 0 : i32
        %dma_wait3A_409 = tpu.memref_slice %arg10[%run_scoped3A_388, %dma_wait3A_408] : memref<8x128xi32, #tpu.memory_space<vmem>> -> memref<1x128xi32, #tpu.memory_space<vmem>>
        %dma_wait3A_410 = tpu.memref_squeeze %dma_wait3A_409 : memref<1x128xi32, #tpu.memory_space<vmem>> -> memref<128xi32, #tpu.memory_space<vmem>>
        %dma_wait3A_411 = arith.constant 0 : i32
        %dma_wait3A_412 = tpu.memref_slice %arg16[%dma_wait3A_411] : memref<100352xf32, #tpu.memory_space<vmem_shared>> -> memref<100352xf32, #tpu.memory_space<vmem_shared>>
        tpu.wait_indirect_dma semaphore(%run_scoped3A_398 : memref<!tpu.dma_semaphore, #tpu.memory_space<semaphore_mem>>) src(%dma_wait3A_407 : memref<128xf32, #tpu.memory_space<vmem>>) dst(%dma_wait3A_412 : memref<100352xf32, #tpu.memory_space<vmem_shared>>)
        tpu.yield
      }) : () -> ()
      %run_scoped3A_389 = arith.constant 3 : i32
      "tpu.region"() ({
        %run_scoped3A_398 = tpu.sem_alloc : memref<!tpu.dma_semaphore, #tpu.memory_space<semaphore_mem>>
        %dma_start3A_399 = arith.constant 0 : i32
        %dma_start3A_400 = tpu.memref_slice %arg10[%run_scoped3A_389, %dma_start3A_399] : memref<8x128xi32, #tpu.memory_space<vmem>> -> memref<1x128xi32, #tpu.memory_space<vmem>>
        %dma_start3A_401 = tpu.memref_squeeze %dma_start3A_400 : memref<1x128xi32, #tpu.memory_space<vmem>> -> memref<128xi32, #tpu.memory_space<vmem>>
        %dma_start3A_402 = arith.constant 0 : i32
        %dma_start3A_403 = tpu.memref_slice %arg17[%dma_start3A_402] : memref<100352xf32, #tpu.memory_space<vmem_shared>> -> memref<100352xf32, #tpu.memory_space<vmem_shared>>
        tpu.enqueue_indirect_dma source(%arg14 : memref<128xf32, #tpu.memory_space<vmem>>) target(%dma_start3A_403 : memref<100352xf32, #tpu.memory_space<vmem_shared>>) offsets(%dma_start3A_401 : memref<128xi32, #tpu.memory_space<vmem>>) semaphore(%run_scoped3A_398 : memref<!tpu.dma_semaphore, #tpu.memory_space<semaphore_mem>>) {add = true}
        %dma_wait3A_404 = arith.constant 0 : i32
        %dma_wait3A_405 = tpu.memref_slice %arg10[%run_scoped3A_389, %dma_wait3A_404] : memref<8x128xi32, #tpu.memory_space<vmem>> -> memref<1x128xi32, #tpu.memory_space<vmem>>
        %dma_wait3A_406 = tpu.memref_squeeze %dma_wait3A_405 : memref<1x128xi32, #tpu.memory_space<vmem>> -> memref<128xi32, #tpu.memory_space<vmem>>
        %dma_wait3A_407 = arith.constant 0 : i32
        %dma_wait3A_408 = tpu.memref_slice %arg17[%dma_wait3A_407] : memref<100352xf32, #tpu.memory_space<vmem_shared>> -> memref<100352xf32, #tpu.memory_space<vmem_shared>>
        tpu.wait_indirect_dma semaphore(%run_scoped3A_398 : memref<!tpu.dma_semaphore, #tpu.memory_space<semaphore_mem>>) src(%arg14 : memref<128xf32, #tpu.memory_space<vmem>>) dst(%dma_wait3A_408 : memref<100352xf32, #tpu.memory_space<vmem_shared>>)
        tpu.yield
      }) : () -> ()
      %run_scoped3A_390 = arith.constant 4 : i32
      "tpu.region"() ({
        %run_scoped3A_398 = tpu.sem_alloc : memref<!tpu.dma_semaphore, #tpu.memory_space<semaphore_mem>>
        %dma_start3A_399 = arith.constant 512 : i32
        %dma_start3A_400 = tpu.memref_slice %arg13[%dma_start3A_399] : memref<1024xf32, #tpu.memory_space<vmem>> -> memref<128xf32, #tpu.memory_space<vmem>>
        %dma_start3A_401 = arith.constant 0 : i32
        %dma_start3A_402 = tpu.memref_slice %arg10[%run_scoped3A_390, %dma_start3A_401] : memref<8x128xi32, #tpu.memory_space<vmem>> -> memref<1x128xi32, #tpu.memory_space<vmem>>
        %dma_start3A_403 = tpu.memref_squeeze %dma_start3A_402 : memref<1x128xi32, #tpu.memory_space<vmem>> -> memref<128xi32, #tpu.memory_space<vmem>>
        %dma_start3A_404 = arith.constant 0 : i32
        %dma_start3A_405 = tpu.memref_slice %arg16[%dma_start3A_404] : memref<100352xf32, #tpu.memory_space<vmem_shared>> -> memref<100352xf32, #tpu.memory_space<vmem_shared>>
        tpu.enqueue_indirect_dma source(%dma_start3A_400 : memref<128xf32, #tpu.memory_space<vmem>>) target(%dma_start3A_405 : memref<100352xf32, #tpu.memory_space<vmem_shared>>) offsets(%dma_start3A_403 : memref<128xi32, #tpu.memory_space<vmem>>) semaphore(%run_scoped3A_398 : memref<!tpu.dma_semaphore, #tpu.memory_space<semaphore_mem>>) {add = true}
        %dma_wait3A_406 = arith.constant 512 : i32
        %dma_wait3A_407 = tpu.memref_slice %arg13[%dma_wait3A_406] : memref<1024xf32, #tpu.memory_space<vmem>> -> memref<128xf32, #tpu.memory_space<vmem>>
        %dma_wait3A_408 = arith.constant 0 : i32
        %dma_wait3A_409 = tpu.memref_slice %arg10[%run_scoped3A_390, %dma_wait3A_408] : memref<8x128xi32, #tpu.memory_space<vmem>> -> memref<1x128xi32, #tpu.memory_space<vmem>>
        %dma_wait3A_410 = tpu.memref_squeeze %dma_wait3A_409 : memref<1x128xi32, #tpu.memory_space<vmem>> -> memref<128xi32, #tpu.memory_space<vmem>>
        %dma_wait3A_411 = arith.constant 0 : i32
        %dma_wait3A_412 = tpu.memref_slice %arg16[%dma_wait3A_411] : memref<100352xf32, #tpu.memory_space<vmem_shared>> -> memref<100352xf32, #tpu.memory_space<vmem_shared>>
        tpu.wait_indirect_dma semaphore(%run_scoped3A_398 : memref<!tpu.dma_semaphore, #tpu.memory_space<semaphore_mem>>) src(%dma_wait3A_407 : memref<128xf32, #tpu.memory_space<vmem>>) dst(%dma_wait3A_412 : memref<100352xf32, #tpu.memory_space<vmem_shared>>)
        tpu.yield
      }) : () -> ()
      %run_scoped3A_391 = arith.constant 4 : i32
      "tpu.region"() ({
        %run_scoped3A_398 = tpu.sem_alloc : memref<!tpu.dma_semaphore, #tpu.memory_space<semaphore_mem>>
        %dma_start3A_399 = arith.constant 0 : i32
        %dma_start3A_400 = tpu.memref_slice %arg10[%run_scoped3A_391, %dma_start3A_399] : memref<8x128xi32, #tpu.memory_space<vmem>> -> memref<1x128xi32, #tpu.memory_space<vmem>>
        %dma_start3A_401 = tpu.memref_squeeze %dma_start3A_400 : memref<1x128xi32, #tpu.memory_space<vmem>> -> memref<128xi32, #tpu.memory_space<vmem>>
        %dma_start3A_402 = arith.constant 0 : i32
        %dma_start3A_403 = tpu.memref_slice %arg17[%dma_start3A_402] : memref<100352xf32, #tpu.memory_space<vmem_shared>> -> memref<100352xf32, #tpu.memory_space<vmem_shared>>
        tpu.enqueue_indirect_dma source(%arg14 : memref<128xf32, #tpu.memory_space<vmem>>) target(%dma_start3A_403 : memref<100352xf32, #tpu.memory_space<vmem_shared>>) offsets(%dma_start3A_401 : memref<128xi32, #tpu.memory_space<vmem>>) semaphore(%run_scoped3A_398 : memref<!tpu.dma_semaphore, #tpu.memory_space<semaphore_mem>>) {add = true}
        %dma_wait3A_404 = arith.constant 0 : i32
        %dma_wait3A_405 = tpu.memref_slice %arg10[%run_scoped3A_391, %dma_wait3A_404] : memref<8x128xi32, #tpu.memory_space<vmem>> -> memref<1x128xi32, #tpu.memory_space<vmem>>
        %dma_wait3A_406 = tpu.memref_squeeze %dma_wait3A_405 : memref<1x128xi32, #tpu.memory_space<vmem>> -> memref<128xi32, #tpu.memory_space<vmem>>
        %dma_wait3A_407 = arith.constant 0 : i32
        %dma_wait3A_408 = tpu.memref_slice %arg17[%dma_wait3A_407] : memref<100352xf32, #tpu.memory_space<vmem_shared>> -> memref<100352xf32, #tpu.memory_space<vmem_shared>>
        tpu.wait_indirect_dma semaphore(%run_scoped3A_398 : memref<!tpu.dma_semaphore, #tpu.memory_space<semaphore_mem>>) src(%arg14 : memref<128xf32, #tpu.memory_space<vmem>>) dst(%dma_wait3A_408 : memref<100352xf32, #tpu.memory_space<vmem_shared>>)
        tpu.yield
      }) : () -> ()
      %run_scoped3A_392 = arith.constant 5 : i32
      "tpu.region"() ({
        %run_scoped3A_398 = tpu.sem_alloc : memref<!tpu.dma_semaphore, #tpu.memory_space<semaphore_mem>>
        %dma_start3A_399 = arith.constant 640 : i32
        %dma_start3A_400 = tpu.memref_slice %arg13[%dma_start3A_399] : memref<1024xf32, #tpu.memory_space<vmem>> -> memref<128xf32, #tpu.memory_space<vmem>>
        %dma_start3A_401 = arith.constant 0 : i32
        %dma_start3A_402 = tpu.memref_slice %arg10[%run_scoped3A_392, %dma_start3A_401] : memref<8x128xi32, #tpu.memory_space<vmem>> -> memref<1x128xi32, #tpu.memory_space<vmem>>
        %dma_start3A_403 = tpu.memref_squeeze %dma_start3A_402 : memref<1x128xi32, #tpu.memory_space<vmem>> -> memref<128xi32, #tpu.memory_space<vmem>>
        %dma_start3A_404 = arith.constant 0 : i32
        %dma_start3A_405 = tpu.memref_slice %arg16[%dma_start3A_404] : memref<100352xf32, #tpu.memory_space<vmem_shared>> -> memref<100352xf32, #tpu.memory_space<vmem_shared>>
        tpu.enqueue_indirect_dma source(%dma_start3A_400 : memref<128xf32, #tpu.memory_space<vmem>>) target(%dma_start3A_405 : memref<100352xf32, #tpu.memory_space<vmem_shared>>) offsets(%dma_start3A_403 : memref<128xi32, #tpu.memory_space<vmem>>) semaphore(%run_scoped3A_398 : memref<!tpu.dma_semaphore, #tpu.memory_space<semaphore_mem>>) {add = true}
        %dma_wait3A_406 = arith.constant 640 : i32
        %dma_wait3A_407 = tpu.memref_slice %arg13[%dma_wait3A_406] : memref<1024xf32, #tpu.memory_space<vmem>> -> memref<128xf32, #tpu.memory_space<vmem>>
        %dma_wait3A_408 = arith.constant 0 : i32
        %dma_wait3A_409 = tpu.memref_slice %arg10[%run_scoped3A_392, %dma_wait3A_408] : memref<8x128xi32, #tpu.memory_space<vmem>> -> memref<1x128xi32, #tpu.memory_space<vmem>>
        %dma_wait3A_410 = tpu.memref_squeeze %dma_wait3A_409 : memref<1x128xi32, #tpu.memory_space<vmem>> -> memref<128xi32, #tpu.memory_space<vmem>>
        %dma_wait3A_411 = arith.constant 0 : i32
        %dma_wait3A_412 = tpu.memref_slice %arg16[%dma_wait3A_411] : memref<100352xf32, #tpu.memory_space<vmem_shared>> -> memref<100352xf32, #tpu.memory_space<vmem_shared>>
        tpu.wait_indirect_dma semaphore(%run_scoped3A_398 : memref<!tpu.dma_semaphore, #tpu.memory_space<semaphore_mem>>) src(%dma_wait3A_407 : memref<128xf32, #tpu.memory_space<vmem>>) dst(%dma_wait3A_412 : memref<100352xf32, #tpu.memory_space<vmem_shared>>)
        tpu.yield
      }) : () -> ()
      %run_scoped3A_393 = arith.constant 5 : i32
      "tpu.region"() ({
        %run_scoped3A_398 = tpu.sem_alloc : memref<!tpu.dma_semaphore, #tpu.memory_space<semaphore_mem>>
        %dma_start3A_399 = arith.constant 0 : i32
        %dma_start3A_400 = tpu.memref_slice %arg10[%run_scoped3A_393, %dma_start3A_399] : memref<8x128xi32, #tpu.memory_space<vmem>> -> memref<1x128xi32, #tpu.memory_space<vmem>>
        %dma_start3A_401 = tpu.memref_squeeze %dma_start3A_400 : memref<1x128xi32, #tpu.memory_space<vmem>> -> memref<128xi32, #tpu.memory_space<vmem>>
        %dma_start3A_402 = arith.constant 0 : i32
        %dma_start3A_403 = tpu.memref_slice %arg17[%dma_start3A_402] : memref<100352xf32, #tpu.memory_space<vmem_shared>> -> memref<100352xf32, #tpu.memory_space<vmem_shared>>
        tpu.enqueue_indirect_dma source(%arg14 : memref<128xf32, #tpu.memory_space<vmem>>) target(%dma_start3A_403 : memref<100352xf32, #tpu.memory_space<vmem_shared>>) offsets(%dma_start3A_401 : memref<128xi32, #tpu.memory_space<vmem>>) semaphore(%run_scoped3A_398 : memref<!tpu.dma_semaphore, #tpu.memory_space<semaphore_mem>>) {add = true}
        %dma_wait3A_404 = arith.constant 0 : i32
        %dma_wait3A_405 = tpu.memref_slice %arg10[%run_scoped3A_393, %dma_wait3A_404] : memref<8x128xi32, #tpu.memory_space<vmem>> -> memref<1x128xi32, #tpu.memory_space<vmem>>
        %dma_wait3A_406 = tpu.memref_squeeze %dma_wait3A_405 : memref<1x128xi32, #tpu.memory_space<vmem>> -> memref<128xi32, #tpu.memory_space<vmem>>
        %dma_wait3A_407 = arith.constant 0 : i32
        %dma_wait3A_408 = tpu.memref_slice %arg17[%dma_wait3A_407] : memref<100352xf32, #tpu.memory_space<vmem_shared>> -> memref<100352xf32, #tpu.memory_space<vmem_shared>>
        tpu.wait_indirect_dma semaphore(%run_scoped3A_398 : memref<!tpu.dma_semaphore, #tpu.memory_space<semaphore_mem>>) src(%arg14 : memref<128xf32, #tpu.memory_space<vmem>>) dst(%dma_wait3A_408 : memref<100352xf32, #tpu.memory_space<vmem_shared>>)
        tpu.yield
      }) : () -> ()
      %run_scoped3A_394 = arith.constant 6 : i32
      "tpu.region"() ({
        %run_scoped3A_398 = tpu.sem_alloc : memref<!tpu.dma_semaphore, #tpu.memory_space<semaphore_mem>>
        %dma_start3A_399 = arith.constant 768 : i32
        %dma_start3A_400 = tpu.memref_slice %arg13[%dma_start3A_399] : memref<1024xf32, #tpu.memory_space<vmem>> -> memref<128xf32, #tpu.memory_space<vmem>>
        %dma_start3A_401 = arith.constant 0 : i32
        %dma_start3A_402 = tpu.memref_slice %arg10[%run_scoped3A_394, %dma_start3A_401] : memref<8x128xi32, #tpu.memory_space<vmem>> -> memref<1x128xi32, #tpu.memory_space<vmem>>
        %dma_start3A_403 = tpu.memref_squeeze %dma_start3A_402 : memref<1x128xi32, #tpu.memory_space<vmem>> -> memref<128xi32, #tpu.memory_space<vmem>>
        %dma_start3A_404 = arith.constant 0 : i32
        %dma_start3A_405 = tpu.memref_slice %arg16[%dma_start3A_404] : memref<100352xf32, #tpu.memory_space<vmem_shared>> -> memref<100352xf32, #tpu.memory_space<vmem_shared>>
        tpu.enqueue_indirect_dma source(%dma_start3A_400 : memref<128xf32, #tpu.memory_space<vmem>>) target(%dma_start3A_405 : memref<100352xf32, #tpu.memory_space<vmem_shared>>) offsets(%dma_start3A_403 : memref<128xi32, #tpu.memory_space<vmem>>) semaphore(%run_scoped3A_398 : memref<!tpu.dma_semaphore, #tpu.memory_space<semaphore_mem>>) {add = true}
        %dma_wait3A_406 = arith.constant 768 : i32
        %dma_wait3A_407 = tpu.memref_slice %arg13[%dma_wait3A_406] : memref<1024xf32, #tpu.memory_space<vmem>> -> memref<128xf32, #tpu.memory_space<vmem>>
        %dma_wait3A_408 = arith.constant 0 : i32
        %dma_wait3A_409 = tpu.memref_slice %arg10[%run_scoped3A_394, %dma_wait3A_408] : memref<8x128xi32, #tpu.memory_space<vmem>> -> memref<1x128xi32, #tpu.memory_space<vmem>>
        %dma_wait3A_410 = tpu.memref_squeeze %dma_wait3A_409 : memref<1x128xi32, #tpu.memory_space<vmem>> -> memref<128xi32, #tpu.memory_space<vmem>>
        %dma_wait3A_411 = arith.constant 0 : i32
        %dma_wait3A_412 = tpu.memref_slice %arg16[%dma_wait3A_411] : memref<100352xf32, #tpu.memory_space<vmem_shared>> -> memref<100352xf32, #tpu.memory_space<vmem_shared>>
        tpu.wait_indirect_dma semaphore(%run_scoped3A_398 : memref<!tpu.dma_semaphore, #tpu.memory_space<semaphore_mem>>) src(%dma_wait3A_407 : memref<128xf32, #tpu.memory_space<vmem>>) dst(%dma_wait3A_412 : memref<100352xf32, #tpu.memory_space<vmem_shared>>)
        tpu.yield
      }) : () -> ()
      %run_scoped3A_395 = arith.constant 6 : i32
      "tpu.region"() ({
        %run_scoped3A_398 = tpu.sem_alloc : memref<!tpu.dma_semaphore, #tpu.memory_space<semaphore_mem>>
        %dma_start3A_399 = arith.constant 0 : i32
        %dma_start3A_400 = tpu.memref_slice %arg10[%run_scoped3A_395, %dma_start3A_399] : memref<8x128xi32, #tpu.memory_space<vmem>> -> memref<1x128xi32, #tpu.memory_space<vmem>>
        %dma_start3A_401 = tpu.memref_squeeze %dma_start3A_400 : memref<1x128xi32, #tpu.memory_space<vmem>> -> memref<128xi32, #tpu.memory_space<vmem>>
        %dma_start3A_402 = arith.constant 0 : i32
        %dma_start3A_403 = tpu.memref_slice %arg17[%dma_start3A_402] : memref<100352xf32, #tpu.memory_space<vmem_shared>> -> memref<100352xf32, #tpu.memory_space<vmem_shared>>
        tpu.enqueue_indirect_dma source(%arg14 : memref<128xf32, #tpu.memory_space<vmem>>) target(%dma_start3A_403 : memref<100352xf32, #tpu.memory_space<vmem_shared>>) offsets(%dma_start3A_401 : memref<128xi32, #tpu.memory_space<vmem>>) semaphore(%run_scoped3A_398 : memref<!tpu.dma_semaphore, #tpu.memory_space<semaphore_mem>>) {add = true}
        %dma_wait3A_404 = arith.constant 0 : i32
        %dma_wait3A_405 = tpu.memref_slice %arg10[%run_scoped3A_395, %dma_wait3A_404] : memref<8x128xi32, #tpu.memory_space<vmem>> -> memref<1x128xi32, #tpu.memory_space<vmem>>
        %dma_wait3A_406 = tpu.memref_squeeze %dma_wait3A_405 : memref<1x128xi32, #tpu.memory_space<vmem>> -> memref<128xi32, #tpu.memory_space<vmem>>
        %dma_wait3A_407 = arith.constant 0 : i32
        %dma_wait3A_408 = tpu.memref_slice %arg17[%dma_wait3A_407] : memref<100352xf32, #tpu.memory_space<vmem_shared>> -> memref<100352xf32, #tpu.memory_space<vmem_shared>>
        tpu.wait_indirect_dma semaphore(%run_scoped3A_398 : memref<!tpu.dma_semaphore, #tpu.memory_space<semaphore_mem>>) src(%arg14 : memref<128xf32, #tpu.memory_space<vmem>>) dst(%dma_wait3A_408 : memref<100352xf32, #tpu.memory_space<vmem_shared>>)
        tpu.yield
      }) : () -> ()
      %run_scoped3A_396 = arith.constant 7 : i32
      "tpu.region"() ({
        %run_scoped3A_398 = tpu.sem_alloc : memref<!tpu.dma_semaphore, #tpu.memory_space<semaphore_mem>>
        %dma_start3A_399 = arith.constant 896 : i32
        %dma_start3A_400 = tpu.memref_slice %arg13[%dma_start3A_399] : memref<1024xf32, #tpu.memory_space<vmem>> -> memref<128xf32, #tpu.memory_space<vmem>>
        %dma_start3A_401 = arith.constant 0 : i32
        %dma_start3A_402 = tpu.memref_slice %arg10[%run_scoped3A_396, %dma_start3A_401] : memref<8x128xi32, #tpu.memory_space<vmem>> -> memref<1x128xi32, #tpu.memory_space<vmem>>
        %dma_start3A_403 = tpu.memref_squeeze %dma_start3A_402 : memref<1x128xi32, #tpu.memory_space<vmem>> -> memref<128xi32, #tpu.memory_space<vmem>>
        %dma_start3A_404 = arith.constant 0 : i32
        %dma_start3A_405 = tpu.memref_slice %arg16[%dma_start3A_404] : memref<100352xf32, #tpu.memory_space<vmem_shared>> -> memref<100352xf32, #tpu.memory_space<vmem_shared>>
        tpu.enqueue_indirect_dma source(%dma_start3A_400 : memref<128xf32, #tpu.memory_space<vmem>>) target(%dma_start3A_405 : memref<100352xf32, #tpu.memory_space<vmem_shared>>) offsets(%dma_start3A_403 : memref<128xi32, #tpu.memory_space<vmem>>) semaphore(%run_scoped3A_398 : memref<!tpu.dma_semaphore, #tpu.memory_space<semaphore_mem>>) {add = true}
        %dma_wait3A_406 = arith.constant 896 : i32
        %dma_wait3A_407 = tpu.memref_slice %arg13[%dma_wait3A_406] : memref<1024xf32, #tpu.memory_space<vmem>> -> memref<128xf32, #tpu.memory_space<vmem>>
        %dma_wait3A_408 = arith.constant 0 : i32
        %dma_wait3A_409 = tpu.memref_slice %arg10[%run_scoped3A_396, %dma_wait3A_408] : memref<8x128xi32, #tpu.memory_space<vmem>> -> memref<1x128xi32, #tpu.memory_space<vmem>>
        %dma_wait3A_410 = tpu.memref_squeeze %dma_wait3A_409 : memref<1x128xi32, #tpu.memory_space<vmem>> -> memref<128xi32, #tpu.memory_space<vmem>>
        %dma_wait3A_411 = arith.constant 0 : i32
        %dma_wait3A_412 = tpu.memref_slice %arg16[%dma_wait3A_411] : memref<100352xf32, #tpu.memory_space<vmem_shared>> -> memref<100352xf32, #tpu.memory_space<vmem_shared>>
        tpu.wait_indirect_dma semaphore(%run_scoped3A_398 : memref<!tpu.dma_semaphore, #tpu.memory_space<semaphore_mem>>) src(%dma_wait3A_407 : memref<128xf32, #tpu.memory_space<vmem>>) dst(%dma_wait3A_412 : memref<100352xf32, #tpu.memory_space<vmem_shared>>)
        tpu.yield
      }) : () -> ()
      %run_scoped3A_397 = arith.constant 7 : i32
      "tpu.region"() ({
        %run_scoped3A_398 = tpu.sem_alloc : memref<!tpu.dma_semaphore, #tpu.memory_space<semaphore_mem>>
        %dma_start3A_399 = arith.constant 0 : i32
        %dma_start3A_400 = tpu.memref_slice %arg10[%run_scoped3A_397, %dma_start3A_399] : memref<8x128xi32, #tpu.memory_space<vmem>> -> memref<1x128xi32, #tpu.memory_space<vmem>>
        %dma_start3A_401 = tpu.memref_squeeze %dma_start3A_400 : memref<1x128xi32, #tpu.memory_space<vmem>> -> memref<128xi32, #tpu.memory_space<vmem>>
        %dma_start3A_402 = arith.constant 0 : i32
        %dma_start3A_403 = tpu.memref_slice %arg17[%dma_start3A_402] : memref<100352xf32, #tpu.memory_space<vmem_shared>> -> memref<100352xf32, #tpu.memory_space<vmem_shared>>
        tpu.enqueue_indirect_dma source(%arg14 : memref<128xf32, #tpu.memory_space<vmem>>) target(%dma_start3A_403 : memref<100352xf32, #tpu.memory_space<vmem_shared>>) offsets(%dma_start3A_401 : memref<128xi32, #tpu.memory_space<vmem>>) semaphore(%run_scoped3A_398 : memref<!tpu.dma_semaphore, #tpu.memory_space<semaphore_mem>>) {add = true}
        %dma_wait3A_404 = arith.constant 0 : i32
        %dma_wait3A_405 = tpu.memref_slice %arg10[%run_scoped3A_397, %dma_wait3A_404] : memref<8x128xi32, #tpu.memory_space<vmem>> -> memref<1x128xi32, #tpu.memory_space<vmem>>
        %dma_wait3A_406 = tpu.memref_squeeze %dma_wait3A_405 : memref<1x128xi32, #tpu.memory_space<vmem>> -> memref<128xi32, #tpu.memory_space<vmem>>
        %dma_wait3A_407 = arith.constant 0 : i32
        %dma_wait3A_408 = tpu.memref_slice %arg17[%dma_wait3A_407] : memref<100352xf32, #tpu.memory_space<vmem_shared>> -> memref<100352xf32, #tpu.memory_space<vmem_shared>>
        tpu.wait_indirect_dma semaphore(%run_scoped3A_398 : memref<!tpu.dma_semaphore, #tpu.memory_space<semaphore_mem>>) src(%arg14 : memref<128xf32, #tpu.memory_space<vmem>>) dst(%dma_wait3A_408 : memref<100352xf32, #tpu.memory_space<vmem_shared>>)
        tpu.yield
      }) : () -> ()
    }
    %while3A_47 = arith.constant 1 : i32
    scf.for %while3A_57 = %while3A_45 to %while3A_41 step %while3A_47  : i32 {
      %add3A_58 = arith.addi %add3A_39, %while3A_57 : i32
      %mul3A_59 = arith.constant 8 : i32
      %mul3A_60 = arith.muli %add3A_58, %mul3A_59 : i32
      "tpu.region"() ({
        %run_scoped3A_398 = tpu.sem_alloc : memref<!tpu.dma_semaphore, #tpu.memory_space<semaphore_mem>>
        %dma_start3A_399 = arith.constant 0 : i32
        %dma_start3A_400 = tpu.memref_slice %arg3[%mul3A_60, %dma_start3A_399] : memref<50000x128xi32, #tpu.memory_space<hbm>> -> memref<8x128xi32, #tpu.memory_space<hbm>>
        %dma_start3A_401 = arith.constant 0 : i32
        %dma_start3A_402 = tpu.memref_slice %arg3[%mul3A_60, %dma_start3A_401] : memref<50000x128xi32, #tpu.memory_space<hbm>> -> memref<8x128xi32, #tpu.memory_space<hbm>>
        tpu.enqueue_dma source(%dma_start3A_402 : memref<8x128xi32, #tpu.memory_space<hbm>>) target(%arg9 : memref<8x128xi32, #tpu.memory_space<vmem>>) target_semaphore(%run_scoped3A_398 : memref<!tpu.dma_semaphore, #tpu.memory_space<semaphore_mem>>)
        %dma_wait3A_403 = arith.constant 0 : i32
        %dma_wait3A_404 = tpu.memref_slice %arg3[%mul3A_60, %dma_wait3A_403] : memref<50000x128xi32, #tpu.memory_space<hbm>> -> memref<8x128xi32, #tpu.memory_space<hbm>>
        %dma_wait3A_405 = arith.constant 0 : i32
        %dma_wait3A_406 = tpu.memref_slice %arg3[%mul3A_60, %dma_wait3A_405] : memref<50000x128xi32, #tpu.memory_space<hbm>> -> memref<8x128xi32, #tpu.memory_space<hbm>>
        tpu.wait_dma2 semaphore(%run_scoped3A_398 : memref<!tpu.dma_semaphore, #tpu.memory_space<semaphore_mem>>) src(%dma_wait3A_406 : memref<8x128xi32, #tpu.memory_space<hbm>>) dst(%arg9 : memref<8x128xi32, #tpu.memory_space<vmem>>)
        tpu.yield
      }) : () -> ()
      "tpu.region"() ({
        %run_scoped3A_398 = tpu.sem_alloc : memref<!tpu.dma_semaphore, #tpu.memory_space<semaphore_mem>>
        %dma_start3A_399 = arith.constant 0 : i32
        %dma_start3A_400 = tpu.memref_slice %arg4[%mul3A_60, %dma_start3A_399] : memref<50000x128xi32, #tpu.memory_space<hbm>> -> memref<8x128xi32, #tpu.memory_space<hbm>>
        %dma_start3A_401 = arith.constant 0 : i32
        %dma_start3A_402 = tpu.memref_slice %arg4[%mul3A_60, %dma_start3A_401] : memref<50000x128xi32, #tpu.memory_space<hbm>> -> memref<8x128xi32, #tpu.memory_space<hbm>>
        tpu.enqueue_dma source(%dma_start3A_402 : memref<8x128xi32, #tpu.memory_space<hbm>>) target(%arg10 : memref<8x128xi32, #tpu.memory_space<vmem>>) target_semaphore(%run_scoped3A_398 : memref<!tpu.dma_semaphore, #tpu.memory_space<semaphore_mem>>)
        %dma_wait3A_403 = arith.constant 0 : i32
        %dma_wait3A_404 = tpu.memref_slice %arg4[%mul3A_60, %dma_wait3A_403] : memref<50000x128xi32, #tpu.memory_space<hbm>> -> memref<8x128xi32, #tpu.memory_space<hbm>>
        %dma_wait3A_405 = arith.constant 0 : i32
        %dma_wait3A_406 = tpu.memref_slice %arg4[%mul3A_60, %dma_wait3A_405] : memref<50000x128xi32, #tpu.memory_space<hbm>> -> memref<8x128xi32, #tpu.memory_space<hbm>>
        tpu.wait_dma2 semaphore(%run_scoped3A_398 : memref<!tpu.dma_semaphore, #tpu.memory_space<semaphore_mem>>) src(%dma_wait3A_406 : memref<8x128xi32, #tpu.memory_space<hbm>>) dst(%arg10 : memref<8x128xi32, #tpu.memory_space<vmem>>)
        tpu.yield
      }) : () -> ()
      %dma_start3A = arith.constant 0 : i32
      %dma_start3A_61 = arith.constant 0 : i32
      %dma_start3A_62 = arith.constant 0 : i32
      %dma_start3A_63 = tpu.memref_slice %arg11[%dma_start3A_61, %dma_start3A_62] : memref<1024x16xf32, #tpu.memory_space<vmem>> -> memref<128x16xf32, #tpu.memory_space<vmem>>
      %dma_start3A_64 = arith.constant 0 : i32
      %dma_start3A_65 = tpu.memref_slice %arg9[%dma_start3A, %dma_start3A_64] : memref<8x128xi32, #tpu.memory_space<vmem>> -> memref<1x128xi32, #tpu.memory_space<vmem>>
      %dma_start3A_66 = tpu.memref_squeeze %dma_start3A_65 : memref<1x128xi32, #tpu.memory_space<vmem>> -> memref<128xi32, #tpu.memory_space<vmem>>
      %dma_start3A_67 = arith.constant 0 : i32
      %dma_start3A_68 = arith.constant 0 : i32
      %dma_start3A_69 = tpu.memref_slice %arg2[%dma_start3A_67, %dma_start3A_68] : memref<100352x16xf32, #tpu.memory_space<hbm>> -> memref<100352x16xf32, #tpu.memory_space<hbm>>
      tpu.enqueue_indirect_dma source(%dma_start3A_69 : memref<100352x16xf32, #tpu.memory_space<hbm>>) target(%dma_start3A_63 : memref<128x16xf32, #tpu.memory_space<vmem>>) offsets(%dma_start3A_66 : memref<128xi32, #tpu.memory_space<vmem>>) semaphore(%arg18 : memref<!tpu.dma_semaphore, #tpu.memory_space<semaphore_mem>>)
      %dma_start3A_70 = arith.constant 0 : i32
      %dma_start3A_71 = arith.constant 0 : i32
      %dma_start3A_72 = arith.constant 0 : i32
      %dma_start3A_73 = tpu.memref_slice %arg12[%dma_start3A_71, %dma_start3A_72] : memref<1024x16xf32, #tpu.memory_space<vmem>> -> memref<128x16xf32, #tpu.memory_space<vmem>>
      %dma_start3A_74 = arith.constant 0 : i32
      %dma_start3A_75 = tpu.memref_slice %arg10[%dma_start3A_70, %dma_start3A_74] : memref<8x128xi32, #tpu.memory_space<vmem>> -> memref<1x128xi32, #tpu.memory_space<vmem>>
      %dma_start3A_76 = tpu.memref_squeeze %dma_start3A_75 : memref<1x128xi32, #tpu.memory_space<vmem>> -> memref<128xi32, #tpu.memory_space<vmem>>
      %dma_start3A_77 = arith.constant 0 : i32
      %dma_start3A_78 = arith.constant 0 : i32
      %dma_start3A_79 = tpu.memref_slice %arg2[%dma_start3A_77, %dma_start3A_78] : memref<100352x16xf32, #tpu.memory_space<hbm>> -> memref<100352x16xf32, #tpu.memory_space<hbm>>
      tpu.enqueue_indirect_dma source(%dma_start3A_79 : memref<100352x16xf32, #tpu.memory_space<hbm>>) target(%dma_start3A_73 : memref<128x16xf32, #tpu.memory_space<vmem>>) offsets(%dma_start3A_76 : memref<128xi32, #tpu.memory_space<vmem>>) semaphore(%arg18 : memref<!tpu.dma_semaphore, #tpu.memory_space<semaphore_mem>>)
      %dma_start3A_80 = arith.constant 1 : i32
      %dma_start3A_81 = arith.constant 128 : i32
      %dma_start3A_82 = arith.constant 0 : i32
      %dma_start3A_83 = tpu.memref_slice %arg11[%dma_start3A_81, %dma_start3A_82] : memref<1024x16xf32, #tpu.memory_space<vmem>> -> memref<128x16xf32, #tpu.memory_space<vmem>>
      %dma_start3A_84 = arith.constant 0 : i32
      %dma_start3A_85 = tpu.memref_slice %arg9[%dma_start3A_80, %dma_start3A_84] : memref<8x128xi32, #tpu.memory_space<vmem>> -> memref<1x128xi32, #tpu.memory_space<vmem>>
      %dma_start3A_86 = tpu.memref_squeeze %dma_start3A_85 : memref<1x128xi32, #tpu.memory_space<vmem>> -> memref<128xi32, #tpu.memory_space<vmem>>
      %dma_start3A_87 = arith.constant 0 : i32
      %dma_start3A_88 = arith.constant 0 : i32
      %dma_start3A_89 = tpu.memref_slice %arg2[%dma_start3A_87, %dma_start3A_88] : memref<100352x16xf32, #tpu.memory_space<hbm>> -> memref<100352x16xf32, #tpu.memory_space<hbm>>
      tpu.enqueue_indirect_dma source(%dma_start3A_89 : memref<100352x16xf32, #tpu.memory_space<hbm>>) target(%dma_start3A_83 : memref<128x16xf32, #tpu.memory_space<vmem>>) offsets(%dma_start3A_86 : memref<128xi32, #tpu.memory_space<vmem>>) semaphore(%arg18 : memref<!tpu.dma_semaphore, #tpu.memory_space<semaphore_mem>>)
      %dma_start3A_90 = arith.constant 1 : i32
      %dma_start3A_91 = arith.constant 128 : i32
      %dma_start3A_92 = arith.constant 0 : i32
      %dma_start3A_93 = tpu.memref_slice %arg12[%dma_start3A_91, %dma_start3A_92] : memref<1024x16xf32, #tpu.memory_space<vmem>> -> memref<128x16xf32, #tpu.memory_space<vmem>>
      %dma_start3A_94 = arith.constant 0 : i32
      %dma_start3A_95 = tpu.memref_slice %arg10[%dma_start3A_90, %dma_start3A_94] : memref<8x128xi32, #tpu.memory_space<vmem>> -> memref<1x128xi32, #tpu.memory_space<vmem>>
      %dma_start3A_96 = tpu.memref_squeeze %dma_start3A_95 : memref<1x128xi32, #tpu.memory_space<vmem>> -> memref<128xi32, #tpu.memory_space<vmem>>
      %dma_start3A_97 = arith.constant 0 : i32
      %dma_start3A_98 = arith.constant 0 : i32
      %dma_start3A_99 = tpu.memref_slice %arg2[%dma_start3A_97, %dma_start3A_98] : memref<100352x16xf32, #tpu.memory_space<hbm>> -> memref<100352x16xf32, #tpu.memory_space<hbm>>
      tpu.enqueue_indirect_dma source(%dma_start3A_99 : memref<100352x16xf32, #tpu.memory_space<hbm>>) target(%dma_start3A_93 : memref<128x16xf32, #tpu.memory_space<vmem>>) offsets(%dma_start3A_96 : memref<128xi32, #tpu.memory_space<vmem>>) semaphore(%arg18 : memref<!tpu.dma_semaphore, #tpu.memory_space<semaphore_mem>>)
      %dma_start3A_100 = arith.constant 2 : i32
      %dma_start3A_101 = arith.constant 256 : i32
      %dma_start3A_102 = arith.constant 0 : i32
      %dma_start3A_103 = tpu.memref_slice %arg11[%dma_start3A_101, %dma_start3A_102] : memref<1024x16xf32, #tpu.memory_space<vmem>> -> memref<128x16xf32, #tpu.memory_space<vmem>>
      %dma_start3A_104 = arith.constant 0 : i32
      %dma_start3A_105 = tpu.memref_slice %arg9[%dma_start3A_100, %dma_start3A_104] : memref<8x128xi32, #tpu.memory_space<vmem>> -> memref<1x128xi32, #tpu.memory_space<vmem>>
      %dma_start3A_106 = tpu.memref_squeeze %dma_start3A_105 : memref<1x128xi32, #tpu.memory_space<vmem>> -> memref<128xi32, #tpu.memory_space<vmem>>
      %dma_start3A_107 = arith.constant 0 : i32
      %dma_start3A_108 = arith.constant 0 : i32
      %dma_start3A_109 = tpu.memref_slice %arg2[%dma_start3A_107, %dma_start3A_108] : memref<100352x16xf32, #tpu.memory_space<hbm>> -> memref<100352x16xf32, #tpu.memory_space<hbm>>
      tpu.enqueue_indirect_dma source(%dma_start3A_109 : memref<100352x16xf32, #tpu.memory_space<hbm>>) target(%dma_start3A_103 : memref<128x16xf32, #tpu.memory_space<vmem>>) offsets(%dma_start3A_106 : memref<128xi32, #tpu.memory_space<vmem>>) semaphore(%arg18 : memref<!tpu.dma_semaphore, #tpu.memory_space<semaphore_mem>>)
      %dma_start3A_110 = arith.constant 2 : i32
      %dma_start3A_111 = arith.constant 256 : i32
      %dma_start3A_112 = arith.constant 0 : i32
      %dma_start3A_113 = tpu.memref_slice %arg12[%dma_start3A_111, %dma_start3A_112] : memref<1024x16xf32, #tpu.memory_space<vmem>> -> memref<128x16xf32, #tpu.memory_space<vmem>>
      %dma_start3A_114 = arith.constant 0 : i32
      %dma_start3A_115 = tpu.memref_slice %arg10[%dma_start3A_110, %dma_start3A_114] : memref<8x128xi32, #tpu.memory_space<vmem>> -> memref<1x128xi32, #tpu.memory_space<vmem>>
      %dma_start3A_116 = tpu.memref_squeeze %dma_start3A_115 : memref<1x128xi32, #tpu.memory_space<vmem>> -> memref<128xi32, #tpu.memory_space<vmem>>
      %dma_start3A_117 = arith.constant 0 : i32
      %dma_start3A_118 = arith.constant 0 : i32
      %dma_start3A_119 = tpu.memref_slice %arg2[%dma_start3A_117, %dma_start3A_118] : memref<100352x16xf32, #tpu.memory_space<hbm>> -> memref<100352x16xf32, #tpu.memory_space<hbm>>
      tpu.enqueue_indirect_dma source(%dma_start3A_119 : memref<100352x16xf32, #tpu.memory_space<hbm>>) target(%dma_start3A_113 : memref<128x16xf32, #tpu.memory_space<vmem>>) offsets(%dma_start3A_116 : memref<128xi32, #tpu.memory_space<vmem>>) semaphore(%arg18 : memref<!tpu.dma_semaphore, #tpu.memory_space<semaphore_mem>>)
      %dma_start3A_120 = arith.constant 3 : i32
      %dma_start3A_121 = arith.constant 384 : i32
      %dma_start3A_122 = arith.constant 0 : i32
      %dma_start3A_123 = tpu.memref_slice %arg11[%dma_start3A_121, %dma_start3A_122] : memref<1024x16xf32, #tpu.memory_space<vmem>> -> memref<128x16xf32, #tpu.memory_space<vmem>>
      %dma_start3A_124 = arith.constant 0 : i32
      %dma_start3A_125 = tpu.memref_slice %arg9[%dma_start3A_120, %dma_start3A_124] : memref<8x128xi32, #tpu.memory_space<vmem>> -> memref<1x128xi32, #tpu.memory_space<vmem>>
      %dma_start3A_126 = tpu.memref_squeeze %dma_start3A_125 : memref<1x128xi32, #tpu.memory_space<vmem>> -> memref<128xi32, #tpu.memory_space<vmem>>
      %dma_start3A_127 = arith.constant 0 : i32
      %dma_start3A_128 = arith.constant 0 : i32
      %dma_start3A_129 = tpu.memref_slice %arg2[%dma_start3A_127, %dma_start3A_128] : memref<100352x16xf32, #tpu.memory_space<hbm>> -> memref<100352x16xf32, #tpu.memory_space<hbm>>
      tpu.enqueue_indirect_dma source(%dma_start3A_129 : memref<100352x16xf32, #tpu.memory_space<hbm>>) target(%dma_start3A_123 : memref<128x16xf32, #tpu.memory_space<vmem>>) offsets(%dma_start3A_126 : memref<128xi32, #tpu.memory_space<vmem>>) semaphore(%arg18 : memref<!tpu.dma_semaphore, #tpu.memory_space<semaphore_mem>>)
      %dma_start3A_130 = arith.constant 3 : i32
      %dma_start3A_131 = arith.constant 384 : i32
      %dma_start3A_132 = arith.constant 0 : i32
      %dma_start3A_133 = tpu.memref_slice %arg12[%dma_start3A_131, %dma_start3A_132] : memref<1024x16xf32, #tpu.memory_space<vmem>> -> memref<128x16xf32, #tpu.memory_space<vmem>>
      %dma_start3A_134 = arith.constant 0 : i32
      %dma_start3A_135 = tpu.memref_slice %arg10[%dma_start3A_130, %dma_start3A_134] : memref<8x128xi32, #tpu.memory_space<vmem>> -> memref<1x128xi32, #tpu.memory_space<vmem>>
      %dma_start3A_136 = tpu.memref_squeeze %dma_start3A_135 : memref<1x128xi32, #tpu.memory_space<vmem>> -> memref<128xi32, #tpu.memory_space<vmem>>
      %dma_start3A_137 = arith.constant 0 : i32
      %dma_start3A_138 = arith.constant 0 : i32
      %dma_start3A_139 = tpu.memref_slice %arg2[%dma_start3A_137, %dma_start3A_138] : memref<100352x16xf32, #tpu.memory_space<hbm>> -> memref<100352x16xf32, #tpu.memory_space<hbm>>
      tpu.enqueue_indirect_dma source(%dma_start3A_139 : memref<100352x16xf32, #tpu.memory_space<hbm>>) target(%dma_start3A_133 : memref<128x16xf32, #tpu.memory_space<vmem>>) offsets(%dma_start3A_136 : memref<128xi32, #tpu.memory_space<vmem>>) semaphore(%arg18 : memref<!tpu.dma_semaphore, #tpu.memory_space<semaphore_mem>>)
      %dma_start3A_140 = arith.constant 4 : i32
      %dma_start3A_141 = arith.constant 512 : i32
      %dma_start3A_142 = arith.constant 0 : i32
      %dma_start3A_143 = tpu.memref_slice %arg11[%dma_start3A_141, %dma_start3A_142] : memref<1024x16xf32, #tpu.memory_space<vmem>> -> memref<128x16xf32, #tpu.memory_space<vmem>>
      %dma_start3A_144 = arith.constant 0 : i32
      %dma_start3A_145 = tpu.memref_slice %arg9[%dma_start3A_140, %dma_start3A_144] : memref<8x128xi32, #tpu.memory_space<vmem>> -> memref<1x128xi32, #tpu.memory_space<vmem>>
      %dma_start3A_146 = tpu.memref_squeeze %dma_start3A_145 : memref<1x128xi32, #tpu.memory_space<vmem>> -> memref<128xi32, #tpu.memory_space<vmem>>
      %dma_start3A_147 = arith.constant 0 : i32
      %dma_start3A_148 = arith.constant 0 : i32
      %dma_start3A_149 = tpu.memref_slice %arg2[%dma_start3A_147, %dma_start3A_148] : memref<100352x16xf32, #tpu.memory_space<hbm>> -> memref<100352x16xf32, #tpu.memory_space<hbm>>
      tpu.enqueue_indirect_dma source(%dma_start3A_149 : memref<100352x16xf32, #tpu.memory_space<hbm>>) target(%dma_start3A_143 : memref<128x16xf32, #tpu.memory_space<vmem>>) offsets(%dma_start3A_146 : memref<128xi32, #tpu.memory_space<vmem>>) semaphore(%arg18 : memref<!tpu.dma_semaphore, #tpu.memory_space<semaphore_mem>>)
      %dma_start3A_150 = arith.constant 4 : i32
      %dma_start3A_151 = arith.constant 512 : i32
      %dma_start3A_152 = arith.constant 0 : i32
      %dma_start3A_153 = tpu.memref_slice %arg12[%dma_start3A_151, %dma_start3A_152] : memref<1024x16xf32, #tpu.memory_space<vmem>> -> memref<128x16xf32, #tpu.memory_space<vmem>>
      %dma_start3A_154 = arith.constant 0 : i32
      %dma_start3A_155 = tpu.memref_slice %arg10[%dma_start3A_150, %dma_start3A_154] : memref<8x128xi32, #tpu.memory_space<vmem>> -> memref<1x128xi32, #tpu.memory_space<vmem>>
      %dma_start3A_156 = tpu.memref_squeeze %dma_start3A_155 : memref<1x128xi32, #tpu.memory_space<vmem>> -> memref<128xi32, #tpu.memory_space<vmem>>
      %dma_start3A_157 = arith.constant 0 : i32
      %dma_start3A_158 = arith.constant 0 : i32
      %dma_start3A_159 = tpu.memref_slice %arg2[%dma_start3A_157, %dma_start3A_158] : memref<100352x16xf32, #tpu.memory_space<hbm>> -> memref<100352x16xf32, #tpu.memory_space<hbm>>
      tpu.enqueue_indirect_dma source(%dma_start3A_159 : memref<100352x16xf32, #tpu.memory_space<hbm>>) target(%dma_start3A_153 : memref<128x16xf32, #tpu.memory_space<vmem>>) offsets(%dma_start3A_156 : memref<128xi32, #tpu.memory_space<vmem>>) semaphore(%arg18 : memref<!tpu.dma_semaphore, #tpu.memory_space<semaphore_mem>>)
      %dma_start3A_160 = arith.constant 5 : i32
      %dma_start3A_161 = arith.constant 640 : i32
      %dma_start3A_162 = arith.constant 0 : i32
      %dma_start3A_163 = tpu.memref_slice %arg11[%dma_start3A_161, %dma_start3A_162] : memref<1024x16xf32, #tpu.memory_space<vmem>> -> memref<128x16xf32, #tpu.memory_space<vmem>>
      %dma_start3A_164 = arith.constant 0 : i32
      %dma_start3A_165 = tpu.memref_slice %arg9[%dma_start3A_160, %dma_start3A_164] : memref<8x128xi32, #tpu.memory_space<vmem>> -> memref<1x128xi32, #tpu.memory_space<vmem>>
      %dma_start3A_166 = tpu.memref_squeeze %dma_start3A_165 : memref<1x128xi32, #tpu.memory_space<vmem>> -> memref<128xi32, #tpu.memory_space<vmem>>
      %dma_start3A_167 = arith.constant 0 : i32
      %dma_start3A_168 = arith.constant 0 : i32
      %dma_start3A_169 = tpu.memref_slice %arg2[%dma_start3A_167, %dma_start3A_168] : memref<100352x16xf32, #tpu.memory_space<hbm>> -> memref<100352x16xf32, #tpu.memory_space<hbm>>
      tpu.enqueue_indirect_dma source(%dma_start3A_169 : memref<100352x16xf32, #tpu.memory_space<hbm>>) target(%dma_start3A_163 : memref<128x16xf32, #tpu.memory_space<vmem>>) offsets(%dma_start3A_166 : memref<128xi32, #tpu.memory_space<vmem>>) semaphore(%arg18 : memref<!tpu.dma_semaphore, #tpu.memory_space<semaphore_mem>>)
      %dma_start3A_170 = arith.constant 5 : i32
      %dma_start3A_171 = arith.constant 640 : i32
      %dma_start3A_172 = arith.constant 0 : i32
      %dma_start3A_173 = tpu.memref_slice %arg12[%dma_start3A_171, %dma_start3A_172] : memref<1024x16xf32, #tpu.memory_space<vmem>> -> memref<128x16xf32, #tpu.memory_space<vmem>>
      %dma_start3A_174 = arith.constant 0 : i32
      %dma_start3A_175 = tpu.memref_slice %arg10[%dma_start3A_170, %dma_start3A_174] : memref<8x128xi32, #tpu.memory_space<vmem>> -> memref<1x128xi32, #tpu.memory_space<vmem>>
      %dma_start3A_176 = tpu.memref_squeeze %dma_start3A_175 : memref<1x128xi32, #tpu.memory_space<vmem>> -> memref<128xi32, #tpu.memory_space<vmem>>
      %dma_start3A_177 = arith.constant 0 : i32
      %dma_start3A_178 = arith.constant 0 : i32
      %dma_start3A_179 = tpu.memref_slice %arg2[%dma_start3A_177, %dma_start3A_178] : memref<100352x16xf32, #tpu.memory_space<hbm>> -> memref<100352x16xf32, #tpu.memory_space<hbm>>
      tpu.enqueue_indirect_dma source(%dma_start3A_179 : memref<100352x16xf32, #tpu.memory_space<hbm>>) target(%dma_start3A_173 : memref<128x16xf32, #tpu.memory_space<vmem>>) offsets(%dma_start3A_176 : memref<128xi32, #tpu.memory_space<vmem>>) semaphore(%arg18 : memref<!tpu.dma_semaphore, #tpu.memory_space<semaphore_mem>>)
      %dma_start3A_180 = arith.constant 6 : i32
      %dma_start3A_181 = arith.constant 768 : i32
      %dma_start3A_182 = arith.constant 0 : i32
      %dma_start3A_183 = tpu.memref_slice %arg11[%dma_start3A_181, %dma_start3A_182] : memref<1024x16xf32, #tpu.memory_space<vmem>> -> memref<128x16xf32, #tpu.memory_space<vmem>>
      %dma_start3A_184 = arith.constant 0 : i32
      %dma_start3A_185 = tpu.memref_slice %arg9[%dma_start3A_180, %dma_start3A_184] : memref<8x128xi32, #tpu.memory_space<vmem>> -> memref<1x128xi32, #tpu.memory_space<vmem>>
      %dma_start3A_186 = tpu.memref_squeeze %dma_start3A_185 : memref<1x128xi32, #tpu.memory_space<vmem>> -> memref<128xi32, #tpu.memory_space<vmem>>
      %dma_start3A_187 = arith.constant 0 : i32
      %dma_start3A_188 = arith.constant 0 : i32
      %dma_start3A_189 = tpu.memref_slice %arg2[%dma_start3A_187, %dma_start3A_188] : memref<100352x16xf32, #tpu.memory_space<hbm>> -> memref<100352x16xf32, #tpu.memory_space<hbm>>
      tpu.enqueue_indirect_dma source(%dma_start3A_189 : memref<100352x16xf32, #tpu.memory_space<hbm>>) target(%dma_start3A_183 : memref<128x16xf32, #tpu.memory_space<vmem>>) offsets(%dma_start3A_186 : memref<128xi32, #tpu.memory_space<vmem>>) semaphore(%arg18 : memref<!tpu.dma_semaphore, #tpu.memory_space<semaphore_mem>>)
      %dma_start3A_190 = arith.constant 6 : i32
      %dma_start3A_191 = arith.constant 768 : i32
      %dma_start3A_192 = arith.constant 0 : i32
      %dma_start3A_193 = tpu.memref_slice %arg12[%dma_start3A_191, %dma_start3A_192] : memref<1024x16xf32, #tpu.memory_space<vmem>> -> memref<128x16xf32, #tpu.memory_space<vmem>>
      %dma_start3A_194 = arith.constant 0 : i32
      %dma_start3A_195 = tpu.memref_slice %arg10[%dma_start3A_190, %dma_start3A_194] : memref<8x128xi32, #tpu.memory_space<vmem>> -> memref<1x128xi32, #tpu.memory_space<vmem>>
      %dma_start3A_196 = tpu.memref_squeeze %dma_start3A_195 : memref<1x128xi32, #tpu.memory_space<vmem>> -> memref<128xi32, #tpu.memory_space<vmem>>
      %dma_start3A_197 = arith.constant 0 : i32
      %dma_start3A_198 = arith.constant 0 : i32
      %dma_start3A_199 = tpu.memref_slice %arg2[%dma_start3A_197, %dma_start3A_198] : memref<100352x16xf32, #tpu.memory_space<hbm>> -> memref<100352x16xf32, #tpu.memory_space<hbm>>
      tpu.enqueue_indirect_dma source(%dma_start3A_199 : memref<100352x16xf32, #tpu.memory_space<hbm>>) target(%dma_start3A_193 : memref<128x16xf32, #tpu.memory_space<vmem>>) offsets(%dma_start3A_196 : memref<128xi32, #tpu.memory_space<vmem>>) semaphore(%arg18 : memref<!tpu.dma_semaphore, #tpu.memory_space<semaphore_mem>>)
      %dma_start3A_200 = arith.constant 7 : i32
      %dma_start3A_201 = arith.constant 896 : i32
      %dma_start3A_202 = arith.constant 0 : i32
      %dma_start3A_203 = tpu.memref_slice %arg11[%dma_start3A_201, %dma_start3A_202] : memref<1024x16xf32, #tpu.memory_space<vmem>> -> memref<128x16xf32, #tpu.memory_space<vmem>>
      %dma_start3A_204 = arith.constant 0 : i32
      %dma_start3A_205 = tpu.memref_slice %arg9[%dma_start3A_200, %dma_start3A_204] : memref<8x128xi32, #tpu.memory_space<vmem>> -> memref<1x128xi32, #tpu.memory_space<vmem>>
      %dma_start3A_206 = tpu.memref_squeeze %dma_start3A_205 : memref<1x128xi32, #tpu.memory_space<vmem>> -> memref<128xi32, #tpu.memory_space<vmem>>
      %dma_start3A_207 = arith.constant 0 : i32
      %dma_start3A_208 = arith.constant 0 : i32
      %dma_start3A_209 = tpu.memref_slice %arg2[%dma_start3A_207, %dma_start3A_208] : memref<100352x16xf32, #tpu.memory_space<hbm>> -> memref<100352x16xf32, #tpu.memory_space<hbm>>
      tpu.enqueue_indirect_dma source(%dma_start3A_209 : memref<100352x16xf32, #tpu.memory_space<hbm>>) target(%dma_start3A_203 : memref<128x16xf32, #tpu.memory_space<vmem>>) offsets(%dma_start3A_206 : memref<128xi32, #tpu.memory_space<vmem>>) semaphore(%arg18 : memref<!tpu.dma_semaphore, #tpu.memory_space<semaphore_mem>>)
      %dma_start3A_210 = arith.constant 7 : i32
      %dma_start3A_211 = arith.constant 896 : i32
      %dma_start3A_212 = arith.constant 0 : i32
      %dma_start3A_213 = tpu.memref_slice %arg12[%dma_start3A_211, %dma_start3A_212] : memref<1024x16xf32, #tpu.memory_space<vmem>> -> memref<128x16xf32, #tpu.memory_space<vmem>>
      %dma_start3A_214 = arith.constant 0 : i32
      %dma_start3A_215 = tpu.memref_slice %arg10[%dma_start3A_210, %dma_start3A_214] : memref<8x128xi32, #tpu.memory_space<vmem>> -> memref<1x128xi32, #tpu.memory_space<vmem>>
      %dma_start3A_216 = tpu.memref_squeeze %dma_start3A_215 : memref<1x128xi32, #tpu.memory_space<vmem>> -> memref<128xi32, #tpu.memory_space<vmem>>
      %dma_start3A_217 = arith.constant 0 : i32
      %dma_start3A_218 = arith.constant 0 : i32
      %dma_start3A_219 = tpu.memref_slice %arg2[%dma_start3A_217, %dma_start3A_218] : memref<100352x16xf32, #tpu.memory_space<hbm>> -> memref<100352x16xf32, #tpu.memory_space<hbm>>
      tpu.enqueue_indirect_dma source(%dma_start3A_219 : memref<100352x16xf32, #tpu.memory_space<hbm>>) target(%dma_start3A_213 : memref<128x16xf32, #tpu.memory_space<vmem>>) offsets(%dma_start3A_216 : memref<128xi32, #tpu.memory_space<vmem>>) semaphore(%arg18 : memref<!tpu.dma_semaphore, #tpu.memory_space<semaphore_mem>>)
      %dma_wait3A = arith.constant 0 : i32
      %dma_wait3A_220 = arith.constant 0 : i32
      %dma_wait3A_221 = arith.constant 0 : i32
      %dma_wait3A_222 = tpu.memref_slice %arg11[%dma_wait3A_220, %dma_wait3A_221] : memref<1024x16xf32, #tpu.memory_space<vmem>> -> memref<128x16xf32, #tpu.memory_space<vmem>>
      %dma_wait3A_223 = arith.constant 0 : i32
      %dma_wait3A_224 = tpu.memref_slice %arg9[%dma_wait3A, %dma_wait3A_223] : memref<8x128xi32, #tpu.memory_space<vmem>> -> memref<1x128xi32, #tpu.memory_space<vmem>>
      %dma_wait3A_225 = tpu.memref_squeeze %dma_wait3A_224 : memref<1x128xi32, #tpu.memory_space<vmem>> -> memref<128xi32, #tpu.memory_space<vmem>>
      %dma_wait3A_226 = arith.constant 0 : i32
      %dma_wait3A_227 = arith.constant 0 : i32
      %dma_wait3A_228 = tpu.memref_slice %arg2[%dma_wait3A_226, %dma_wait3A_227] : memref<100352x16xf32, #tpu.memory_space<hbm>> -> memref<100352x16xf32, #tpu.memory_space<hbm>>
      tpu.wait_indirect_dma semaphore(%arg18 : memref<!tpu.dma_semaphore, #tpu.memory_space<semaphore_mem>>) src(%dma_wait3A_228 : memref<100352x16xf32, #tpu.memory_space<hbm>>) dst(%dma_wait3A_222 : memref<128x16xf32, #tpu.memory_space<vmem>>)
      %dma_wait3A_229 = arith.constant 0 : i32
      %dma_wait3A_230 = arith.constant 0 : i32
      %dma_wait3A_231 = arith.constant 0 : i32
      %dma_wait3A_232 = tpu.memref_slice %arg12[%dma_wait3A_230, %dma_wait3A_231] : memref<1024x16xf32, #tpu.memory_space<vmem>> -> memref<128x16xf32, #tpu.memory_space<vmem>>
      %dma_wait3A_233 = arith.constant 0 : i32
      %dma_wait3A_234 = tpu.memref_slice %arg10[%dma_wait3A_229, %dma_wait3A_233] : memref<8x128xi32, #tpu.memory_space<vmem>> -> memref<1x128xi32, #tpu.memory_space<vmem>>
      %dma_wait3A_235 = tpu.memref_squeeze %dma_wait3A_234 : memref<1x128xi32, #tpu.memory_space<vmem>> -> memref<128xi32, #tpu.memory_space<vmem>>
      %dma_wait3A_236 = arith.constant 0 : i32
      %dma_wait3A_237 = arith.constant 0 : i32
      %dma_wait3A_238 = tpu.memref_slice %arg2[%dma_wait3A_236, %dma_wait3A_237] : memref<100352x16xf32, #tpu.memory_space<hbm>> -> memref<100352x16xf32, #tpu.memory_space<hbm>>
      tpu.wait_indirect_dma semaphore(%arg18 : memref<!tpu.dma_semaphore, #tpu.memory_space<semaphore_mem>>) src(%dma_wait3A_238 : memref<100352x16xf32, #tpu.memory_space<hbm>>) dst(%dma_wait3A_232 : memref<128x16xf32, #tpu.memory_space<vmem>>)
      %dma_wait3A_239 = arith.constant 1 : i32
      %dma_wait3A_240 = arith.constant 128 : i32
      %dma_wait3A_241 = arith.constant 0 : i32
      %dma_wait3A_242 = tpu.memref_slice %arg11[%dma_wait3A_240, %dma_wait3A_241] : memref<1024x16xf32, #tpu.memory_space<vmem>> -> memref<128x16xf32, #tpu.memory_space<vmem>>
      %dma_wait3A_243 = arith.constant 0 : i32
      %dma_wait3A_244 = tpu.memref_slice %arg9[%dma_wait3A_239, %dma_wait3A_243] : memref<8x128xi32, #tpu.memory_space<vmem>> -> memref<1x128xi32, #tpu.memory_space<vmem>>
      %dma_wait3A_245 = tpu.memref_squeeze %dma_wait3A_244 : memref<1x128xi32, #tpu.memory_space<vmem>> -> memref<128xi32, #tpu.memory_space<vmem>>
      %dma_wait3A_246 = arith.constant 0 : i32
      %dma_wait3A_247 = arith.constant 0 : i32
      %dma_wait3A_248 = tpu.memref_slice %arg2[%dma_wait3A_246, %dma_wait3A_247] : memref<100352x16xf32, #tpu.memory_space<hbm>> -> memref<100352x16xf32, #tpu.memory_space<hbm>>
      tpu.wait_indirect_dma semaphore(%arg18 : memref<!tpu.dma_semaphore, #tpu.memory_space<semaphore_mem>>) src(%dma_wait3A_248 : memref<100352x16xf32, #tpu.memory_space<hbm>>) dst(%dma_wait3A_242 : memref<128x16xf32, #tpu.memory_space<vmem>>)
      %dma_wait3A_249 = arith.constant 1 : i32
      %dma_wait3A_250 = arith.constant 128 : i32
      %dma_wait3A_251 = arith.constant 0 : i32
      %dma_wait3A_252 = tpu.memref_slice %arg12[%dma_wait3A_250, %dma_wait3A_251] : memref<1024x16xf32, #tpu.memory_space<vmem>> -> memref<128x16xf32, #tpu.memory_space<vmem>>
      %dma_wait3A_253 = arith.constant 0 : i32
      %dma_wait3A_254 = tpu.memref_slice %arg10[%dma_wait3A_249, %dma_wait3A_253] : memref<8x128xi32, #tpu.memory_space<vmem>> -> memref<1x128xi32, #tpu.memory_space<vmem>>
      %dma_wait3A_255 = tpu.memref_squeeze %dma_wait3A_254 : memref<1x128xi32, #tpu.memory_space<vmem>> -> memref<128xi32, #tpu.memory_space<vmem>>
      %dma_wait3A_256 = arith.constant 0 : i32
      %dma_wait3A_257 = arith.constant 0 : i32
      %dma_wait3A_258 = tpu.memref_slice %arg2[%dma_wait3A_256, %dma_wait3A_257] : memref<100352x16xf32, #tpu.memory_space<hbm>> -> memref<100352x16xf32, #tpu.memory_space<hbm>>
      tpu.wait_indirect_dma semaphore(%arg18 : memref<!tpu.dma_semaphore, #tpu.memory_space<semaphore_mem>>) src(%dma_wait3A_258 : memref<100352x16xf32, #tpu.memory_space<hbm>>) dst(%dma_wait3A_252 : memref<128x16xf32, #tpu.memory_space<vmem>>)
      %dma_wait3A_259 = arith.constant 2 : i32
      %dma_wait3A_260 = arith.constant 256 : i32
      %dma_wait3A_261 = arith.constant 0 : i32
      %dma_wait3A_262 = tpu.memref_slice %arg11[%dma_wait3A_260, %dma_wait3A_261] : memref<1024x16xf32, #tpu.memory_space<vmem>> -> memref<128x16xf32, #tpu.memory_space<vmem>>
      %dma_wait3A_263 = arith.constant 0 : i32
      %dma_wait3A_264 = tpu.memref_slice %arg9[%dma_wait3A_259, %dma_wait3A_263] : memref<8x128xi32, #tpu.memory_space<vmem>> -> memref<1x128xi32, #tpu.memory_space<vmem>>
      %dma_wait3A_265 = tpu.memref_squeeze %dma_wait3A_264 : memref<1x128xi32, #tpu.memory_space<vmem>> -> memref<128xi32, #tpu.memory_space<vmem>>
      %dma_wait3A_266 = arith.constant 0 : i32
      %dma_wait3A_267 = arith.constant 0 : i32
      %dma_wait3A_268 = tpu.memref_slice %arg2[%dma_wait3A_266, %dma_wait3A_267] : memref<100352x16xf32, #tpu.memory_space<hbm>> -> memref<100352x16xf32, #tpu.memory_space<hbm>>
      tpu.wait_indirect_dma semaphore(%arg18 : memref<!tpu.dma_semaphore, #tpu.memory_space<semaphore_mem>>) src(%dma_wait3A_268 : memref<100352x16xf32, #tpu.memory_space<hbm>>) dst(%dma_wait3A_262 : memref<128x16xf32, #tpu.memory_space<vmem>>)
      %dma_wait3A_269 = arith.constant 2 : i32
      %dma_wait3A_270 = arith.constant 256 : i32
      %dma_wait3A_271 = arith.constant 0 : i32
      %dma_wait3A_272 = tpu.memref_slice %arg12[%dma_wait3A_270, %dma_wait3A_271] : memref<1024x16xf32, #tpu.memory_space<vmem>> -> memref<128x16xf32, #tpu.memory_space<vmem>>
      %dma_wait3A_273 = arith.constant 0 : i32
      %dma_wait3A_274 = tpu.memref_slice %arg10[%dma_wait3A_269, %dma_wait3A_273] : memref<8x128xi32, #tpu.memory_space<vmem>> -> memref<1x128xi32, #tpu.memory_space<vmem>>
      %dma_wait3A_275 = tpu.memref_squeeze %dma_wait3A_274 : memref<1x128xi32, #tpu.memory_space<vmem>> -> memref<128xi32, #tpu.memory_space<vmem>>
      %dma_wait3A_276 = arith.constant 0 : i32
      %dma_wait3A_277 = arith.constant 0 : i32
      %dma_wait3A_278 = tpu.memref_slice %arg2[%dma_wait3A_276, %dma_wait3A_277] : memref<100352x16xf32, #tpu.memory_space<hbm>> -> memref<100352x16xf32, #tpu.memory_space<hbm>>
      tpu.wait_indirect_dma semaphore(%arg18 : memref<!tpu.dma_semaphore, #tpu.memory_space<semaphore_mem>>) src(%dma_wait3A_278 : memref<100352x16xf32, #tpu.memory_space<hbm>>) dst(%dma_wait3A_272 : memref<128x16xf32, #tpu.memory_space<vmem>>)
      %dma_wait3A_279 = arith.constant 3 : i32
      %dma_wait3A_280 = arith.constant 384 : i32
      %dma_wait3A_281 = arith.constant 0 : i32
      %dma_wait3A_282 = tpu.memref_slice %arg11[%dma_wait3A_280, %dma_wait3A_281] : memref<1024x16xf32, #tpu.memory_space<vmem>> -> memref<128x16xf32, #tpu.memory_space<vmem>>
      %dma_wait3A_283 = arith.constant 0 : i32
      %dma_wait3A_284 = tpu.memref_slice %arg9[%dma_wait3A_279, %dma_wait3A_283] : memref<8x128xi32, #tpu.memory_space<vmem>> -> memref<1x128xi32, #tpu.memory_space<vmem>>
      %dma_wait3A_285 = tpu.memref_squeeze %dma_wait3A_284 : memref<1x128xi32, #tpu.memory_space<vmem>> -> memref<128xi32, #tpu.memory_space<vmem>>
      %dma_wait3A_286 = arith.constant 0 : i32
      %dma_wait3A_287 = arith.constant 0 : i32
      %dma_wait3A_288 = tpu.memref_slice %arg2[%dma_wait3A_286, %dma_wait3A_287] : memref<100352x16xf32, #tpu.memory_space<hbm>> -> memref<100352x16xf32, #tpu.memory_space<hbm>>
      tpu.wait_indirect_dma semaphore(%arg18 : memref<!tpu.dma_semaphore, #tpu.memory_space<semaphore_mem>>) src(%dma_wait3A_288 : memref<100352x16xf32, #tpu.memory_space<hbm>>) dst(%dma_wait3A_282 : memref<128x16xf32, #tpu.memory_space<vmem>>)
      %dma_wait3A_289 = arith.constant 3 : i32
      %dma_wait3A_290 = arith.constant 384 : i32
      %dma_wait3A_291 = arith.constant 0 : i32
      %dma_wait3A_292 = tpu.memref_slice %arg12[%dma_wait3A_290, %dma_wait3A_291] : memref<1024x16xf32, #tpu.memory_space<vmem>> -> memref<128x16xf32, #tpu.memory_space<vmem>>
      %dma_wait3A_293 = arith.constant 0 : i32
      %dma_wait3A_294 = tpu.memref_slice %arg10[%dma_wait3A_289, %dma_wait3A_293] : memref<8x128xi32, #tpu.memory_space<vmem>> -> memref<1x128xi32, #tpu.memory_space<vmem>>
      %dma_wait3A_295 = tpu.memref_squeeze %dma_wait3A_294 : memref<1x128xi32, #tpu.memory_space<vmem>> -> memref<128xi32, #tpu.memory_space<vmem>>
      %dma_wait3A_296 = arith.constant 0 : i32
      %dma_wait3A_297 = arith.constant 0 : i32
      %dma_wait3A_298 = tpu.memref_slice %arg2[%dma_wait3A_296, %dma_wait3A_297] : memref<100352x16xf32, #tpu.memory_space<hbm>> -> memref<100352x16xf32, #tpu.memory_space<hbm>>
      tpu.wait_indirect_dma semaphore(%arg18 : memref<!tpu.dma_semaphore, #tpu.memory_space<semaphore_mem>>) src(%dma_wait3A_298 : memref<100352x16xf32, #tpu.memory_space<hbm>>) dst(%dma_wait3A_292 : memref<128x16xf32, #tpu.memory_space<vmem>>)
      %dma_wait3A_299 = arith.constant 4 : i32
      %dma_wait3A_300 = arith.constant 512 : i32
      %dma_wait3A_301 = arith.constant 0 : i32
      %dma_wait3A_302 = tpu.memref_slice %arg11[%dma_wait3A_300, %dma_wait3A_301] : memref<1024x16xf32, #tpu.memory_space<vmem>> -> memref<128x16xf32, #tpu.memory_space<vmem>>
      %dma_wait3A_303 = arith.constant 0 : i32
      %dma_wait3A_304 = tpu.memref_slice %arg9[%dma_wait3A_299, %dma_wait3A_303] : memref<8x128xi32, #tpu.memory_space<vmem>> -> memref<1x128xi32, #tpu.memory_space<vmem>>
      %dma_wait3A_305 = tpu.memref_squeeze %dma_wait3A_304 : memref<1x128xi32, #tpu.memory_space<vmem>> -> memref<128xi32, #tpu.memory_space<vmem>>
      %dma_wait3A_306 = arith.constant 0 : i32
      %dma_wait3A_307 = arith.constant 0 : i32
      %dma_wait3A_308 = tpu.memref_slice %arg2[%dma_wait3A_306, %dma_wait3A_307] : memref<100352x16xf32, #tpu.memory_space<hbm>> -> memref<100352x16xf32, #tpu.memory_space<hbm>>
      tpu.wait_indirect_dma semaphore(%arg18 : memref<!tpu.dma_semaphore, #tpu.memory_space<semaphore_mem>>) src(%dma_wait3A_308 : memref<100352x16xf32, #tpu.memory_space<hbm>>) dst(%dma_wait3A_302 : memref<128x16xf32, #tpu.memory_space<vmem>>)
      %dma_wait3A_309 = arith.constant 4 : i32
      %dma_wait3A_310 = arith.constant 512 : i32
      %dma_wait3A_311 = arith.constant 0 : i32
      %dma_wait3A_312 = tpu.memref_slice %arg12[%dma_wait3A_310, %dma_wait3A_311] : memref<1024x16xf32, #tpu.memory_space<vmem>> -> memref<128x16xf32, #tpu.memory_space<vmem>>
      %dma_wait3A_313 = arith.constant 0 : i32
      %dma_wait3A_314 = tpu.memref_slice %arg10[%dma_wait3A_309, %dma_wait3A_313] : memref<8x128xi32, #tpu.memory_space<vmem>> -> memref<1x128xi32, #tpu.memory_space<vmem>>
      %dma_wait3A_315 = tpu.memref_squeeze %dma_wait3A_314 : memref<1x128xi32, #tpu.memory_space<vmem>> -> memref<128xi32, #tpu.memory_space<vmem>>
      %dma_wait3A_316 = arith.constant 0 : i32
      %dma_wait3A_317 = arith.constant 0 : i32
      %dma_wait3A_318 = tpu.memref_slice %arg2[%dma_wait3A_316, %dma_wait3A_317] : memref<100352x16xf32, #tpu.memory_space<hbm>> -> memref<100352x16xf32, #tpu.memory_space<hbm>>
      tpu.wait_indirect_dma semaphore(%arg18 : memref<!tpu.dma_semaphore, #tpu.memory_space<semaphore_mem>>) src(%dma_wait3A_318 : memref<100352x16xf32, #tpu.memory_space<hbm>>) dst(%dma_wait3A_312 : memref<128x16xf32, #tpu.memory_space<vmem>>)
      %dma_wait3A_319 = arith.constant 5 : i32
      %dma_wait3A_320 = arith.constant 640 : i32
      %dma_wait3A_321 = arith.constant 0 : i32
      %dma_wait3A_322 = tpu.memref_slice %arg11[%dma_wait3A_320, %dma_wait3A_321] : memref<1024x16xf32, #tpu.memory_space<vmem>> -> memref<128x16xf32, #tpu.memory_space<vmem>>
      %dma_wait3A_323 = arith.constant 0 : i32
      %dma_wait3A_324 = tpu.memref_slice %arg9[%dma_wait3A_319, %dma_wait3A_323] : memref<8x128xi32, #tpu.memory_space<vmem>> -> memref<1x128xi32, #tpu.memory_space<vmem>>
      %dma_wait3A_325 = tpu.memref_squeeze %dma_wait3A_324 : memref<1x128xi32, #tpu.memory_space<vmem>> -> memref<128xi32, #tpu.memory_space<vmem>>
      %dma_wait3A_326 = arith.constant 0 : i32
      %dma_wait3A_327 = arith.constant 0 : i32
      %dma_wait3A_328 = tpu.memref_slice %arg2[%dma_wait3A_326, %dma_wait3A_327] : memref<100352x16xf32, #tpu.memory_space<hbm>> -> memref<100352x16xf32, #tpu.memory_space<hbm>>
      tpu.wait_indirect_dma semaphore(%arg18 : memref<!tpu.dma_semaphore, #tpu.memory_space<semaphore_mem>>) src(%dma_wait3A_328 : memref<100352x16xf32, #tpu.memory_space<hbm>>) dst(%dma_wait3A_322 : memref<128x16xf32, #tpu.memory_space<vmem>>)
      %dma_wait3A_329 = arith.constant 5 : i32
      %dma_wait3A_330 = arith.constant 640 : i32
      %dma_wait3A_331 = arith.constant 0 : i32
      %dma_wait3A_332 = tpu.memref_slice %arg12[%dma_wait3A_330, %dma_wait3A_331] : memref<1024x16xf32, #tpu.memory_space<vmem>> -> memref<128x16xf32, #tpu.memory_space<vmem>>
      %dma_wait3A_333 = arith.constant 0 : i32
      %dma_wait3A_334 = tpu.memref_slice %arg10[%dma_wait3A_329, %dma_wait3A_333] : memref<8x128xi32, #tpu.memory_space<vmem>> -> memref<1x128xi32, #tpu.memory_space<vmem>>
      %dma_wait3A_335 = tpu.memref_squeeze %dma_wait3A_334 : memref<1x128xi32, #tpu.memory_space<vmem>> -> memref<128xi32, #tpu.memory_space<vmem>>
      %dma_wait3A_336 = arith.constant 0 : i32
      %dma_wait3A_337 = arith.constant 0 : i32
      %dma_wait3A_338 = tpu.memref_slice %arg2[%dma_wait3A_336, %dma_wait3A_337] : memref<100352x16xf32, #tpu.memory_space<hbm>> -> memref<100352x16xf32, #tpu.memory_space<hbm>>
      tpu.wait_indirect_dma semaphore(%arg18 : memref<!tpu.dma_semaphore, #tpu.memory_space<semaphore_mem>>) src(%dma_wait3A_338 : memref<100352x16xf32, #tpu.memory_space<hbm>>) dst(%dma_wait3A_332 : memref<128x16xf32, #tpu.memory_space<vmem>>)
      %dma_wait3A_339 = arith.constant 6 : i32
      %dma_wait3A_340 = arith.constant 768 : i32
      %dma_wait3A_341 = arith.constant 0 : i32
      %dma_wait3A_342 = tpu.memref_slice %arg11[%dma_wait3A_340, %dma_wait3A_341] : memref<1024x16xf32, #tpu.memory_space<vmem>> -> memref<128x16xf32, #tpu.memory_space<vmem>>
      %dma_wait3A_343 = arith.constant 0 : i32
      %dma_wait3A_344 = tpu.memref_slice %arg9[%dma_wait3A_339, %dma_wait3A_343] : memref<8x128xi32, #tpu.memory_space<vmem>> -> memref<1x128xi32, #tpu.memory_space<vmem>>
      %dma_wait3A_345 = tpu.memref_squeeze %dma_wait3A_344 : memref<1x128xi32, #tpu.memory_space<vmem>> -> memref<128xi32, #tpu.memory_space<vmem>>
      %dma_wait3A_346 = arith.constant 0 : i32
      %dma_wait3A_347 = arith.constant 0 : i32
      %dma_wait3A_348 = tpu.memref_slice %arg2[%dma_wait3A_346, %dma_wait3A_347] : memref<100352x16xf32, #tpu.memory_space<hbm>> -> memref<100352x16xf32, #tpu.memory_space<hbm>>
      tpu.wait_indirect_dma semaphore(%arg18 : memref<!tpu.dma_semaphore, #tpu.memory_space<semaphore_mem>>) src(%dma_wait3A_348 : memref<100352x16xf32, #tpu.memory_space<hbm>>) dst(%dma_wait3A_342 : memref<128x16xf32, #tpu.memory_space<vmem>>)
      %dma_wait3A_349 = arith.constant 6 : i32
      %dma_wait3A_350 = arith.constant 768 : i32
      %dma_wait3A_351 = arith.constant 0 : i32
      %dma_wait3A_352 = tpu.memref_slice %arg12[%dma_wait3A_350, %dma_wait3A_351] : memref<1024x16xf32, #tpu.memory_space<vmem>> -> memref<128x16xf32, #tpu.memory_space<vmem>>
      %dma_wait3A_353 = arith.constant 0 : i32
      %dma_wait3A_354 = tpu.memref_slice %arg10[%dma_wait3A_349, %dma_wait3A_353] : memref<8x128xi32, #tpu.memory_space<vmem>> -> memref<1x128xi32, #tpu.memory_space<vmem>>
      %dma_wait3A_355 = tpu.memref_squeeze %dma_wait3A_354 : memref<1x128xi32, #tpu.memory_space<vmem>> -> memref<128xi32, #tpu.memory_space<vmem>>
      %dma_wait3A_356 = arith.constant 0 : i32
      %dma_wait3A_357 = arith.constant 0 : i32
      %dma_wait3A_358 = tpu.memref_slice %arg2[%dma_wait3A_356, %dma_wait3A_357] : memref<100352x16xf32, #tpu.memory_space<hbm>> -> memref<100352x16xf32, #tpu.memory_space<hbm>>
      tpu.wait_indirect_dma semaphore(%arg18 : memref<!tpu.dma_semaphore, #tpu.memory_space<semaphore_mem>>) src(%dma_wait3A_358 : memref<100352x16xf32, #tpu.memory_space<hbm>>) dst(%dma_wait3A_352 : memref<128x16xf32, #tpu.memory_space<vmem>>)
      %dma_wait3A_359 = arith.constant 7 : i32
      %dma_wait3A_360 = arith.constant 896 : i32
      %dma_wait3A_361 = arith.constant 0 : i32
      %dma_wait3A_362 = tpu.memref_slice %arg11[%dma_wait3A_360, %dma_wait3A_361] : memref<1024x16xf32, #tpu.memory_space<vmem>> -> memref<128x16xf32, #tpu.memory_space<vmem>>
      %dma_wait3A_363 = arith.constant 0 : i32
      %dma_wait3A_364 = tpu.memref_slice %arg9[%dma_wait3A_359, %dma_wait3A_363] : memref<8x128xi32, #tpu.memory_space<vmem>> -> memref<1x128xi32, #tpu.memory_space<vmem>>
      %dma_wait3A_365 = tpu.memref_squeeze %dma_wait3A_364 : memref<1x128xi32, #tpu.memory_space<vmem>> -> memref<128xi32, #tpu.memory_space<vmem>>
      %dma_wait3A_366 = arith.constant 0 : i32
      %dma_wait3A_367 = arith.constant 0 : i32
      %dma_wait3A_368 = tpu.memref_slice %arg2[%dma_wait3A_366, %dma_wait3A_367] : memref<100352x16xf32, #tpu.memory_space<hbm>> -> memref<100352x16xf32, #tpu.memory_space<hbm>>
      tpu.wait_indirect_dma semaphore(%arg18 : memref<!tpu.dma_semaphore, #tpu.memory_space<semaphore_mem>>) src(%dma_wait3A_368 : memref<100352x16xf32, #tpu.memory_space<hbm>>) dst(%dma_wait3A_362 : memref<128x16xf32, #tpu.memory_space<vmem>>)
      %dma_wait3A_369 = arith.constant 7 : i32
      %dma_wait3A_370 = arith.constant 896 : i32
      %dma_wait3A_371 = arith.constant 0 : i32
      %dma_wait3A_372 = tpu.memref_slice %arg12[%dma_wait3A_370, %dma_wait3A_371] : memref<1024x16xf32, #tpu.memory_space<vmem>> -> memref<128x16xf32, #tpu.memory_space<vmem>>
      %dma_wait3A_373 = arith.constant 0 : i32
      %dma_wait3A_374 = tpu.memref_slice %arg10[%dma_wait3A_369, %dma_wait3A_373] : memref<8x128xi32, #tpu.memory_space<vmem>> -> memref<1x128xi32, #tpu.memory_space<vmem>>
      %dma_wait3A_375 = tpu.memref_squeeze %dma_wait3A_374 : memref<1x128xi32, #tpu.memory_space<vmem>> -> memref<128xi32, #tpu.memory_space<vmem>>
      %dma_wait3A_376 = arith.constant 0 : i32
      %dma_wait3A_377 = arith.constant 0 : i32
      %dma_wait3A_378 = tpu.memref_slice %arg2[%dma_wait3A_376, %dma_wait3A_377] : memref<100352x16xf32, #tpu.memory_space<hbm>> -> memref<100352x16xf32, #tpu.memory_space<hbm>>
      tpu.wait_indirect_dma semaphore(%arg18 : memref<!tpu.dma_semaphore, #tpu.memory_space<semaphore_mem>>) src(%dma_wait3A_378 : memref<100352x16xf32, #tpu.memory_space<hbm>>) dst(%dma_wait3A_372 : memref<128x16xf32, #tpu.memory_space<vmem>>)
      %scan3A = arith.constant 0 : i32
      %scan3A_379 = arith.constant 16 : i32
      %scan3A_380 = arith.addi %scan3A, %scan3A_379 : i32
      %scan3A_381 = arith.constant 1 : i32
      scf.for %scan3A_398 = %scan3A to %scan3A_380 step %scan3A_381  : i32 {
        %get3A = arith.constant 1536 : index
        %get3A_399 = tpu.vector_load %arg15[%get3A] {strides = array<i32>} : memref<1552xf32, #tpu.memory_space<vmem>>, vector<16xf32>,
        %mul3A_400 = arith.constant 4 : i32
        %mul3A_401 = arith.muli %scan3A_398, %mul3A_400 : i32
        %add3A_402 = arith.constant 0 : i32
        %add3A_403 = arith.addi %mul3A_401, %add3A_402 : i32
        %mul3A_404 = arith.constant 16 : i32
        %mul3A_405 = arith.muli %add3A_403, %mul3A_404 : i32
        %add3A_406 = vector.broadcast %mul3A_405 : i32 to vector<16xi32>
        %add3A_407 = arith.addi %add3A_406, %iota3A : vector<16xi32>
        %gather3A = tpu.vector_load_idx %arg11[%add3A_407, %broadcast_in_dim3A_9] : memref<1024x16xf32, #tpu.memory_space<vmem>>[vector<16xi32>, vector<16xi32>], vector<16xf32>,
        %gather3A_408 = tpu.vector_load_idx %arg11[%add3A_407, %broadcast_in_dim3A_11] : memref<1024x16xf32, #tpu.memory_space<vmem>>[vector<16xi32>, vector<16xi32>], vector<16xf32>,
        %gather3A_409 = tpu.vector_load_idx %arg11[%add3A_407, %broadcast_in_dim3A_13] : memref<1024x16xf32, #tpu.memory_space<vmem>>[vector<16xi32>, vector<16xi32>], vector<16xf32>,
        %gather3A_410 = tpu.vector_load_idx %arg11[%add3A_407, %broadcast_in_dim3A_15] : memref<1024x16xf32, #tpu.memory_space<vmem>>[vector<16xi32>, vector<16xi32>], vector<16xf32>,
        %gather3A_411 = tpu.vector_load_idx %arg12[%add3A_407, %broadcast_in_dim3A_9] : memref<1024x16xf32, #tpu.memory_space<vmem>>[vector<16xi32>, vector<16xi32>], vector<16xf32>,
        %gather3A_412 = tpu.vector_load_idx %arg12[%add3A_407, %broadcast_in_dim3A_11] : memref<1024x16xf32, #tpu.memory_space<vmem>>[vector<16xi32>, vector<16xi32>], vector<16xf32>,
        %gather3A_413 = tpu.vector_load_idx %arg12[%add3A_407, %broadcast_in_dim3A_13] : memref<1024x16xf32, #tpu.memory_space<vmem>>[vector<16xi32>, vector<16xi32>], vector<16xf32>,
        %gather3A_414 = tpu.vector_load_idx %arg12[%add3A_407, %broadcast_in_dim3A_15] : memref<1024x16xf32, #tpu.memory_space<vmem>>[vector<16xi32>, vector<16xi32>], vector<16xf32>,
        %sub3A = arith.subf %gather3A_411, %gather3A : vector<16xf32>
        %sub3A_415 = arith.subf %gather3A_412, %gather3A_408 : vector<16xf32>
        %mul3A_416 = arith.mulf %sub3A, %gather3A_409 : vector<16xf32>
        %mul3A_417 = arith.mulf %sub3A_415, %gather3A_410 : vector<16xf32>
        %add3A_418 = arith.addf %mul3A_416, %mul3A_417 : vector<16xf32>
        %mul3A_419 = arith.mulf %sub3A_415, %gather3A_409 : vector<16xf32>
        %mul3A_420 = arith.mulf %sub3A, %gather3A_410 : vector<16xf32>
        %sub3A_421 = arith.subf %mul3A_419, %mul3A_420 : vector<16xf32>
        %mul3A_422 = arith.mulf %gather3A_413, %gather3A_409 : vector<16xf32>
        %mul3A_423 = arith.mulf %gather3A_414, %gather3A_410 : vector<16xf32>
        %add3A_424 = arith.addf %mul3A_422, %mul3A_423 : vector<16xf32>
        %mul3A_425 = arith.mulf %gather3A_414, %gather3A_409 : vector<16xf32>
        %mul3A_426 = arith.mulf %gather3A_413, %gather3A_410 : vector<16xf32>
        %sub3A_427 = arith.subf %mul3A_425, %mul3A_426 : vector<16xf32>
        %mul3A_428 = arith.constant 4 : i32
        %mul3A_429 = arith.muli %scan3A_398, %mul3A_428 : i32
        %add3A_430 = arith.constant 1 : i32
        %add3A_431 = arith.addi %mul3A_429, %add3A_430 : i32
        %mul3A_432 = arith.constant 16 : i32
        %mul3A_433 = arith.muli %add3A_431, %mul3A_432 : i32
        %add3A_434 = vector.broadcast %mul3A_433 : i32 to vector<16xi32>
        %add3A_435 = arith.addi %add3A_434, %iota3A : vector<16xi32>
        %gather3A_436 = tpu.vector_load_idx %arg11[%add3A_435, %broadcast_in_dim3A_9] : memref<1024x16xf32, #tpu.memory_space<vmem>>[vector<16xi32>, vector<16xi32>], vector<16xf32>,
        %gather3A_437 = tpu.vector_load_idx %arg11[%add3A_435, %broadcast_in_dim3A_11] : memref<1024x16xf32, #tpu.memory_space<vmem>>[vector<16xi32>, vector<16xi32>], vector<16xf32>,
        %gather3A_438 = tpu.vector_load_idx %arg11[%add3A_435, %broadcast_in_dim3A_13] : memref<1024x16xf32, #tpu.memory_space<vmem>>[vector<16xi32>, vector<16xi32>], vector<16xf32>,
        %gather3A_439 = tpu.vector_load_idx %arg11[%add3A_435, %broadcast_in_dim3A_15] : memref<1024x16xf32, #tpu.memory_space<vmem>>[vector<16xi32>, vector<16xi32>], vector<16xf32>,
        %gather3A_440 = tpu.vector_load_idx %arg12[%add3A_435, %broadcast_in_dim3A_9] : memref<1024x16xf32, #tpu.memory_space<vmem>>[vector<16xi32>, vector<16xi32>], vector<16xf32>,
        %gather3A_441 = tpu.vector_load_idx %arg12[%add3A_435, %broadcast_in_dim3A_11] : memref<1024x16xf32, #tpu.memory_space<vmem>>[vector<16xi32>, vector<16xi32>], vector<16xf32>,
        %gather3A_442 = tpu.vector_load_idx %arg12[%add3A_435, %broadcast_in_dim3A_13] : memref<1024x16xf32, #tpu.memory_space<vmem>>[vector<16xi32>, vector<16xi32>], vector<16xf32>,
        %gather3A_443 = tpu.vector_load_idx %arg12[%add3A_435, %broadcast_in_dim3A_15] : memref<1024x16xf32, #tpu.memory_space<vmem>>[vector<16xi32>, vector<16xi32>], vector<16xf32>,
        %sub3A_444 = arith.subf %gather3A_440, %gather3A_436 : vector<16xf32>
        %sub3A_445 = arith.subf %gather3A_441, %gather3A_437 : vector<16xf32>
        %mul3A_446 = arith.mulf %sub3A_444, %gather3A_438 : vector<16xf32>
        %mul3A_447 = arith.mulf %sub3A_445, %gather3A_439 : vector<16xf32>
        %add3A_448 = arith.addf %mul3A_446, %mul3A_447 : vector<16xf32>
        %mul3A_449 = arith.mulf %sub3A_445, %gather3A_438 : vector<16xf32>
        %mul3A_450 = arith.mulf %sub3A_444, %gather3A_439 : vector<16xf32>
        %sub3A_451 = arith.subf %mul3A_449, %mul3A_450 : vector<16xf32>
        %mul3A_452 = arith.mulf %gather3A_442, %gather3A_438 : vector<16xf32>
        %mul3A_453 = arith.mulf %gather3A_443, %gather3A_439 : vector<16xf32>
        %add3A_454 = arith.addf %mul3A_452, %mul3A_453 : vector<16xf32>
        %mul3A_455 = arith.mulf %gather3A_443, %gather3A_438 : vector<16xf32>
        %mul3A_456 = arith.mulf %gather3A_442, %gather3A_439 : vector<16xf32>
        %sub3A_457 = arith.subf %mul3A_455, %mul3A_456 : vector<16xf32>
        %mul3A_458 = arith.constant 4 : i32
        %mul3A_459 = arith.muli %scan3A_398, %mul3A_458 : i32
        %add3A_460 = arith.constant 2 : i32
        %add3A_461 = arith.addi %mul3A_459, %add3A_460 : i32
        %mul3A_462 = arith.constant 16 : i32
        %mul3A_463 = arith.muli %add3A_461, %mul3A_462 : i32
        %add3A_464 = vector.broadcast %mul3A_463 : i32 to vector<16xi32>
        %add3A_465 = arith.addi %add3A_464, %iota3A : vector<16xi32>
        %gather3A_466 = tpu.vector_load_idx %arg11[%add3A_465, %broadcast_in_dim3A_9] : memref<1024x16xf32, #tpu.memory_space<vmem>>[vector<16xi32>, vector<16xi32>], vector<16xf32>,
        %gather3A_467 = tpu.vector_load_idx %arg11[%add3A_465, %broadcast_in_dim3A_11] : memref<1024x16xf32, #tpu.memory_space<vmem>>[vector<16xi32>, vector<16xi32>], vector<16xf32>,
        %gather3A_468 = tpu.vector_load_idx %arg11[%add3A_465, %broadcast_in_dim3A_13] : memref<1024x16xf32, #tpu.memory_space<vmem>>[vector<16xi32>, vector<16xi32>], vector<16xf32>,
        %gather3A_469 = tpu.vector_load_idx %arg11[%add3A_465, %broadcast_in_dim3A_15] : memref<1024x16xf32, #tpu.memory_space<vmem>>[vector<16xi32>, vector<16xi32>], vector<16xf32>,
        %gather3A_470 = tpu.vector_load_idx %arg12[%add3A_465, %broadcast_in_dim3A_9] : memref<1024x16xf32, #tpu.memory_space<vmem>>[vector<16xi32>, vector<16xi32>], vector<16xf32>,
        %gather3A_471 = tpu.vector_load_idx %arg12[%add3A_465, %broadcast_in_dim3A_11] : memref<1024x16xf32, #tpu.memory_space<vmem>>[vector<16xi32>, vector<16xi32>], vector<16xf32>,
        %gather3A_472 = tpu.vector_load_idx %arg12[%add3A_465, %broadcast_in_dim3A_13] : memref<1024x16xf32, #tpu.memory_space<vmem>>[vector<16xi32>, vector<16xi32>], vector<16xf32>,
        %gather3A_473 = tpu.vector_load_idx %arg12[%add3A_465, %broadcast_in_dim3A_15] : memref<1024x16xf32, #tpu.memory_space<vmem>>[vector<16xi32>, vector<16xi32>], vector<16xf32>,
        %sub3A_474 = arith.subf %gather3A_470, %gather3A_466 : vector<16xf32>
        %sub3A_475 = arith.subf %gather3A_471, %gather3A_467 : vector<16xf32>
        %mul3A_476 = arith.mulf %sub3A_474, %gather3A_468 : vector<16xf32>
        %mul3A_477 = arith.mulf %sub3A_475, %gather3A_469 : vector<16xf32>
        %add3A_478 = arith.addf %mul3A_476, %mul3A_477 : vector<16xf32>
        %mul3A_479 = arith.mulf %sub3A_475, %gather3A_468 : vector<16xf32>
        %mul3A_480 = arith.mulf %sub3A_474, %gather3A_469 : vector<16xf32>
        %sub3A_481 = arith.subf %mul3A_479, %mul3A_480 : vector<16xf32>
        %mul3A_482 = arith.mulf %gather3A_472, %gather3A_468 : vector<16xf32>
        %mul3A_483 = arith.mulf %gather3A_473, %gather3A_469 : vector<16xf32>
        %add3A_484 = arith.addf %mul3A_482, %mul3A_483 : vector<16xf32>
        %mul3A_485 = arith.mulf %gather3A_473, %gather3A_468 : vector<16xf32>
        %mul3A_486 = arith.mulf %gather3A_472, %gather3A_469 : vector<16xf32>
        %sub3A_487 = arith.subf %mul3A_485, %mul3A_486 : vector<16xf32>
        %mul3A_488 = arith.constant 4 : i32
        %mul3A_489 = arith.muli %scan3A_398, %mul3A_488 : i32
        %add3A_490 = arith.constant 3 : i32
        %add3A_491 = arith.addi %mul3A_489, %add3A_490 : i32
        %mul3A_492 = arith.constant 16 : i32
        %mul3A_493 = arith.muli %add3A_491, %mul3A_492 : i32
        %add3A_494 = vector.broadcast %mul3A_493 : i32 to vector<16xi32>
        %add3A_495 = arith.addi %add3A_494, %iota3A : vector<16xi32>
        %gather3A_496 = tpu.vector_load_idx %arg11[%add3A_495, %broadcast_in_dim3A_9] : memref<1024x16xf32, #tpu.memory_space<vmem>>[vector<16xi32>, vector<16xi32>], vector<16xf32>,
        %gather3A_497 = tpu.vector_load_idx %arg11[%add3A_495, %broadcast_in_dim3A_11] : memref<1024x16xf32, #tpu.memory_space<vmem>>[vector<16xi32>, vector<16xi32>], vector<16xf32>,
        %gather3A_498 = tpu.vector_load_idx %arg11[%add3A_495, %broadcast_in_dim3A_13] : memref<1024x16xf32, #tpu.memory_space<vmem>>[vector<16xi32>, vector<16xi32>], vector<16xf32>,
        %gather3A_499 = tpu.vector_load_idx %arg11[%add3A_495, %broadcast_in_dim3A_15] : memref<1024x16xf32, #tpu.memory_space<vmem>>[vector<16xi32>, vector<16xi32>], vector<16xf32>,
        %gather3A_500 = tpu.vector_load_idx %arg12[%add3A_495, %broadcast_in_dim3A_9] : memref<1024x16xf32, #tpu.memory_space<vmem>>[vector<16xi32>, vector<16xi32>], vector<16xf32>,
        %gather3A_501 = tpu.vector_load_idx %arg12[%add3A_495, %broadcast_in_dim3A_11] : memref<1024x16xf32, #tpu.memory_space<vmem>>[vector<16xi32>, vector<16xi32>], vector<16xf32>,
        %gather3A_502 = tpu.vector_load_idx %arg12[%add3A_495, %broadcast_in_dim3A_13] : memref<1024x16xf32, #tpu.memory_space<vmem>>[vector<16xi32>, vector<16xi32>], vector<16xf32>,
        %gather3A_503 = tpu.vector_load_idx %arg12[%add3A_495, %broadcast_in_dim3A_15] : memref<1024x16xf32, #tpu.memory_space<vmem>>[vector<16xi32>, vector<16xi32>], vector<16xf32>,
        %sub3A_504 = arith.subf %gather3A_500, %gather3A_496 : vector<16xf32>
        %sub3A_505 = arith.subf %gather3A_501, %gather3A_497 : vector<16xf32>
        %mul3A_506 = arith.mulf %sub3A_504, %gather3A_498 : vector<16xf32>
        %mul3A_507 = arith.mulf %sub3A_505, %gather3A_499 : vector<16xf32>
        %add3A_508 = arith.addf %mul3A_506, %mul3A_507 : vector<16xf32>
        %mul3A_509 = arith.mulf %sub3A_505, %gather3A_498 : vector<16xf32>
        %mul3A_510 = arith.mulf %sub3A_504, %gather3A_499 : vector<16xf32>
        %sub3A_511 = arith.subf %mul3A_509, %mul3A_510 : vector<16xf32>
        %mul3A_512 = arith.mulf %gather3A_502, %gather3A_498 : vector<16xf32>
        %mul3A_513 = arith.mulf %gather3A_503, %gather3A_499 : vector<16xf32>
        %add3A_514 = arith.addf %mul3A_512, %mul3A_513 : vector<16xf32>
        %mul3A_515 = arith.mulf %gather3A_503, %gather3A_498 : vector<16xf32>
        %mul3A_516 = arith.mulf %gather3A_502, %gather3A_499 : vector<16xf32>
        %sub3A_517 = arith.subf %mul3A_515, %mul3A_516 : vector<16xf32>
        %get3A_518 = arith.constant 0 : index
        %get3A_519 = tpu.vector_load %arg15[%get3A_518] {strides = array<i32>} : memref<1552xf32, #tpu.memory_space<vmem>>, vector<16xf32>,
        %get3A_520 = arith.constant 256 : index
        %get3A_521 = tpu.vector_load %arg15[%get3A_520] {strides = array<i32>} : memref<1552xf32, #tpu.memory_space<vmem>>, vector<16xf32>,
        %get3A_522 = arith.constant 512 : index
        %get3A_523 = tpu.vector_load %arg15[%get3A_522] {strides = array<i32>} : memref<1552xf32, #tpu.memory_space<vmem>>, vector<16xf32>,
        %get3A_524 = arith.constant 768 : index
        %get3A_525 = tpu.vector_load %arg15[%get3A_524] {strides = array<i32>} : memref<1552xf32, #tpu.memory_space<vmem>>, vector<16xf32>,
        %get3A_526 = arith.constant 1024 : index
        %get3A_527 = tpu.vector_load %arg15[%get3A_526] {strides = array<i32>} : memref<1552xf32, #tpu.memory_space<vmem>>, vector<16xf32>,
        %get3A_528 = arith.constant 1280 : index
        %get3A_529 = tpu.vector_load %arg15[%get3A_528] {strides = array<i32>} : memref<1552xf32, #tpu.memory_space<vmem>>, vector<16xf32>,
        %mul3A_530 = arith.mulf %add3A_418, %get3A_519 : vector<16xf32>
        %mul3A_531 = arith.mulf %sub3A_421, %get3A_521 : vector<16xf32>
        %add3A_532 = arith.addf %mul3A_530, %mul3A_531 : vector<16xf32>
        %mul3A_533 = arith.mulf %add3A_424, %get3A_523 : vector<16xf32>
        %add3A_534 = arith.addf %add3A_532, %mul3A_533 : vector<16xf32>
        %mul3A_535 = arith.mulf %sub3A_427, %get3A_525 : vector<16xf32>
        %add3A_536 = arith.addf %add3A_534, %mul3A_535 : vector<16xf32>
        %add3A_537 = arith.addf %add3A_536, %get3A_527 : vector<16xf32>
        %max3A = arith.constant 0.000000e+00 : f32
        %max3A_538 = vector.broadcast %max3A : f32 to vector<16xf32>
        %max3A_539 = arith.maximumf %add3A_537, %max3A_538 : vector<16xf32>
        %mul3A_540 = arith.mulf %max3A_539, %get3A_529 : vector<16xf32>
        %add3A_541 = arith.addf %get3A_399, %mul3A_540 : vector<16xf32>
        %mul3A_542 = arith.mulf %add3A_448, %get3A_519 : vector<16xf32>
        %mul3A_543 = arith.mulf %sub3A_451, %get3A_521 : vector<16xf32>
        %add3A_544 = arith.addf %mul3A_542, %mul3A_543 : vector<16xf32>
        %mul3A_545 = arith.mulf %add3A_454, %get3A_523 : vector<16xf32>
        %add3A_546 = arith.addf %add3A_544, %mul3A_545 : vector<16xf32>
        %mul3A_547 = arith.mulf %sub3A_457, %get3A_525 : vector<16xf32>
        %add3A_548 = arith.addf %add3A_546, %mul3A_547 : vector<16xf32>
        %add3A_549 = arith.addf %add3A_548, %get3A_527 : vector<16xf32>
        %max3A_550 = arith.constant 0.000000e+00 : f32
        %max3A_551 = vector.broadcast %max3A_550 : f32 to vector<16xf32>
        %max3A_552 = arith.maximumf %add3A_549, %max3A_551 : vector<16xf32>
        %mul3A_553 = arith.mulf %max3A_552, %get3A_529 : vector<16xf32>
        %add3A_554 = arith.addf %get3A_399, %mul3A_553 : vector<16xf32>
        %mul3A_555 = arith.mulf %add3A_478, %get3A_519 : vector<16xf32>
        %mul3A_556 = arith.mulf %sub3A_481, %get3A_521 : vector<16xf32>
        %add3A_557 = arith.addf %mul3A_555, %mul3A_556 : vector<16xf32>
        %mul3A_558 = arith.mulf %add3A_484, %get3A_523 : vector<16xf32>
        %add3A_559 = arith.addf %add3A_557, %mul3A_558 : vector<16xf32>
        %mul3A_560 = arith.mulf %sub3A_487, %get3A_525 : vector<16xf32>
        %add3A_561 = arith.addf %add3A_559, %mul3A_560 : vector<16xf32>
        %add3A_562 = arith.addf %add3A_561, %get3A_527 : vector<16xf32>
        %max3A_563 = arith.constant 0.000000e+00 : f32
        %max3A_564 = vector.broadcast %max3A_563 : f32 to vector<16xf32>
        %max3A_565 = arith.maximumf %add3A_562, %max3A_564 : vector<16xf32>
        %mul3A_566 = arith.mulf %max3A_565, %get3A_529 : vector<16xf32>
        %add3A_567 = arith.addf %get3A_399, %mul3A_566 : vector<16xf32>
        %mul3A_568 = arith.mulf %add3A_508, %get3A_519 : vector<16xf32>
        %mul3A_569 = arith.mulf %sub3A_511, %get3A_521 : vector<16xf32>
        %add3A_570 = arith.addf %mul3A_568, %mul3A_569 : vector<16xf32>
        %mul3A_571 = arith.mulf %add3A_514, %get3A_523 : vector<16xf32>
        %add3A_572 = arith.addf %add3A_570, %mul3A_571 : vector<16xf32>
        %mul3A_573 = arith.mulf %sub3A_517, %get3A_525 : vector<16xf32>
        %add3A_574 = arith.addf %add3A_572, %mul3A_573 : vector<16xf32>
        %add3A_575 = arith.addf %add3A_574, %get3A_527 : vector<16xf32>
        %max3A_576 = arith.constant 0.000000e+00 : f32
        %max3A_577 = vector.broadcast %max3A_576 : f32 to vector<16xf32>
        %max3A_578 = arith.maximumf %add3A_575, %max3A_577 : vector<16xf32>
        %mul3A_579 = arith.mulf %max3A_578, %get3A_529 : vector<16xf32>
        %add3A_580 = arith.addf %get3A_399, %mul3A_579 : vector<16xf32>
        %get3A_581 = arith.constant 16 : index
        %get3A_582 = tpu.vector_load %arg15[%get3A_581] {strides = array<i32>} : memref<1552xf32, #tpu.memory_space<vmem>>, vector<16xf32>,
        %get3A_583 = arith.constant 272 : index
        %get3A_584 = tpu.vector_load %arg15[%get3A_583] {strides = array<i32>} : memref<1552xf32, #tpu.memory_space<vmem>>, vector<16xf32>,
        %get3A_585 = arith.constant 528 : index
        %get3A_586 = tpu.vector_load %arg15[%get3A_585] {strides = array<i32>} : memref<1552xf32, #tpu.memory_space<vmem>>, vector<16xf32>,
        %get3A_587 = arith.constant 784 : index
        %get3A_588 = tpu.vector_load %arg15[%get3A_587] {strides = array<i32>} : memref<1552xf32, #tpu.memory_space<vmem>>, vector<16xf32>,
        %get3A_589 = arith.constant 1040 : index
        %get3A_590 = tpu.vector_load %arg15[%get3A_589] {strides = array<i32>} : memref<1552xf32, #tpu.memory_space<vmem>>, vector<16xf32>,
        %get3A_591 = arith.constant 1296 : index
        %get3A_592 = tpu.vector_load %arg15[%get3A_591] {strides = array<i32>} : memref<1552xf32, #tpu.memory_space<vmem>>, vector<16xf32>,
        %mul3A_593 = arith.mulf %add3A_418, %get3A_582 : vector<16xf32>
        %mul3A_594 = arith.mulf %sub3A_421, %get3A_584 : vector<16xf32>
        %add3A_595 = arith.addf %mul3A_593, %mul3A_594 : vector<16xf32>
        %mul3A_596 = arith.mulf %add3A_424, %get3A_586 : vector<16xf32>
        %add3A_597 = arith.addf %add3A_595, %mul3A_596 : vector<16xf32>
        %mul3A_598 = arith.mulf %sub3A_427, %get3A_588 : vector<16xf32>
        %add3A_599 = arith.addf %add3A_597, %mul3A_598 : vector<16xf32>
        %add3A_600 = arith.addf %add3A_599, %get3A_590 : vector<16xf32>
        %max3A_601 = arith.constant 0.000000e+00 : f32
        %max3A_602 = vector.broadcast %max3A_601 : f32 to vector<16xf32>
        %max3A_603 = arith.maximumf %add3A_600, %max3A_602 : vector<16xf32>
        %mul3A_604 = arith.mulf %max3A_603, %get3A_592 : vector<16xf32>
        %add3A_605 = arith.addf %add3A_541, %mul3A_604 : vector<16xf32>
        %mul3A_606 = arith.mulf %add3A_448, %get3A_582 : vector<16xf32>
        %mul3A_607 = arith.mulf %sub3A_451, %get3A_584 : vector<16xf32>
        %add3A_608 = arith.addf %mul3A_606, %mul3A_607 : vector<16xf32>
        %mul3A_609 = arith.mulf %add3A_454, %get3A_586 : vector<16xf32>
        %add3A_610 = arith.addf %add3A_608, %mul3A_609 : vector<16xf32>
        %mul3A_611 = arith.mulf %sub3A_457, %get3A_588 : vector<16xf32>
        %add3A_612 = arith.addf %add3A_610, %mul3A_611 : vector<16xf32>
        %add3A_613 = arith.addf %add3A_612, %get3A_590 : vector<16xf32>
        %max3A_614 = arith.constant 0.000000e+00 : f32
        %max3A_615 = vector.broadcast %max3A_614 : f32 to vector<16xf32>
        %max3A_616 = arith.maximumf %add3A_613, %max3A_615 : vector<16xf32>
        %mul3A_617 = arith.mulf %max3A_616, %get3A_592 : vector<16xf32>
        %add3A_618 = arith.addf %add3A_554, %mul3A_617 : vector<16xf32>
        %mul3A_619 = arith.mulf %add3A_478, %get3A_582 : vector<16xf32>
        %mul3A_620 = arith.mulf %sub3A_481, %get3A_584 : vector<16xf32>
        %add3A_621 = arith.addf %mul3A_619, %mul3A_620 : vector<16xf32>
        %mul3A_622 = arith.mulf %add3A_484, %get3A_586 : vector<16xf32>
        %add3A_623 = arith.addf %add3A_621, %mul3A_622 : vector<16xf32>
        %mul3A_624 = arith.mulf %sub3A_487, %get3A_588 : vector<16xf32>
        %add3A_625 = arith.addf %add3A_623, %mul3A_624 : vector<16xf32>
        %add3A_626 = arith.addf %add3A_625, %get3A_590 : vector<16xf32>
        %max3A_627 = arith.constant 0.000000e+00 : f32
        %max3A_628 = vector.broadcast %max3A_627 : f32 to vector<16xf32>
        %max3A_629 = arith.maximumf %add3A_626, %max3A_628 : vector<16xf32>
        %mul3A_630 = arith.mulf %max3A_629, %get3A_592 : vector<16xf32>
        %add3A_631 = arith.addf %add3A_567, %mul3A_630 : vector<16xf32>
        %mul3A_632 = arith.mulf %add3A_508, %get3A_582 : vector<16xf32>
        %mul3A_633 = arith.mulf %sub3A_511, %get3A_584 : vector<16xf32>
        %add3A_634 = arith.addf %mul3A_632, %mul3A_633 : vector<16xf32>
        %mul3A_635 = arith.mulf %add3A_514, %get3A_586 : vector<16xf32>
        %add3A_636 = arith.addf %add3A_634, %mul3A_635 : vector<16xf32>
        %mul3A_637 = arith.mulf %sub3A_517, %get3A_588 : vector<16xf32>
        %add3A_638 = arith.addf %add3A_636, %mul3A_637 : vector<16xf32>
        %add3A_639 = arith.addf %add3A_638, %get3A_590 : vector<16xf32>
        %max3A_640 = arith.constant 0.000000e+00 : f32
        %max3A_641 = vector.broadcast %max3A_640 : f32 to vector<16xf32>
        %max3A_642 = arith.maximumf %add3A_639, %max3A_641 : vector<16xf32>
        %mul3A_643 = arith.mulf %max3A_642, %get3A_592 : vector<16xf32>
        %add3A_644 = arith.addf %add3A_580, %mul3A_643 : vector<16xf32>
        %get3A_645 = arith.constant 32 : index
        %get3A_646 = tpu.vector_load %arg15[%get3A_645] {strides = array<i32>} : memref<1552xf32, #tpu.memory_space<vmem>>, vector<16xf32>,
        %get3A_647 = arith.constant 288 : index
        %get3A_648 = tpu.vector_load %arg15[%get3A_647] {strides = array<i32>} : memref<1552xf32, #tpu.memory_space<vmem>>, vector<16xf32>,
        %get3A_649 = arith.constant 544 : index
        %get3A_650 = tpu.vector_load %arg15[%get3A_649] {strides = array<i32>} : memref<1552xf32, #tpu.memory_space<vmem>>, vector<16xf32>,
        %get3A_651 = arith.constant 800 : index
        %get3A_652 = tpu.vector_load %arg15[%get3A_651] {strides = array<i32>} : memref<1552xf32, #tpu.memory_space<vmem>>, vector<16xf32>,
        %get3A_653 = arith.constant 1056 : index
        %get3A_654 = tpu.vector_load %arg15[%get3A_653] {strides = array<i32>} : memref<1552xf32, #tpu.memory_space<vmem>>, vector<16xf32>,
        %get3A_655 = arith.constant 1312 : index
        %get3A_656 = tpu.vector_load %arg15[%get3A_655] {strides = array<i32>} : memref<1552xf32, #tpu.memory_space<vmem>>, vector<16xf32>,
        %mul3A_657 = arith.mulf %add3A_418, %get3A_646 : vector<16xf32>
        %mul3A_658 = arith.mulf %sub3A_421, %get3A_648 : vector<16xf32>
        %add3A_659 = arith.addf %mul3A_657, %mul3A_658 : vector<16xf32>
        %mul3A_660 = arith.mulf %add3A_424, %get3A_650 : vector<16xf32>
        %add3A_661 = arith.addf %add3A_659, %mul3A_660 : vector<16xf32>
        %mul3A_662 = arith.mulf %sub3A_427, %get3A_652 : vector<16xf32>
        %add3A_663 = arith.addf %add3A_661, %mul3A_662 : vector<16xf32>
        %add3A_664 = arith.addf %add3A_663, %get3A_654 : vector<16xf32>
        %max3A_665 = arith.constant 0.000000e+00 : f32
        %max3A_666 = vector.broadcast %max3A_665 : f32 to vector<16xf32>
        %max3A_667 = arith.maximumf %add3A_664, %max3A_666 : vector<16xf32>
        %mul3A_668 = arith.mulf %max3A_667, %get3A_656 : vector<16xf32>
        %add3A_669 = arith.addf %add3A_605, %mul3A_668 : vector<16xf32>
        %mul3A_670 = arith.mulf %add3A_448, %get3A_646 : vector<16xf32>
        %mul3A_671 = arith.mulf %sub3A_451, %get3A_648 : vector<16xf32>
        %add3A_672 = arith.addf %mul3A_670, %mul3A_671 : vector<16xf32>
        %mul3A_673 = arith.mulf %add3A_454, %get3A_650 : vector<16xf32>
        %add3A_674 = arith.addf %add3A_672, %mul3A_673 : vector<16xf32>
        %mul3A_675 = arith.mulf %sub3A_457, %get3A_652 : vector<16xf32>
        %add3A_676 = arith.addf %add3A_674, %mul3A_675 : vector<16xf32>
        %add3A_677 = arith.addf %add3A_676, %get3A_654 : vector<16xf32>
        %max3A_678 = arith.constant 0.000000e+00 : f32
        %max3A_679 = vector.broadcast %max3A_678 : f32 to vector<16xf32>
        %max3A_680 = arith.maximumf %add3A_677, %max3A_679 : vector<16xf32>
        %mul3A_681 = arith.mulf %max3A_680, %get3A_656 : vector<16xf32>
        %add3A_682 = arith.addf %add3A_618, %mul3A_681 : vector<16xf32>
        %mul3A_683 = arith.mulf %add3A_478, %get3A_646 : vector<16xf32>
        %mul3A_684 = arith.mulf %sub3A_481, %get3A_648 : vector<16xf32>
        %add3A_685 = arith.addf %mul3A_683, %mul3A_684 : vector<16xf32>
        %mul3A_686 = arith.mulf %add3A_484, %get3A_650 : vector<16xf32>
        %add3A_687 = arith.addf %add3A_685, %mul3A_686 : vector<16xf32>
        %mul3A_688 = arith.mulf %sub3A_487, %get3A_652 : vector<16xf32>
        %add3A_689 = arith.addf %add3A_687, %mul3A_688 : vector<16xf32>
        %add3A_690 = arith.addf %add3A_689, %get3A_654 : vector<16xf32>
        %max3A_691 = arith.constant 0.000000e+00 : f32
        %max3A_692 = vector.broadcast %max3A_691 : f32 to vector<16xf32>
        %max3A_693 = arith.maximumf %add3A_690, %max3A_692 : vector<16xf32>
        %mul3A_694 = arith.mulf %max3A_693, %get3A_656 : vector<16xf32>
        %add3A_695 = arith.addf %add3A_631, %mul3A_694 : vector<16xf32>
        %mul3A_696 = arith.mulf %add3A_508, %get3A_646 : vector<16xf32>
        %mul3A_697 = arith.mulf %sub3A_511, %get3A_648 : vector<16xf32>
        %add3A_698 = arith.addf %mul3A_696, %mul3A_697 : vector<16xf32>
        %mul3A_699 = arith.mulf %add3A_514, %get3A_650 : vector<16xf32>
        %add3A_700 = arith.addf %add3A_698, %mul3A_699 : vector<16xf32>
        %mul3A_701 = arith.mulf %sub3A_517, %get3A_652 : vector<16xf32>
        %add3A_702 = arith.addf %add3A_700, %mul3A_701 : vector<16xf32>
        %add3A_703 = arith.addf %add3A_702, %get3A_654 : vector<16xf32>
        %max3A_704 = arith.constant 0.000000e+00 : f32
        %max3A_705 = vector.broadcast %max3A_704 : f32 to vector<16xf32>
        %max3A_706 = arith.maximumf %add3A_703, %max3A_705 : vector<16xf32>
        %mul3A_707 = arith.mulf %max3A_706, %get3A_656 : vector<16xf32>
        %add3A_708 = arith.addf %add3A_644, %mul3A_707 : vector<16xf32>
        %get3A_709 = arith.constant 48 : index
        %get3A_710 = tpu.vector_load %arg15[%get3A_709] {strides = array<i32>} : memref<1552xf32, #tpu.memory_space<vmem>>, vector<16xf32>,
        %get3A_711 = arith.constant 304 : index
        %get3A_712 = tpu.vector_load %arg15[%get3A_711] {strides = array<i32>} : memref<1552xf32, #tpu.memory_space<vmem>>, vector<16xf32>,
        %get3A_713 = arith.constant 560 : index
        %get3A_714 = tpu.vector_load %arg15[%get3A_713] {strides = array<i32>} : memref<1552xf32, #tpu.memory_space<vmem>>, vector<16xf32>,
        %get3A_715 = arith.constant 816 : index
        %get3A_716 = tpu.vector_load %arg15[%get3A_715] {strides = array<i32>} : memref<1552xf32, #tpu.memory_space<vmem>>, vector<16xf32>,
        %get3A_717 = arith.constant 1072 : index
        %get3A_718 = tpu.vector_load %arg15[%get3A_717] {strides = array<i32>} : memref<1552xf32, #tpu.memory_space<vmem>>, vector<16xf32>,
        %get3A_719 = arith.constant 1328 : index
        %get3A_720 = tpu.vector_load %arg15[%get3A_719] {strides = array<i32>} : memref<1552xf32, #tpu.memory_space<vmem>>, vector<16xf32>,
        %mul3A_721 = arith.mulf %add3A_418, %get3A_710 : vector<16xf32>
        %mul3A_722 = arith.mulf %sub3A_421, %get3A_712 : vector<16xf32>
        %add3A_723 = arith.addf %mul3A_721, %mul3A_722 : vector<16xf32>
        %mul3A_724 = arith.mulf %add3A_424, %get3A_714 : vector<16xf32>
        %add3A_725 = arith.addf %add3A_723, %mul3A_724 : vector<16xf32>
        %mul3A_726 = arith.mulf %sub3A_427, %get3A_716 : vector<16xf32>
        %add3A_727 = arith.addf %add3A_725, %mul3A_726 : vector<16xf32>
        %add3A_728 = arith.addf %add3A_727, %get3A_718 : vector<16xf32>
        %max3A_729 = arith.constant 0.000000e+00 : f32
        %max3A_730 = vector.broadcast %max3A_729 : f32 to vector<16xf32>
        %max3A_731 = arith.maximumf %add3A_728, %max3A_730 : vector<16xf32>
        %mul3A_732 = arith.mulf %max3A_731, %get3A_720 : vector<16xf32>
        %add3A_733 = arith.addf %add3A_669, %mul3A_732 : vector<16xf32>
        %mul3A_734 = arith.mulf %add3A_448, %get3A_710 : vector<16xf32>
        %mul3A_735 = arith.mulf %sub3A_451, %get3A_712 : vector<16xf32>
        %add3A_736 = arith.addf %mul3A_734, %mul3A_735 : vector<16xf32>
        %mul3A_737 = arith.mulf %add3A_454, %get3A_714 : vector<16xf32>
        %add3A_738 = arith.addf %add3A_736, %mul3A_737 : vector<16xf32>
        %mul3A_739 = arith.mulf %sub3A_457, %get3A_716 : vector<16xf32>
        %add3A_740 = arith.addf %add3A_738, %mul3A_739 : vector<16xf32>
        %add3A_741 = arith.addf %add3A_740, %get3A_718 : vector<16xf32>
        %max3A_742 = arith.constant 0.000000e+00 : f32
        %max3A_743 = vector.broadcast %max3A_742 : f32 to vector<16xf32>
        %max3A_744 = arith.maximumf %add3A_741, %max3A_743 : vector<16xf32>
        %mul3A_745 = arith.mulf %max3A_744, %get3A_720 : vector<16xf32>
        %add3A_746 = arith.addf %add3A_682, %mul3A_745 : vector<16xf32>
        %mul3A_747 = arith.mulf %add3A_478, %get3A_710 : vector<16xf32>
        %mul3A_748 = arith.mulf %sub3A_481, %get3A_712 : vector<16xf32>
        %add3A_749 = arith.addf %mul3A_747, %mul3A_748 : vector<16xf32>
        %mul3A_750 = arith.mulf %add3A_484, %get3A_714 : vector<16xf32>
        %add3A_751 = arith.addf %add3A_749, %mul3A_750 : vector<16xf32>
        %mul3A_752 = arith.mulf %sub3A_487, %get3A_716 : vector<16xf32>
        %add3A_753 = arith.addf %add3A_751, %mul3A_752 : vector<16xf32>
        %add3A_754 = arith.addf %add3A_753, %get3A_718 : vector<16xf32>
        %max3A_755 = arith.constant 0.000000e+00 : f32
        %max3A_756 = vector.broadcast %max3A_755 : f32 to vector<16xf32>
        %max3A_757 = arith.maximumf %add3A_754, %max3A_756 : vector<16xf32>
        %mul3A_758 = arith.mulf %max3A_757, %get3A_720 : vector<16xf32>
        %add3A_759 = arith.addf %add3A_695, %mul3A_758 : vector<16xf32>
        %mul3A_760 = arith.mulf %add3A_508, %get3A_710 : vector<16xf32>
        %mul3A_761 = arith.mulf %sub3A_511, %get3A_712 : vector<16xf32>
        %add3A_762 = arith.addf %mul3A_760, %mul3A_761 : vector<16xf32>
        %mul3A_763 = arith.mulf %add3A_514, %get3A_714 : vector<16xf32>
        %add3A_764 = arith.addf %add3A_762, %mul3A_763 : vector<16xf32>
        %mul3A_765 = arith.mulf %sub3A_517, %get3A_716 : vector<16xf32>
        %add3A_766 = arith.addf %add3A_764, %mul3A_765 : vector<16xf32>
        %add3A_767 = arith.addf %add3A_766, %get3A_718 : vector<16xf32>
        %max3A_768 = arith.constant 0.000000e+00 : f32
        %max3A_769 = vector.broadcast %max3A_768 : f32 to vector<16xf32>
        %max3A_770 = arith.maximumf %add3A_767, %max3A_769 : vector<16xf32>
        %mul3A_771 = arith.mulf %max3A_770, %get3A_720 : vector<16xf32>
        %add3A_772 = arith.addf %add3A_708, %mul3A_771 : vector<16xf32>
        %get3A_773 = arith.constant 64 : index
        %get3A_774 = tpu.vector_load %arg15[%get3A_773] {strides = array<i32>} : memref<1552xf32, #tpu.memory_space<vmem>>, vector<16xf32>,
        %get3A_775 = arith.constant 320 : index
        %get3A_776 = tpu.vector_load %arg15[%get3A_775] {strides = array<i32>} : memref<1552xf32, #tpu.memory_space<vmem>>, vector<16xf32>,
        %get3A_777 = arith.constant 576 : index
        %get3A_778 = tpu.vector_load %arg15[%get3A_777] {strides = array<i32>} : memref<1552xf32, #tpu.memory_space<vmem>>, vector<16xf32>,
        %get3A_779 = arith.constant 832 : index
        %get3A_780 = tpu.vector_load %arg15[%get3A_779] {strides = array<i32>} : memref<1552xf32, #tpu.memory_space<vmem>>, vector<16xf32>,
        %get3A_781 = arith.constant 1088 : index
        %get3A_782 = tpu.vector_load %arg15[%get3A_781] {strides = array<i32>} : memref<1552xf32, #tpu.memory_space<vmem>>, vector<16xf32>,
        %get3A_783 = arith.constant 1344 : index
        %get3A_784 = tpu.vector_load %arg15[%get3A_783] {strides = array<i32>} : memref<1552xf32, #tpu.memory_space<vmem>>, vector<16xf32>,
        %mul3A_785 = arith.mulf %add3A_418, %get3A_774 : vector<16xf32>
        %mul3A_786 = arith.mulf %sub3A_421, %get3A_776 : vector<16xf32>
        %add3A_787 = arith.addf %mul3A_785, %mul3A_786 : vector<16xf32>
        %mul3A_788 = arith.mulf %add3A_424, %get3A_778 : vector<16xf32>
        %add3A_789 = arith.addf %add3A_787, %mul3A_788 : vector<16xf32>
        %mul3A_790 = arith.mulf %sub3A_427, %get3A_780 : vector<16xf32>
        %add3A_791 = arith.addf %add3A_789, %mul3A_790 : vector<16xf32>
        %add3A_792 = arith.addf %add3A_791, %get3A_782 : vector<16xf32>
        %max3A_793 = arith.constant 0.000000e+00 : f32
        %max3A_794 = vector.broadcast %max3A_793 : f32 to vector<16xf32>
        %max3A_795 = arith.maximumf %add3A_792, %max3A_794 : vector<16xf32>
        %mul3A_796 = arith.mulf %max3A_795, %get3A_784 : vector<16xf32>
        %add3A_797 = arith.addf %add3A_733, %mul3A_796 : vector<16xf32>
        %mul3A_798 = arith.mulf %add3A_448, %get3A_774 : vector<16xf32>
        %mul3A_799 = arith.mulf %sub3A_451, %get3A_776 : vector<16xf32>
        %add3A_800 = arith.addf %mul3A_798, %mul3A_799 : vector<16xf32>
        %mul3A_801 = arith.mulf %add3A_454, %get3A_778 : vector<16xf32>
        %add3A_802 = arith.addf %add3A_800, %mul3A_801 : vector<16xf32>
        %mul3A_803 = arith.mulf %sub3A_457, %get3A_780 : vector<16xf32>
        %add3A_804 = arith.addf %add3A_802, %mul3A_803 : vector<16xf32>
        %add3A_805 = arith.addf %add3A_804, %get3A_782 : vector<16xf32>
        %max3A_806 = arith.constant 0.000000e+00 : f32
        %max3A_807 = vector.broadcast %max3A_806 : f32 to vector<16xf32>
        %max3A_808 = arith.maximumf %add3A_805, %max3A_807 : vector<16xf32>
        %mul3A_809 = arith.mulf %max3A_808, %get3A_784 : vector<16xf32>
        %add3A_810 = arith.addf %add3A_746, %mul3A_809 : vector<16xf32>
        %mul3A_811 = arith.mulf %add3A_478, %get3A_774 : vector<16xf32>
        %mul3A_812 = arith.mulf %sub3A_481, %get3A_776 : vector<16xf32>
        %add3A_813 = arith.addf %mul3A_811, %mul3A_812 : vector<16xf32>
        %mul3A_814 = arith.mulf %add3A_484, %get3A_778 : vector<16xf32>
        %add3A_815 = arith.addf %add3A_813, %mul3A_814 : vector<16xf32>
        %mul3A_816 = arith.mulf %sub3A_487, %get3A_780 : vector<16xf32>
        %add3A_817 = arith.addf %add3A_815, %mul3A_816 : vector<16xf32>
        %add3A_818 = arith.addf %add3A_817, %get3A_782 : vector<16xf32>
        %max3A_819 = arith.constant 0.000000e+00 : f32
        %max3A_820 = vector.broadcast %max3A_819 : f32 to vector<16xf32>
        %max3A_821 = arith.maximumf %add3A_818, %max3A_820 : vector<16xf32>
        %mul3A_822 = arith.mulf %max3A_821, %get3A_784 : vector<16xf32>
        %add3A_823 = arith.addf %add3A_759, %mul3A_822 : vector<16xf32>
        %mul3A_824 = arith.mulf %add3A_508, %get3A_774 : vector<16xf32>
        %mul3A_825 = arith.mulf %sub3A_511, %get3A_776 : vector<16xf32>
        %add3A_826 = arith.addf %mul3A_824, %mul3A_825 : vector<16xf32>
        %mul3A_827 = arith.mulf %add3A_514, %get3A_778 : vector<16xf32>
        %add3A_828 = arith.addf %add3A_826, %mul3A_827 : vector<16xf32>
        %mul3A_829 = arith.mulf %sub3A_517, %get3A_780 : vector<16xf32>
        %add3A_830 = arith.addf %add3A_828, %mul3A_829 : vector<16xf32>
        %add3A_831 = arith.addf %add3A_830, %get3A_782 : vector<16xf32>
        %max3A_832 = arith.constant 0.000000e+00 : f32
        %max3A_833 = vector.broadcast %max3A_832 : f32 to vector<16xf32>
        %max3A_834 = arith.maximumf %add3A_831, %max3A_833 : vector<16xf32>
        %mul3A_835 = arith.mulf %max3A_834, %get3A_784 : vector<16xf32>
        %add3A_836 = arith.addf %add3A_772, %mul3A_835 : vector<16xf32>
        %get3A_837 = arith.constant 80 : index
        %get3A_838 = tpu.vector_load %arg15[%get3A_837] {strides = array<i32>} : memref<1552xf32, #tpu.memory_space<vmem>>, vector<16xf32>,
        %get3A_839 = arith.constant 336 : index
        %get3A_840 = tpu.vector_load %arg15[%get3A_839] {strides = array<i32>} : memref<1552xf32, #tpu.memory_space<vmem>>, vector<16xf32>,
        %get3A_841 = arith.constant 592 : index
        %get3A_842 = tpu.vector_load %arg15[%get3A_841] {strides = array<i32>} : memref<1552xf32, #tpu.memory_space<vmem>>, vector<16xf32>,
        %get3A_843 = arith.constant 848 : index
        %get3A_844 = tpu.vector_load %arg15[%get3A_843] {strides = array<i32>} : memref<1552xf32, #tpu.memory_space<vmem>>, vector<16xf32>,
        %get3A_845 = arith.constant 1104 : index
        %get3A_846 = tpu.vector_load %arg15[%get3A_845] {strides = array<i32>} : memref<1552xf32, #tpu.memory_space<vmem>>, vector<16xf32>,
        %get3A_847 = arith.constant 1360 : index
        %get3A_848 = tpu.vector_load %arg15[%get3A_847] {strides = array<i32>} : memref<1552xf32, #tpu.memory_space<vmem>>, vector<16xf32>,
        %mul3A_849 = arith.mulf %add3A_418, %get3A_838 : vector<16xf32>
        %mul3A_850 = arith.mulf %sub3A_421, %get3A_840 : vector<16xf32>
        %add3A_851 = arith.addf %mul3A_849, %mul3A_850 : vector<16xf32>
        %mul3A_852 = arith.mulf %add3A_424, %get3A_842 : vector<16xf32>
        %add3A_853 = arith.addf %add3A_851, %mul3A_852 : vector<16xf32>
        %mul3A_854 = arith.mulf %sub3A_427, %get3A_844 : vector<16xf32>
        %add3A_855 = arith.addf %add3A_853, %mul3A_854 : vector<16xf32>
        %add3A_856 = arith.addf %add3A_855, %get3A_846 : vector<16xf32>
        %max3A_857 = arith.constant 0.000000e+00 : f32
        %max3A_858 = vector.broadcast %max3A_857 : f32 to vector<16xf32>
        %max3A_859 = arith.maximumf %add3A_856, %max3A_858 : vector<16xf32>
        %mul3A_860 = arith.mulf %max3A_859, %get3A_848 : vector<16xf32>
        %add3A_861 = arith.addf %add3A_797, %mul3A_860 : vector<16xf32>
        %mul3A_862 = arith.mulf %add3A_448, %get3A_838 : vector<16xf32>
        %mul3A_863 = arith.mulf %sub3A_451, %get3A_840 : vector<16xf32>
        %add3A_864 = arith.addf %mul3A_862, %mul3A_863 : vector<16xf32>
        %mul3A_865 = arith.mulf %add3A_454, %get3A_842 : vector<16xf32>
        %add3A_866 = arith.addf %add3A_864, %mul3A_865 : vector<16xf32>
        %mul3A_867 = arith.mulf %sub3A_457, %get3A_844 : vector<16xf32>
        %add3A_868 = arith.addf %add3A_866, %mul3A_867 : vector<16xf32>
        %add3A_869 = arith.addf %add3A_868, %get3A_846 : vector<16xf32>
        %max3A_870 = arith.constant 0.000000e+00 : f32
        %max3A_871 = vector.broadcast %max3A_870 : f32 to vector<16xf32>
        %max3A_872 = arith.maximumf %add3A_869, %max3A_871 : vector<16xf32>
        %mul3A_873 = arith.mulf %max3A_872, %get3A_848 : vector<16xf32>
        %add3A_874 = arith.addf %add3A_810, %mul3A_873 : vector<16xf32>
        %mul3A_875 = arith.mulf %add3A_478, %get3A_838 : vector<16xf32>
        %mul3A_876 = arith.mulf %sub3A_481, %get3A_840 : vector<16xf32>
        %add3A_877 = arith.addf %mul3A_875, %mul3A_876 : vector<16xf32>
        %mul3A_878 = arith.mulf %add3A_484, %get3A_842 : vector<16xf32>
        %add3A_879 = arith.addf %add3A_877, %mul3A_878 : vector<16xf32>
        %mul3A_880 = arith.mulf %sub3A_487, %get3A_844 : vector<16xf32>
        %add3A_881 = arith.addf %add3A_879, %mul3A_880 : vector<16xf32>
        %add3A_882 = arith.addf %add3A_881, %get3A_846 : vector<16xf32>
        %max3A_883 = arith.constant 0.000000e+00 : f32
        %max3A_884 = vector.broadcast %max3A_883 : f32 to vector<16xf32>
        %max3A_885 = arith.maximumf %add3A_882, %max3A_884 : vector<16xf32>
        %mul3A_886 = arith.mulf %max3A_885, %get3A_848 : vector<16xf32>
        %add3A_887 = arith.addf %add3A_823, %mul3A_886 : vector<16xf32>
        %mul3A_888 = arith.mulf %add3A_508, %get3A_838 : vector<16xf32>
        %mul3A_889 = arith.mulf %sub3A_511, %get3A_840 : vector<16xf32>
        %add3A_890 = arith.addf %mul3A_888, %mul3A_889 : vector<16xf32>
        %mul3A_891 = arith.mulf %add3A_514, %get3A_842 : vector<16xf32>
        %add3A_892 = arith.addf %add3A_890, %mul3A_891 : vector<16xf32>
        %mul3A_893 = arith.mulf %sub3A_517, %get3A_844 : vector<16xf32>
        %add3A_894 = arith.addf %add3A_892, %mul3A_893 : vector<16xf32>
        %add3A_895 = arith.addf %add3A_894, %get3A_846 : vector<16xf32>
        %max3A_896 = arith.constant 0.000000e+00 : f32
        %max3A_897 = vector.broadcast %max3A_896 : f32 to vector<16xf32>
        %max3A_898 = arith.maximumf %add3A_895, %max3A_897 : vector<16xf32>
        %mul3A_899 = arith.mulf %max3A_898, %get3A_848 : vector<16xf32>
        %add3A_900 = arith.addf %add3A_836, %mul3A_899 : vector<16xf32>
        %get3A_901 = arith.constant 96 : index
        %get3A_902 = tpu.vector_load %arg15[%get3A_901] {strides = array<i32>} : memref<1552xf32, #tpu.memory_space<vmem>>, vector<16xf32>,
        %get3A_903 = arith.constant 352 : index
        %get3A_904 = tpu.vector_load %arg15[%get3A_903] {strides = array<i32>} : memref<1552xf32, #tpu.memory_space<vmem>>, vector<16xf32>,
        %get3A_905 = arith.constant 608 : index
        %get3A_906 = tpu.vector_load %arg15[%get3A_905] {strides = array<i32>} : memref<1552xf32, #tpu.memory_space<vmem>>, vector<16xf32>,
        %get3A_907 = arith.constant 864 : index
        %get3A_908 = tpu.vector_load %arg15[%get3A_907] {strides = array<i32>} : memref<1552xf32, #tpu.memory_space<vmem>>, vector<16xf32>,
        %get3A_909 = arith.constant 1120 : index
        %get3A_910 = tpu.vector_load %arg15[%get3A_909] {strides = array<i32>} : memref<1552xf32, #tpu.memory_space<vmem>>, vector<16xf32>,
        %get3A_911 = arith.constant 1376 : index
        %get3A_912 = tpu.vector_load %arg15[%get3A_911] {strides = array<i32>} : memref<1552xf32, #tpu.memory_space<vmem>>, vector<16xf32>,
        %mul3A_913 = arith.mulf %add3A_418, %get3A_902 : vector<16xf32>
        %mul3A_914 = arith.mulf %sub3A_421, %get3A_904 : vector<16xf32>
        %add3A_915 = arith.addf %mul3A_913, %mul3A_914 : vector<16xf32>
        %mul3A_916 = arith.mulf %add3A_424, %get3A_906 : vector<16xf32>
        %add3A_917 = arith.addf %add3A_915, %mul3A_916 : vector<16xf32>
        %mul3A_918 = arith.mulf %sub3A_427, %get3A_908 : vector<16xf32>
        %add3A_919 = arith.addf %add3A_917, %mul3A_918 : vector<16xf32>
        %add3A_920 = arith.addf %add3A_919, %get3A_910 : vector<16xf32>
        %max3A_921 = arith.constant 0.000000e+00 : f32
        %max3A_922 = vector.broadcast %max3A_921 : f32 to vector<16xf32>
        %max3A_923 = arith.maximumf %add3A_920, %max3A_922 : vector<16xf32>
        %mul3A_924 = arith.mulf %max3A_923, %get3A_912 : vector<16xf32>
        %add3A_925 = arith.addf %add3A_861, %mul3A_924 : vector<16xf32>
        %mul3A_926 = arith.mulf %add3A_448, %get3A_902 : vector<16xf32>
        %mul3A_927 = arith.mulf %sub3A_451, %get3A_904 : vector<16xf32>
        %add3A_928 = arith.addf %mul3A_926, %mul3A_927 : vector<16xf32>
        %mul3A_929 = arith.mulf %add3A_454, %get3A_906 : vector<16xf32>
        %add3A_930 = arith.addf %add3A_928, %mul3A_929 : vector<16xf32>
        %mul3A_931 = arith.mulf %sub3A_457, %get3A_908 : vector<16xf32>
        %add3A_932 = arith.addf %add3A_930, %mul3A_931 : vector<16xf32>
        %add3A_933 = arith.addf %add3A_932, %get3A_910 : vector<16xf32>
        %max3A_934 = arith.constant 0.000000e+00 : f32
        %max3A_935 = vector.broadcast %max3A_934 : f32 to vector<16xf32>
        %max3A_936 = arith.maximumf %add3A_933, %max3A_935 : vector<16xf32>
        %mul3A_937 = arith.mulf %max3A_936, %get3A_912 : vector<16xf32>
        %add3A_938 = arith.addf %add3A_874, %mul3A_937 : vector<16xf32>
        %mul3A_939 = arith.mulf %add3A_478, %get3A_902 : vector<16xf32>
        %mul3A_940 = arith.mulf %sub3A_481, %get3A_904 : vector<16xf32>
        %add3A_941 = arith.addf %mul3A_939, %mul3A_940 : vector<16xf32>
        %mul3A_942 = arith.mulf %add3A_484, %get3A_906 : vector<16xf32>
        %add3A_943 = arith.addf %add3A_941, %mul3A_942 : vector<16xf32>
        %mul3A_944 = arith.mulf %sub3A_487, %get3A_908 : vector<16xf32>
        %add3A_945 = arith.addf %add3A_943, %mul3A_944 : vector<16xf32>
        %add3A_946 = arith.addf %add3A_945, %get3A_910 : vector<16xf32>
        %max3A_947 = arith.constant 0.000000e+00 : f32
        %max3A_948 = vector.broadcast %max3A_947 : f32 to vector<16xf32>
        %max3A_949 = arith.maximumf %add3A_946, %max3A_948 : vector<16xf32>
        %mul3A_950 = arith.mulf %max3A_949, %get3A_912 : vector<16xf32>
        %add3A_951 = arith.addf %add3A_887, %mul3A_950 : vector<16xf32>
        %mul3A_952 = arith.mulf %add3A_508, %get3A_902 : vector<16xf32>
        %mul3A_953 = arith.mulf %sub3A_511, %get3A_904 : vector<16xf32>
        %add3A_954 = arith.addf %mul3A_952, %mul3A_953 : vector<16xf32>
        %mul3A_955 = arith.mulf %add3A_514, %get3A_906 : vector<16xf32>
        %add3A_956 = arith.addf %add3A_954, %mul3A_955 : vector<16xf32>
        %mul3A_957 = arith.mulf %sub3A_517, %get3A_908 : vector<16xf32>
        %add3A_958 = arith.addf %add3A_956, %mul3A_957 : vector<16xf32>
        %add3A_959 = arith.addf %add3A_958, %get3A_910 : vector<16xf32>
        %max3A_960 = arith.constant 0.000000e+00 : f32
        %max3A_961 = vector.broadcast %max3A_960 : f32 to vector<16xf32>
        %max3A_962 = arith.maximumf %add3A_959, %max3A_961 : vector<16xf32>
        %mul3A_963 = arith.mulf %max3A_962, %get3A_912 : vector<16xf32>
        %add3A_964 = arith.addf %add3A_900, %mul3A_963 : vector<16xf32>
        %get3A_965 = arith.constant 112 : index
        %get3A_966 = tpu.vector_load %arg15[%get3A_965] {strides = array<i32>} : memref<1552xf32, #tpu.memory_space<vmem>>, vector<16xf32>,
        %get3A_967 = arith.constant 368 : index
        %get3A_968 = tpu.vector_load %arg15[%get3A_967] {strides = array<i32>} : memref<1552xf32, #tpu.memory_space<vmem>>, vector<16xf32>,
        %get3A_969 = arith.constant 624 : index
        %get3A_970 = tpu.vector_load %arg15[%get3A_969] {strides = array<i32>} : memref<1552xf32, #tpu.memory_space<vmem>>, vector<16xf32>,
        %get3A_971 = arith.constant 880 : index
        %get3A_972 = tpu.vector_load %arg15[%get3A_971] {strides = array<i32>} : memref<1552xf32, #tpu.memory_space<vmem>>, vector<16xf32>,
        %get3A_973 = arith.constant 1136 : index
        %get3A_974 = tpu.vector_load %arg15[%get3A_973] {strides = array<i32>} : memref<1552xf32, #tpu.memory_space<vmem>>, vector<16xf32>,
        %get3A_975 = arith.constant 1392 : index
        %get3A_976 = tpu.vector_load %arg15[%get3A_975] {strides = array<i32>} : memref<1552xf32, #tpu.memory_space<vmem>>, vector<16xf32>,
        %mul3A_977 = arith.mulf %add3A_418, %get3A_966 : vector<16xf32>
        %mul3A_978 = arith.mulf %sub3A_421, %get3A_968 : vector<16xf32>
        %add3A_979 = arith.addf %mul3A_977, %mul3A_978 : vector<16xf32>
        %mul3A_980 = arith.mulf %add3A_424, %get3A_970 : vector<16xf32>
        %add3A_981 = arith.addf %add3A_979, %mul3A_980 : vector<16xf32>
        %mul3A_982 = arith.mulf %sub3A_427, %get3A_972 : vector<16xf32>
        %add3A_983 = arith.addf %add3A_981, %mul3A_982 : vector<16xf32>
        %add3A_984 = arith.addf %add3A_983, %get3A_974 : vector<16xf32>
        %max3A_985 = arith.constant 0.000000e+00 : f32
        %max3A_986 = vector.broadcast %max3A_985 : f32 to vector<16xf32>
        %max3A_987 = arith.maximumf %add3A_984, %max3A_986 : vector<16xf32>
        %mul3A_988 = arith.mulf %max3A_987, %get3A_976 : vector<16xf32>
        %add3A_989 = arith.addf %add3A_925, %mul3A_988 : vector<16xf32>
        %mul3A_990 = arith.mulf %add3A_448, %get3A_966 : vector<16xf32>
        %mul3A_991 = arith.mulf %sub3A_451, %get3A_968 : vector<16xf32>
        %add3A_992 = arith.addf %mul3A_990, %mul3A_991 : vector<16xf32>
        %mul3A_993 = arith.mulf %add3A_454, %get3A_970 : vector<16xf32>
        %add3A_994 = arith.addf %add3A_992, %mul3A_993 : vector<16xf32>
        %mul3A_995 = arith.mulf %sub3A_457, %get3A_972 : vector<16xf32>
        %add3A_996 = arith.addf %add3A_994, %mul3A_995 : vector<16xf32>
        %add3A_997 = arith.addf %add3A_996, %get3A_974 : vector<16xf32>
        %max3A_998 = arith.constant 0.000000e+00 : f32
        %max3A_999 = vector.broadcast %max3A_998 : f32 to vector<16xf32>
        %max3A_1000 = arith.maximumf %add3A_997, %max3A_999 : vector<16xf32>
        %mul3A_1001 = arith.mulf %max3A_1000, %get3A_976 : vector<16xf32>
        %add3A_1002 = arith.addf %add3A_938, %mul3A_1001 : vector<16xf32>
        %mul3A_1003 = arith.mulf %add3A_478, %get3A_966 : vector<16xf32>
        %mul3A_1004 = arith.mulf %sub3A_481, %get3A_968 : vector<16xf32>
        %add3A_1005 = arith.addf %mul3A_1003, %mul3A_1004 : vector<16xf32>
        %mul3A_1006 = arith.mulf %add3A_484, %get3A_970 : vector<16xf32>
        %add3A_1007 = arith.addf %add3A_1005, %mul3A_1006 : vector<16xf32>
        %mul3A_1008 = arith.mulf %sub3A_487, %get3A_972 : vector<16xf32>
        %add3A_1009 = arith.addf %add3A_1007, %mul3A_1008 : vector<16xf32>
        %add3A_1010 = arith.addf %add3A_1009, %get3A_974 : vector<16xf32>
        %max3A_1011 = arith.constant 0.000000e+00 : f32
        %max3A_1012 = vector.broadcast %max3A_1011 : f32 to vector<16xf32>
        %max3A_1013 = arith.maximumf %add3A_1010, %max3A_1012 : vector<16xf32>
        %mul3A_1014 = arith.mulf %max3A_1013, %get3A_976 : vector<16xf32>
        %add3A_1015 = arith.addf %add3A_951, %mul3A_1014 : vector<16xf32>
        %mul3A_1016 = arith.mulf %add3A_508, %get3A_966 : vector<16xf32>
        %mul3A_1017 = arith.mulf %sub3A_511, %get3A_968 : vector<16xf32>
        %add3A_1018 = arith.addf %mul3A_1016, %mul3A_1017 : vector<16xf32>
        %mul3A_1019 = arith.mulf %add3A_514, %get3A_970 : vector<16xf32>
        %add3A_1020 = arith.addf %add3A_1018, %mul3A_1019 : vector<16xf32>
        %mul3A_1021 = arith.mulf %sub3A_517, %get3A_972 : vector<16xf32>
        %add3A_1022 = arith.addf %add3A_1020, %mul3A_1021 : vector<16xf32>
        %add3A_1023 = arith.addf %add3A_1022, %get3A_974 : vector<16xf32>
        %max3A_1024 = arith.constant 0.000000e+00 : f32
        %max3A_1025 = vector.broadcast %max3A_1024 : f32 to vector<16xf32>
        %max3A_1026 = arith.maximumf %add3A_1023, %max3A_1025 : vector<16xf32>
        %mul3A_1027 = arith.mulf %max3A_1026, %get3A_976 : vector<16xf32>
        %add3A_1028 = arith.addf %add3A_964, %mul3A_1027 : vector<16xf32>
        %get3A_1029 = arith.constant 128 : index
        %get3A_1030 = tpu.vector_load %arg15[%get3A_1029] {strides = array<i32>} : memref<1552xf32, #tpu.memory_space<vmem>>, vector<16xf32>,
        %get3A_1031 = arith.constant 384 : index
        %get3A_1032 = tpu.vector_load %arg15[%get3A_1031] {strides = array<i32>} : memref<1552xf32, #tpu.memory_space<vmem>>, vector<16xf32>,
        %get3A_1033 = arith.constant 640 : index
        %get3A_1034 = tpu.vector_load %arg15[%get3A_1033] {strides = array<i32>} : memref<1552xf32, #tpu.memory_space<vmem>>, vector<16xf32>,
        %get3A_1035 = arith.constant 896 : index
        %get3A_1036 = tpu.vector_load %arg15[%get3A_1035] {strides = array<i32>} : memref<1552xf32, #tpu.memory_space<vmem>>, vector<16xf32>,
        %get3A_1037 = arith.constant 1152 : index
        %get3A_1038 = tpu.vector_load %arg15[%get3A_1037] {strides = array<i32>} : memref<1552xf32, #tpu.memory_space<vmem>>, vector<16xf32>,
        %get3A_1039 = arith.constant 1408 : index
        %get3A_1040 = tpu.vector_load %arg15[%get3A_1039] {strides = array<i32>} : memref<1552xf32, #tpu.memory_space<vmem>>, vector<16xf32>,
        %mul3A_1041 = arith.mulf %add3A_418, %get3A_1030 : vector<16xf32>
        %mul3A_1042 = arith.mulf %sub3A_421, %get3A_1032 : vector<16xf32>
        %add3A_1043 = arith.addf %mul3A_1041, %mul3A_1042 : vector<16xf32>
        %mul3A_1044 = arith.mulf %add3A_424, %get3A_1034 : vector<16xf32>
        %add3A_1045 = arith.addf %add3A_1043, %mul3A_1044 : vector<16xf32>
        %mul3A_1046 = arith.mulf %sub3A_427, %get3A_1036 : vector<16xf32>
        %add3A_1047 = arith.addf %add3A_1045, %mul3A_1046 : vector<16xf32>
        %add3A_1048 = arith.addf %add3A_1047, %get3A_1038 : vector<16xf32>
        %max3A_1049 = arith.constant 0.000000e+00 : f32
        %max3A_1050 = vector.broadcast %max3A_1049 : f32 to vector<16xf32>
        %max3A_1051 = arith.maximumf %add3A_1048, %max3A_1050 : vector<16xf32>
        %mul3A_1052 = arith.mulf %max3A_1051, %get3A_1040 : vector<16xf32>
        %add3A_1053 = arith.addf %add3A_989, %mul3A_1052 : vector<16xf32>
        %mul3A_1054 = arith.mulf %add3A_448, %get3A_1030 : vector<16xf32>
        %mul3A_1055 = arith.mulf %sub3A_451, %get3A_1032 : vector<16xf32>
        %add3A_1056 = arith.addf %mul3A_1054, %mul3A_1055 : vector<16xf32>
        %mul3A_1057 = arith.mulf %add3A_454, %get3A_1034 : vector<16xf32>
        %add3A_1058 = arith.addf %add3A_1056, %mul3A_1057 : vector<16xf32>
        %mul3A_1059 = arith.mulf %sub3A_457, %get3A_1036 : vector<16xf32>
        %add3A_1060 = arith.addf %add3A_1058, %mul3A_1059 : vector<16xf32>
        %add3A_1061 = arith.addf %add3A_1060, %get3A_1038 : vector<16xf32>
        %max3A_1062 = arith.constant 0.000000e+00 : f32
        %max3A_1063 = vector.broadcast %max3A_1062 : f32 to vector<16xf32>
        %max3A_1064 = arith.maximumf %add3A_1061, %max3A_1063 : vector<16xf32>
        %mul3A_1065 = arith.mulf %max3A_1064, %get3A_1040 : vector<16xf32>
        %add3A_1066 = arith.addf %add3A_1002, %mul3A_1065 : vector<16xf32>
        %mul3A_1067 = arith.mulf %add3A_478, %get3A_1030 : vector<16xf32>
        %mul3A_1068 = arith.mulf %sub3A_481, %get3A_1032 : vector<16xf32>
        %add3A_1069 = arith.addf %mul3A_1067, %mul3A_1068 : vector<16xf32>
        %mul3A_1070 = arith.mulf %add3A_484, %get3A_1034 : vector<16xf32>
        %add3A_1071 = arith.addf %add3A_1069, %mul3A_1070 : vector<16xf32>
        %mul3A_1072 = arith.mulf %sub3A_487, %get3A_1036 : vector<16xf32>
        %add3A_1073 = arith.addf %add3A_1071, %mul3A_1072 : vector<16xf32>
        %add3A_1074 = arith.addf %add3A_1073, %get3A_1038 : vector<16xf32>
        %max3A_1075 = arith.constant 0.000000e+00 : f32
        %max3A_1076 = vector.broadcast %max3A_1075 : f32 to vector<16xf32>
        %max3A_1077 = arith.maximumf %add3A_1074, %max3A_1076 : vector<16xf32>
        %mul3A_1078 = arith.mulf %max3A_1077, %get3A_1040 : vector<16xf32>
        %add3A_1079 = arith.addf %add3A_1015, %mul3A_1078 : vector<16xf32>
        %mul3A_1080 = arith.mulf %add3A_508, %get3A_1030 : vector<16xf32>
        %mul3A_1081 = arith.mulf %sub3A_511, %get3A_1032 : vector<16xf32>
        %add3A_1082 = arith.addf %mul3A_1080, %mul3A_1081 : vector<16xf32>
        %mul3A_1083 = arith.mulf %add3A_514, %get3A_1034 : vector<16xf32>
        %add3A_1084 = arith.addf %add3A_1082, %mul3A_1083 : vector<16xf32>
        %mul3A_1085 = arith.mulf %sub3A_517, %get3A_1036 : vector<16xf32>
        %add3A_1086 = arith.addf %add3A_1084, %mul3A_1085 : vector<16xf32>
        %add3A_1087 = arith.addf %add3A_1086, %get3A_1038 : vector<16xf32>
        %max3A_1088 = arith.constant 0.000000e+00 : f32
        %max3A_1089 = vector.broadcast %max3A_1088 : f32 to vector<16xf32>
        %max3A_1090 = arith.maximumf %add3A_1087, %max3A_1089 : vector<16xf32>
        %mul3A_1091 = arith.mulf %max3A_1090, %get3A_1040 : vector<16xf32>
        %add3A_1092 = arith.addf %add3A_1028, %mul3A_1091 : vector<16xf32>
        %get3A_1093 = arith.constant 144 : index
        %get3A_1094 = tpu.vector_load %arg15[%get3A_1093] {strides = array<i32>} : memref<1552xf32, #tpu.memory_space<vmem>>, vector<16xf32>,
        %get3A_1095 = arith.constant 400 : index
        %get3A_1096 = tpu.vector_load %arg15[%get3A_1095] {strides = array<i32>} : memref<1552xf32, #tpu.memory_space<vmem>>, vector<16xf32>,
        %get3A_1097 = arith.constant 656 : index
        %get3A_1098 = tpu.vector_load %arg15[%get3A_1097] {strides = array<i32>} : memref<1552xf32, #tpu.memory_space<vmem>>, vector<16xf32>,
        %get3A_1099 = arith.constant 912 : index
        %get3A_1100 = tpu.vector_load %arg15[%get3A_1099] {strides = array<i32>} : memref<1552xf32, #tpu.memory_space<vmem>>, vector<16xf32>,
        %get3A_1101 = arith.constant 1168 : index
        %get3A_1102 = tpu.vector_load %arg15[%get3A_1101] {strides = array<i32>} : memref<1552xf32, #tpu.memory_space<vmem>>, vector<16xf32>,
        %get3A_1103 = arith.constant 1424 : index
        %get3A_1104 = tpu.vector_load %arg15[%get3A_1103] {strides = array<i32>} : memref<1552xf32, #tpu.memory_space<vmem>>, vector<16xf32>,
        %mul3A_1105 = arith.mulf %add3A_418, %get3A_1094 : vector<16xf32>
        %mul3A_1106 = arith.mulf %sub3A_421, %get3A_1096 : vector<16xf32>
        %add3A_1107 = arith.addf %mul3A_1105, %mul3A_1106 : vector<16xf32>
        %mul3A_1108 = arith.mulf %add3A_424, %get3A_1098 : vector<16xf32>
        %add3A_1109 = arith.addf %add3A_1107, %mul3A_1108 : vector<16xf32>
        %mul3A_1110 = arith.mulf %sub3A_427, %get3A_1100 : vector<16xf32>
        %add3A_1111 = arith.addf %add3A_1109, %mul3A_1110 : vector<16xf32>
        %add3A_1112 = arith.addf %add3A_1111, %get3A_1102 : vector<16xf32>
        %max3A_1113 = arith.constant 0.000000e+00 : f32
        %max3A_1114 = vector.broadcast %max3A_1113 : f32 to vector<16xf32>
        %max3A_1115 = arith.maximumf %add3A_1112, %max3A_1114 : vector<16xf32>
        %mul3A_1116 = arith.mulf %max3A_1115, %get3A_1104 : vector<16xf32>
        %add3A_1117 = arith.addf %add3A_1053, %mul3A_1116 : vector<16xf32>
        %mul3A_1118 = arith.mulf %add3A_448, %get3A_1094 : vector<16xf32>
        %mul3A_1119 = arith.mulf %sub3A_451, %get3A_1096 : vector<16xf32>
        %add3A_1120 = arith.addf %mul3A_1118, %mul3A_1119 : vector<16xf32>
        %mul3A_1121 = arith.mulf %add3A_454, %get3A_1098 : vector<16xf32>
        %add3A_1122 = arith.addf %add3A_1120, %mul3A_1121 : vector<16xf32>
        %mul3A_1123 = arith.mulf %sub3A_457, %get3A_1100 : vector<16xf32>
        %add3A_1124 = arith.addf %add3A_1122, %mul3A_1123 : vector<16xf32>
        %add3A_1125 = arith.addf %add3A_1124, %get3A_1102 : vector<16xf32>
        %max3A_1126 = arith.constant 0.000000e+00 : f32
        %max3A_1127 = vector.broadcast %max3A_1126 : f32 to vector<16xf32>
        %max3A_1128 = arith.maximumf %add3A_1125, %max3A_1127 : vector<16xf32>
        %mul3A_1129 = arith.mulf %max3A_1128, %get3A_1104 : vector<16xf32>
        %add3A_1130 = arith.addf %add3A_1066, %mul3A_1129 : vector<16xf32>
        %mul3A_1131 = arith.mulf %add3A_478, %get3A_1094 : vector<16xf32>
        %mul3A_1132 = arith.mulf %sub3A_481, %get3A_1096 : vector<16xf32>
        %add3A_1133 = arith.addf %mul3A_1131, %mul3A_1132 : vector<16xf32>
        %mul3A_1134 = arith.mulf %add3A_484, %get3A_1098 : vector<16xf32>
        %add3A_1135 = arith.addf %add3A_1133, %mul3A_1134 : vector<16xf32>
        %mul3A_1136 = arith.mulf %sub3A_487, %get3A_1100 : vector<16xf32>
        %add3A_1137 = arith.addf %add3A_1135, %mul3A_1136 : vector<16xf32>
        %add3A_1138 = arith.addf %add3A_1137, %get3A_1102 : vector<16xf32>
        %max3A_1139 = arith.constant 0.000000e+00 : f32
        %max3A_1140 = vector.broadcast %max3A_1139 : f32 to vector<16xf32>
        %max3A_1141 = arith.maximumf %add3A_1138, %max3A_1140 : vector<16xf32>
        %mul3A_1142 = arith.mulf %max3A_1141, %get3A_1104 : vector<16xf32>
        %add3A_1143 = arith.addf %add3A_1079, %mul3A_1142 : vector<16xf32>
        %mul3A_1144 = arith.mulf %add3A_508, %get3A_1094 : vector<16xf32>
        %mul3A_1145 = arith.mulf %sub3A_511, %get3A_1096 : vector<16xf32>
        %add3A_1146 = arith.addf %mul3A_1144, %mul3A_1145 : vector<16xf32>
        %mul3A_1147 = arith.mulf %add3A_514, %get3A_1098 : vector<16xf32>
        %add3A_1148 = arith.addf %add3A_1146, %mul3A_1147 : vector<16xf32>
        %mul3A_1149 = arith.mulf %sub3A_517, %get3A_1100 : vector<16xf32>
        %add3A_1150 = arith.addf %add3A_1148, %mul3A_1149 : vector<16xf32>
        %add3A_1151 = arith.addf %add3A_1150, %get3A_1102 : vector<16xf32>
        %max3A_1152 = arith.constant 0.000000e+00 : f32
        %max3A_1153 = vector.broadcast %max3A_1152 : f32 to vector<16xf32>
        %max3A_1154 = arith.maximumf %add3A_1151, %max3A_1153 : vector<16xf32>
        %mul3A_1155 = arith.mulf %max3A_1154, %get3A_1104 : vector<16xf32>
        %add3A_1156 = arith.addf %add3A_1092, %mul3A_1155 : vector<16xf32>
        %get3A_1157 = arith.constant 160 : index
        %get3A_1158 = tpu.vector_load %arg15[%get3A_1157] {strides = array<i32>} : memref<1552xf32, #tpu.memory_space<vmem>>, vector<16xf32>,
        %get3A_1159 = arith.constant 416 : index
        %get3A_1160 = tpu.vector_load %arg15[%get3A_1159] {strides = array<i32>} : memref<1552xf32, #tpu.memory_space<vmem>>, vector<16xf32>,
        %get3A_1161 = arith.constant 672 : index
        %get3A_1162 = tpu.vector_load %arg15[%get3A_1161] {strides = array<i32>} : memref<1552xf32, #tpu.memory_space<vmem>>, vector<16xf32>,
        %get3A_1163 = arith.constant 928 : index
        %get3A_1164 = tpu.vector_load %arg15[%get3A_1163] {strides = array<i32>} : memref<1552xf32, #tpu.memory_space<vmem>>, vector<16xf32>,
        %get3A_1165 = arith.constant 1184 : index
        %get3A_1166 = tpu.vector_load %arg15[%get3A_1165] {strides = array<i32>} : memref<1552xf32, #tpu.memory_space<vmem>>, vector<16xf32>,
        %get3A_1167 = arith.constant 1440 : index
        %get3A_1168 = tpu.vector_load %arg15[%get3A_1167] {strides = array<i32>} : memref<1552xf32, #tpu.memory_space<vmem>>, vector<16xf32>,
        %mul3A_1169 = arith.mulf %add3A_418, %get3A_1158 : vector<16xf32>
        %mul3A_1170 = arith.mulf %sub3A_421, %get3A_1160 : vector<16xf32>
        %add3A_1171 = arith.addf %mul3A_1169, %mul3A_1170 : vector<16xf32>
        %mul3A_1172 = arith.mulf %add3A_424, %get3A_1162 : vector<16xf32>
        %add3A_1173 = arith.addf %add3A_1171, %mul3A_1172 : vector<16xf32>
        %mul3A_1174 = arith.mulf %sub3A_427, %get3A_1164 : vector<16xf32>
        %add3A_1175 = arith.addf %add3A_1173, %mul3A_1174 : vector<16xf32>
        %add3A_1176 = arith.addf %add3A_1175, %get3A_1166 : vector<16xf32>
        %max3A_1177 = arith.constant 0.000000e+00 : f32
        %max3A_1178 = vector.broadcast %max3A_1177 : f32 to vector<16xf32>
        %max3A_1179 = arith.maximumf %add3A_1176, %max3A_1178 : vector<16xf32>
        %mul3A_1180 = arith.mulf %max3A_1179, %get3A_1168 : vector<16xf32>
        %add3A_1181 = arith.addf %add3A_1117, %mul3A_1180 : vector<16xf32>
        %mul3A_1182 = arith.mulf %add3A_448, %get3A_1158 : vector<16xf32>
        %mul3A_1183 = arith.mulf %sub3A_451, %get3A_1160 : vector<16xf32>
        %add3A_1184 = arith.addf %mul3A_1182, %mul3A_1183 : vector<16xf32>
        %mul3A_1185 = arith.mulf %add3A_454, %get3A_1162 : vector<16xf32>
        %add3A_1186 = arith.addf %add3A_1184, %mul3A_1185 : vector<16xf32>
        %mul3A_1187 = arith.mulf %sub3A_457, %get3A_1164 : vector<16xf32>
        %add3A_1188 = arith.addf %add3A_1186, %mul3A_1187 : vector<16xf32>
        %add3A_1189 = arith.addf %add3A_1188, %get3A_1166 : vector<16xf32>
        %max3A_1190 = arith.constant 0.000000e+00 : f32
        %max3A_1191 = vector.broadcast %max3A_1190 : f32 to vector<16xf32>
        %max3A_1192 = arith.maximumf %add3A_1189, %max3A_1191 : vector<16xf32>
        %mul3A_1193 = arith.mulf %max3A_1192, %get3A_1168 : vector<16xf32>
        %add3A_1194 = arith.addf %add3A_1130, %mul3A_1193 : vector<16xf32>
        %mul3A_1195 = arith.mulf %add3A_478, %get3A_1158 : vector<16xf32>
        %mul3A_1196 = arith.mulf %sub3A_481, %get3A_1160 : vector<16xf32>
        %add3A_1197 = arith.addf %mul3A_1195, %mul3A_1196 : vector<16xf32>
        %mul3A_1198 = arith.mulf %add3A_484, %get3A_1162 : vector<16xf32>
        %add3A_1199 = arith.addf %add3A_1197, %mul3A_1198 : vector<16xf32>
        %mul3A_1200 = arith.mulf %sub3A_487, %get3A_1164 : vector<16xf32>
        %add3A_1201 = arith.addf %add3A_1199, %mul3A_1200 : vector<16xf32>
        %add3A_1202 = arith.addf %add3A_1201, %get3A_1166 : vector<16xf32>
        %max3A_1203 = arith.constant 0.000000e+00 : f32
        %max3A_1204 = vector.broadcast %max3A_1203 : f32 to vector<16xf32>
        %max3A_1205 = arith.maximumf %add3A_1202, %max3A_1204 : vector<16xf32>
        %mul3A_1206 = arith.mulf %max3A_1205, %get3A_1168 : vector<16xf32>
        %add3A_1207 = arith.addf %add3A_1143, %mul3A_1206 : vector<16xf32>
        %mul3A_1208 = arith.mulf %add3A_508, %get3A_1158 : vector<16xf32>
        %mul3A_1209 = arith.mulf %sub3A_511, %get3A_1160 : vector<16xf32>
        %add3A_1210 = arith.addf %mul3A_1208, %mul3A_1209 : vector<16xf32>
        %mul3A_1211 = arith.mulf %add3A_514, %get3A_1162 : vector<16xf32>
        %add3A_1212 = arith.addf %add3A_1210, %mul3A_1211 : vector<16xf32>
        %mul3A_1213 = arith.mulf %sub3A_517, %get3A_1164 : vector<16xf32>
        %add3A_1214 = arith.addf %add3A_1212, %mul3A_1213 : vector<16xf32>
        %add3A_1215 = arith.addf %add3A_1214, %get3A_1166 : vector<16xf32>
        %max3A_1216 = arith.constant 0.000000e+00 : f32
        %max3A_1217 = vector.broadcast %max3A_1216 : f32 to vector<16xf32>
        %max3A_1218 = arith.maximumf %add3A_1215, %max3A_1217 : vector<16xf32>
        %mul3A_1219 = arith.mulf %max3A_1218, %get3A_1168 : vector<16xf32>
        %add3A_1220 = arith.addf %add3A_1156, %mul3A_1219 : vector<16xf32>
        %get3A_1221 = arith.constant 176 : index
        %get3A_1222 = tpu.vector_load %arg15[%get3A_1221] {strides = array<i32>} : memref<1552xf32, #tpu.memory_space<vmem>>, vector<16xf32>,
        %get3A_1223 = arith.constant 432 : index
        %get3A_1224 = tpu.vector_load %arg15[%get3A_1223] {strides = array<i32>} : memref<1552xf32, #tpu.memory_space<vmem>>, vector<16xf32>,
        %get3A_1225 = arith.constant 688 : index
        %get3A_1226 = tpu.vector_load %arg15[%get3A_1225] {strides = array<i32>} : memref<1552xf32, #tpu.memory_space<vmem>>, vector<16xf32>,
        %get3A_1227 = arith.constant 944 : index
        %get3A_1228 = tpu.vector_load %arg15[%get3A_1227] {strides = array<i32>} : memref<1552xf32, #tpu.memory_space<vmem>>, vector<16xf32>,
        %get3A_1229 = arith.constant 1200 : index
        %get3A_1230 = tpu.vector_load %arg15[%get3A_1229] {strides = array<i32>} : memref<1552xf32, #tpu.memory_space<vmem>>, vector<16xf32>,
        %get3A_1231 = arith.constant 1456 : index
        %get3A_1232 = tpu.vector_load %arg15[%get3A_1231] {strides = array<i32>} : memref<1552xf32, #tpu.memory_space<vmem>>, vector<16xf32>,
        %mul3A_1233 = arith.mulf %add3A_418, %get3A_1222 : vector<16xf32>
        %mul3A_1234 = arith.mulf %sub3A_421, %get3A_1224 : vector<16xf32>
        %add3A_1235 = arith.addf %mul3A_1233, %mul3A_1234 : vector<16xf32>
        %mul3A_1236 = arith.mulf %add3A_424, %get3A_1226 : vector<16xf32>
        %add3A_1237 = arith.addf %add3A_1235, %mul3A_1236 : vector<16xf32>
        %mul3A_1238 = arith.mulf %sub3A_427, %get3A_1228 : vector<16xf32>
        %add3A_1239 = arith.addf %add3A_1237, %mul3A_1238 : vector<16xf32>
        %add3A_1240 = arith.addf %add3A_1239, %get3A_1230 : vector<16xf32>
        %max3A_1241 = arith.constant 0.000000e+00 : f32
        %max3A_1242 = vector.broadcast %max3A_1241 : f32 to vector<16xf32>
        %max3A_1243 = arith.maximumf %add3A_1240, %max3A_1242 : vector<16xf32>
        %mul3A_1244 = arith.mulf %max3A_1243, %get3A_1232 : vector<16xf32>
        %add3A_1245 = arith.addf %add3A_1181, %mul3A_1244 : vector<16xf32>
        %mul3A_1246 = arith.mulf %add3A_448, %get3A_1222 : vector<16xf32>
        %mul3A_1247 = arith.mulf %sub3A_451, %get3A_1224 : vector<16xf32>
        %add3A_1248 = arith.addf %mul3A_1246, %mul3A_1247 : vector<16xf32>
        %mul3A_1249 = arith.mulf %add3A_454, %get3A_1226 : vector<16xf32>
        %add3A_1250 = arith.addf %add3A_1248, %mul3A_1249 : vector<16xf32>
        %mul3A_1251 = arith.mulf %sub3A_457, %get3A_1228 : vector<16xf32>
        %add3A_1252 = arith.addf %add3A_1250, %mul3A_1251 : vector<16xf32>
        %add3A_1253 = arith.addf %add3A_1252, %get3A_1230 : vector<16xf32>
        %max3A_1254 = arith.constant 0.000000e+00 : f32
        %max3A_1255 = vector.broadcast %max3A_1254 : f32 to vector<16xf32>
        %max3A_1256 = arith.maximumf %add3A_1253, %max3A_1255 : vector<16xf32>
        %mul3A_1257 = arith.mulf %max3A_1256, %get3A_1232 : vector<16xf32>
        %add3A_1258 = arith.addf %add3A_1194, %mul3A_1257 : vector<16xf32>
        %mul3A_1259 = arith.mulf %add3A_478, %get3A_1222 : vector<16xf32>
        %mul3A_1260 = arith.mulf %sub3A_481, %get3A_1224 : vector<16xf32>
        %add3A_1261 = arith.addf %mul3A_1259, %mul3A_1260 : vector<16xf32>
        %mul3A_1262 = arith.mulf %add3A_484, %get3A_1226 : vector<16xf32>
        %add3A_1263 = arith.addf %add3A_1261, %mul3A_1262 : vector<16xf32>
        %mul3A_1264 = arith.mulf %sub3A_487, %get3A_1228 : vector<16xf32>
        %add3A_1265 = arith.addf %add3A_1263, %mul3A_1264 : vector<16xf32>
        %add3A_1266 = arith.addf %add3A_1265, %get3A_1230 : vector<16xf32>
        %max3A_1267 = arith.constant 0.000000e+00 : f32
        %max3A_1268 = vector.broadcast %max3A_1267 : f32 to vector<16xf32>
        %max3A_1269 = arith.maximumf %add3A_1266, %max3A_1268 : vector<16xf32>
        %mul3A_1270 = arith.mulf %max3A_1269, %get3A_1232 : vector<16xf32>
        %add3A_1271 = arith.addf %add3A_1207, %mul3A_1270 : vector<16xf32>
        %mul3A_1272 = arith.mulf %add3A_508, %get3A_1222 : vector<16xf32>
        %mul3A_1273 = arith.mulf %sub3A_511, %get3A_1224 : vector<16xf32>
        %add3A_1274 = arith.addf %mul3A_1272, %mul3A_1273 : vector<16xf32>
        %mul3A_1275 = arith.mulf %add3A_514, %get3A_1226 : vector<16xf32>
        %add3A_1276 = arith.addf %add3A_1274, %mul3A_1275 : vector<16xf32>
        %mul3A_1277 = arith.mulf %sub3A_517, %get3A_1228 : vector<16xf32>
        %add3A_1278 = arith.addf %add3A_1276, %mul3A_1277 : vector<16xf32>
        %add3A_1279 = arith.addf %add3A_1278, %get3A_1230 : vector<16xf32>
        %max3A_1280 = arith.constant 0.000000e+00 : f32
        %max3A_1281 = vector.broadcast %max3A_1280 : f32 to vector<16xf32>
        %max3A_1282 = arith.maximumf %add3A_1279, %max3A_1281 : vector<16xf32>
        %mul3A_1283 = arith.mulf %max3A_1282, %get3A_1232 : vector<16xf32>
        %add3A_1284 = arith.addf %add3A_1220, %mul3A_1283 : vector<16xf32>
        %get3A_1285 = arith.constant 192 : index
        %get3A_1286 = tpu.vector_load %arg15[%get3A_1285] {strides = array<i32>} : memref<1552xf32, #tpu.memory_space<vmem>>, vector<16xf32>,
        %get3A_1287 = arith.constant 448 : index
        %get3A_1288 = tpu.vector_load %arg15[%get3A_1287] {strides = array<i32>} : memref<1552xf32, #tpu.memory_space<vmem>>, vector<16xf32>,
        %get3A_1289 = arith.constant 704 : index
        %get3A_1290 = tpu.vector_load %arg15[%get3A_1289] {strides = array<i32>} : memref<1552xf32, #tpu.memory_space<vmem>>, vector<16xf32>,
        %get3A_1291 = arith.constant 960 : index
        %get3A_1292 = tpu.vector_load %arg15[%get3A_1291] {strides = array<i32>} : memref<1552xf32, #tpu.memory_space<vmem>>, vector<16xf32>,
        %get3A_1293 = arith.constant 1216 : index
        %get3A_1294 = tpu.vector_load %arg15[%get3A_1293] {strides = array<i32>} : memref<1552xf32, #tpu.memory_space<vmem>>, vector<16xf32>,
        %get3A_1295 = arith.constant 1472 : index
        %get3A_1296 = tpu.vector_load %arg15[%get3A_1295] {strides = array<i32>} : memref<1552xf32, #tpu.memory_space<vmem>>, vector<16xf32>,
        %mul3A_1297 = arith.mulf %add3A_418, %get3A_1286 : vector<16xf32>
        %mul3A_1298 = arith.mulf %sub3A_421, %get3A_1288 : vector<16xf32>
        %add3A_1299 = arith.addf %mul3A_1297, %mul3A_1298 : vector<16xf32>
        %mul3A_1300 = arith.mulf %add3A_424, %get3A_1290 : vector<16xf32>
        %add3A_1301 = arith.addf %add3A_1299, %mul3A_1300 : vector<16xf32>
        %mul3A_1302 = arith.mulf %sub3A_427, %get3A_1292 : vector<16xf32>
        %add3A_1303 = arith.addf %add3A_1301, %mul3A_1302 : vector<16xf32>
        %add3A_1304 = arith.addf %add3A_1303, %get3A_1294 : vector<16xf32>
        %max3A_1305 = arith.constant 0.000000e+00 : f32
        %max3A_1306 = vector.broadcast %max3A_1305 : f32 to vector<16xf32>
        %max3A_1307 = arith.maximumf %add3A_1304, %max3A_1306 : vector<16xf32>
        %mul3A_1308 = arith.mulf %max3A_1307, %get3A_1296 : vector<16xf32>
        %add3A_1309 = arith.addf %add3A_1245, %mul3A_1308 : vector<16xf32>
        %mul3A_1310 = arith.mulf %add3A_448, %get3A_1286 : vector<16xf32>
        %mul3A_1311 = arith.mulf %sub3A_451, %get3A_1288 : vector<16xf32>
        %add3A_1312 = arith.addf %mul3A_1310, %mul3A_1311 : vector<16xf32>
        %mul3A_1313 = arith.mulf %add3A_454, %get3A_1290 : vector<16xf32>
        %add3A_1314 = arith.addf %add3A_1312, %mul3A_1313 : vector<16xf32>
        %mul3A_1315 = arith.mulf %sub3A_457, %get3A_1292 : vector<16xf32>
        %add3A_1316 = arith.addf %add3A_1314, %mul3A_1315 : vector<16xf32>
        %add3A_1317 = arith.addf %add3A_1316, %get3A_1294 : vector<16xf32>
        %max3A_1318 = arith.constant 0.000000e+00 : f32
        %max3A_1319 = vector.broadcast %max3A_1318 : f32 to vector<16xf32>
        %max3A_1320 = arith.maximumf %add3A_1317, %max3A_1319 : vector<16xf32>
        %mul3A_1321 = arith.mulf %max3A_1320, %get3A_1296 : vector<16xf32>
        %add3A_1322 = arith.addf %add3A_1258, %mul3A_1321 : vector<16xf32>
        %mul3A_1323 = arith.mulf %add3A_478, %get3A_1286 : vector<16xf32>
        %mul3A_1324 = arith.mulf %sub3A_481, %get3A_1288 : vector<16xf32>
        %add3A_1325 = arith.addf %mul3A_1323, %mul3A_1324 : vector<16xf32>
        %mul3A_1326 = arith.mulf %add3A_484, %get3A_1290 : vector<16xf32>
        %add3A_1327 = arith.addf %add3A_1325, %mul3A_1326 : vector<16xf32>
        %mul3A_1328 = arith.mulf %sub3A_487, %get3A_1292 : vector<16xf32>
        %add3A_1329 = arith.addf %add3A_1327, %mul3A_1328 : vector<16xf32>
        %add3A_1330 = arith.addf %add3A_1329, %get3A_1294 : vector<16xf32>
        %max3A_1331 = arith.constant 0.000000e+00 : f32
        %max3A_1332 = vector.broadcast %max3A_1331 : f32 to vector<16xf32>
        %max3A_1333 = arith.maximumf %add3A_1330, %max3A_1332 : vector<16xf32>
        %mul3A_1334 = arith.mulf %max3A_1333, %get3A_1296 : vector<16xf32>
        %add3A_1335 = arith.addf %add3A_1271, %mul3A_1334 : vector<16xf32>
        %mul3A_1336 = arith.mulf %add3A_508, %get3A_1286 : vector<16xf32>
        %mul3A_1337 = arith.mulf %sub3A_511, %get3A_1288 : vector<16xf32>
        %add3A_1338 = arith.addf %mul3A_1336, %mul3A_1337 : vector<16xf32>
        %mul3A_1339 = arith.mulf %add3A_514, %get3A_1290 : vector<16xf32>
        %add3A_1340 = arith.addf %add3A_1338, %mul3A_1339 : vector<16xf32>
        %mul3A_1341 = arith.mulf %sub3A_517, %get3A_1292 : vector<16xf32>
        %add3A_1342 = arith.addf %add3A_1340, %mul3A_1341 : vector<16xf32>
        %add3A_1343 = arith.addf %add3A_1342, %get3A_1294 : vector<16xf32>
        %max3A_1344 = arith.constant 0.000000e+00 : f32
        %max3A_1345 = vector.broadcast %max3A_1344 : f32 to vector<16xf32>
        %max3A_1346 = arith.maximumf %add3A_1343, %max3A_1345 : vector<16xf32>
        %mul3A_1347 = arith.mulf %max3A_1346, %get3A_1296 : vector<16xf32>
        %add3A_1348 = arith.addf %add3A_1284, %mul3A_1347 : vector<16xf32>
        %get3A_1349 = arith.constant 208 : index
        %get3A_1350 = tpu.vector_load %arg15[%get3A_1349] {strides = array<i32>} : memref<1552xf32, #tpu.memory_space<vmem>>, vector<16xf32>,
        %get3A_1351 = arith.constant 464 : index
        %get3A_1352 = tpu.vector_load %arg15[%get3A_1351] {strides = array<i32>} : memref<1552xf32, #tpu.memory_space<vmem>>, vector<16xf32>,
        %get3A_1353 = arith.constant 720 : index
        %get3A_1354 = tpu.vector_load %arg15[%get3A_1353] {strides = array<i32>} : memref<1552xf32, #tpu.memory_space<vmem>>, vector<16xf32>,
        %get3A_1355 = arith.constant 976 : index
        %get3A_1356 = tpu.vector_load %arg15[%get3A_1355] {strides = array<i32>} : memref<1552xf32, #tpu.memory_space<vmem>>, vector<16xf32>,
        %get3A_1357 = arith.constant 1232 : index
        %get3A_1358 = tpu.vector_load %arg15[%get3A_1357] {strides = array<i32>} : memref<1552xf32, #tpu.memory_space<vmem>>, vector<16xf32>,
        %get3A_1359 = arith.constant 1488 : index
        %get3A_1360 = tpu.vector_load %arg15[%get3A_1359] {strides = array<i32>} : memref<1552xf32, #tpu.memory_space<vmem>>, vector<16xf32>,
        %mul3A_1361 = arith.mulf %add3A_418, %get3A_1350 : vector<16xf32>
        %mul3A_1362 = arith.mulf %sub3A_421, %get3A_1352 : vector<16xf32>
        %add3A_1363 = arith.addf %mul3A_1361, %mul3A_1362 : vector<16xf32>
        %mul3A_1364 = arith.mulf %add3A_424, %get3A_1354 : vector<16xf32>
        %add3A_1365 = arith.addf %add3A_1363, %mul3A_1364 : vector<16xf32>
        %mul3A_1366 = arith.mulf %sub3A_427, %get3A_1356 : vector<16xf32>
        %add3A_1367 = arith.addf %add3A_1365, %mul3A_1366 : vector<16xf32>
        %add3A_1368 = arith.addf %add3A_1367, %get3A_1358 : vector<16xf32>
        %max3A_1369 = arith.constant 0.000000e+00 : f32
        %max3A_1370 = vector.broadcast %max3A_1369 : f32 to vector<16xf32>
        %max3A_1371 = arith.maximumf %add3A_1368, %max3A_1370 : vector<16xf32>
        %mul3A_1372 = arith.mulf %max3A_1371, %get3A_1360 : vector<16xf32>
        %add3A_1373 = arith.addf %add3A_1309, %mul3A_1372 : vector<16xf32>
        %mul3A_1374 = arith.mulf %add3A_448, %get3A_1350 : vector<16xf32>
        %mul3A_1375 = arith.mulf %sub3A_451, %get3A_1352 : vector<16xf32>
        %add3A_1376 = arith.addf %mul3A_1374, %mul3A_1375 : vector<16xf32>
        %mul3A_1377 = arith.mulf %add3A_454, %get3A_1354 : vector<16xf32>
        %add3A_1378 = arith.addf %add3A_1376, %mul3A_1377 : vector<16xf32>
        %mul3A_1379 = arith.mulf %sub3A_457, %get3A_1356 : vector<16xf32>
        %add3A_1380 = arith.addf %add3A_1378, %mul3A_1379 : vector<16xf32>
        %add3A_1381 = arith.addf %add3A_1380, %get3A_1358 : vector<16xf32>
        %max3A_1382 = arith.constant 0.000000e+00 : f32
        %max3A_1383 = vector.broadcast %max3A_1382 : f32 to vector<16xf32>
        %max3A_1384 = arith.maximumf %add3A_1381, %max3A_1383 : vector<16xf32>
        %mul3A_1385 = arith.mulf %max3A_1384, %get3A_1360 : vector<16xf32>
        %add3A_1386 = arith.addf %add3A_1322, %mul3A_1385 : vector<16xf32>
        %mul3A_1387 = arith.mulf %add3A_478, %get3A_1350 : vector<16xf32>
        %mul3A_1388 = arith.mulf %sub3A_481, %get3A_1352 : vector<16xf32>
        %add3A_1389 = arith.addf %mul3A_1387, %mul3A_1388 : vector<16xf32>
        %mul3A_1390 = arith.mulf %add3A_484, %get3A_1354 : vector<16xf32>
        %add3A_1391 = arith.addf %add3A_1389, %mul3A_1390 : vector<16xf32>
        %mul3A_1392 = arith.mulf %sub3A_487, %get3A_1356 : vector<16xf32>
        %add3A_1393 = arith.addf %add3A_1391, %mul3A_1392 : vector<16xf32>
        %add3A_1394 = arith.addf %add3A_1393, %get3A_1358 : vector<16xf32>
        %max3A_1395 = arith.constant 0.000000e+00 : f32
        %max3A_1396 = vector.broadcast %max3A_1395 : f32 to vector<16xf32>
        %max3A_1397 = arith.maximumf %add3A_1394, %max3A_1396 : vector<16xf32>
        %mul3A_1398 = arith.mulf %max3A_1397, %get3A_1360 : vector<16xf32>
        %add3A_1399 = arith.addf %add3A_1335, %mul3A_1398 : vector<16xf32>
        %mul3A_1400 = arith.mulf %add3A_508, %get3A_1350 : vector<16xf32>
        %mul3A_1401 = arith.mulf %sub3A_511, %get3A_1352 : vector<16xf32>
        %add3A_1402 = arith.addf %mul3A_1400, %mul3A_1401 : vector<16xf32>
        %mul3A_1403 = arith.mulf %add3A_514, %get3A_1354 : vector<16xf32>
        %add3A_1404 = arith.addf %add3A_1402, %mul3A_1403 : vector<16xf32>
        %mul3A_1405 = arith.mulf %sub3A_517, %get3A_1356 : vector<16xf32>
        %add3A_1406 = arith.addf %add3A_1404, %mul3A_1405 : vector<16xf32>
        %add3A_1407 = arith.addf %add3A_1406, %get3A_1358 : vector<16xf32>
        %max3A_1408 = arith.constant 0.000000e+00 : f32
        %max3A_1409 = vector.broadcast %max3A_1408 : f32 to vector<16xf32>
        %max3A_1410 = arith.maximumf %add3A_1407, %max3A_1409 : vector<16xf32>
        %mul3A_1411 = arith.mulf %max3A_1410, %get3A_1360 : vector<16xf32>
        %add3A_1412 = arith.addf %add3A_1348, %mul3A_1411 : vector<16xf32>
        %get3A_1413 = arith.constant 224 : index
        %get3A_1414 = tpu.vector_load %arg15[%get3A_1413] {strides = array<i32>} : memref<1552xf32, #tpu.memory_space<vmem>>, vector<16xf32>,
        %get3A_1415 = arith.constant 480 : index
        %get3A_1416 = tpu.vector_load %arg15[%get3A_1415] {strides = array<i32>} : memref<1552xf32, #tpu.memory_space<vmem>>, vector<16xf32>,
        %get3A_1417 = arith.constant 736 : index
        %get3A_1418 = tpu.vector_load %arg15[%get3A_1417] {strides = array<i32>} : memref<1552xf32, #tpu.memory_space<vmem>>, vector<16xf32>,
        %get3A_1419 = arith.constant 992 : index
        %get3A_1420 = tpu.vector_load %arg15[%get3A_1419] {strides = array<i32>} : memref<1552xf32, #tpu.memory_space<vmem>>, vector<16xf32>,
        %get3A_1421 = arith.constant 1248 : index
        %get3A_1422 = tpu.vector_load %arg15[%get3A_1421] {strides = array<i32>} : memref<1552xf32, #tpu.memory_space<vmem>>, vector<16xf32>,
        %get3A_1423 = arith.constant 1504 : index
        %get3A_1424 = tpu.vector_load %arg15[%get3A_1423] {strides = array<i32>} : memref<1552xf32, #tpu.memory_space<vmem>>, vector<16xf32>,
        %mul3A_1425 = arith.mulf %add3A_418, %get3A_1414 : vector<16xf32>
        %mul3A_1426 = arith.mulf %sub3A_421, %get3A_1416 : vector<16xf32>
        %add3A_1427 = arith.addf %mul3A_1425, %mul3A_1426 : vector<16xf32>
        %mul3A_1428 = arith.mulf %add3A_424, %get3A_1418 : vector<16xf32>
        %add3A_1429 = arith.addf %add3A_1427, %mul3A_1428 : vector<16xf32>
        %mul3A_1430 = arith.mulf %sub3A_427, %get3A_1420 : vector<16xf32>
        %add3A_1431 = arith.addf %add3A_1429, %mul3A_1430 : vector<16xf32>
        %add3A_1432 = arith.addf %add3A_1431, %get3A_1422 : vector<16xf32>
        %max3A_1433 = arith.constant 0.000000e+00 : f32
        %max3A_1434 = vector.broadcast %max3A_1433 : f32 to vector<16xf32>
        %max3A_1435 = arith.maximumf %add3A_1432, %max3A_1434 : vector<16xf32>
        %mul3A_1436 = arith.mulf %max3A_1435, %get3A_1424 : vector<16xf32>
        %add3A_1437 = arith.addf %add3A_1373, %mul3A_1436 : vector<16xf32>
        %mul3A_1438 = arith.mulf %add3A_448, %get3A_1414 : vector<16xf32>
        %mul3A_1439 = arith.mulf %sub3A_451, %get3A_1416 : vector<16xf32>
        %add3A_1440 = arith.addf %mul3A_1438, %mul3A_1439 : vector<16xf32>
        %mul3A_1441 = arith.mulf %add3A_454, %get3A_1418 : vector<16xf32>
        %add3A_1442 = arith.addf %add3A_1440, %mul3A_1441 : vector<16xf32>
        %mul3A_1443 = arith.mulf %sub3A_457, %get3A_1420 : vector<16xf32>
        %add3A_1444 = arith.addf %add3A_1442, %mul3A_1443 : vector<16xf32>
        %add3A_1445 = arith.addf %add3A_1444, %get3A_1422 : vector<16xf32>
        %max3A_1446 = arith.constant 0.000000e+00 : f32
        %max3A_1447 = vector.broadcast %max3A_1446 : f32 to vector<16xf32>
        %max3A_1448 = arith.maximumf %add3A_1445, %max3A_1447 : vector<16xf32>
        %mul3A_1449 = arith.mulf %max3A_1448, %get3A_1424 : vector<16xf32>
        %add3A_1450 = arith.addf %add3A_1386, %mul3A_1449 : vector<16xf32>
        %mul3A_1451 = arith.mulf %add3A_478, %get3A_1414 : vector<16xf32>
        %mul3A_1452 = arith.mulf %sub3A_481, %get3A_1416 : vector<16xf32>
        %add3A_1453 = arith.addf %mul3A_1451, %mul3A_1452 : vector<16xf32>
        %mul3A_1454 = arith.mulf %add3A_484, %get3A_1418 : vector<16xf32>
        %add3A_1455 = arith.addf %add3A_1453, %mul3A_1454 : vector<16xf32>
        %mul3A_1456 = arith.mulf %sub3A_487, %get3A_1420 : vector<16xf32>
        %add3A_1457 = arith.addf %add3A_1455, %mul3A_1456 : vector<16xf32>
        %add3A_1458 = arith.addf %add3A_1457, %get3A_1422 : vector<16xf32>
        %max3A_1459 = arith.constant 0.000000e+00 : f32
        %max3A_1460 = vector.broadcast %max3A_1459 : f32 to vector<16xf32>
        %max3A_1461 = arith.maximumf %add3A_1458, %max3A_1460 : vector<16xf32>
        %mul3A_1462 = arith.mulf %max3A_1461, %get3A_1424 : vector<16xf32>
        %add3A_1463 = arith.addf %add3A_1399, %mul3A_1462 : vector<16xf32>
        %mul3A_1464 = arith.mulf %add3A_508, %get3A_1414 : vector<16xf32>
        %mul3A_1465 = arith.mulf %sub3A_511, %get3A_1416 : vector<16xf32>
        %add3A_1466 = arith.addf %mul3A_1464, %mul3A_1465 : vector<16xf32>
        %mul3A_1467 = arith.mulf %add3A_514, %get3A_1418 : vector<16xf32>
        %add3A_1468 = arith.addf %add3A_1466, %mul3A_1467 : vector<16xf32>
        %mul3A_1469 = arith.mulf %sub3A_517, %get3A_1420 : vector<16xf32>
        %add3A_1470 = arith.addf %add3A_1468, %mul3A_1469 : vector<16xf32>
        %add3A_1471 = arith.addf %add3A_1470, %get3A_1422 : vector<16xf32>
        %max3A_1472 = arith.constant 0.000000e+00 : f32
        %max3A_1473 = vector.broadcast %max3A_1472 : f32 to vector<16xf32>
        %max3A_1474 = arith.maximumf %add3A_1471, %max3A_1473 : vector<16xf32>
        %mul3A_1475 = arith.mulf %max3A_1474, %get3A_1424 : vector<16xf32>
        %add3A_1476 = arith.addf %add3A_1412, %mul3A_1475 : vector<16xf32>
        %get3A_1477 = arith.constant 240 : index
        %get3A_1478 = tpu.vector_load %arg15[%get3A_1477] {strides = array<i32>} : memref<1552xf32, #tpu.memory_space<vmem>>, vector<16xf32>,
        %get3A_1479 = arith.constant 496 : index
        %get3A_1480 = tpu.vector_load %arg15[%get3A_1479] {strides = array<i32>} : memref<1552xf32, #tpu.memory_space<vmem>>, vector<16xf32>,
        %get3A_1481 = arith.constant 752 : index
        %get3A_1482 = tpu.vector_load %arg15[%get3A_1481] {strides = array<i32>} : memref<1552xf32, #tpu.memory_space<vmem>>, vector<16xf32>,
        %get3A_1483 = arith.constant 1008 : index
        %get3A_1484 = tpu.vector_load %arg15[%get3A_1483] {strides = array<i32>} : memref<1552xf32, #tpu.memory_space<vmem>>, vector<16xf32>,
        %get3A_1485 = arith.constant 1264 : index
        %get3A_1486 = tpu.vector_load %arg15[%get3A_1485] {strides = array<i32>} : memref<1552xf32, #tpu.memory_space<vmem>>, vector<16xf32>,
        %get3A_1487 = arith.constant 1520 : index
        %get3A_1488 = tpu.vector_load %arg15[%get3A_1487] {strides = array<i32>} : memref<1552xf32, #tpu.memory_space<vmem>>, vector<16xf32>,
        %mul3A_1489 = arith.mulf %add3A_418, %get3A_1478 : vector<16xf32>
        %mul3A_1490 = arith.mulf %sub3A_421, %get3A_1480 : vector<16xf32>
        %add3A_1491 = arith.addf %mul3A_1489, %mul3A_1490 : vector<16xf32>
        %mul3A_1492 = arith.mulf %add3A_424, %get3A_1482 : vector<16xf32>
        %add3A_1493 = arith.addf %add3A_1491, %mul3A_1492 : vector<16xf32>
        %mul3A_1494 = arith.mulf %sub3A_427, %get3A_1484 : vector<16xf32>
        %add3A_1495 = arith.addf %add3A_1493, %mul3A_1494 : vector<16xf32>
        %add3A_1496 = arith.addf %add3A_1495, %get3A_1486 : vector<16xf32>
        %max3A_1497 = arith.constant 0.000000e+00 : f32
        %max3A_1498 = vector.broadcast %max3A_1497 : f32 to vector<16xf32>
        %max3A_1499 = arith.maximumf %add3A_1496, %max3A_1498 : vector<16xf32>
        %mul3A_1500 = arith.mulf %max3A_1499, %get3A_1488 : vector<16xf32>
        %add3A_1501 = arith.addf %add3A_1437, %mul3A_1500 : vector<16xf32>
        %mul3A_1502 = arith.mulf %add3A_448, %get3A_1478 : vector<16xf32>
        %mul3A_1503 = arith.mulf %sub3A_451, %get3A_1480 : vector<16xf32>
        %add3A_1504 = arith.addf %mul3A_1502, %mul3A_1503 : vector<16xf32>
        %mul3A_1505 = arith.mulf %add3A_454, %get3A_1482 : vector<16xf32>
        %add3A_1506 = arith.addf %add3A_1504, %mul3A_1505 : vector<16xf32>
        %mul3A_1507 = arith.mulf %sub3A_457, %get3A_1484 : vector<16xf32>
        %add3A_1508 = arith.addf %add3A_1506, %mul3A_1507 : vector<16xf32>
        %add3A_1509 = arith.addf %add3A_1508, %get3A_1486 : vector<16xf32>
        %max3A_1510 = arith.constant 0.000000e+00 : f32
        %max3A_1511 = vector.broadcast %max3A_1510 : f32 to vector<16xf32>
        %max3A_1512 = arith.maximumf %add3A_1509, %max3A_1511 : vector<16xf32>
        %mul3A_1513 = arith.mulf %max3A_1512, %get3A_1488 : vector<16xf32>
        %add3A_1514 = arith.addf %add3A_1450, %mul3A_1513 : vector<16xf32>
        %mul3A_1515 = arith.mulf %add3A_478, %get3A_1478 : vector<16xf32>
        %mul3A_1516 = arith.mulf %sub3A_481, %get3A_1480 : vector<16xf32>
        %add3A_1517 = arith.addf %mul3A_1515, %mul3A_1516 : vector<16xf32>
        %mul3A_1518 = arith.mulf %add3A_484, %get3A_1482 : vector<16xf32>
        %add3A_1519 = arith.addf %add3A_1517, %mul3A_1518 : vector<16xf32>
        %mul3A_1520 = arith.mulf %sub3A_487, %get3A_1484 : vector<16xf32>
        %add3A_1521 = arith.addf %add3A_1519, %mul3A_1520 : vector<16xf32>
        %add3A_1522 = arith.addf %add3A_1521, %get3A_1486 : vector<16xf32>
        %max3A_1523 = arith.constant 0.000000e+00 : f32
        %max3A_1524 = vector.broadcast %max3A_1523 : f32 to vector<16xf32>
        %max3A_1525 = arith.maximumf %add3A_1522, %max3A_1524 : vector<16xf32>
        %mul3A_1526 = arith.mulf %max3A_1525, %get3A_1488 : vector<16xf32>
        %add3A_1527 = arith.addf %add3A_1463, %mul3A_1526 : vector<16xf32>
        %mul3A_1528 = arith.mulf %add3A_508, %get3A_1478 : vector<16xf32>
        %mul3A_1529 = arith.mulf %sub3A_511, %get3A_1480 : vector<16xf32>
        %add3A_1530 = arith.addf %mul3A_1528, %mul3A_1529 : vector<16xf32>
        %mul3A_1531 = arith.mulf %add3A_514, %get3A_1482 : vector<16xf32>
        %add3A_1532 = arith.addf %add3A_1530, %mul3A_1531 : vector<16xf32>
        %mul3A_1533 = arith.mulf %sub3A_517, %get3A_1484 : vector<16xf32>
        %add3A_1534 = arith.addf %add3A_1532, %mul3A_1533 : vector<16xf32>
        %add3A_1535 = arith.addf %add3A_1534, %get3A_1486 : vector<16xf32>
        %max3A_1536 = arith.constant 0.000000e+00 : f32
        %max3A_1537 = vector.broadcast %max3A_1536 : f32 to vector<16xf32>
        %max3A_1538 = arith.maximumf %add3A_1535, %max3A_1537 : vector<16xf32>
        %mul3A_1539 = arith.mulf %max3A_1538, %get3A_1488 : vector<16xf32>
        %add3A_1540 = arith.addf %add3A_1476, %mul3A_1539 : vector<16xf32>
        tpu.vector_store_idx %arg13[%add3A_407], %add3A_1501 : memref<1024xf32, #tpu.memory_space<vmem>>[vector<16xi32>], vector<16xf32>,
        tpu.vector_store_idx %arg13[%add3A_435], %add3A_1514 : memref<1024xf32, #tpu.memory_space<vmem>>[vector<16xi32>], vector<16xf32>,
        tpu.vector_store_idx %arg13[%add3A_465], %add3A_1527 : memref<1024xf32, #tpu.memory_space<vmem>>[vector<16xi32>], vector<16xf32>,
        tpu.vector_store_idx %arg13[%add3A_495], %add3A_1540 : memref<1024xf32, #tpu.memory_space<vmem>>[vector<16xi32>], vector<16xf32>,
      }
      %scan3A_382 = arith.constant 16 : i32
      %run_scoped3A = arith.constant 0 : i32
      "tpu.region"() ({
        %run_scoped3A_398 = tpu.sem_alloc : memref<!tpu.dma_semaphore, #tpu.memory_space<semaphore_mem>>
        %dma_start3A_399 = arith.constant 0 : i32
        %dma_start3A_400 = tpu.memref_slice %arg13[%dma_start3A_399] : memref<1024xf32, #tpu.memory_space<vmem>> -> memref<128xf32, #tpu.memory_space<vmem>>
        %dma_start3A_401 = arith.constant 0 : i32
        %dma_start3A_402 = tpu.memref_slice %arg10[%run_scoped3A, %dma_start3A_401] : memref<8x128xi32, #tpu.memory_space<vmem>> -> memref<1x128xi32, #tpu.memory_space<vmem>>
        %dma_start3A_403 = tpu.memref_squeeze %dma_start3A_402 : memref<1x128xi32, #tpu.memory_space<vmem>> -> memref<128xi32, #tpu.memory_space<vmem>>
        %dma_start3A_404 = arith.constant 0 : i32
        %dma_start3A_405 = tpu.memref_slice %arg16[%dma_start3A_404] : memref<100352xf32, #tpu.memory_space<vmem_shared>> -> memref<100352xf32, #tpu.memory_space<vmem_shared>>
        tpu.enqueue_indirect_dma source(%dma_start3A_400 : memref<128xf32, #tpu.memory_space<vmem>>) target(%dma_start3A_405 : memref<100352xf32, #tpu.memory_space<vmem_shared>>) offsets(%dma_start3A_403 : memref<128xi32, #tpu.memory_space<vmem>>) semaphore(%run_scoped3A_398 : memref<!tpu.dma_semaphore, #tpu.memory_space<semaphore_mem>>) {add = true}
        %dma_wait3A_406 = arith.constant 0 : i32
        %dma_wait3A_407 = tpu.memref_slice %arg13[%dma_wait3A_406] : memref<1024xf32, #tpu.memory_space<vmem>> -> memref<128xf32, #tpu.memory_space<vmem>>
        %dma_wait3A_408 = arith.constant 0 : i32
        %dma_wait3A_409 = tpu.memref_slice %arg10[%run_scoped3A, %dma_wait3A_408] : memref<8x128xi32, #tpu.memory_space<vmem>> -> memref<1x128xi32, #tpu.memory_space<vmem>>
        %dma_wait3A_410 = tpu.memref_squeeze %dma_wait3A_409 : memref<1x128xi32, #tpu.memory_space<vmem>> -> memref<128xi32, #tpu.memory_space<vmem>>
        %dma_wait3A_411 = arith.constant 0 : i32
        %dma_wait3A_412 = tpu.memref_slice %arg16[%dma_wait3A_411] : memref<100352xf32, #tpu.memory_space<vmem_shared>> -> memref<100352xf32, #tpu.memory_space<vmem_shared>>
        tpu.wait_indirect_dma semaphore(%run_scoped3A_398 : memref<!tpu.dma_semaphore, #tpu.memory_space<semaphore_mem>>) src(%dma_wait3A_407 : memref<128xf32, #tpu.memory_space<vmem>>) dst(%dma_wait3A_412 : memref<100352xf32, #tpu.memory_space<vmem_shared>>)
        tpu.yield
      }) : () -> ()
      %run_scoped3A_383 = arith.constant 0 : i32
      "tpu.region"() ({
        %run_scoped3A_398 = tpu.sem_alloc : memref<!tpu.dma_semaphore, #tpu.memory_space<semaphore_mem>>
        %dma_start3A_399 = arith.constant 0 : i32
        %dma_start3A_400 = tpu.memref_slice %arg10[%run_scoped3A_383, %dma_start3A_399] : memref<8x128xi32, #tpu.memory_space<vmem>> -> memref<1x128xi32, #tpu.memory_space<vmem>>
        %dma_start3A_401 = tpu.memref_squeeze %dma_start3A_400 : memref<1x128xi32, #tpu.memory_space<vmem>> -> memref<128xi32, #tpu.memory_space<vmem>>
        %dma_start3A_402 = arith.constant 0 : i32
        %dma_start3A_403 = tpu.memref_slice %arg17[%dma_start3A_402] : memref<100352xf32, #tpu.memory_space<vmem_shared>> -> memref<100352xf32, #tpu.memory_space<vmem_shared>>
        tpu.enqueue_indirect_dma source(%arg14 : memref<128xf32, #tpu.memory_space<vmem>>) target(%dma_start3A_403 : memref<100352xf32, #tpu.memory_space<vmem_shared>>) offsets(%dma_start3A_401 : memref<128xi32, #tpu.memory_space<vmem>>) semaphore(%run_scoped3A_398 : memref<!tpu.dma_semaphore, #tpu.memory_space<semaphore_mem>>) {add = true}
        %dma_wait3A_404 = arith.constant 0 : i32
        %dma_wait3A_405 = tpu.memref_slice %arg10[%run_scoped3A_383, %dma_wait3A_404] : memref<8x128xi32, #tpu.memory_space<vmem>> -> memref<1x128xi32, #tpu.memory_space<vmem>>
        %dma_wait3A_406 = tpu.memref_squeeze %dma_wait3A_405 : memref<1x128xi32, #tpu.memory_space<vmem>> -> memref<128xi32, #tpu.memory_space<vmem>>
        %dma_wait3A_407 = arith.constant 0 : i32
        %dma_wait3A_408 = tpu.memref_slice %arg17[%dma_wait3A_407] : memref<100352xf32, #tpu.memory_space<vmem_shared>> -> memref<100352xf32, #tpu.memory_space<vmem_shared>>
        tpu.wait_indirect_dma semaphore(%run_scoped3A_398 : memref<!tpu.dma_semaphore, #tpu.memory_space<semaphore_mem>>) src(%arg14 : memref<128xf32, #tpu.memory_space<vmem>>) dst(%dma_wait3A_408 : memref<100352xf32, #tpu.memory_space<vmem_shared>>)
        tpu.yield
      }) : () -> ()
      %run_scoped3A_384 = arith.constant 1 : i32
      "tpu.region"() ({
        %run_scoped3A_398 = tpu.sem_alloc : memref<!tpu.dma_semaphore, #tpu.memory_space<semaphore_mem>>
        %dma_start3A_399 = arith.constant 128 : i32
        %dma_start3A_400 = tpu.memref_slice %arg13[%dma_start3A_399] : memref<1024xf32, #tpu.memory_space<vmem>> -> memref<128xf32, #tpu.memory_space<vmem>>
        %dma_start3A_401 = arith.constant 0 : i32
        %dma_start3A_402 = tpu.memref_slice %arg10[%run_scoped3A_384, %dma_start3A_401] : memref<8x128xi32, #tpu.memory_space<vmem>> -> memref<1x128xi32, #tpu.memory_space<vmem>>
        %dma_start3A_403 = tpu.memref_squeeze %dma_start3A_402 : memref<1x128xi32, #tpu.memory_space<vmem>> -> memref<128xi32, #tpu.memory_space<vmem>>
        %dma_start3A_404 = arith.constant 0 : i32
        %dma_start3A_405 = tpu.memref_slice %arg16[%dma_start3A_404] : memref<100352xf32, #tpu.memory_space<vmem_shared>> -> memref<100352xf32, #tpu.memory_space<vmem_shared>>
        tpu.enqueue_indirect_dma source(%dma_start3A_400 : memref<128xf32, #tpu.memory_space<vmem>>) target(%dma_start3A_405 : memref<100352xf32, #tpu.memory_space<vmem_shared>>) offsets(%dma_start3A_403 : memref<128xi32, #tpu.memory_space<vmem>>) semaphore(%run_scoped3A_398 : memref<!tpu.dma_semaphore, #tpu.memory_space<semaphore_mem>>) {add = true}
        %dma_wait3A_406 = arith.constant 128 : i32
        %dma_wait3A_407 = tpu.memref_slice %arg13[%dma_wait3A_406] : memref<1024xf32, #tpu.memory_space<vmem>> -> memref<128xf32, #tpu.memory_space<vmem>>
        %dma_wait3A_408 = arith.constant 0 : i32
        %dma_wait3A_409 = tpu.memref_slice %arg10[%run_scoped3A_384, %dma_wait3A_408] : memref<8x128xi32, #tpu.memory_space<vmem>> -> memref<1x128xi32, #tpu.memory_space<vmem>>
        %dma_wait3A_410 = tpu.memref_squeeze %dma_wait3A_409 : memref<1x128xi32, #tpu.memory_space<vmem>> -> memref<128xi32, #tpu.memory_space<vmem>>
        %dma_wait3A_411 = arith.constant 0 : i32
        %dma_wait3A_412 = tpu.memref_slice %arg16[%dma_wait3A_411] : memref<100352xf32, #tpu.memory_space<vmem_shared>> -> memref<100352xf32, #tpu.memory_space<vmem_shared>>
        tpu.wait_indirect_dma semaphore(%run_scoped3A_398 : memref<!tpu.dma_semaphore, #tpu.memory_space<semaphore_mem>>) src(%dma_wait3A_407 : memref<128xf32, #tpu.memory_space<vmem>>) dst(%dma_wait3A_412 : memref<100352xf32, #tpu.memory_space<vmem_shared>>)
        tpu.yield
      }) : () -> ()
      %run_scoped3A_385 = arith.constant 1 : i32
      "tpu.region"() ({
        %run_scoped3A_398 = tpu.sem_alloc : memref<!tpu.dma_semaphore, #tpu.memory_space<semaphore_mem>>
        %dma_start3A_399 = arith.constant 0 : i32
        %dma_start3A_400 = tpu.memref_slice %arg10[%run_scoped3A_385, %dma_start3A_399] : memref<8x128xi32, #tpu.memory_space<vmem>> -> memref<1x128xi32, #tpu.memory_space<vmem>>
        %dma_start3A_401 = tpu.memref_squeeze %dma_start3A_400 : memref<1x128xi32, #tpu.memory_space<vmem>> -> memref<128xi32, #tpu.memory_space<vmem>>
        %dma_start3A_402 = arith.constant 0 : i32
        %dma_start3A_403 = tpu.memref_slice %arg17[%dma_start3A_402] : memref<100352xf32, #tpu.memory_space<vmem_shared>> -> memref<100352xf32, #tpu.memory_space<vmem_shared>>
        tpu.enqueue_indirect_dma source(%arg14 : memref<128xf32, #tpu.memory_space<vmem>>) target(%dma_start3A_403 : memref<100352xf32, #tpu.memory_space<vmem_shared>>) offsets(%dma_start3A_401 : memref<128xi32, #tpu.memory_space<vmem>>) semaphore(%run_scoped3A_398 : memref<!tpu.dma_semaphore, #tpu.memory_space<semaphore_mem>>) {add = true}
        %dma_wait3A_404 = arith.constant 0 : i32
        %dma_wait3A_405 = tpu.memref_slice %arg10[%run_scoped3A_385, %dma_wait3A_404] : memref<8x128xi32, #tpu.memory_space<vmem>> -> memref<1x128xi32, #tpu.memory_space<vmem>>
        %dma_wait3A_406 = tpu.memref_squeeze %dma_wait3A_405 : memref<1x128xi32, #tpu.memory_space<vmem>> -> memref<128xi32, #tpu.memory_space<vmem>>
        %dma_wait3A_407 = arith.constant 0 : i32
        %dma_wait3A_408 = tpu.memref_slice %arg17[%dma_wait3A_407] : memref<100352xf32, #tpu.memory_space<vmem_shared>> -> memref<100352xf32, #tpu.memory_space<vmem_shared>>
        tpu.wait_indirect_dma semaphore(%run_scoped3A_398 : memref<!tpu.dma_semaphore, #tpu.memory_space<semaphore_mem>>) src(%arg14 : memref<128xf32, #tpu.memory_space<vmem>>) dst(%dma_wait3A_408 : memref<100352xf32, #tpu.memory_space<vmem_shared>>)
        tpu.yield
      }) : () -> ()
      %run_scoped3A_386 = arith.constant 2 : i32
      "tpu.region"() ({
        %run_scoped3A_398 = tpu.sem_alloc : memref<!tpu.dma_semaphore, #tpu.memory_space<semaphore_mem>>
        %dma_start3A_399 = arith.constant 256 : i32
        %dma_start3A_400 = tpu.memref_slice %arg13[%dma_start3A_399] : memref<1024xf32, #tpu.memory_space<vmem>> -> memref<128xf32, #tpu.memory_space<vmem>>
        %dma_start3A_401 = arith.constant 0 : i32
        %dma_start3A_402 = tpu.memref_slice %arg10[%run_scoped3A_386, %dma_start3A_401] : memref<8x128xi32, #tpu.memory_space<vmem>> -> memref<1x128xi32, #tpu.memory_space<vmem>>
        %dma_start3A_403 = tpu.memref_squeeze %dma_start3A_402 : memref<1x128xi32, #tpu.memory_space<vmem>> -> memref<128xi32, #tpu.memory_space<vmem>>
        %dma_start3A_404 = arith.constant 0 : i32
        %dma_start3A_405 = tpu.memref_slice %arg16[%dma_start3A_404] : memref<100352xf32, #tpu.memory_space<vmem_shared>> -> memref<100352xf32, #tpu.memory_space<vmem_shared>>
        tpu.enqueue_indirect_dma source(%dma_start3A_400 : memref<128xf32, #tpu.memory_space<vmem>>) target(%dma_start3A_405 : memref<100352xf32, #tpu.memory_space<vmem_shared>>) offsets(%dma_start3A_403 : memref<128xi32, #tpu.memory_space<vmem>>) semaphore(%run_scoped3A_398 : memref<!tpu.dma_semaphore, #tpu.memory_space<semaphore_mem>>) {add = true}
        %dma_wait3A_406 = arith.constant 256 : i32
        %dma_wait3A_407 = tpu.memref_slice %arg13[%dma_wait3A_406] : memref<1024xf32, #tpu.memory_space<vmem>> -> memref<128xf32, #tpu.memory_space<vmem>>
        %dma_wait3A_408 = arith.constant 0 : i32
        %dma_wait3A_409 = tpu.memref_slice %arg10[%run_scoped3A_386, %dma_wait3A_408] : memref<8x128xi32, #tpu.memory_space<vmem>> -> memref<1x128xi32, #tpu.memory_space<vmem>>
        %dma_wait3A_410 = tpu.memref_squeeze %dma_wait3A_409 : memref<1x128xi32, #tpu.memory_space<vmem>> -> memref<128xi32, #tpu.memory_space<vmem>>
        %dma_wait3A_411 = arith.constant 0 : i32
        %dma_wait3A_412 = tpu.memref_slice %arg16[%dma_wait3A_411] : memref<100352xf32, #tpu.memory_space<vmem_shared>> -> memref<100352xf32, #tpu.memory_space<vmem_shared>>
        tpu.wait_indirect_dma semaphore(%run_scoped3A_398 : memref<!tpu.dma_semaphore, #tpu.memory_space<semaphore_mem>>) src(%dma_wait3A_407 : memref<128xf32, #tpu.memory_space<vmem>>) dst(%dma_wait3A_412 : memref<100352xf32, #tpu.memory_space<vmem_shared>>)
        tpu.yield
      }) : () -> ()
      %run_scoped3A_387 = arith.constant 2 : i32
      "tpu.region"() ({
        %run_scoped3A_398 = tpu.sem_alloc : memref<!tpu.dma_semaphore, #tpu.memory_space<semaphore_mem>>
        %dma_start3A_399 = arith.constant 0 : i32
        %dma_start3A_400 = tpu.memref_slice %arg10[%run_scoped3A_387, %dma_start3A_399] : memref<8x128xi32, #tpu.memory_space<vmem>> -> memref<1x128xi32, #tpu.memory_space<vmem>>
        %dma_start3A_401 = tpu.memref_squeeze %dma_start3A_400 : memref<1x128xi32, #tpu.memory_space<vmem>> -> memref<128xi32, #tpu.memory_space<vmem>>
        %dma_start3A_402 = arith.constant 0 : i32
        %dma_start3A_403 = tpu.memref_slice %arg17[%dma_start3A_402] : memref<100352xf32, #tpu.memory_space<vmem_shared>> -> memref<100352xf32, #tpu.memory_space<vmem_shared>>
        tpu.enqueue_indirect_dma source(%arg14 : memref<128xf32, #tpu.memory_space<vmem>>) target(%dma_start3A_403 : memref<100352xf32, #tpu.memory_space<vmem_shared>>) offsets(%dma_start3A_401 : memref<128xi32, #tpu.memory_space<vmem>>) semaphore(%run_scoped3A_398 : memref<!tpu.dma_semaphore, #tpu.memory_space<semaphore_mem>>) {add = true}
        %dma_wait3A_404 = arith.constant 0 : i32
        %dma_wait3A_405 = tpu.memref_slice %arg10[%run_scoped3A_387, %dma_wait3A_404] : memref<8x128xi32, #tpu.memory_space<vmem>> -> memref<1x128xi32, #tpu.memory_space<vmem>>
        %dma_wait3A_406 = tpu.memref_squeeze %dma_wait3A_405 : memref<1x128xi32, #tpu.memory_space<vmem>> -> memref<128xi32, #tpu.memory_space<vmem>>
        %dma_wait3A_407 = arith.constant 0 : i32
        %dma_wait3A_408 = tpu.memref_slice %arg17[%dma_wait3A_407] : memref<100352xf32, #tpu.memory_space<vmem_shared>> -> memref<100352xf32, #tpu.memory_space<vmem_shared>>
        tpu.wait_indirect_dma semaphore(%run_scoped3A_398 : memref<!tpu.dma_semaphore, #tpu.memory_space<semaphore_mem>>) src(%arg14 : memref<128xf32, #tpu.memory_space<vmem>>) dst(%dma_wait3A_408 : memref<100352xf32, #tpu.memory_space<vmem_shared>>)
        tpu.yield
      }) : () -> ()
      %run_scoped3A_388 = arith.constant 3 : i32
      "tpu.region"() ({
        %run_scoped3A_398 = tpu.sem_alloc : memref<!tpu.dma_semaphore, #tpu.memory_space<semaphore_mem>>
        %dma_start3A_399 = arith.constant 384 : i32
        %dma_start3A_400 = tpu.memref_slice %arg13[%dma_start3A_399] : memref<1024xf32, #tpu.memory_space<vmem>> -> memref<128xf32, #tpu.memory_space<vmem>>
        %dma_start3A_401 = arith.constant 0 : i32
        %dma_start3A_402 = tpu.memref_slice %arg10[%run_scoped3A_388, %dma_start3A_401] : memref<8x128xi32, #tpu.memory_space<vmem>> -> memref<1x128xi32, #tpu.memory_space<vmem>>
        %dma_start3A_403 = tpu.memref_squeeze %dma_start3A_402 : memref<1x128xi32, #tpu.memory_space<vmem>> -> memref<128xi32, #tpu.memory_space<vmem>>
        %dma_start3A_404 = arith.constant 0 : i32
        %dma_start3A_405 = tpu.memref_slice %arg16[%dma_start3A_404] : memref<100352xf32, #tpu.memory_space<vmem_shared>> -> memref<100352xf32, #tpu.memory_space<vmem_shared>>
        tpu.enqueue_indirect_dma source(%dma_start3A_400 : memref<128xf32, #tpu.memory_space<vmem>>) target(%dma_start3A_405 : memref<100352xf32, #tpu.memory_space<vmem_shared>>) offsets(%dma_start3A_403 : memref<128xi32, #tpu.memory_space<vmem>>) semaphore(%run_scoped3A_398 : memref<!tpu.dma_semaphore, #tpu.memory_space<semaphore_mem>>) {add = true}
        %dma_wait3A_406 = arith.constant 384 : i32
        %dma_wait3A_407 = tpu.memref_slice %arg13[%dma_wait3A_406] : memref<1024xf32, #tpu.memory_space<vmem>> -> memref<128xf32, #tpu.memory_space<vmem>>
        %dma_wait3A_408 = arith.constant 0 : i32
        %dma_wait3A_409 = tpu.memref_slice %arg10[%run_scoped3A_388, %dma_wait3A_408] : memref<8x128xi32, #tpu.memory_space<vmem>> -> memref<1x128xi32, #tpu.memory_space<vmem>>
        %dma_wait3A_410 = tpu.memref_squeeze %dma_wait3A_409 : memref<1x128xi32, #tpu.memory_space<vmem>> -> memref<128xi32, #tpu.memory_space<vmem>>
        %dma_wait3A_411 = arith.constant 0 : i32
        %dma_wait3A_412 = tpu.memref_slice %arg16[%dma_wait3A_411] : memref<100352xf32, #tpu.memory_space<vmem_shared>> -> memref<100352xf32, #tpu.memory_space<vmem_shared>>
        tpu.wait_indirect_dma semaphore(%run_scoped3A_398 : memref<!tpu.dma_semaphore, #tpu.memory_space<semaphore_mem>>) src(%dma_wait3A_407 : memref<128xf32, #tpu.memory_space<vmem>>) dst(%dma_wait3A_412 : memref<100352xf32, #tpu.memory_space<vmem_shared>>)
        tpu.yield
      }) : () -> ()
      %run_scoped3A_389 = arith.constant 3 : i32
      "tpu.region"() ({
        %run_scoped3A_398 = tpu.sem_alloc : memref<!tpu.dma_semaphore, #tpu.memory_space<semaphore_mem>>
        %dma_start3A_399 = arith.constant 0 : i32
        %dma_start3A_400 = tpu.memref_slice %arg10[%run_scoped3A_389, %dma_start3A_399] : memref<8x128xi32, #tpu.memory_space<vmem>> -> memref<1x128xi32, #tpu.memory_space<vmem>>
        %dma_start3A_401 = tpu.memref_squeeze %dma_start3A_400 : memref<1x128xi32, #tpu.memory_space<vmem>> -> memref<128xi32, #tpu.memory_space<vmem>>
        %dma_start3A_402 = arith.constant 0 : i32
        %dma_start3A_403 = tpu.memref_slice %arg17[%dma_start3A_402] : memref<100352xf32, #tpu.memory_space<vmem_shared>> -> memref<100352xf32, #tpu.memory_space<vmem_shared>>
        tpu.enqueue_indirect_dma source(%arg14 : memref<128xf32, #tpu.memory_space<vmem>>) target(%dma_start3A_403 : memref<100352xf32, #tpu.memory_space<vmem_shared>>) offsets(%dma_start3A_401 : memref<128xi32, #tpu.memory_space<vmem>>) semaphore(%run_scoped3A_398 : memref<!tpu.dma_semaphore, #tpu.memory_space<semaphore_mem>>) {add = true}
        %dma_wait3A_404 = arith.constant 0 : i32
        %dma_wait3A_405 = tpu.memref_slice %arg10[%run_scoped3A_389, %dma_wait3A_404] : memref<8x128xi32, #tpu.memory_space<vmem>> -> memref<1x128xi32, #tpu.memory_space<vmem>>
        %dma_wait3A_406 = tpu.memref_squeeze %dma_wait3A_405 : memref<1x128xi32, #tpu.memory_space<vmem>> -> memref<128xi32, #tpu.memory_space<vmem>>
        %dma_wait3A_407 = arith.constant 0 : i32
        %dma_wait3A_408 = tpu.memref_slice %arg17[%dma_wait3A_407] : memref<100352xf32, #tpu.memory_space<vmem_shared>> -> memref<100352xf32, #tpu.memory_space<vmem_shared>>
        tpu.wait_indirect_dma semaphore(%run_scoped3A_398 : memref<!tpu.dma_semaphore, #tpu.memory_space<semaphore_mem>>) src(%arg14 : memref<128xf32, #tpu.memory_space<vmem>>) dst(%dma_wait3A_408 : memref<100352xf32, #tpu.memory_space<vmem_shared>>)
        tpu.yield
      }) : () -> ()
      %run_scoped3A_390 = arith.constant 4 : i32
      "tpu.region"() ({
        %run_scoped3A_398 = tpu.sem_alloc : memref<!tpu.dma_semaphore, #tpu.memory_space<semaphore_mem>>
        %dma_start3A_399 = arith.constant 512 : i32
        %dma_start3A_400 = tpu.memref_slice %arg13[%dma_start3A_399] : memref<1024xf32, #tpu.memory_space<vmem>> -> memref<128xf32, #tpu.memory_space<vmem>>
        %dma_start3A_401 = arith.constant 0 : i32
        %dma_start3A_402 = tpu.memref_slice %arg10[%run_scoped3A_390, %dma_start3A_401] : memref<8x128xi32, #tpu.memory_space<vmem>> -> memref<1x128xi32, #tpu.memory_space<vmem>>
        %dma_start3A_403 = tpu.memref_squeeze %dma_start3A_402 : memref<1x128xi32, #tpu.memory_space<vmem>> -> memref<128xi32, #tpu.memory_space<vmem>>
        %dma_start3A_404 = arith.constant 0 : i32
        %dma_start3A_405 = tpu.memref_slice %arg16[%dma_start3A_404] : memref<100352xf32, #tpu.memory_space<vmem_shared>> -> memref<100352xf32, #tpu.memory_space<vmem_shared>>
        tpu.enqueue_indirect_dma source(%dma_start3A_400 : memref<128xf32, #tpu.memory_space<vmem>>) target(%dma_start3A_405 : memref<100352xf32, #tpu.memory_space<vmem_shared>>) offsets(%dma_start3A_403 : memref<128xi32, #tpu.memory_space<vmem>>) semaphore(%run_scoped3A_398 : memref<!tpu.dma_semaphore, #tpu.memory_space<semaphore_mem>>) {add = true}
        %dma_wait3A_406 = arith.constant 512 : i32
        %dma_wait3A_407 = tpu.memref_slice %arg13[%dma_wait3A_406] : memref<1024xf32, #tpu.memory_space<vmem>> -> memref<128xf32, #tpu.memory_space<vmem>>
        %dma_wait3A_408 = arith.constant 0 : i32
        %dma_wait3A_409 = tpu.memref_slice %arg10[%run_scoped3A_390, %dma_wait3A_408] : memref<8x128xi32, #tpu.memory_space<vmem>> -> memref<1x128xi32, #tpu.memory_space<vmem>>
        %dma_wait3A_410 = tpu.memref_squeeze %dma_wait3A_409 : memref<1x128xi32, #tpu.memory_space<vmem>> -> memref<128xi32, #tpu.memory_space<vmem>>
        %dma_wait3A_411 = arith.constant 0 : i32
        %dma_wait3A_412 = tpu.memref_slice %arg16[%dma_wait3A_411] : memref<100352xf32, #tpu.memory_space<vmem_shared>> -> memref<100352xf32, #tpu.memory_space<vmem_shared>>
        tpu.wait_indirect_dma semaphore(%run_scoped3A_398 : memref<!tpu.dma_semaphore, #tpu.memory_space<semaphore_mem>>) src(%dma_wait3A_407 : memref<128xf32, #tpu.memory_space<vmem>>) dst(%dma_wait3A_412 : memref<100352xf32, #tpu.memory_space<vmem_shared>>)
        tpu.yield
      }) : () -> ()
      %run_scoped3A_391 = arith.constant 4 : i32
      "tpu.region"() ({
        %run_scoped3A_398 = tpu.sem_alloc : memref<!tpu.dma_semaphore, #tpu.memory_space<semaphore_mem>>
        %dma_start3A_399 = arith.constant 0 : i32
        %dma_start3A_400 = tpu.memref_slice %arg10[%run_scoped3A_391, %dma_start3A_399] : memref<8x128xi32, #tpu.memory_space<vmem>> -> memref<1x128xi32, #tpu.memory_space<vmem>>
        %dma_start3A_401 = tpu.memref_squeeze %dma_start3A_400 : memref<1x128xi32, #tpu.memory_space<vmem>> -> memref<128xi32, #tpu.memory_space<vmem>>
        %dma_start3A_402 = arith.constant 0 : i32
        %dma_start3A_403 = tpu.memref_slice %arg17[%dma_start3A_402] : memref<100352xf32, #tpu.memory_space<vmem_shared>> -> memref<100352xf32, #tpu.memory_space<vmem_shared>>
        tpu.enqueue_indirect_dma source(%arg14 : memref<128xf32, #tpu.memory_space<vmem>>) target(%dma_start3A_403 : memref<100352xf32, #tpu.memory_space<vmem_shared>>) offsets(%dma_start3A_401 : memref<128xi32, #tpu.memory_space<vmem>>) semaphore(%run_scoped3A_398 : memref<!tpu.dma_semaphore, #tpu.memory_space<semaphore_mem>>) {add = true}
        %dma_wait3A_404 = arith.constant 0 : i32
        %dma_wait3A_405 = tpu.memref_slice %arg10[%run_scoped3A_391, %dma_wait3A_404] : memref<8x128xi32, #tpu.memory_space<vmem>> -> memref<1x128xi32, #tpu.memory_space<vmem>>
        %dma_wait3A_406 = tpu.memref_squeeze %dma_wait3A_405 : memref<1x128xi32, #tpu.memory_space<vmem>> -> memref<128xi32, #tpu.memory_space<vmem>>
        %dma_wait3A_407 = arith.constant 0 : i32
        %dma_wait3A_408 = tpu.memref_slice %arg17[%dma_wait3A_407] : memref<100352xf32, #tpu.memory_space<vmem_shared>> -> memref<100352xf32, #tpu.memory_space<vmem_shared>>
        tpu.wait_indirect_dma semaphore(%run_scoped3A_398 : memref<!tpu.dma_semaphore, #tpu.memory_space<semaphore_mem>>) src(%arg14 : memref<128xf32, #tpu.memory_space<vmem>>) dst(%dma_wait3A_408 : memref<100352xf32, #tpu.memory_space<vmem_shared>>)
        tpu.yield
      }) : () -> ()
      %run_scoped3A_392 = arith.constant 5 : i32
      "tpu.region"() ({
        %run_scoped3A_398 = tpu.sem_alloc : memref<!tpu.dma_semaphore, #tpu.memory_space<semaphore_mem>>
        %dma_start3A_399 = arith.constant 640 : i32
        %dma_start3A_400 = tpu.memref_slice %arg13[%dma_start3A_399] : memref<1024xf32, #tpu.memory_space<vmem>> -> memref<128xf32, #tpu.memory_space<vmem>>
        %dma_start3A_401 = arith.constant 0 : i32
        %dma_start3A_402 = tpu.memref_slice %arg10[%run_scoped3A_392, %dma_start3A_401] : memref<8x128xi32, #tpu.memory_space<vmem>> -> memref<1x128xi32, #tpu.memory_space<vmem>>
        %dma_start3A_403 = tpu.memref_squeeze %dma_start3A_402 : memref<1x128xi32, #tpu.memory_space<vmem>> -> memref<128xi32, #tpu.memory_space<vmem>>
        %dma_start3A_404 = arith.constant 0 : i32
        %dma_start3A_405 = tpu.memref_slice %arg16[%dma_start3A_404] : memref<100352xf32, #tpu.memory_space<vmem_shared>> -> memref<100352xf32, #tpu.memory_space<vmem_shared>>
        tpu.enqueue_indirect_dma source(%dma_start3A_400 : memref<128xf32, #tpu.memory_space<vmem>>) target(%dma_start3A_405 : memref<100352xf32, #tpu.memory_space<vmem_shared>>) offsets(%dma_start3A_403 : memref<128xi32, #tpu.memory_space<vmem>>) semaphore(%run_scoped3A_398 : memref<!tpu.dma_semaphore, #tpu.memory_space<semaphore_mem>>) {add = true}
        %dma_wait3A_406 = arith.constant 640 : i32
        %dma_wait3A_407 = tpu.memref_slice %arg13[%dma_wait3A_406] : memref<1024xf32, #tpu.memory_space<vmem>> -> memref<128xf32, #tpu.memory_space<vmem>>
        %dma_wait3A_408 = arith.constant 0 : i32
        %dma_wait3A_409 = tpu.memref_slice %arg10[%run_scoped3A_392, %dma_wait3A_408] : memref<8x128xi32, #tpu.memory_space<vmem>> -> memref<1x128xi32, #tpu.memory_space<vmem>>
        %dma_wait3A_410 = tpu.memref_squeeze %dma_wait3A_409 : memref<1x128xi32, #tpu.memory_space<vmem>> -> memref<128xi32, #tpu.memory_space<vmem>>
        %dma_wait3A_411 = arith.constant 0 : i32
        %dma_wait3A_412 = tpu.memref_slice %arg16[%dma_wait3A_411] : memref<100352xf32, #tpu.memory_space<vmem_shared>> -> memref<100352xf32, #tpu.memory_space<vmem_shared>>
        tpu.wait_indirect_dma semaphore(%run_scoped3A_398 : memref<!tpu.dma_semaphore, #tpu.memory_space<semaphore_mem>>) src(%dma_wait3A_407 : memref<128xf32, #tpu.memory_space<vmem>>) dst(%dma_wait3A_412 : memref<100352xf32, #tpu.memory_space<vmem_shared>>)
        tpu.yield
      }) : () -> ()
      %run_scoped3A_393 = arith.constant 5 : i32
      "tpu.region"() ({
        %run_scoped3A_398 = tpu.sem_alloc : memref<!tpu.dma_semaphore, #tpu.memory_space<semaphore_mem>>
        %dma_start3A_399 = arith.constant 0 : i32
        %dma_start3A_400 = tpu.memref_slice %arg10[%run_scoped3A_393, %dma_start3A_399] : memref<8x128xi32, #tpu.memory_space<vmem>> -> memref<1x128xi32, #tpu.memory_space<vmem>>
        %dma_start3A_401 = tpu.memref_squeeze %dma_start3A_400 : memref<1x128xi32, #tpu.memory_space<vmem>> -> memref<128xi32, #tpu.memory_space<vmem>>
        %dma_start3A_402 = arith.constant 0 : i32
        %dma_start3A_403 = tpu.memref_slice %arg17[%dma_start3A_402] : memref<100352xf32, #tpu.memory_space<vmem_shared>> -> memref<100352xf32, #tpu.memory_space<vmem_shared>>
        tpu.enqueue_indirect_dma source(%arg14 : memref<128xf32, #tpu.memory_space<vmem>>) target(%dma_start3A_403 : memref<100352xf32, #tpu.memory_space<vmem_shared>>) offsets(%dma_start3A_401 : memref<128xi32, #tpu.memory_space<vmem>>) semaphore(%run_scoped3A_398 : memref<!tpu.dma_semaphore, #tpu.memory_space<semaphore_mem>>) {add = true}
        %dma_wait3A_404 = arith.constant 0 : i32
        %dma_wait3A_405 = tpu.memref_slice %arg10[%run_scoped3A_393, %dma_wait3A_404] : memref<8x128xi32, #tpu.memory_space<vmem>> -> memref<1x128xi32, #tpu.memory_space<vmem>>
        %dma_wait3A_406 = tpu.memref_squeeze %dma_wait3A_405 : memref<1x128xi32, #tpu.memory_space<vmem>> -> memref<128xi32, #tpu.memory_space<vmem>>
        %dma_wait3A_407 = arith.constant 0 : i32
        %dma_wait3A_408 = tpu.memref_slice %arg17[%dma_wait3A_407] : memref<100352xf32, #tpu.memory_space<vmem_shared>> -> memref<100352xf32, #tpu.memory_space<vmem_shared>>
        tpu.wait_indirect_dma semaphore(%run_scoped3A_398 : memref<!tpu.dma_semaphore, #tpu.memory_space<semaphore_mem>>) src(%arg14 : memref<128xf32, #tpu.memory_space<vmem>>) dst(%dma_wait3A_408 : memref<100352xf32, #tpu.memory_space<vmem_shared>>)
        tpu.yield
      }) : () -> ()
      %run_scoped3A_394 = arith.constant 6 : i32
      "tpu.region"() ({
        %run_scoped3A_398 = tpu.sem_alloc : memref<!tpu.dma_semaphore, #tpu.memory_space<semaphore_mem>>
        %dma_start3A_399 = arith.constant 768 : i32
        %dma_start3A_400 = tpu.memref_slice %arg13[%dma_start3A_399] : memref<1024xf32, #tpu.memory_space<vmem>> -> memref<128xf32, #tpu.memory_space<vmem>>
        %dma_start3A_401 = arith.constant 0 : i32
        %dma_start3A_402 = tpu.memref_slice %arg10[%run_scoped3A_394, %dma_start3A_401] : memref<8x128xi32, #tpu.memory_space<vmem>> -> memref<1x128xi32, #tpu.memory_space<vmem>>
        %dma_start3A_403 = tpu.memref_squeeze %dma_start3A_402 : memref<1x128xi32, #tpu.memory_space<vmem>> -> memref<128xi32, #tpu.memory_space<vmem>>
        %dma_start3A_404 = arith.constant 0 : i32
        %dma_start3A_405 = tpu.memref_slice %arg16[%dma_start3A_404] : memref<100352xf32, #tpu.memory_space<vmem_shared>> -> memref<100352xf32, #tpu.memory_space<vmem_shared>>
        tpu.enqueue_indirect_dma source(%dma_start3A_400 : memref<128xf32, #tpu.memory_space<vmem>>) target(%dma_start3A_405 : memref<100352xf32, #tpu.memory_space<vmem_shared>>) offsets(%dma_start3A_403 : memref<128xi32, #tpu.memory_space<vmem>>) semaphore(%run_scoped3A_398 : memref<!tpu.dma_semaphore, #tpu.memory_space<semaphore_mem>>) {add = true}
        %dma_wait3A_406 = arith.constant 768 : i32
        %dma_wait3A_407 = tpu.memref_slice %arg13[%dma_wait3A_406] : memref<1024xf32, #tpu.memory_space<vmem>> -> memref<128xf32, #tpu.memory_space<vmem>>
        %dma_wait3A_408 = arith.constant 0 : i32
        %dma_wait3A_409 = tpu.memref_slice %arg10[%run_scoped3A_394, %dma_wait3A_408] : memref<8x128xi32, #tpu.memory_space<vmem>> -> memref<1x128xi32, #tpu.memory_space<vmem>>
        %dma_wait3A_410 = tpu.memref_squeeze %dma_wait3A_409 : memref<1x128xi32, #tpu.memory_space<vmem>> -> memref<128xi32, #tpu.memory_space<vmem>>
        %dma_wait3A_411 = arith.constant 0 : i32
        %dma_wait3A_412 = tpu.memref_slice %arg16[%dma_wait3A_411] : memref<100352xf32, #tpu.memory_space<vmem_shared>> -> memref<100352xf32, #tpu.memory_space<vmem_shared>>
        tpu.wait_indirect_dma semaphore(%run_scoped3A_398 : memref<!tpu.dma_semaphore, #tpu.memory_space<semaphore_mem>>) src(%dma_wait3A_407 : memref<128xf32, #tpu.memory_space<vmem>>) dst(%dma_wait3A_412 : memref<100352xf32, #tpu.memory_space<vmem_shared>>)
        tpu.yield
      }) : () -> ()
      %run_scoped3A_395 = arith.constant 6 : i32
      "tpu.region"() ({
        %run_scoped3A_398 = tpu.sem_alloc : memref<!tpu.dma_semaphore, #tpu.memory_space<semaphore_mem>>
        %dma_start3A_399 = arith.constant 0 : i32
        %dma_start3A_400 = tpu.memref_slice %arg10[%run_scoped3A_395, %dma_start3A_399] : memref<8x128xi32, #tpu.memory_space<vmem>> -> memref<1x128xi32, #tpu.memory_space<vmem>>
        %dma_start3A_401 = tpu.memref_squeeze %dma_start3A_400 : memref<1x128xi32, #tpu.memory_space<vmem>> -> memref<128xi32, #tpu.memory_space<vmem>>
        %dma_start3A_402 = arith.constant 0 : i32
        %dma_start3A_403 = tpu.memref_slice %arg17[%dma_start3A_402] : memref<100352xf32, #tpu.memory_space<vmem_shared>> -> memref<100352xf32, #tpu.memory_space<vmem_shared>>
        tpu.enqueue_indirect_dma source(%arg14 : memref<128xf32, #tpu.memory_space<vmem>>) target(%dma_start3A_403 : memref<100352xf32, #tpu.memory_space<vmem_shared>>) offsets(%dma_start3A_401 : memref<128xi32, #tpu.memory_space<vmem>>) semaphore(%run_scoped3A_398 : memref<!tpu.dma_semaphore, #tpu.memory_space<semaphore_mem>>) {add = true}
        %dma_wait3A_404 = arith.constant 0 : i32
        %dma_wait3A_405 = tpu.memref_slice %arg10[%run_scoped3A_395, %dma_wait3A_404] : memref<8x128xi32, #tpu.memory_space<vmem>> -> memref<1x128xi32, #tpu.memory_space<vmem>>
        %dma_wait3A_406 = tpu.memref_squeeze %dma_wait3A_405 : memref<1x128xi32, #tpu.memory_space<vmem>> -> memref<128xi32, #tpu.memory_space<vmem>>
        %dma_wait3A_407 = arith.constant 0 : i32
        %dma_wait3A_408 = tpu.memref_slice %arg17[%dma_wait3A_407] : memref<100352xf32, #tpu.memory_space<vmem_shared>> -> memref<100352xf32, #tpu.memory_space<vmem_shared>>
        tpu.wait_indirect_dma semaphore(%run_scoped3A_398 : memref<!tpu.dma_semaphore, #tpu.memory_space<semaphore_mem>>) src(%arg14 : memref<128xf32, #tpu.memory_space<vmem>>) dst(%dma_wait3A_408 : memref<100352xf32, #tpu.memory_space<vmem_shared>>)
        tpu.yield
      }) : () -> ()
      %run_scoped3A_396 = arith.constant 7 : i32
      "tpu.region"() ({
        %run_scoped3A_398 = tpu.sem_alloc : memref<!tpu.dma_semaphore, #tpu.memory_space<semaphore_mem>>
        %dma_start3A_399 = arith.constant 896 : i32
        %dma_start3A_400 = tpu.memref_slice %arg13[%dma_start3A_399] : memref<1024xf32, #tpu.memory_space<vmem>> -> memref<128xf32, #tpu.memory_space<vmem>>
        %dma_start3A_401 = arith.constant 0 : i32
        %dma_start3A_402 = tpu.memref_slice %arg10[%run_scoped3A_396, %dma_start3A_401] : memref<8x128xi32, #tpu.memory_space<vmem>> -> memref<1x128xi32, #tpu.memory_space<vmem>>
        %dma_start3A_403 = tpu.memref_squeeze %dma_start3A_402 : memref<1x128xi32, #tpu.memory_space<vmem>> -> memref<128xi32, #tpu.memory_space<vmem>>
        %dma_start3A_404 = arith.constant 0 : i32
        %dma_start3A_405 = tpu.memref_slice %arg16[%dma_start3A_404] : memref<100352xf32, #tpu.memory_space<vmem_shared>> -> memref<100352xf32, #tpu.memory_space<vmem_shared>>
        tpu.enqueue_indirect_dma source(%dma_start3A_400 : memref<128xf32, #tpu.memory_space<vmem>>) target(%dma_start3A_405 : memref<100352xf32, #tpu.memory_space<vmem_shared>>) offsets(%dma_start3A_403 : memref<128xi32, #tpu.memory_space<vmem>>) semaphore(%run_scoped3A_398 : memref<!tpu.dma_semaphore, #tpu.memory_space<semaphore_mem>>) {add = true}
        %dma_wait3A_406 = arith.constant 896 : i32
        %dma_wait3A_407 = tpu.memref_slice %arg13[%dma_wait3A_406] : memref<1024xf32, #tpu.memory_space<vmem>> -> memref<128xf32, #tpu.memory_space<vmem>>
        %dma_wait3A_408 = arith.constant 0 : i32
        %dma_wait3A_409 = tpu.memref_slice %arg10[%run_scoped3A_396, %dma_wait3A_408] : memref<8x128xi32, #tpu.memory_space<vmem>> -> memref<1x128xi32, #tpu.memory_space<vmem>>
        %dma_wait3A_410 = tpu.memref_squeeze %dma_wait3A_409 : memref<1x128xi32, #tpu.memory_space<vmem>> -> memref<128xi32, #tpu.memory_space<vmem>>
        %dma_wait3A_411 = arith.constant 0 : i32
        %dma_wait3A_412 = tpu.memref_slice %arg16[%dma_wait3A_411] : memref<100352xf32, #tpu.memory_space<vmem_shared>> -> memref<100352xf32, #tpu.memory_space<vmem_shared>>
        tpu.wait_indirect_dma semaphore(%run_scoped3A_398 : memref<!tpu.dma_semaphore, #tpu.memory_space<semaphore_mem>>) src(%dma_wait3A_407 : memref<128xf32, #tpu.memory_space<vmem>>) dst(%dma_wait3A_412 : memref<100352xf32, #tpu.memory_space<vmem_shared>>)
        tpu.yield
      }) : () -> ()
      %run_scoped3A_397 = arith.constant 7 : i32
      "tpu.region"() ({
        %run_scoped3A_398 = tpu.sem_alloc : memref<!tpu.dma_semaphore, #tpu.memory_space<semaphore_mem>>
        %dma_start3A_399 = arith.constant 0 : i32
        %dma_start3A_400 = tpu.memref_slice %arg10[%run_scoped3A_397, %dma_start3A_399] : memref<8x128xi32, #tpu.memory_space<vmem>> -> memref<1x128xi32, #tpu.memory_space<vmem>>
        %dma_start3A_401 = tpu.memref_squeeze %dma_start3A_400 : memref<1x128xi32, #tpu.memory_space<vmem>> -> memref<128xi32, #tpu.memory_space<vmem>>
        %dma_start3A_402 = arith.constant 0 : i32
        %dma_start3A_403 = tpu.memref_slice %arg17[%dma_start3A_402] : memref<100352xf32, #tpu.memory_space<vmem_shared>> -> memref<100352xf32, #tpu.memory_space<vmem_shared>>
        tpu.enqueue_indirect_dma source(%arg14 : memref<128xf32, #tpu.memory_space<vmem>>) target(%dma_start3A_403 : memref<100352xf32, #tpu.memory_space<vmem_shared>>) offsets(%dma_start3A_401 : memref<128xi32, #tpu.memory_space<vmem>>) semaphore(%run_scoped3A_398 : memref<!tpu.dma_semaphore, #tpu.memory_space<semaphore_mem>>) {add = true}
        %dma_wait3A_404 = arith.constant 0 : i32
        %dma_wait3A_405 = tpu.memref_slice %arg10[%run_scoped3A_397, %dma_wait3A_404] : memref<8x128xi32, #tpu.memory_space<vmem>> -> memref<1x128xi32, #tpu.memory_space<vmem>>
        %dma_wait3A_406 = tpu.memref_squeeze %dma_wait3A_405 : memref<1x128xi32, #tpu.memory_space<vmem>> -> memref<128xi32, #tpu.memory_space<vmem>>
        %dma_wait3A_407 = arith.constant 0 : i32
        %dma_wait3A_408 = tpu.memref_slice %arg17[%dma_wait3A_407] : memref<100352xf32, #tpu.memory_space<vmem_shared>> -> memref<100352xf32, #tpu.memory_space<vmem_shared>>
        tpu.wait_indirect_dma semaphore(%run_scoped3A_398 : memref<!tpu.dma_semaphore, #tpu.memory_space<semaphore_mem>>) src(%arg14 : memref<128xf32, #tpu.memory_space<vmem>>) dst(%dma_wait3A_408 : memref<100352xf32, #tpu.memory_space<vmem_shared>>)
        tpu.yield
      }) : () -> ()
    }
    %barrier3A_48 = arith.constant 0 : index
    tpu.barrier barrier_id(%barrier3A_48)
    %mul3A_49 = arith.constant 6272 : i32
    %mul3A_50 = arith.muli %arg1, %mul3A_49 : i32
    %mul3A_51 = arith.constant 6272 : i32
    %mul3A_52 = arith.muli %arg1, %mul3A_51 : i32
    "tpu.region"() ({
      %run_scoped3A = tpu.sem_alloc : memref<!tpu.dma_semaphore, #tpu.memory_space<semaphore_mem>>
      %dma_start3A = arith.constant 0 : i32
      %dma_start3A_57 = tpu.memref_slice %arg7[%arg0, %dma_start3A] : memref<2x100352xf32, #tpu.memory_space<hbm>> -> memref<1x100352xf32, #tpu.memory_space<hbm>>
      %dma_start3A_58 = tpu.memref_squeeze %dma_start3A_57 : memref<1x100352xf32, #tpu.memory_space<hbm>> -> memref<100352xf32, #tpu.memory_space<hbm>>
      %dma_start3A_59 = tpu.memref_slice %dma_start3A_58[%mul3A_52] : memref<100352xf32, #tpu.memory_space<hbm>> -> memref<6272xf32, #tpu.memory_space<hbm>>
      %dma_start3A_60 = tpu.memref_slice %arg16[%mul3A_50] : memref<100352xf32, #tpu.memory_space<vmem_shared>> -> memref<6272xf32, #tpu.memory_space<vmem_shared>>
      tpu.enqueue_dma source(%dma_start3A_60 : memref<6272xf32, #tpu.memory_space<vmem_shared>>) target(%dma_start3A_59 : memref<6272xf32, #tpu.memory_space<hbm>>) target_semaphore(%run_scoped3A : memref<!tpu.dma_semaphore, #tpu.memory_space<semaphore_mem>>)
      %dma_wait3A = arith.constant 0 : i32
      %dma_wait3A_61 = tpu.memref_slice %arg7[%arg0, %dma_wait3A] : memref<2x100352xf32, #tpu.memory_space<hbm>> -> memref<1x100352xf32, #tpu.memory_space<hbm>>
      %dma_wait3A_62 = tpu.memref_squeeze %dma_wait3A_61 : memref<1x100352xf32, #tpu.memory_space<hbm>> -> memref<100352xf32, #tpu.memory_space<hbm>>
      %dma_wait3A_63 = tpu.memref_slice %dma_wait3A_62[%mul3A_52] : memref<100352xf32, #tpu.memory_space<hbm>> -> memref<6272xf32, #tpu.memory_space<hbm>>
      %dma_wait3A_64 = tpu.memref_slice %arg16[%mul3A_50] : memref<100352xf32, #tpu.memory_space<vmem_shared>> -> memref<6272xf32, #tpu.memory_space<vmem_shared>>
      tpu.wait_dma2 semaphore(%run_scoped3A : memref<!tpu.dma_semaphore, #tpu.memory_space<semaphore_mem>>) src(%dma_wait3A_64 : memref<6272xf32, #tpu.memory_space<vmem_shared>>) dst(%dma_wait3A_63 : memref<6272xf32, #tpu.memory_space<hbm>>)
      tpu.yield
    }) : () -> ()
    %mul3A_53 = arith.constant 6272 : i32
    %mul3A_54 = arith.muli %arg1, %mul3A_53 : i32
    %mul3A_55 = arith.constant 6272 : i32
    %mul3A_56 = arith.muli %arg1, %mul3A_55 : i32
    "tpu.region"() ({
      %run_scoped3A = tpu.sem_alloc : memref<!tpu.dma_semaphore, #tpu.memory_space<semaphore_mem>>
      %dma_start3A = arith.constant 0 : i32
      %dma_start3A_57 = tpu.memref_slice %arg8[%arg0, %dma_start3A] : memref<2x100352xf32, #tpu.memory_space<hbm>> -> memref<1x100352xf32, #tpu.memory_space<hbm>>
      %dma_start3A_58 = tpu.memref_squeeze %dma_start3A_57 : memref<1x100352xf32, #tpu.memory_space<hbm>> -> memref<100352xf32, #tpu.memory_space<hbm>>
      %dma_start3A_59 = tpu.memref_slice %dma_start3A_58[%mul3A_56] : memref<100352xf32, #tpu.memory_space<hbm>> -> memref<6272xf32, #tpu.memory_space<hbm>>
      %dma_start3A_60 = tpu.memref_slice %arg17[%mul3A_54] : memref<100352xf32, #tpu.memory_space<vmem_shared>> -> memref<6272xf32, #tpu.memory_space<vmem_shared>>
      tpu.enqueue_dma source(%dma_start3A_60 : memref<6272xf32, #tpu.memory_space<vmem_shared>>) target(%dma_start3A_59 : memref<6272xf32, #tpu.memory_space<hbm>>) target_semaphore(%run_scoped3A : memref<!tpu.dma_semaphore, #tpu.memory_space<semaphore_mem>>)
      %dma_wait3A = arith.constant 0 : i32
      %dma_wait3A_61 = tpu.memref_slice %arg8[%arg0, %dma_wait3A] : memref<2x100352xf32, #tpu.memory_space<hbm>> -> memref<1x100352xf32, #tpu.memory_space<hbm>>
      %dma_wait3A_62 = tpu.memref_squeeze %dma_wait3A_61 : memref<1x100352xf32, #tpu.memory_space<hbm>> -> memref<100352xf32, #tpu.memory_space<hbm>>
      %dma_wait3A_63 = tpu.memref_slice %dma_wait3A_62[%mul3A_56] : memref<100352xf32, #tpu.memory_space<hbm>> -> memref<6272xf32, #tpu.memory_space<hbm>>
      %dma_wait3A_64 = tpu.memref_slice %arg17[%mul3A_54] : memref<100352xf32, #tpu.memory_space<vmem_shared>> -> memref<6272xf32, #tpu.memory_space<vmem_shared>>
      tpu.wait_dma2 semaphore(%run_scoped3A : memref<!tpu.dma_semaphore, #tpu.memory_space<semaphore_mem>>) src(%dma_wait3A_64 : memref<6272xf32, #tpu.memory_space<vmem_shared>>) dst(%dma_wait3A_63 : memref<6272xf32, #tpu.memory_space<hbm>>)
      tpu.yield
    }) : () -> ()
    return
  }
}

module attributes {stable_mosaic.version = 14 : i64} {
  func.func @body(%arg0: memref<784x128xf32, #tpu.memory_space<vmem>>, %arg1: memref<784x128xf32, #tpu.memory_space<vmem>>, %arg2: memref<784x128xf32, #tpu.memory_space<vmem>>) attributes {dimension_semantics = [], scalar_prefetch = 0 : i64, scratch_operands = 0 : i64, tpu.core_type = #tpu.core_type<tc>} {
    %get3A = arith.constant 0 : index
    %get3A_0 = arith.constant 0 : index
    %get3A_1 = vector.load %arg0[%get3A, %get3A_0] : memref<784x128xf32, #tpu.memory_space<vmem>>, vector<784x128xf32>
    %cos3A = math.cos %get3A_1 : vector<784x128xf32>
    %swap3A = arith.constant 0 : index
    %swap3A_2 = arith.constant 0 : index
    %swap3A_3 = vector.load %arg1[%swap3A, %swap3A_2] : memref<784x128xf32, #tpu.memory_space<vmem>>, vector<784x128xf32>
    tpu.vector_store %arg1[%swap3A, %swap3A_2], %cos3A {strides = array<i32>} : memref<784x128xf32, #tpu.memory_space<vmem>>, vector<784x128xf32>,
    %sin3A = math.sin %get3A_1 : vector<784x128xf32>
    %swap3A_4 = arith.constant 0 : index
    %swap3A_5 = arith.constant 0 : index
    %swap3A_6 = vector.load %arg2[%swap3A_4, %swap3A_5] : memref<784x128xf32, #tpu.memory_space<vmem>>, vector<784x128xf32>
    tpu.vector_store %arg2[%swap3A_4, %swap3A_5], %sin3A {strides = array<i32>} : memref<784x128xf32, #tpu.memory_space<vmem>>, vector<784x128xf32>,
    return
  }
}

module attributes {stable_mosaic.version = 14 : i64} {
  func.func @body(%arg0: memref<784x128xf32, #tpu.memory_space<vmem>>, %arg1: memref<784x128xf32, #tpu.memory_space<vmem>>, %arg2: memref<784x128xf32, #tpu.memory_space<vmem>>, %arg3: memref<784x128xf32, #tpu.memory_space<vmem>>, %arg4: memref<784x128xf32, #tpu.memory_space<vmem>>, %arg5: memref<784x128xf32, #tpu.memory_space<vmem>>, %arg6: memref<1x1xf32, #tpu.memory_space<vmem>>, %arg7: memref<784x128xf32, #tpu.memory_space<vmem>>, %arg8: memref<784x128xf32, #tpu.memory_space<vmem>>, %arg9: memref<784x128xf32, #tpu.memory_space<vmem>>) attributes {dimension_semantics = [], scalar_prefetch = 0 : i64, scratch_operands = 0 : i64, tpu.core_type = #tpu.core_type<tc>} {
    %get3A = arith.constant 0 : index
    %get3A_0 = arith.constant 0 : index
    %get3A_1 = vector.load %arg6[%get3A, %get3A_0] : memref<1x1xf32, #tpu.memory_space<vmem>>, vector<1x1xf32>
    %get3A_2 = arith.constant 0 : index
    %get3A_3 = arith.constant 0 : index
    %get3A_4 = vector.load %arg2[%get3A_2, %get3A_3] : memref<784x128xf32, #tpu.memory_space<vmem>>, vector<784x128xf32>
    %get3A_5 = arith.constant 0 : index
    %get3A_6 = arith.constant 0 : index
    %get3A_7 = vector.load %arg3[%get3A_5, %get3A_6] : memref<784x128xf32, #tpu.memory_space<vmem>>, vector<784x128xf32>
    %add3A = arith.addf %get3A_4, %get3A_7 : vector<784x128xf32>
    %get3A_8 = arith.constant 0 : index
    %get3A_9 = arith.constant 0 : index
    %get3A_10 = vector.load %arg4[%get3A_8, %get3A_9] : memref<784x128xf32, #tpu.memory_space<vmem>>, vector<784x128xf32>
    %get3A_11 = arith.constant 0 : index
    %get3A_12 = arith.constant 0 : index
    %get3A_13 = vector.load %arg5[%get3A_11, %get3A_12] : memref<784x128xf32, #tpu.memory_space<vmem>>, vector<784x128xf32>
    %add3A_14 = arith.addf %get3A_10, %get3A_13 : vector<784x128xf32>
    %max3A = arith.constant 1.000000e+00 : f32
    %max3A_15 = vector.broadcast %max3A : f32 to vector<784x128xf32>
    %max3A_16 = arith.maximumf %add3A_14, %max3A_15 : vector<784x128xf32>
    %div3A = arith.divf %add3A, %max3A_16 : vector<784x128xf32>
    %swap3A = arith.constant 0 : index
    %swap3A_17 = arith.constant 0 : index
    %swap3A_18 = vector.load %arg9[%swap3A, %swap3A_17] : memref<784x128xf32, #tpu.memory_space<vmem>>, vector<784x128xf32>
    tpu.vector_store %arg9[%swap3A, %swap3A_17], %div3A {strides = array<i32>} : memref<784x128xf32, #tpu.memory_space<vmem>>, vector<784x128xf32>,
    %get3A_19 = arith.constant 0 : index
    %get3A_20 = arith.constant 0 : index
    %get3A_21 = vector.load %arg0[%get3A_19, %get3A_20] : memref<784x128xf32, #tpu.memory_space<vmem>>, vector<784x128xf32>
    %mul3A = vector.broadcast %get3A_1 : vector<1x1xf32> to vector<784x128xf32>
    %mul3A_22 = arith.mulf %mul3A, %get3A_21 : vector<784x128xf32>
    %swap3A_23 = arith.constant 0 : index
    %swap3A_24 = arith.constant 0 : index
    %swap3A_25 = vector.load %arg7[%swap3A_23, %swap3A_24] : memref<784x128xf32, #tpu.memory_space<vmem>>, vector<784x128xf32>
    tpu.vector_store %arg7[%swap3A_23, %swap3A_24], %mul3A_22 {strides = array<i32>} : memref<784x128xf32, #tpu.memory_space<vmem>>, vector<784x128xf32>,
    %get3A_26 = arith.constant 0 : index
    %get3A_27 = arith.constant 0 : index
    %get3A_28 = vector.load %arg1[%get3A_26, %get3A_27] : memref<784x128xf32, #tpu.memory_space<vmem>>, vector<784x128xf32>
    %mul3A_29 = vector.broadcast %get3A_1 : vector<1x1xf32> to vector<784x128xf32>
    %mul3A_30 = arith.mulf %mul3A_29, %get3A_28 : vector<784x128xf32>
    %swap3A_31 = arith.constant 0 : index
    %swap3A_32 = arith.constant 0 : index
    %swap3A_33 = vector.load %arg8[%swap3A_31, %swap3A_32] : memref<784x128xf32, #tpu.memory_space<vmem>>, vector<784x128xf32>
    tpu.vector_store %arg8[%swap3A_31, %swap3A_32], %mul3A_30 {strides = array<i32>} : memref<784x128xf32, #tpu.memory_space<vmem>>, vector<784x128xf32>,
    return
  }
}

</mosaic_0001>

<sc_bundles>
// kernel: kernel.5.cloned.1.call-start
scs
__scs_entry_jumppad:
0x0: {  	(pc) =	sbr.rel $0x88, $3  }
0x1: {  	(tag) =	ssettag $0x0;
	lr =	simm.s32 $0x1  }
0x2: {  	[smem:$0x3F99] =	sst lr;
	_ =	strace $0xD0000000  }
0x3: {  	_ = 	snop  }
0x4: {  	_ = 	snop  }
0x5: {  	_ = 	snop  }
0x6: {  	_ = 	snop  }
0x7: {  	_ = 	snop  }
__scs_overlays_trampoline_lowered:
0x8: {  	[smem:$0x3FA8] =	sst s0  }
0x9: {  	[smem:$0x3FA9] =	sst s1  }
0xa: {  	[smem:$0x3FAA] =	sst s2  }
0xb: {  	[smem:$0x3FAB] =	sst s3  }
0xc: {  	[smem:$0x3FAC] =	sst s4  }
0xd: {  	[smem:$0x3FAD] =	sst s5  }
0xe: {  	[smem:$0x3FAE] =	sst s6  }
0xf: {  	[smem:$0x3FAF] =	sst s7  }
0x10: {  	[smem:$0x3FB0] =	sst s8  }
0x11: {  	[smem:$0x3FB1] =	sst s9;
	s0 =	simm.s32 @!p0 $0x0  }
0x12: {  	s1 =	sld [smem:$0x3F97];
	s0 =	simm.s32 @p0 $0x1  }
0x13: {  	[smem:$0x3FB2] =	sst s0;
	s0 =	simm.s32 @!p1 $0x0  }
0x14: {  	s2 =	sld [smem:$0x3F96];
	s0 =	simm.s32 @p1 $0x1  }
0x15: {  	[smem:$0x3FB3] =	sst s0;
	s0 =	simm.s32 @!p2 $0x0  }
0x16: {  	s3 =	sld [smem:$0x3FDB];
	s0 =	simm.s32 @p2 $0x1  }
0x17: {  	s4 =	simm.s32 $0x1BF5;
	[smem:$0x3FB5] =	sst s0  }
0x18: {  	s0 =	sld [smem:$0x3F98];
	_ =	swait.ge [sflag:s4], $0x0  }
0x19: {  	s7 =	sld [smem:$0x3F99]  }
0x1a: {  	s8 =	sadd.s32 $0xFFFFE003, lr  }
0x1b: {  	s9 =	sadd.s32 $0xFFFFFEF7, lr;
	s5 =	simm.s32 $0xFFFFFFFF;
	p2 =	slt.u32 s8, $0xFFFFF086  }
0x1c: {  	p1 =	slt.u32 s9, $0xF7A;
	s5 =	simm.s32 @!p2 $0x0  }
0x1d: {  	s5 =	simm.s32 @p1 $0x1;
	p0 =	seq.s32 s7, s2  }
0x1e: {  	s7 =	smul.u32 @!p0 $0xF7A, s2;
	p2 =	seq.s32 @!p0 s5, $0x0  }
0x1f: {  	s9 =	smul.u32 $0xF7A, s1;
	s8 =	simm.s32 @!p0 $0x1BF5;
	p2 =	por !p2, p0  }
0x20: {  	[sflag:s8] =	ssyncset.s32 @!p0 $0xFFFFF086;
	s6 =	sadd.s32 @!p0 s3, s7;
	s7 =	simm.s32 @!p0 $0x108  }
0x21: {  	s3 =	sadd.s32 s3, s9;
	s6 =	sadd.s32 @!p0 $0x88, s6;
	s7 =	simm.s32 @p2 $0x1082  }
0x22: {  	[simem:s7], [sflag:s8] =	dma.local @!p0 [hbm:s6], $0xF7A  }
0x23: {  	s9 =	sor.u32 $0xD0000000, s2;
	s6 =	simm.s32 $0x108;
	_ =	swait.ge @!p0 [sflag:s8], $0x0  }
0x24: {  	s3 =	sadd.s32 $0x88, s3;
	s6 =	simm.s32 @!p1 $0x1082;
	[sflag:s4] =	ssyncset.s32 $0xFFFFF086  }
0x25: {  	[simem:s6], [sflag:s4] =	dma.local [hbm:s3], $0xF7A  }
0x26: {  	[smem:$0x3F99] =	sst s1;
	(tag) =	ssettag s2;
	_ =	strace s9  }
0x27: {  	s1 =	sld [smem:$0x3FA9]  }
0x28: {  	s2 =	sld [smem:$0x3FAA]  }
0x29: {  	s4 =	sld [smem:$0x3FAC]  }
0x2a: {  	p0 =	seq.s32 s5, $0x0;
	s5 =	sld [smem:$0x3FAD]  }
0x2b: {  	s6 =	sld [smem:$0x3FAE]  }
0x2c: {  	s7 =	sld [smem:$0x3FAF]  }
0x2d: {  	s3 =	simm.s32 $0x108;
	s8 =	sld [smem:$0x3FB0]  }
0x2e: {  	s3 =	simm.s32 @!p0 $0x1082;
	s9 =	sld [smem:$0x3FB1]  }
0x2f: {  	lr =	sadd.s32 s0, s3;
	s0 =	sld [smem:$0x3FA8]  }
0x30: {  	s3 =	sld [smem:$0x3FAB]  }
0x31: {  	[smem:$0x3FB4] =	sst s10  }
0x32: {  	s10 =	sld [smem:$0x3FB2];
	_ =	sdelay $0x3  }
0x33: {  	p0 =	seq.s32 s10, $0x1;
	s10 =	sld [smem:$0x3FB4];
	_ =	sdelay $0x3  }
0x34: {  	[smem:$0x3FB4] =	sst s10  }
0x35: {  	s10 =	sld [smem:$0x3FB3];
	_ =	sdelay $0x3  }
0x36: {  	p1 =	seq.s32 s10, $0x1;
	s10 =	sld [smem:$0x3FB4];
	_ =	sdelay $0x3  }
0x37: {  	[smem:$0x3FB4] =	sst s10  }
0x38: {  	s10 =	sld [smem:$0x3FB5]  }
0x39: {  	_ = 	snop;
	(pc) =	sbr.ind lr, $3  }
0x3a: {  	_ = 	snop  }
0x3b: {  	_ = 	snop  }
0x3c: {  	p2 =	seq.s32 s10, $0x1;
	s10 =	sld [smem:$0x3FB4]  }
0x3d: {  	_ =	shalt  }
0x3e: {  	_ =	shalt  }
0x3f: {  	_ =	shalt  }
0x40: {  	_ =	shalt  }
0x41: {  	_ =	shalt  }
0x42: {  	_ =	shalt  }
0x43: {  	_ =	shalt  }
0x44: {  	_ =	shalt  }
0x45: {  	_ =	shalt  }
0x46: {  	_ =	shalt  }
0x47: {  	_ =	shalt  }
0x48: {  	_ =	shalt  }
0x49: {  	_ =	shalt  }
0x4a: {  	_ =	shalt  }
0x4b: {  	_ =	shalt  }
0x4c: {  	_ =	shalt  }
0x4d: {  	_ =	shalt  }
0x4e: {  	_ =	shalt  }
0x4f: {  	_ =	shalt  }
0x50: {  	_ =	shalt  }
0x51: {  	_ =	shalt  }
0x52: {  	_ =	shalt  }
0x53: {  	_ =	shalt  }
0x54: {  	_ =	shalt  }
0x55: {  	_ =	shalt  }
0x56: {  	_ =	shalt  }
0x57: {  	_ =	shalt  }
0x58: {  	_ =	shalt  }
0x59: {  	_ =	shalt  }
0x5a: {  	_ =	shalt  }
0x5b: {  	_ =	shalt  }
0x5c: {  	_ =	shalt  }
0x5d: {  	_ =	shalt  }
0x5e: {  	_ =	shalt  }
0x5f: {  	_ =	shalt  }
0x60: {  	_ =	shalt  }
0x61: {  	_ =	shalt  }
0x62: {  	_ =	shalt  }
0x63: {  	_ =	shalt  }
0x64: {  	_ =	shalt  }
0x65: {  	_ =	shalt  }
0x66: {  	_ =	shalt  }
0x67: {  	_ =	shalt  }
0x68: {  	_ =	shalt  }
0x69: {  	_ =	shalt  }
0x6a: {  	_ =	shalt  }
0x6b: {  	_ =	shalt  }
0x6c: {  	_ =	shalt  }
0x6d: {  	_ =	shalt  }
0x6e: {  	_ =	shalt  }
0x6f: {  	_ =	shalt  }
0x70: {  	_ =	shalt  }
0x71: {  	_ =	shalt  }
0x72: {  	_ =	shalt  }
0x73: {  	_ =	shalt  }
0x74: {  	_ =	shalt  }
0x75: {  	_ =	shalt  }
0x76: {  	_ =	shalt  }
0x77: {  	_ =	shalt  }
0x78: {  	_ =	shalt  }
0x79: {  	_ =	shalt  }
0x7a: {  	_ =	shalt  }
0x7b: {  	_ =	shalt  }
0x7c: {  	_ =	shalt  }
0x7d: {  	_ =	shalt  }
0x7e: {  	_ =	shalt  }
0x7f: {  	_ =	shalt  }
0x80: {  	_ =	shalt  }
0x81: {  	_ =	shalt  }
0x82: {  	_ =	shalt  }
0x83: {  	_ =	shalt  }
0x84: {  	_ =	shalt  }
0x85: {  	_ =	shalt  }
0x86: {  	_ =	shalt  }
0x87: {  	_ =	shalt  }
.Lfunc_end0:
.L_simem_size_0:
called_computation_lowered:
.L_overlay_start_0:
0x88: {  	s2 =	sld [smem:$0x3FD9]  }
0x89: {  	s3 =	sld [smem:$0x3FFE];
	_ =	sdelay $0x1  }
0x8a: {  	s1 =	srdreg.scid  }
0x8b: {  	s0 =	sand.u32 $0x1, s1  }
0x8c: {  	s17 =	sshll.u32 s0, $0xA;
	s2 =	sadd.s32 s3, s2  }
0x8d: {  	s2 =	sadd.s32 s2, s17  }
0x8e: {  	[smem:$0x3FC0] =	sst s2  }
0x8f: {  	_ = 	snop  }
0x90: {  	s2 =	sld [smem:$0x3FD0];
	(tm) =	ssettm $0x1  }
0x91: {  	s18 =	sld [smem:$0x3FFB];
	_ =	sdelay $0x3  }
0x92: {  	_ =	strace s18  }
0x93: {  	s3 =	sld [smem:$0x3FFC];
	_ =	sdelay $0x3  }
0x94: {  	_ =	strace s3  }
0x95: {  	s3 =	sld [smem:$0x3FFD];
	_ =	sdelay $0x3  }
0x96: {  	_ =	strace s3  }
0x97: {  	_ =	strace $0x8FFFFFFF  }
0x98: {  	s19 =	sld [smem:$0x3FDB];
	_ =	sdelay $0x1  }
0x99: {  	s4 =	simm.s32 $_scs_section_size  }
0x9a: {  	s5 =	simm.s32 $_size__tile_overlayer_lowered;
	s6 =	simm.s32 $_tile_overlayer_lowered  }
0x9b: {  	s22 =	simm.s32 $0x1BFF;
	s21 =	sshll.u32 s6, $0x1;
	s3 =	sadd.s32 s4, s19  }
0x9c: {  	s7 =	simm.s32 $0x0;
	s20 =	sshll.u32 s5, $0x1;
	s5 =	sadd.s32 s21, s3  }
0x9d: {  	[timem:s7], [sflag:s22] =	dma.local [hbm:s5], s20  }
0x9e: {  	_ =	swait.ge [sflag:s22], s20  }
0x9f: {  	s4 =	ssub.s32 $0x0, s20;
	[sflag:s22] =	ssyncset.done $0x0  }
0xa0: {  	[sflag:s22] =	ssyncadd.s32 s4;
	_ =	sdelay $0x1  }
0xa1: {  	s23 =	simm.s32 $0x1B8B  }
0xa2: {  	_ =	swait.ge [sflag:s23], $0x1  }
0xa3: {  	[sflag:s23] =	ssyncset.done $0x0  }
0xa4: {  	s25 =	simm.s32 $0x1B8E;
	s24 =	sld [smem:$0x3FFE];
	[sflag:s23] =	ssyncadd.s32 $0xFFFFFFFF  }
0xa5: {  	s26 =	simm.s32 $execute0_lowered;
	[smem:$0x3FD2] =	sst s25  }
0xa6: {  	s5 =	sshll.u32 s26, $0x1;
	_ =	strace $0x80000046;
	[dreg:$0x1] =	wrdreg $0xFFFFFFFF  }
0xa7: {  	s28 =	simm.s32 $_size_execute0_lowered;
	s3 =	sadd.s32 s3, s5;
	[dreg:$0x0] =	wrdreg $0x0  }
0xa8: {  	s5 =	sshll.u32 s28, $0x1;
	[dreg:$0x2] =	wrdreg s3  }
0xa9: {  	[dreg:$0x3] =	wrdreg s5  }
0xaa: {  	[dreg:$0x4] =	wrdreg $0xC0  }
0xab: {  	_ =	task [dreg:s7], $0x5FFFF  }
0xac: {  	[dreg:$0x1] =	wrdreg $0xFFFFFFFF  }
0xad: {  	[dreg:$0x0] =	wrdreg $0x60  }
0xae: {  	[dreg:$0x2] =	wrdreg s24  }
0xaf: {  	[dreg:$0x3] =	wrdreg s2  }
0xb0: {  	[dreg:$0x4] =	wrdreg $0x92900  }
0xb1: {  	[dreg:$0x5] =	wrdreg $0xAB100  }
0xb2: {  	[dreg:$0x6] =	wrdreg $0x9  }
0xb3: {  	_ =	task.clear_ibuf [dreg:s7], $0x7FFFF;
	_ =	strace $0x90000046  }
0xb4: {  	s29 =	simm.s32 $0x9;
	_ =	strace $0x80000048  }
0xb5: {  	_ =	swait.ge [sflag:s29], $0x1  }
0xb6: {  	[sflag:s29] =	ssyncadd.s32 $0xFFFFFFFF  }
0xb7: {  	_ =	strace $0x90000048  }
0xb8: {  	_ =	sfence  }
0xb9: {  	s30 =	sld [smem:$0x0];
	_ =	sdelay $0x2  }
0xba: {  	s31 =	sshll.u32 s1, $0xD;
	s1 =	sshrl.u32 s1, $0x2  }
0xbb: {  	s3 =	sand.u32 $0x4000, s31;
	s1 =	sadd.s32 s1, s30  }
0xbc: {  	s0 =	sor.u32 s3, s0;
	s1 =	sshll.u32 s1, $0x11  }
0xbd: {  	s0 =	sor.u32 s1, s0  }
0xbe: {  	s0 =	sadd.s32 $0x8F2B, s0  }
0xbf: {  	[sflag:s0] =	ssyncadd.remote.s32 $0x1  }
0xc0: {  	_ =	sfence.sel $0xFFFF  }
0xc1: {  	[dreg:$0x0] =	wrdreg $0xFFFFFFFF;
	(pc) =	sbr.abs _section_cstart, $3  }
0xc2: {  	[dreg:$0x1] =	wrdreg $0xFFFFFFFF  }
0xc3: {  	_ =	task.clear_ibuf [dreg:s7], $0x2FFFF;
	_ =	strace $0x9FFFFFFF  }
0xc4: {  	(tm) =	ssettm $0x7FFFFFFF  }
0xc5: {  	_ =	shalt  }
tec
execute0_lowered:
.L_overlay_start_1:
0x0: {  	(tag) =	ssettag $0x1  }
0x1: {  	s0 =	rddreg [dreg:$0x0]  }
0x2: {  	s3 =	rddreg [dreg:$0x1]  }
0x3: {  	s1 =	rddreg [dreg:$0x2]  }
0x4: {  	s2 =	rddreg [dreg:$0x3];
	s4 =	simm.s32 $0x0;
	s14 =	stileid.u32  }
0x5: {  	s8 =	srdreg.scid;
	s18 =	simm.s32 $0x400;
	s19 =	simm.s32 $0x80  }
0x6: {  	s30 =	simm.s32 $0x500;
	s17 =	simm.s32 $0x680;
	s28 =	simm.s32 $0x700  }
0x7: {  	s29 =	simm.s32 $0x8B00;
	s31 =	simm.s32 $0x8B80;
	[smem:$0x7FF] =	sst s4  }
0x8: {  	s5 =	sadd.s32 $0x188A00, s0;
	s20 =	smul.u32 $0x1880, s14;
	s6 =	sadd.s32 $0xC4000, s0  }
0x9: {  	s7 =	sadd.s32 $0xA00, s0;
	s8 =	sand.u32 $0x1, s8;
	s13 =	sadd.s32 $0x187600, s0  }
0xa: {  	s22 =	sshll.u32 s14, $0x1;
	p0 =	slt.u32 s14, $0x5;
	s26 =	sshll.u32 s14, $0x6  }
0xb: {  	s14 =	simm.s32 $0x2;
	_ =	strace $0x80000047;
	s12 =	smul.u32 $0x3100, s8  }
0xc: {  	s10 =	ssub.s32 $0x2, s8;
	[dreg:$0x5] =	wrdreg s13;
	s8 =	sor.u32 s8, s22  }
0xd: {  	s16 =	sor.u32 $0x1C02, s26;
	s26 =	simm.s32 $0x8A80;
	s9 =	sshrl.u32 s20, $0x3  }
0xe: {  	s21 =	sshrl.u32 s10, $0x1;
	s15 =	sadd.s32 s20, s1;
	s24 =	smul.u32 $0xC3, s8  }
0xf: {  	s4 =	sadd.s32 s20, s2;
	s8 =	smin.u32 s8, $0xA;
	s20 =	simm.s32 $0x800  }
0x10: {  	[dreg:$0x8] =	wrdreg s16;
	s11 =	sadd.s32 s9, s0;
	s0 =	sadd.s32 s12, s0  }
0x11: {  	s13 =	ssub.s32 s10, s21;
	s10 =	simm.s32 $0xC4;
	s3 =	sadd.s32 s3, s12  }
0x12: {  	s15 =	sshrl.u32 s15, $0x3;
	s22 =	sshrl.u32 s4, $0x3;
	s21 =	simm.s32 $0x4800  }
0x13: {  	s12 =	simm.s32 $0x8800;
	s23 =	sadd.s32 $0x1B9A00, s11;
	[dreg:$0x9] =	wrdreg s15  }
0x14: {  	s10 =	simm.s32 @!p0 $0xC3;
	s11 =	sadd.s32 s8, s24;
	[dreg:$0xa] =	wrdreg s22  }
0x15: {  	s0 =	sadd.s32 $0x1BCC00, s0;
	s25 =	smax.u32 s13, $0x1;
	[dreg:$0x6] =	wrdreg s23  }
0x16: {  	s3 =	sadd.s32 s9, s3;
	s13 =	simm.s32 $0x580;
	[dreg:$0x7] =	wrdreg s25  }
0x17: {  	v0 =	vlaneseq.u32;
	s8 =	simm.s32 $0x1;
	s24 =	simm.s32 $0x8C00;
	[dreg:$0xb] =	wrdreg s3  }
0x18: {  	v1 =	vimm.f32 $1.000000000e+00;
	v2 =	vor.u32 $0xFFFFFFC8, v0;
	s0 =	sadd.s32 s9, s0;
	s25 =	simm.s32 $0x480;
	s23 =	simm.s32 $0x600  }
0x19: {  	v3 =	vor.u32 $0xFFFFFFD8, v0;
	v4 =	vor.u32 $0xFFFFFFE8, v0;
	v5 =	vor.u32 $0xFFFFFFF8, v0;
	s3 =	simm.s32 $0x780;
	s9 =	simm.s32 $0x0;
	[dreg:$0xc] =	wrdreg s0  }
.LBB2_1:
0x1a: {  	[dreg:$0xd] =	wrdreg s9  }
0x1b: {  	s0 =	simm.s32 $0x0;
	s4 =	rddreg [dreg:$0x5];
	s9 =	simm.s32 $0x8C80  }
0x1c: {  	[tilespmem:s9], [sflag:$0x2] =	stream.linear.gather [hbm4b:s4+s0], $0x610, $0x38;
	[tilespmem:$0xC390] =	vst v63  }
0x1d: {  	_ =	swait.ge [sflag:s14], $0x610  }
0x1e: {  	[sflag:s14] =	ssyncset.done $0x0  }
0x1f: {  	s9 =	rddreg [dreg:$0x6];
	[sflag:s14] =	ssyncadd.s32 $0xFFFFF9F0  }
0x20: {  	[spmem:s15], [sflag:s16] =	dma.local [hbm:s9], $0x310  }
0x21: {  	_ =	swait.ge [sflag:s14], $0x310  }
0x22: {  	[sflag:s14] =	ssyncset.done $0x0  }
0x23: {  	[sflag:s14] =	ssyncadd.s32 $0xFFFFFCF0  }
0x24: {  	[spmem:s22], [sflag:s16] =	dma.local [hbm:s9], $0x310  }
0x25: {  	_ =	swait.ge [sflag:s14], $0x310  }
0x26: {  	[sflag:s14] =	ssyncset.done $0x0  }
0x27: {  	[sflag:s14] =	ssyncadd.s32 $0xFFFFFCF0  }
0x28: {  	[tilespmem:$0x8C00] =	vst v1  }
0x29: {  	[tilespmem:$0x8C10] =	vst v1  }
0x2a: {  	[tilespmem:$0x8C20] =	vst v1  }
0x2b: {  	[tilespmem:$0x8C30] =	vst v1  }
0x2c: {  	[tilespmem:$0x8C40] =	vst v1  }
0x2d: {  	[tilespmem:$0x8C50] =	vst v1  }
0x2e: {  	[tilespmem:$0x8C60] =	vst v1  }
0x2f: {  	s0 =	simm.s32 $0x0;
	[tilespmem:$0x8C70] =	vst v1  }
0x30: {  	s15 =	simm.s32 $0x1000;
	s22 =	simm.s32 $0x5000;
	[bflag:$0x0] =	sbarrier.arrive $0xFFFF  }
.LBB2_2:
0x31: {  	s4 =	sadd.s32 s0, s11  }
0x32: {  	s4 =	sshll.u32 s4, $0x7  }
0x33: {  	s9 =	sand.u32 $0x1FFFFF80, s4  }
0x34: {  	s4 =	simm.s32 $0x0;
	s16 =	sadd.s32 s6, s9  }
0x35: {  	[tilespmem:s4], [sflag:$0x2] =	stream.linear.gather [hbm4b:s16+s4], $0x400, $0x38;
	[tilespmem:$0xC390] =	vst v63  }
0x36: {  	_ =	swait.ge [sflag:s14], $0x400  }
0x37: {  	[sflag:s14] =	ssyncset.done $0x0  }
0x38: {  	s9 =	sadd.s32 s7, s9;
	[sflag:s14] =	ssyncadd.s32 $0xFFFFFC00  }
0x39: {  	[tilespmem:s18], [sflag:$0x2] =	stream.linear.gather [hbm4b:s9+s4], $0x400, $0x38;
	[tilespmem:$0xC390] =	vst v63  }
0x3a: {  	_ =	swait.ge [sflag:s14], $0x400  }
0x3b: {  	[sflag:s14] =	ssyncset.done $0x0  }
0x3c: {  	[sflag:s14] =	ssyncadd.s32 $0xFFFFFC00  }
0x3d: {  	[tilespmem:s20], [sflag:$0x1] =	stream.indirect.gather [hbm4b:s5+s19], $0x10, s4, s19, $0xb8;
	[tilespmem:$0xC390] =	vst v63  }
0x3e: {  	_ = 	snop  }
0x3f: {  	[tilespmem:s21], [sflag:$0x1] =	stream.indirect.gather [hbm4b:s5+s19], $0x10, s18, s19, $0xb8;
	[tilespmem:$0xC390] =	vst v63  }
0x40: {  	_ = 	snop  }
0x41: {  	[tilespmem:s15], [sflag:$0x1] =	stream.indirect.gather [hbm4b:s5+s19], $0x10, s19, s19, $0xb8;
	[tilespmem:$0xC390] =	vst v63  }
0x42: {  	_ = 	snop  }
0x43: {  	[tilespmem:s22], [sflag:$0x1] =	stream.indirect.gather [hbm4b:s5+s19], $0x10, s25, s19, $0xb8;
	[tilespmem:$0xC390] =	vst v63  }
0x44: {  	s16 =	simm.s32 $0x1800;
	s9 =	simm.s32 $0x100  }
0x45: {  	[tilespmem:s16], [sflag:$0x1] =	stream.indirect.gather [hbm4b:s5+s19], $0x10, s9, s19, $0xb8;
	[tilespmem:$0xC390] =	vst v63  }
0x46: {  	s16 =	simm.s32 $0x5800  }
0x47: {  	[tilespmem:s16], [sflag:$0x1] =	stream.indirect.gather [hbm4b:s5+s19], $0x10, s30, s19, $0xb8;
	[tilespmem:$0xC390] =	vst v63  }
0x48: {  	s9 =	simm.s32 $0x180;
	s16 =	simm.s32 $0x2000  }
0x49: {  	[tilespmem:s16], [sflag:$0x1] =	stream.indirect.gather [hbm4b:s5+s19], $0x10, s9, s19, $0xb8;
	[tilespmem:$0xC390] =	vst v63  }
0x4a: {  	s16 =	simm.s32 $0x6000  }
0x4b: {  	[tilespmem:s16], [sflag:$0x1] =	stream.indirect.gather [hbm4b:s5+s19], $0x10, s13, s19, $0xb8;
	[tilespmem:$0xC390] =	vst v63  }
0x4c: {  	s9 =	simm.s32 $0x200;
	s16 =	simm.s32 $0x2800  }
0x4d: {  	[tilespmem:s16], [sflag:$0x1] =	stream.indirect.gather [hbm4b:s5+s19], $0x10, s9, s19, $0xb8;
	[tilespmem:$0xC390] =	vst v63  }
0x4e: {  	s16 =	simm.s32 $0x6800  }
0x4f: {  	[tilespmem:s16], [sflag:$0x1] =	stream.indirect.gather [hbm4b:s5+s19], $0x10, s23, s19, $0xb8;
	[tilespmem:$0xC390] =	vst v63  }
0x50: {  	s9 =	simm.s32 $0x280;
	s16 =	simm.s32 $0x3000  }
0x51: {  	[tilespmem:s16], [sflag:$0x1] =	stream.indirect.gather [hbm4b:s5+s19], $0x10, s9, s19, $0xb8;
	[tilespmem:$0xC390] =	vst v63  }
0x52: {  	s16 =	simm.s32 $0x7000  }
0x53: {  	[tilespmem:s16], [sflag:$0x1] =	stream.indirect.gather [hbm4b:s5+s19], $0x10, s17, s19, $0xb8;
	[tilespmem:$0xC390] =	vst v63  }
0x54: {  	s9 =	simm.s32 $0x300;
	s16 =	simm.s32 $0x3800  }
0x55: {  	[tilespmem:s16], [sflag:$0x1] =	stream.indirect.gather [hbm4b:s5+s19], $0x10, s9, s19, $0xb8;
	[tilespmem:$0xC390] =	vst v63  }
0x56: {  	s16 =	simm.s32 $0x7800  }
0x57: {  	[tilespmem:s16], [sflag:$0x1] =	stream.indirect.gather [hbm4b:s5+s19], $0x10, s28, s19, $0xb8;
	[tilespmem:$0xC390] =	vst v63  }
0x58: {  	s9 =	simm.s32 $0x380;
	s16 =	simm.s32 $0x4000  }
0x59: {  	[tilespmem:s16], [sflag:$0x1] =	stream.indirect.gather [hbm4b:s5+s19], $0x10, s9, s19, $0xb8;
	[tilespmem:$0xC390] =	vst v63  }
0x5a: {  	s16 =	simm.s32 $0x8000  }
0x5b: {  	[tilespmem:s16], [sflag:$0x1] =	stream.indirect.gather [hbm4b:s5+s19], $0x10, s3, s19, $0xb8;
	[tilespmem:$0xC390] =	vst v63  }
0x5c: {  	_ =	swait.ge [sflag:s8], $0x800  }
0x5d: {  	[sflag:s8] =	ssyncset.done $0x0  }
0x5e: {  	[sflag:s8] =	ssyncadd.s32 $0xFFFFF800  }
0x5f: {  	_ =	swait.ge [sflag:s8], $0x800  }
0x60: {  	[sflag:s8] =	ssyncset.done $0x0  }
0x61: {  	[sflag:s8] =	ssyncadd.s32 $0xFFFFF800  }
0x62: {  	_ =	swait.ge [sflag:s8], $0x800  }
0x63: {  	[sflag:s8] =	ssyncset.done $0x0  }
0x64: {  	[sflag:s8] =	ssyncadd.s32 $0xFFFFF800  }
0x65: {  	_ =	swait.ge [sflag:s8], $0x800  }
0x66: {  	[sflag:s8] =	ssyncset.done $0x0  }
0x67: {  	[sflag:s8] =	ssyncadd.s32 $0xFFFFF800  }
0x68: {  	_ =	swait.ge [sflag:s8], $0x800  }
0x69: {  	[sflag:s8] =	ssyncset.done $0x0  }
0x6a: {  	[sflag:s8] =	ssyncadd.s32 $0xFFFFF800  }
0x6b: {  	_ =	swait.ge [sflag:s8], $0x800  }
0x6c: {  	[sflag:s8] =	ssyncset.done $0x0  }
0x6d: {  	[sflag:s8] =	ssyncadd.s32 $0xFFFFF800  }
0x6e: {  	_ =	swait.ge [sflag:s8], $0x800  }
0x6f: {  	[sflag:s8] =	ssyncset.done $0x0  }
0x70: {  	[sflag:s8] =	ssyncadd.s32 $0xFFFFF800  }
0x71: {  	_ =	swait.ge [sflag:s8], $0x800  }
0x72: {  	[sflag:s8] =	ssyncset.done $0x0  }
0x73: {  	[sflag:s8] =	ssyncadd.s32 $0xFFFFF800  }
0x74: {  	_ =	swait.ge [sflag:s8], $0x800  }
0x75: {  	[sflag:s8] =	ssyncset.done $0x0  }
0x76: {  	[sflag:s8] =	ssyncadd.s32 $0xFFFFF800  }
0x77: {  	_ =	swait.ge [sflag:s8], $0x800  }
0x78: {  	[sflag:s8] =	ssyncset.done $0x0  }
0x79: {  	[sflag:s8] =	ssyncadd.s32 $0xFFFFF800  }
0x7a: {  	_ =	swait.ge [sflag:s8], $0x800  }
0x7b: {  	[sflag:s8] =	ssyncset.done $0x0  }
0x7c: {  	[sflag:s8] =	ssyncadd.s32 $0xFFFFF800  }
0x7d: {  	_ =	swait.ge [sflag:s8], $0x800  }
0x7e: {  	[sflag:s8] =	ssyncset.done $0x0  }
0x7f: {  	[sflag:s8] =	ssyncadd.s32 $0xFFFFF800  }
0x80: {  	_ =	swait.ge [sflag:s8], $0x800  }
0x81: {  	[sflag:s8] =	ssyncset.done $0x0  }
0x82: {  	[sflag:s8] =	ssyncadd.s32 $0xFFFFF800  }
0x83: {  	_ =	swait.ge [sflag:s8], $0x800  }
0x84: {  	[sflag:s8] =	ssyncset.done $0x0  }
0x85: {  	[sflag:s8] =	ssyncadd.s32 $0xFFFFF800  }
0x86: {  	_ =	swait.ge [sflag:s8], $0x800  }
0x87: {  	[sflag:s8] =	ssyncset.done $0x0  }
0x88: {  	[sflag:s8] =	ssyncadd.s32 $0xFFFFF800  }
0x89: {  	_ =	swait.ge [sflag:s8], $0x800  }
0x8a: {  	[sflag:s8] =	ssyncset.done $0x0  }
0x8b: {  	[sflag:s8] =	ssyncadd.s32 $0xFFFFF800  }
.LBB2_3:
0x8c: {  	v6 =	vor.u32 s4, v0  }
0x8d: {  	v8 =	vshll.u32 v6, $0x4;
	_ =	sdelay $0x1  }
0x8e: {  	v9 =	vor.u32 $0x1, v8  }
0x8f: {  	v10 =	vor.u32 $0x2, v8  }
0x90: {  	v11 =	vor.u32 $0x3, v8  }
0x91: {  	v12 =	vld.idx.msk [tilespmem:v8+s20+$0x0], $0xffff  }
0x92: {  	s9 =	sadd.s32 $0x10, s4;
	v17 =	vld.idx.msk [tilespmem:v8+s21+$0x0], $0xffff  }
0x93: {  	v7 =	vor.u32 s9, v0;
	v13 =	vld.idx.msk [tilespmem:v9+s20+$0x0], $0xffff  }
0x94: {  	v15 =	vshll.u32 v7, $0x4;
	v14 =	vld.idx.msk [tilespmem:v10+s20+$0x0], $0xffff  }
0x95: {  	v16 =	vld.idx.msk [tilespmem:v11+s20+$0x0], $0xffff  }
0x96: {  	v18 =	vor.u32 $0x1, v15;
	v9 =	vld.idx.msk [tilespmem:v9+s21+$0x0], $0xffff  }
0x97: {  	v19 =	vor.u32 $0x2, v15;
	v20 =	vld.idx.msk [tilespmem:v10+s21+$0x0], $0xffff  }
0x98: {  	v57 =	vor.u32 $0x3, v15;
	v11 =	vld.idx.msk [tilespmem:v11+s21+$0x0], $0xffff  }
0x99: {  	v21 =	vld.idx.msk [tilespmem:v15+s20+$0x0], $0xffff  }
0x9a: {  	s16 =	sadd.s32 $0x20, s4;
	v15 =	vld.idx.msk [tilespmem:v15+s21+$0x0], $0xffff  }
0x9b: {  	v8 =	vor.u32 s16, v0;
	v22 =	vld.idx.msk [tilespmem:v18+s20+$0x0], $0xffff  }
0x9c: {  	v25 =	vshll.u32 v8, $0x4;
	v23 =	vld.idx.msk [tilespmem:v19+s20+$0x0], $0xffff  }
0x9d: {  	v24 =	vld.idx.msk [tilespmem:v57+s20+$0x0], $0xffff  }
0x9e: {  	v26 =	vor.u32 $0x1, v25;
	v18 =	vld.idx.msk [tilespmem:v18+s21+$0x0], $0xffff  }
0x9f: {  	v27 =	vor.u32 $0x2, v25;
	v19 =	vld.idx.msk [tilespmem:v19+s21+$0x0], $0xffff  }
0xa0: {  	v28 =	vor.u32 $0x3, v25;
	v29 =	vld.idx.msk [tilespmem:v57+s21+$0x0], $0xffff  }
0xa1: {  	v30 =	vld.idx.msk [tilespmem:v25+s20+$0x0], $0xffff  }
0xa2: {  	v25 =	vld.idx.msk [tilespmem:v25+s21+$0x0], $0xffff  }
0xa3: {  	s16 =	sadd.s32 $0x30, s4;
	v31 =	vld.idx.msk [tilespmem:v26+s20+$0x0], $0xffff  }
0xa4: {  	v12 =	vsub.f32 v17, v12;
	v13 =	vsub.f32 v9, v13;
	v9 =	vor.u32 s16, v0;
	v32 =	vld.idx.msk [tilespmem:v27+s20+$0x0], $0xffff  }
0xa5: {  	v60 =	vmul.f32 v20, v14;
	v37 =	vmul.f32 v11, v16;
	v21 =	vsub.f32 v15, v21;
	v33 =	vld.idx.msk [tilespmem:v28+s20+$0x0], $0xffff  }
0xa6: {  	v11 =	vmul.f32 v11, v14;
	v58 =	vshll.u32 v9, $0x4;
	v26 =	vld.idx.msk [tilespmem:v26+s21+$0x0], $0xffff;
	v61 =	vsub.f32 v18, v22  }
0xa7: {  	v59 =	vmul.f32 v12, v14;
	v27 =	vld.idx.msk [tilespmem:v27+s21+$0x0], $0xffff;
	v34 =	vmul.f32 v13, v16  }
0xa8: {  	v28 =	vld.idx.msk [tilespmem:v28+s21+$0x0], $0xffff;
	v35 =	vor.u32 $0x1, v58;
	v42 =	vmul.f32 v21, v23;
	v44 =	vmul.f32 v61, v24  }
0xa9: {  	v41 =	vmul.f32 v20, v16;
	v36 =	vor.u32 $0x2, v58;
	v10 =	vadd.f32 v34, v59;
	v59 =	vld [tilespmem:$0x8D80]  }
0xaa: {  	v13 =	vmul.f32 v13, v14;
	v63 =	vor.u32 $0x3, v58;
	v14 =	vadd.f32 v44, v42;
	v42 =	vld [tilespmem:$0x8F80]  }
0xab: {  	v12 =	vmul.f32 v12, v16;
	v47 =	vmul.f32 v19, v23;
	v62 =	vld.idx.msk [tilespmem:v58+s20+$0x0], $0xffff  }
0xac: {  	v48 =	vmul.f32 v29, v24;
	v19 =	vmul.f32 v19, v24;
	v39 =	vld.idx.msk [tilespmem:v58+s21+$0x0], $0xffff  }
0xad: {  	v11 =	vsub.f32 v11, v41;
	v46 =	vmul.f32 v21, v24;
	v45 =	vmul.f32 v61, v23;
	v43 =	vld.idx.msk [tilespmem:v35+s20+$0x0], $0xffff  }
0xae: {  	v23 =	vmul.f32 v29, v23;
	v17 =	vadd.f32 v48, v47;
	v15 =	vsub.f32 v13, v12;
	v38 =	vld.idx.msk [tilespmem:v36+s20+$0x0], $0xffff  }
0xaf: {  	v13 =	vadd.f32 v37, v60;
	v25 =	vsub.f32 v25, v30;
	v56 =	vmul.f32 v27, v32;
	v50 =	vld.idx.msk [tilespmem:v63+s20+$0x0], $0xffff  }
0xb0: {  	v26 =	vsub.f32 v26, v31;
	v57 =	vmul.f32 v28, v33;
	v60 =	vmul.f32 v28, v32;
	v52 =	vld.idx.msk [tilespmem:v36+s21+$0x0], $0xffff  }
0xb1: {  	v16 =	vsub.f32 v45, v46;
	v27 =	vmul.f32 v27, v33;
	v51 =	vmul.f32 v25, v32;
	v54 =	vld.idx.msk [tilespmem:v63+s21+$0x0], $0xffff  }
0xb2: {  	v12 =	vsub.f32 v23, v19;
	v55 =	vmul.f32 v25, v33;
	v63 =	vld [tilespmem:$0x8E80];
	v53 =	vmul.f32 v26, v32  }
0xb3: {  	v49 =	vld.idx.msk [tilespmem:v35+s21+$0x0], $0xffff;
	v31 =	vmul.f32 v26, v33;
	v19 =	vsub.f32 v60, v27;
	v44 =	vmul.f32 v59, v15  }
0xb4: {  	v46 =	vmul.f32 v59, v16;
	v21 =	vsub.f32 v53, v55;
	v53 =	vmul.f32 v42, v12  }
0xb5: {  	v20 =	vadd.f32 v57, v56;
	v56 =	vmul.f32 v42, v19;
	v40 =	vmul.f32 v52, v38  }
0xb6: {  	v18 =	vadd.f32 v31, v51;
	v31 =	vld [tilespmem:$0x8C80];
	v41 =	vmul.f32 v54, v50;
	v26 =	vmul.f32 v54, v38  }
0xb7: {  	v22 =	vsub.f32 v39, v62;
	v47 =	vmul.f32 v63, v13;
	v29 =	vmul.f32 v52, v50  }
0xb8: {  	v58 =	vsub.f32 v49, v43;
	v48 =	vmul.f32 v63, v17;
	v51 =	vmul.f32 v59, v21  }
0xb9: {  	v52 =	vmul.f32 v42, v11;
	v61 =	vmul.f32 v22, v38  }
0xba: {  	v39 =	vmul.f32 v22, v50;
	v62 =	vmul.f32 v58, v50  }
0xbb: {  	v60 =	vld [tilespmem:$0x8C90];
	v25 =	vmul.f32 v58, v38;
	v23 =	vadd.f32 v41, v40;
	v43 =	vmul.f32 v31, v10  }
0xbc: {  	v45 =	vmul.f32 v31, v14;
	v50 =	vmul.f32 v31, v18;
	v22 =	vadd.f32 v62, v61  }
0xbd: {  	v55 =	vmul.f32 v63, v20;
	v24 =	vsub.f32 v25, v39;
	v61 =	vld [tilespmem:$0x8D90];
	v25 =	vadd.f32 v44, v43  }
0xbe: {  	v28 =	vmul.f32 v63, v23;
	v63 =	vld [tilespmem:$0x8E90];
	v32 =	vadd.f32 v46, v45;
	v54 =	vadd.f32 v51, v50  }
0xbf: {  	v58 =	vmul.f32 v31, v22;
	v30 =	vmul.f32 v59, v24;
	v33 =	vadd.f32 v47, v25  }
0xc0: {  	v49 =	vld [tilespmem:$0x9080];
	v25 =	vsub.f32 v26, v29;
	v26 =	vadd.f32 v55, v54;
	v47 =	vmul.f32 v60, v10  }
0xc1: {  	v46 =	vld [tilespmem:$0x8F90];
	v55 =	vmul.f32 v60, v18;
	v29 =	vadd.f32 v30, v58;
	v30 =	vmul.f32 v60, v22  }
0xc2: {  	v32 =	vadd.f32 v48, v32;
	v27 =	vmul.f32 v42, v25;
	v48 =	vmul.f32 v61, v15  }
0xc3: {  	v33 =	vadd.f32 v52, v33;
	v50 =	vmul.f32 v61, v16;
	v51 =	vmul.f32 v63, v13  }
0xc4: {  	v57 =	vld [tilespmem:$0x9180];
	v32 =	vadd.f32 v53, v32;
	v53 =	vmul.f32 v63, v17;
	v41 =	vmul.f32 v61, v21  }
0xc5: {  	v26 =	vadd.f32 v56, v26;
	v58 =	vmul.f32 v63, v20;
	v34 =	vmul.f32 v61, v24  }
0xc6: {  	v28 =	vadd.f32 v28, v29;
	v54 =	vmul.f32 v46, v11;
	v33 =	vadd.f32 v33, v49  }
0xc7: {  	v61 =	vld [tilespmem:$0x8DA0];
	v40 =	vmul.f32 v46, v12;
	v32 =	vadd.f32 v32, v49;
	v26 =	vadd.f32 v26, v49  }
0xc8: {  	v59 =	vld [tilespmem:$0x9280];
	v35 =	vadd.f32 v48, v47;
	v27 =	vadd.f32 v27, v28;
	v33 =	vmax.f32 v33, $0.0e+00  }
0xc9: {  	v32 =	vmax.f32 v32, $0.0e+00;
	v26 =	vmax.f32 v26, $0.0e+00;
	v62 =	vmul.f32 v33, v57  }
0xca: {  	v35 =	vadd.f32 v51, v35;
	v32 =	vmul.f32 v32, v57;
	v26 =	vmul.f32 v26, v57  }
0xcb: {  	v52 =	vld [tilespmem:$0x9090];
	v27 =	vadd.f32 v27, v49;
	v49 =	vmul.f32 v60, v14;
	v60 =	vmul.f32 v46, v19  }
0xcc: {  	v30 =	vadd.f32 v34, v30;
	v33 =	vmul.f32 v63, v23;
	v47 =	vmul.f32 v61, v15  }
0xcd: {  	v43 =	vmul.f32 v61, v21;
	v35 =	vadd.f32 v54, v35;
	v45 =	vadd.f32 v62, v59  }
0xce: {  	v63 =	vld [tilespmem:$0x8FA0];
	v54 =	vmul.f32 v61, v24;
	v44 =	vadd.f32 v32, v59;
	v26 =	vadd.f32 v26, v59  }
0xcf: {  	v31 =	vld [tilespmem:$0x9190];
	v27 =	vmax.f32 v27, $0.0e+00;
	v38 =	vadd.f32 v50, v49;
	v30 =	vadd.f32 v33, v30  }
0xd0: {  	v62 =	vld [tilespmem:$0x8EA0];
	v32 =	vmul.f32 v46, v25;
	v27 =	vmul.f32 v27, v57;
	v35 =	vadd.f32 v35, v52  }
0xd1: {  	v50 =	vmul.f32 v61, v16;
	v57 =	vadd.f32 v41, v55;
	v38 =	vadd.f32 v53, v38  }
0xd2: {  	v30 =	vadd.f32 v32, v30;
	v27 =	vadd.f32 v27, v59;
	v35 =	vmax.f32 v35, $0.0e+00  }
0xd3: {  	v51 =	vmul.f32 v63, v11;
	v33 =	vmul.f32 v63, v25;
	v56 =	vadd.f32 v40, v38  }
0xd4: {  	v59 =	vld [tilespmem:$0x8CA0];
	v38 =	vadd.f32 v58, v57;
	v35 =	vmul.f32 v35, v31;
	v58 =	vmul.f32 v63, v19  }
0xd5: {  	v30 =	vadd.f32 v30, v52;
	v48 =	vmul.f32 v62, v13;
	v42 =	vmul.f32 v62, v17  }
0xd6: {  	v55 =	vmul.f32 v62, v20;
	v34 =	vmul.f32 v62, v23;
	v37 =	vadd.f32 v56, v52  }
0xd7: {  	v38 =	vadd.f32 v60, v38;
	v28 =	vadd.f32 v35, v45;
	v30 =	vmax.f32 v30, $0.0e+00  }
0xd8: {  	v62 =	vld [tilespmem:$0x8DB0];
	v56 =	vmul.f32 v63, v12;
	v30 =	vmul.f32 v30, v31;
	v37 =	vmax.f32 v37, $0.0e+00  }
0xd9: {  	v60 =	vld [tilespmem:$0x8CB0];
	v45 =	vadd.f32 v38, v52;
	v46 =	vmul.f32 v59, v10;
	v49 =	vmul.f32 v59, v14  }
0xda: {  	v63 =	vld [tilespmem:$0x8EB0];
	v52 =	vmul.f32 v59, v18;
	v53 =	vmul.f32 v59, v22;
	v27 =	vadd.f32 v30, v27  }
0xdb: {  	v37 =	vmul.f32 v37, v31;
	v32 =	vadd.f32 v47, v46;
	v36 =	vadd.f32 v50, v49  }
0xdc: {  	v35 =	vmax.f32 v45, $0.0e+00;
	v39 =	vadd.f32 v43, v52;
	v38 =	vadd.f32 v54, v53  }
0xdd: {  	v49 =	vmul.f32 v62, v15;
	v29 =	vadd.f32 v37, v44;
	v35 =	vmul.f32 v35, v31  }
0xde: {  	v45 =	vld [tilespmem:$0x8FB0];
	v50 =	vmul.f32 v60, v14;
	v32 =	vadd.f32 v48, v32;
	v36 =	vadd.f32 v42, v36  }
0xdf: {  	v44 =	vld [tilespmem:$0x90A0];
	v52 =	vmul.f32 v63, v13;
	v57 =	vadd.f32 v55, v39;
	v34 =	vadd.f32 v34, v38  }
0xe0: {  	v48 =	vmul.f32 v60, v10;
	v26 =	vadd.f32 v35, v26;
	v32 =	vadd.f32 v51, v32  }
0xe1: {  	v55 =	vmul.f32 v63, v17;
	v42 =	vld [tilespmem:$0x8CC0];
	v36 =	vadd.f32 v56, v36;
	v37 =	vadd.f32 v58, v57  }
0xe2: {  	v38 =	vld [tilespmem:$0x8FC0];
	v33 =	vadd.f32 v33, v34;
	v51 =	vmul.f32 v62, v16;
	v57 =	vmul.f32 v60, v18  }
0xe3: {  	v30 =	vadd.f32 v49, v48;
	v58 =	vmul.f32 v62, v21;
	v53 =	vmul.f32 v45, v11  }
0xe4: {  	v59 =	vld [tilespmem:$0x91A0];
	v56 =	vmul.f32 v45, v12;
	v32 =	vadd.f32 v32, v44;
	v36 =	vadd.f32 v36, v44  }
0xe5: {  	v43 =	vmul.f32 v45, v19;
	v61 =	vadd.f32 v37, v44;
	v33 =	vadd.f32 v33, v44  }
0xe6: {  	v54 =	vld [tilespmem:$0x90B0];
	v30 =	vadd.f32 v52, v30;
	v44 =	vmul.f32 v45, v25;
	v45 =	vmul.f32 v42, v10  }
0xe7: {  	v49 =	vmul.f32 v38, v11;
	v32 =	vmax.f32 v32, $0.0e+00;
	v36 =	vmax.f32 v36, $0.0e+00  }
0xe8: {  	v35 =	vld [tilespmem:$0x8DC0];
	v31 =	vmax.f32 v61, $0.0e+00;
	v47 =	vmax.f32 v33, $0.0e+00;
	v61 =	vmul.f32 v63, v20  }
0xe9: {  	v37 =	vld [tilespmem:$0x8EC0];
	v30 =	vadd.f32 v53, v30;
	v32 =	vmul.f32 v32, v59;
	v36 =	vmul.f32 v36, v59  }
0xea: {  	v46 =	vmul.f32 v31, v59;
	v31 =	vmul.f32 v47, v59  }
0xeb: {  	v59 =	vmul.f32 v60, v22;
	v30 =	vadd.f32 v30, v54;
	v28 =	vadd.f32 v32, v28  }
0xec: {  	v60 =	vmul.f32 v62, v24;
	v29 =	vadd.f32 v36, v29;
	v26 =	vadd.f32 v46, v26  }
0xed: {  	v62 =	vmul.f32 v63, v23;
	v27 =	vadd.f32 v31, v27;
	v31 =	vadd.f32 v51, v50  }
0xee: {  	v32 =	vadd.f32 v58, v57;
	v46 =	vmul.f32 v35, v15;
	v48 =	vmul.f32 v37, v13  }
0xef: {  	v33 =	vadd.f32 v60, v59;
	v58 =	vmul.f32 v37, v17;
	v59 =	vmul.f32 v38, v12  }
0xf0: {  	v63 =	vld [tilespmem:$0x91B0];
	v60 =	vmul.f32 v42, v18;
	v30 =	vmax.f32 v30, $0.0e+00;
	v31 =	vadd.f32 v55, v31  }
0xf1: {  	v32 =	vadd.f32 v61, v32;
	v33 =	vadd.f32 v62, v33;
	v55 =	vmul.f32 v35, v16  }
0xf2: {  	v41 =	vld [tilespmem:$0x8CD0];
	v47 =	vadd.f32 v46, v45;
	v61 =	vmul.f32 v35, v21;
	v62 =	vmul.f32 v42, v22  }
0xf3: {  	v35 =	vmul.f32 v35, v24;
	v45 =	vmul.f32 v38, v19;
	v31 =	vadd.f32 v56, v31  }
0xf4: {  	v39 =	vld [tilespmem:$0x90C0];
	v46 =	vmul.f32 v38, v25;
	v32 =	vadd.f32 v43, v32;
	v33 =	vadd.f32 v44, v33  }
0xf5: {  	v30 =	vmul.f32 v30, v63;
	v34 =	vadd.f32 v48, v47;
	v36 =	vadd.f32 v61, v60  }
0xf6: {  	v43 =	vmul.f32 v37, v23;
	v31 =	vadd.f32 v31, v54;
	v32 =	vadd.f32 v32, v54  }
0xf7: {  	v47 =	vmul.f32 v41, v10;
	v33 =	vadd.f32 v33, v54;
	v53 =	vadd.f32 v49, v34  }
0xf8: {  	v54 =	vmul.f32 v42, v14;
	v49 =	vmul.f32 v41, v14;
	v31 =	vmax.f32 v31, $0.0e+00  }
0xf9: {  	v42 =	vld [tilespmem:$0x8DD0];
	v32 =	vmax.f32 v32, $0.0e+00;
	v51 =	vmax.f32 v33, $0.0e+00;
	v56 =	vadd.f32 v53, v39  }
0xfa: {  	v57 =	vadd.f32 v55, v54;
	v33 =	vadd.f32 v35, v62;
	v53 =	vmul.f32 v41, v18  }
0xfb: {  	v28 =	vadd.f32 v30, v28;
	v30 =	vld [tilespmem:$0x91C0];
	v31 =	vmul.f32 v31, v63;
	v50 =	vmul.f32 v32, v63  }
0xfc: {  	v35 =	vld [tilespmem:$0x8ED0];
	v52 =	vmul.f32 v51, v63;
	v32 =	vadd.f32 v58, v57;
	v33 =	vadd.f32 v43, v33  }
0xfd: {  	v63 =	vmul.f32 v37, v20;
	v29 =	vadd.f32 v31, v29;
	v26 =	vadd.f32 v50, v26  }
0xfe: {  	v27 =	vadd.f32 v52, v27;
	v31 =	vmax.f32 v56, $0.0e+00;
	v48 =	vmul.f32 v42, v15  }
0xff: {  	v44 =	vadd.f32 v63, v36;
	v50 =	vmul.f32 v42, v16;
	v54 =	vmul.f32 v42, v21  }
0x100: {  	v31 =	vmul.f32 v31, v30;
	v32 =	vadd.f32 v59, v32;
	v33 =	vadd.f32 v46, v33  }
0x101: {  	v36 =	vld [tilespmem:$0x8FD0];
	v37 =	vadd.f32 v48, v47;
	v51 =	vmul.f32 v35, v13;
	v34 =	vadd.f32 v50, v49  }
0x102: {  	v52 =	vmul.f32 v35, v17;
	v38 =	vadd.f32 v54, v53;
	v57 =	vmul.f32 v35, v20  }
0x103: {  	v48 =	vmul.f32 v35, v23;
	v28 =	vadd.f32 v31, v28;
	v32 =	vadd.f32 v32, v39  }
0x104: {  	v31 =	vadd.f32 v45, v44;
	v33 =	vadd.f32 v33, v39;
	v44 =	vmul.f32 v41, v22  }
0x105: {  	v45 =	vmul.f32 v42, v24;
	v37 =	vadd.f32 v51, v37;
	v34 =	vadd.f32 v52, v34  }
0x106: {  	v40 =	vld [tilespmem:$0x90D0];
	v38 =	vadd.f32 v57, v38;
	v31 =	vadd.f32 v31, v39;
	v55 =	vmul.f32 v36, v11  }
0x107: {  	v41 =	vld [tilespmem:$0x8EE0];
	v56 =	vmul.f32 v36, v12;
	v32 =	vmax.f32 v32, $0.0e+00;
	v58 =	vmul.f32 v36, v19  }
0x108: {  	v33 =	vmax.f32 v33, $0.0e+00;
	v47 =	vadd.f32 v45, v44;
	v36 =	vmul.f32 v36, v25  }
0x109: {  	v32 =	vmul.f32 v32, v30;
	v37 =	vadd.f32 v55, v37;
	v31 =	vmax.f32 v31, $0.0e+00  }
0x10a: {  	v34 =	vadd.f32 v56, v34;
	v59 =	vadd.f32 v58, v38;
	v31 =	vmul.f32 v31, v30  }
0x10b: {  	v39 =	vld [tilespmem:$0x91D0];
	v29 =	vadd.f32 v32, v29;
	v30 =	vmul.f32 v33, v30;
	v32 =	vadd.f32 v48, v47  }
0x10c: {  	v33 =	vld [tilespmem:$0x8CE0];
	v53 =	vmul.f32 v41, v13;
	v55 =	vmul.f32 v41, v17;
	v37 =	vadd.f32 v37, v40  }
0x10d: {  	v48 =	vmul.f32 v41, v23;
	v34 =	vadd.f32 v34, v40;
	v62 =	vadd.f32 v59, v40  }
0x10e: {  	v26 =	vadd.f32 v31, v26;
	v27 =	vadd.f32 v30, v27;
	v30 =	vld [tilespmem:$0x8FE0];
	v60 =	vmax.f32 v37, $0.0e+00  }
0x10f: {  	v63 =	vmax.f32 v34, $0.0e+00;
	v31 =	vmax.f32 v62, $0.0e+00;
	v62 =	vmul.f32 v41, v20  }
0x110: {  	v32 =	vadd.f32 v36, v32;
	v37 =	vld [tilespmem:$0x8DE0];
	v61 =	vmul.f32 v60, v39;
	v46 =	vmul.f32 v63, v39  }
0x111: {  	v31 =	vmul.f32 v31, v39;
	v49 =	vmul.f32 v33, v10  }
0x112: {  	v32 =	vadd.f32 v32, v40;
	v51 =	vmul.f32 v33, v14;
	v59 =	vmul.f32 v33, v18  }
0x113: {  	v45 =	vld [tilespmem:$0x8CF0];
	v33 =	vmul.f32 v33, v22;
	v29 =	vadd.f32 v46, v29;
	v57 =	vmul.f32 v30, v11  }
0x114: {  	v32 =	vmax.f32 v32, $0.0e+00;
	v46 =	vld [tilespmem:$0x8DF0];
	v58 =	vmul.f32 v30, v12;
	v63 =	vmul.f32 v30, v19  }
0x115: {  	v28 =	vadd.f32 v61, v28;
	v32 =	vmul.f32 v32, v39;
	v50 =	vmul.f32 v37, v15  }
0x116: {  	v47 =	vld [tilespmem:$0x8EF0];
	v26 =	vadd.f32 v31, v26;
	v52 =	vmul.f32 v37, v16;
	v60 =	vmul.f32 v37, v21  }
0x117: {  	v41 =	vld [tilespmem:$0x8FF0];
	v37 =	vmul.f32 v37, v24;
	v27 =	vadd.f32 v32, v27;
	v35 =	vadd.f32 v50, v49  }
0x118: {  	v30 =	vmul.f32 v30, v25;
	v54 =	vadd.f32 v52, v51;
	v61 =	vadd.f32 v60, v59  }
0x119: {  	v33 =	vadd.f32 v37, v33;
	v51 =	vmul.f32 v45, v10;
	v52 =	vmul.f32 v46, v15  }
0x11a: {  	v59 =	vmul.f32 v46, v21;
	v40 =	vmul.f32 v46, v24;
	v35 =	vadd.f32 v53, v35  }
0x11b: {  	v31 =	vadd.f32 v55, v54;
	v38 =	vadd.f32 v62, v61;
	v54 =	vmul.f32 v47, v13  }
0x11c: {  	v56 =	vld [tilespmem:$0x90E0];
	v33 =	vadd.f32 v48, v33;
	v55 =	vmul.f32 v41, v11;
	v61 =	vmul.f32 v45, v22  }
0x11d: {  	v62 =	vmul.f32 v47, v17;
	v32 =	vadd.f32 v52, v51;
	v35 =	vadd.f32 v57, v35  }
0x11e: {  	v37 =	vld [tilespmem:$0x8D00];
	v48 =	vmul.f32 v41, v19;
	v31 =	vadd.f32 v58, v31;
	v38 =	vadd.f32 v63, v38  }
0x11f: {  	v30 =	vadd.f32 v30, v33;
	v57 =	vmul.f32 v46, v16;
	v58 =	vmul.f32 v45, v18  }
0x120: {  	v63 =	vmul.f32 v47, v20;
	v44 =	vadd.f32 v40, v61;
	v32 =	vadd.f32 v54, v32  }
0x121: {  	v34 =	vld [tilespmem:$0x91E0];
	v46 =	vmul.f32 v41, v12;
	v35 =	vadd.f32 v35, v56;
	v31 =	vadd.f32 v31, v56  }
0x122: {  	v60 =	vld [tilespmem:$0x90F0];
	v50 =	vadd.f32 v38, v56;
	v30 =	vadd.f32 v30, v56;
	v56 =	vmul.f32 v45, v14  }
0x123: {  	v33 =	vadd.f32 v59, v58;
	v45 =	vmul.f32 v47, v23;
	v58 =	vmul.f32 v37, v10  }
0x124: {  	v54 =	vld [tilespmem:$0x8F00];
	v32 =	vadd.f32 v55, v32;
	v35 =	vmax.f32 v35, $0.0e+00;
	v31 =	vmax.f32 v31, $0.0e+00  }
0x125: {  	v53 =	vmax.f32 v50, $0.0e+00;
	v36 =	vadd.f32 v57, v56;
	v33 =	vadd.f32 v63, v33  }
0x126: {  	v30 =	vmax.f32 v30, $0.0e+00;
	v49 =	vmul.f32 v35, v34;
	v31 =	vmul.f32 v31, v34  }
0x127: {  	v47 =	vld [tilespmem:$0x91F0];
	v35 =	vadd.f32 v45, v44;
	v32 =	vadd.f32 v32, v60;
	v30 =	vmul.f32 v30, v34  }
0x128: {  	v57 =	vld [tilespmem:$0x9000];
	v36 =	vadd.f32 v62, v36;
	v33 =	vadd.f32 v48, v33;
	v62 =	vmul.f32 v37, v18  }
0x129: {  	v44 =	vmul.f32 v54, v13;
	v45 =	vmul.f32 v54, v17;
	v28 =	vadd.f32 v49, v28  }
0x12a: {  	v29 =	vadd.f32 v31, v29;
	v49 =	vmul.f32 v41, v25;
	v31 =	vmul.f32 v53, v34  }
0x12b: {  	v34 =	vld [tilespmem:$0x8E00];
	v32 =	vmax.f32 v32, $0.0e+00;
	v27 =	vadd.f32 v30, v27;
	v33 =	vadd.f32 v33, v60  }
0x12c: {  	v36 =	vadd.f32 v46, v36;
	v51 =	vmul.f32 v32, v47;
	v35 =	vadd.f32 v49, v35  }
0x12d: {  	v26 =	vadd.f32 v31, v26;
	v48 =	vmul.f32 v57, v11;
	v52 =	vmax.f32 v33, $0.0e+00  }
0x12e: {  	v49 =	vmul.f32 v57, v12;
	v50 =	vadd.f32 v36, v60;
	v55 =	vmul.f32 v52, v47  }
0x12f: {  	v35 =	vadd.f32 v35, v60;
	v60 =	vmul.f32 v37, v14;
	v37 =	vmul.f32 v37, v22  }
0x130: {  	v28 =	vadd.f32 v51, v28;
	v59 =	vmul.f32 v34, v15;
	v61 =	vmul.f32 v34, v16  }
0x131: {  	v51 =	vld [tilespmem:$0x8D10];
	v31 =	vmax.f32 v50, $0.0e+00;
	v63 =	vmul.f32 v34, v21;
	v50 =	vmul.f32 v57, v19  }
0x132: {  	v34 =	vmul.f32 v34, v24;
	v31 =	vmul.f32 v31, v47;
	v53 =	vmax.f32 v35, $0.0e+00  }
0x133: {  	v26 =	vadd.f32 v55, v26;
	v35 =	vmul.f32 v54, v23;
	v33 =	vadd.f32 v59, v58  }
0x134: {  	v52 =	vld [tilespmem:$0x8E10];
	v56 =	vmul.f32 v53, v47;
	v30 =	vadd.f32 v61, v60;
	v36 =	vadd.f32 v63, v62  }
0x135: {  	v47 =	vmul.f32 v54, v20;
	v34 =	vadd.f32 v34, v37;
	v29 =	vadd.f32 v31, v29  }
0x136: {  	v31 =	vmul.f32 v57, v25;
	v54 =	vmul.f32 v51, v10;
	v27 =	vadd.f32 v56, v27  }
0x137: {  	v46 =	vld [tilespmem:$0x9100];
	v59 =	vmul.f32 v51, v14;
	v33 =	vadd.f32 v44, v33;
	v30 =	vadd.f32 v45, v30  }
0x138: {  	v53 =	vld [tilespmem:$0x8F10];
	v61 =	vmul.f32 v51, v18;
	v36 =	vadd.f32 v47, v36;
	v34 =	vadd.f32 v35, v34  }
0x139: {  	v55 =	vmul.f32 v52, v15;
	v60 =	vmul.f32 v52, v16;
	v33 =	vadd.f32 v48, v33  }
0x13a: {  	v62 =	vmul.f32 v52, v21;
	v30 =	vadd.f32 v49, v30;
	v36 =	vadd.f32 v50, v36  }
0x13b: {  	v6 =	vand.u32 v2, v6;
	v41 =	vld [tilespmem:$0x9200];
	v31 =	vadd.f32 v31, v34;
	v57 =	vadd.f32 v55, v54  }
0x13c: {  	v37 =	vmul.f32 v52, v24;
	v34 =	vadd.f32 v60, v59;
	v32 =	vadd.f32 v62, v61  }
0x13d: {  	v49 =	vmul.f32 v51, v22;
	v58 =	vmul.f32 v53, v13;
	v33 =	vadd.f32 v33, v46  }
0x13e: {  	v55 =	vld [tilespmem:$0x8F20];
	v48 =	vmul.f32 v53, v20;
	v35 =	vmul.f32 v53, v23;
	v30 =	vadd.f32 v30, v46  }
0x13f: {  	v52 =	vld [tilespmem:$0x8D20];
	v36 =	vadd.f32 v36, v46;
	v56 =	vadd.f32 v31, v46;
	v33 =	vmax.f32 v33, $0.0e+00  }
0x140: {  	v46 =	vmul.f32 v53, v17;
	v53 =	vld [tilespmem:$0x8E20];
	v30 =	vmax.f32 v30, $0.0e+00;
	v33 =	vmul.f32 v33, v41  }
0x141: {  	v31 =	vadd.f32 v58, v57;
	v36 =	vmax.f32 v36, $0.0e+00;
	v30 =	vmul.f32 v30, v41  }
0x142: {  	v32 =	vadd.f32 v48, v32;
	v36 =	vmul.f32 v36, v41;
	v28 =	vadd.f32 v33, v28;
	v33 =	vld [tilespmem:$0x9010]  }
0x143: {  	v60 =	vmul.f32 v55, v13;
	v48 =	vmul.f32 v55, v17;
	v29 =	vadd.f32 v30, v29  }
0x144: {  	v38 =	vld [tilespmem:$0x8E30];
	v26 =	vadd.f32 v36, v26;
	v30 =	vmax.f32 v56, $0.0e+00;
	v56 =	vmul.f32 v52, v10  }
0x145: {  	v36 =	vadd.f32 v37, v49;
	v57 =	vmul.f32 v53, v15;
	v44 =	vmul.f32 v53, v16  }
0x146: {  	v63 =	vld [tilespmem:$0x9110];
	v34 =	vadd.f32 v46, v34;
	v46 =	vmul.f32 v53, v21;
	v30 =	vmul.f32 v30, v41  }
0x147: {  	v35 =	vadd.f32 v35, v36;
	v45 =	vmul.f32 v33, v11;
	v47 =	vmul.f32 v33, v12  }
0x148: {  	v59 =	vadd.f32 v57, v56;
	v51 =	vmul.f32 v33, v19;
	v33 =	vmul.f32 v33, v25  }
0x149: {  	v39 =	vld [tilespmem:$0x8F30];
	v56 =	vmul.f32 v38, v15;
	v31 =	vadd.f32 v45, v31;
	v34 =	vadd.f32 v47, v34  }
0x14a: {  	v50 =	vld [tilespmem:$0x9210];
	v32 =	vadd.f32 v51, v32;
	v33 =	vadd.f32 v33, v35;
	v45 =	vmul.f32 v52, v18  }
0x14b: {  	v41 =	vld [tilespmem:$0x8D30];
	v51 =	vmul.f32 v52, v22;
	v31 =	vadd.f32 v31, v63;
	v34 =	vadd.f32 v34, v63  }
0x14c: {  	v54 =	vadd.f32 v32, v63;
	v33 =	vadd.f32 v33, v63;
	v63 =	vmul.f32 v52, v14  }
0x14d: {  	v27 =	vadd.f32 v30, v27;
	v35 =	vld [tilespmem:$0x9020];
	v52 =	vmul.f32 v53, v24;
	v32 =	vmul.f32 v55, v23  }
0x14e: {  	v31 =	vmax.f32 v31, $0.0e+00;
	v34 =	vmax.f32 v34, $0.0e+00;
	v30 =	vmax.f32 v54, $0.0e+00  }
0x14f: {  	v58 =	vmax.f32 v33, $0.0e+00;
	v33 =	vadd.f32 v60, v59;
	v59 =	vmul.f32 v39, v13  }
0x150: {  	v47 =	vadd.f32 v44, v63;
	v63 =	vmul.f32 v41, v14;
	v31 =	vmul.f32 v31, v50  }
0x151: {  	v7 =	vand.u32 v3, v7;
	v34 =	vmul.f32 v34, v50;
	v30 =	vmul.f32 v30, v50  }
0x152: {  	v8 =	vand.u32 v4, v8;
	v37 =	vld [tilespmem:$0x9030];
	v61 =	vmul.f32 v58, v50;
	v62 =	vmul.f32 v35, v11  }
0x153: {  	v9 =	vand.u32 v5, v9;
	v49 =	vmul.f32 v35, v12;
	v50 =	vmul.f32 v55, v20  }
0x154: {  	v36 =	vld [tilespmem:$0x9120];
	v54 =	vmul.f32 v35, v19;
	v28 =	vadd.f32 v31, v28;
	v29 =	vadd.f32 v34, v29  }
0x155: {  	v55 =	vmul.f32 v41, v10;
	v26 =	vadd.f32 v30, v26;
	v27 =	vadd.f32 v61, v27  }
0x156: {  	v57 =	vmul.f32 v35, v25;
	v31 =	vadd.f32 v62, v33;
	v30 =	vadd.f32 v46, v45  }
0x157: {  	v33 =	vadd.f32 v48, v47;
	v34 =	vadd.f32 v52, v51;
	v61 =	vmul.f32 v37, v11  }
0x158: {  	v58 =	vadd.f32 v56, v55;
	v45 =	vmul.f32 v39, v17;
	v46 =	vmul.f32 v41, v18  }
0x159: {  	v53 =	vld [tilespmem:$0x9220];
	v47 =	vmul.f32 v38, v21;
	v31 =	vadd.f32 v31, v36;
	v30 =	vadd.f32 v50, v30  }
0x15a: {  	v51 =	vmul.f32 v41, v22;
	v33 =	vadd.f32 v49, v33;
	v32 =	vadd.f32 v32, v34  }
0x15b: {  	v42 =	vld [tilespmem:$0x9130];
	v60 =	vadd.f32 v59, v58;
	v49 =	vmul.f32 v37, v12;
	v35 =	vadd.f32 v47, v46  }
0x15c: {  	v50 =	vmul.f32 v39, v20;
	v30 =	vadd.f32 v54, v30;
	v33 =	vadd.f32 v33, v36  }
0x15d: {  	v31 =	vmax.f32 v31, $0.0e+00;
	v32 =	vadd.f32 v57, v32;
	v34 =	vadd.f32 v61, v60  }
0x15e: {  	v54 =	vmul.f32 v39, v23;
	v31 =	vmul.f32 v31, v53;
	v33 =	vmax.f32 v33, $0.0e+00  }
0x15f: {  	v30 =	vadd.f32 v30, v36;
	v32 =	vadd.f32 v32, v36;
	v36 =	vmul.f32 v38, v16  }
0x160: {  	v57 =	vmul.f32 v37, v25;
	v44 =	vadd.f32 v34, v42;
	v62 =	vmul.f32 v33, v53;
	v33 =	vld [tilespmem:$0x9230]  }
0x161: {  	v41 =	vld [tilespmem:$0x8F40];
	v28 =	vadd.f32 v31, v28;
	v30 =	vmax.f32 v30, $0.0e+00;
	v31 =	vadd.f32 v36, v63  }
0x162: {  	v52 =	vadd.f32 v50, v35;
	v38 =	vmul.f32 v38, v24;
	v30 =	vmul.f32 v30, v53  }
0x163: {  	v40 =	vmax.f32 v32, $0.0e+00;
	v32 =	vmax.f32 v44, $0.0e+00;
	v31 =	vadd.f32 v45, v31  }
0x164: {  	v29 =	vadd.f32 v62, v29;
	v26 =	vadd.f32 v30, v26;
	v30 =	vmul.f32 v40, v53;
	v40 =	vld [tilespmem:$0x8D40]  }
0x165: {  	v53 =	vmul.f32 v37, v19;
	v37 =	vld [tilespmem:$0x8E50];
	v48 =	vmul.f32 v32, v33;
	v31 =	vadd.f32 v49, v31  }
0x166: {  	v59 =	vmul.f32 v41, v13;
	v32 =	vld [tilespmem:$0x8E40];
	v27 =	vadd.f32 v30, v27;
	v30 =	vadd.f32 v38, v51  }
0x167: {  	v63 =	vmul.f32 v41, v17;
	v34 =	vadd.f32 v53, v52;
	v28 =	vadd.f32 v48, v28  }
0x168: {  	v38 =	vld [tilespmem:$0x9040];
	v31 =	vadd.f32 v31, v42;
	v30 =	vadd.f32 v54, v30;
	v54 =	vmul.f32 v41, v20  }
0x169: {  	v34 =	vadd.f32 v34, v42;
	v55 =	vmul.f32 v40, v10;
	v60 =	vmul.f32 v40, v14  }
0x16a: {  	v31 =	vmax.f32 v31, $0.0e+00;
	v50 =	vmul.f32 v40, v18;
	v44 =	vmul.f32 v37, v16  }
0x16b: {  	v56 =	vmul.f32 v32, v15;
	v61 =	vmul.f32 v32, v16;
	v30 =	vadd.f32 v57, v30  }
0x16c: {  	v31 =	vmul.f32 v31, v33;
	v34 =	vmax.f32 v34, $0.0e+00;
	v51 =	vmul.f32 v32, v21  }
0x16d: {  	v32 =	vmul.f32 v32, v24;
	v62 =	vmul.f32 v38, v11;
	v58 =	vadd.f32 v56, v55  }
0x16e: {  	v47 =	vmul.f32 v34, v33;
	v39 =	vadd.f32 v61, v60;
	v30 =	vadd.f32 v30, v42  }
0x16f: {  	v46 =	vmul.f32 v38, v12;
	v29 =	vadd.f32 v31, v29;
	v31 =	vadd.f32 v51, v50  }
0x170: {  	v34 =	vld [tilespmem:$0x8D50];
	v55 =	vmul.f32 v40, v22;
	v56 =	vmul.f32 v38, v19;
	v26 =	vadd.f32 v47, v26  }
0x171: {  	v35 =	vld [tilespmem:$0x9140];
	v50 =	vmul.f32 v37, v21;
	v36 =	vadd.f32 v59, v58;
	v45 =	vadd.f32 v63, v39  }
0x172: {  	v60 =	vld [tilespmem:$0x9050];
	v30 =	vmax.f32 v30, $0.0e+00;
	v31 =	vadd.f32 v54, v31;
	v58 =	vmul.f32 v41, v23  }
0x173: {  	v57 =	vadd.f32 v32, v55;
	v59 =	vmul.f32 v38, v25;
	v55 =	vmul.f32 v37, v24  }
0x174: {  	v39 =	vld [tilespmem:$0x8F50];
	v30 =	vmul.f32 v30, v33;
	v36 =	vadd.f32 v62, v36;
	v49 =	vadd.f32 v46, v45  }
0x175: {  	v31 =	vadd.f32 v56, v31;
	v61 =	vmul.f32 v34, v10;
	v62 =	vmul.f32 v37, v15  }
0x176: {  	v42 =	vld [tilespmem:$0x9240];
	v63 =	vmul.f32 v34, v14;
	v48 =	vadd.f32 v36, v35;
	v53 =	vadd.f32 v49, v35  }
0x177: {  	v32 =	vmul.f32 v60, v25;
	v31 =	vadd.f32 v31, v35;
	v45 =	vadd.f32 v62, v61  }
0x178: {  	v47 =	vadd.f32 v44, v63;
	v49 =	vmul.f32 v34, v18;
	v34 =	vmul.f32 v34, v22  }
0x179: {  	v46 =	vmul.f32 v39, v13;
	v54 =	vmul.f32 v39, v20;
	v52 =	vmax.f32 v48, $0.0e+00  }
0x17a: {  	v61 =	vld [tilespmem:$0x8E60];
	v33 =	vmax.f32 v53, $0.0e+00;
	v48 =	vmul.f32 v39, v17;
	v53 =	vmul.f32 v60, v12  }
0x17b: {  	v27 =	vadd.f32 v30, v27;
	v62 =	vld [tilespmem:$0x8F60];
	v30 =	vmul.f32 v52, v42;
	v33 =	vmul.f32 v33, v42  }
0x17c: {  	v31 =	vmax.f32 v31, $0.0e+00;
	v34 =	vadd.f32 v55, v34;
	v38 =	vadd.f32 v48, v47  }
0x17d: {  	v51 =	vld [tilespmem:$0x9150];
	v31 =	vmul.f32 v31, v42;
	v28 =	vadd.f32 v30, v28;
	v29 =	vadd.f32 v33, v29  }
0x17e: {  	v52 =	vmul.f32 v60, v11;
	v30 =	vadd.f32 v58, v57;
	v33 =	vadd.f32 v46, v45  }
0x17f: {  	v58 =	vmul.f32 v60, v19;
	v60 =	vld [tilespmem:$0x8D60];
	v26 =	vadd.f32 v31, v26;
	v44 =	vmul.f32 v61, v15  }
0x180: {  	v46 =	vmul.f32 v62, v13;
	v56 =	vadd.f32 v53, v38;
	v30 =	vadd.f32 v59, v30  }
0x181: {  	v48 =	vmul.f32 v61, v16;
	v55 =	vmul.f32 v62, v20;
	v33 =	vadd.f32 v52, v33  }
0x182: {  	v59 =	vmul.f32 v39, v23;
	v37 =	vadd.f32 v56, v51;
	v30 =	vadd.f32 v30, v35  }
0x183: {  	v57 =	vld [tilespmem:$0x9250];
	v53 =	vmul.f32 v62, v17;
	v35 =	vadd.f32 v50, v49;
	v33 =	vadd.f32 v33, v51  }
0x184: {  	v34 =	vadd.f32 v59, v34;
	v50 =	vmul.f32 v61, v21;
	v43 =	vmul.f32 v60, v10  }
0x185: {  	v37 =	vmax.f32 v37, $0.0e+00;
	v47 =	vmul.f32 v60, v14;
	v49 =	vmul.f32 v60, v18  }
0x186: {  	v56 =	vld [tilespmem:$0x8D70];
	v36 =	vmul.f32 v60, v22;
	v60 =	vmul.f32 v61, v24;
	v35 =	vadd.f32 v54, v35  }
0x187: {  	v30 =	vmax.f32 v30, $0.0e+00;
	v33 =	vmax.f32 v33, $0.0e+00;
	v32 =	vadd.f32 v32, v34  }
0x188: {  	v59 =	vld [tilespmem:$0x8E70];
	v40 =	vmul.f32 v37, v57;
	v63 =	vmul.f32 v33, v57;
	v33 =	vadd.f32 v44, v43  }
0x189: {  	v30 =	vmul.f32 v30, v42;
	v52 =	vadd.f32 v48, v47;
	v36 =	vadd.f32 v60, v36  }
0x18a: {  	v61 =	vld [tilespmem:$0x8F70];
	v34 =	vmul.f32 v62, v23;
	v35 =	vadd.f32 v58, v35;
	v32 =	vadd.f32 v32, v51  }
0x18b: {  	v29 =	vadd.f32 v40, v29;
	v10 =	vmul.f32 v56, v10;
	v27 =	vadd.f32 v30, v27  }
0x18c: {  	v14 =	vmul.f32 v56, v14;
	v28 =	vadd.f32 v63, v28;
	v31 =	vadd.f32 v46, v33  }
0x18d: {  	v15 =	vmul.f32 v59, v15;
	v35 =	vadd.f32 v35, v51;
	v42 =	vmax.f32 v32, $0.0e+00;
	v32 =	vld [tilespmem:$0x9060]  }
0x18e: {  	v33 =	vadd.f32 v53, v52;
	v16 =	vmul.f32 v59, v16;
	v52 =	vmul.f32 v56, v22  }
0x18f: {  	v62 =	vld [tilespmem:$0x9070];
	v53 =	vmul.f32 v59, v24;
	v13 =	vmul.f32 v61, v13;
	v41 =	vmax.f32 v35, $0.0e+00  }
0x190: {  	v34 =	vadd.f32 v34, v36;
	v45 =	vmul.f32 v42, v57;
	v30 =	vmul.f32 v41, v57  }
0x191: {  	v48 =	vmul.f32 v61, v17;
	v10 =	vadd.f32 v15, v10;
	v14 =	vadd.f32 v16, v14  }
0x192: {  	v27 =	vadd.f32 v45, v27;
	v26 =	vadd.f32 v30, v26;
	v54 =	vmul.f32 v32, v11  }
0x193: {  	v30 =	vadd.f32 v50, v49;
	v57 =	vmul.f32 v32, v12;
	v58 =	vmul.f32 v32, v19  }
0x194: {  	v51 =	vld [tilespmem:$0x9160];
	v10 =	vadd.f32 v13, v10;
	v32 =	vmul.f32 v32, v25;
	v11 =	vmul.f32 v62, v11  }
0x195: {  	v49 =	vmul.f32 v56, v18;
	v56 =	vadd.f32 v53, v52;
	v30 =	vadd.f32 v55, v30  }
0x196: {  	v44 =	vld [tilespmem:$0x9170];
	v50 =	vmul.f32 v59, v21;
	v31 =	vadd.f32 v54, v31;
	v33 =	vadd.f32 v57, v33  }
0x197: {  	v60 =	vmul.f32 v62, v25;
	v45 =	vadd.f32 v32, v34;
	v10 =	vadd.f32 v11, v10  }
0x198: {  	v12 =	vmul.f32 v62, v12;
	v11 =	vadd.f32 v48, v14;
	v54 =	vadd.f32 v50, v49  }
0x199: {  	v55 =	vmul.f32 v61, v20;
	v30 =	vadd.f32 v58, v30;
	v31 =	vadd.f32 v31, v51  }
0x19a: {  	v35 =	vld [tilespmem:$0x9260];
	v57 =	vmul.f32 v61, v23;
	v33 =	vadd.f32 v33, v51;
	v47 =	vadd.f32 v45, v51  }
0x19b: {  	v10 =	vadd.f32 v10, v44;
	v14 =	vadd.f32 v55, v54;
	v58 =	vmul.f32 v62, v19  }
0x19c: {  	v11 =	vadd.f32 v12, v11;
	v59 =	vadd.f32 v57, v56;
	v31 =	vmax.f32 v31, $0.0e+00  }
0x19d: {  	v33 =	vmax.f32 v33, $0.0e+00;
	v30 =	vadd.f32 v30, v51;
	v51 =	vld [tilespmem:$0x9270];
	v10 =	vmax.f32 v10, $0.0e+00  }
0x19e: {  	v61 =	vmax.f32 v47, $0.0e+00;
	v14 =	vadd.f32 v58, v14;
	v11 =	vadd.f32 v11, v44  }
0x19f: {  	v12 =	vadd.f32 v60, v59;
	v63 =	vmul.f32 v31, v35;
	v38 =	vmul.f32 v33, v35  }
0x1a0: {  	v62 =	vmul.f32 v61, v35;
	v30 =	vmax.f32 v30, $0.0e+00;
	v14 =	vadd.f32 v14, v44  }
0x1a1: {  	v11 =	vmax.f32 v11, $0.0e+00;
	v12 =	vadd.f32 v12, v44;
	v15 =	vadd.f32 v63, v28  }
0x1a2: {  	v39 =	vadd.f32 v38, v29;
	v42 =	vmul.f32 v30, v35;
	v10 =	vmul.f32 v10, v51  }
0x1a3: {  	v14 =	vmax.f32 v14, $0.0e+00;
	v12 =	vmax.f32 v12, $0.0e+00;
	v11 =	vmul.f32 v11, v51  }
0x1a4: {  	p0 =	sne.s32 s4, $0x3C0;
	v46 =	vadd.f32 v42, v26;
	v14 =	vmul.f32 v14, v51;
	v10 =	vadd.f32 v10, v15  }
.Ltmp0:
0x1a5: {  	v63 =	vadd.f32 v62, v27;
	v12 =	vmul.f32 v12, v51;
	v11 =	vadd.f32 v11, v39;
	(pc) =	sbr.rel @p0 .LBB2_3-.Ltmp0, $4  }
0x1a6: {  	v13 =	vadd.f32 v14, v46;
	[tilespmem:v6+s12+$0x0] =	vst.idx.msk $0xffff, v10  }
0x1a7: {  	v6 =	vadd.f32 v12, v63;
	[tilespmem:v7+s12+$0x0] =	vst.idx.msk $0xffff, v11  }
0x1a8: {  	[tilespmem:v8+s12+$0x0] =	vst.idx.msk $0xffff, v13  }
0x1a9: {  	s4 =	sadd.s32 $0x40, s4;
	[tilespmem:v9+s12+$0x0] =	vst.idx.msk $0xffff, v6  }
0x1aa: {  	[spmem:s1] =	stream.indirect.scatter.add.f32 [tilespmem:s12], [sflag:$0x2], $0x1, s18, s19, $0xb8;
	[tilespmem:$0xC390] =	vst v63  }
0x1ab: {  	_ =	swait.ge [sflag:s14], $0x80  }
0x1ac: {  	[sflag:s14] =	ssyncset.done $0x0  }
0x1ad: {  	[sflag:s14] =	ssyncadd.s32 $0xFFFFFF80  }
0x1ae: {  	[spmem:s2] =	stream.indirect.scatter.add.f32 [tilespmem:s24], [sflag:$0x2], $0x1, s18, s19, $0xb8;
	[tilespmem:$0xC390] =	vst v63  }
0x1af: {  	_ =	swait.ge [sflag:s14], $0x80  }
0x1b0: {  	[sflag:s14] =	ssyncset.done $0x0  }
0x1b1: {  	s4 =	simm.s32 $0x8880;
	[sflag:s14] =	ssyncadd.s32 $0xFFFFFF80  }
0x1b2: {  	[spmem:s1] =	stream.indirect.scatter.add.f32 [tilespmem:s4], [sflag:$0x2], $0x1, s25, s19, $0xb8;
	[tilespmem:$0xC390] =	vst v63  }
0x1b3: {  	_ =	swait.ge [sflag:s14], $0x80  }
0x1b4: {  	[sflag:s14] =	ssyncset.done $0x0  }
0x1b5: {  	[sflag:s14] =	ssyncadd.s32 $0xFFFFFF80  }
0x1b6: {  	[spmem:s2] =	stream.indirect.scatter.add.f32 [tilespmem:s24], [sflag:$0x2], $0x1, s25, s19, $0xb8;
	[tilespmem:$0xC390] =	vst v63  }
0x1b7: {  	_ =	swait.ge [sflag:s14], $0x80  }
0x1b8: {  	[sflag:s14] =	ssyncset.done $0x0  }
0x1b9: {  	s16 =	simm.s32 $0x8900;
	[sflag:s14] =	ssyncadd.s32 $0xFFFFFF80  }
0x1ba: {  	[spmem:s1] =	stream.indirect.scatter.add.f32 [tilespmem:s16], [sflag:$0x2], $0x1, s30, s19, $0xb8;
	[tilespmem:$0xC390] =	vst v63  }
0x1bb: {  	_ =	swait.ge [sflag:s14], $0x80  }
0x1bc: {  	[sflag:s14] =	ssyncset.done $0x0  }
0x1bd: {  	[sflag:s14] =	ssyncadd.s32 $0xFFFFFF80  }
0x1be: {  	[spmem:s2] =	stream.indirect.scatter.add.f32 [tilespmem:s24], [sflag:$0x2], $0x1, s30, s19, $0xb8;
	[tilespmem:$0xC390] =	vst v63  }
0x1bf: {  	_ =	swait.ge [sflag:s14], $0x80  }
0x1c0: {  	[sflag:s14] =	ssyncset.done $0x0  }
0x1c1: {  	s9 =	simm.s32 $0x8980;
	[sflag:s14] =	ssyncadd.s32 $0xFFFFFF80  }
0x1c2: {  	[spmem:s1] =	stream.indirect.scatter.add.f32 [tilespmem:s9], [sflag:$0x2], $0x1, s13, s19, $0xb8;
	[tilespmem:$0xC390] =	vst v63  }
0x1c3: {  	_ =	swait.ge [sflag:s14], $0x80  }
0x1c4: {  	[sflag:s14] =	ssyncset.done $0x0  }
0x1c5: {  	[sflag:s14] =	ssyncadd.s32 $0xFFFFFF80  }
0x1c6: {  	[spmem:s2] =	stream.indirect.scatter.add.f32 [tilespmem:s24], [sflag:$0x2], $0x1, s13, s19, $0xb8;
	[tilespmem:$0xC390] =	vst v63  }
0x1c7: {  	_ =	swait.ge [sflag:s14], $0x80  }
0x1c8: {  	[sflag:s14] =	ssyncset.done $0x0  }
0x1c9: {  	s16 =	simm.s32 $0x8A00;
	[sflag:s14] =	ssyncadd.s32 $0xFFFFFF80  }
0x1ca: {  	[spmem:s1] =	stream.indirect.scatter.add.f32 [tilespmem:s16], [sflag:$0x2], $0x1, s23, s19, $0xb8;
	[tilespmem:$0xC390] =	vst v63  }
0x1cb: {  	_ =	swait.ge [sflag:s14], $0x80  }
0x1cc: {  	[sflag:s14] =	ssyncset.done $0x0  }
0x1cd: {  	[sflag:s14] =	ssyncadd.s32 $0xFFFFFF80  }
0x1ce: {  	[spmem:s2] =	stream.indirect.scatter.add.f32 [tilespmem:s24], [sflag:$0x2], $0x1, s23, s19, $0xb8;
	[tilespmem:$0xC390] =	vst v63  }
0x1cf: {  	_ =	swait.ge [sflag:s14], $0x80  }
0x1d0: {  	[sflag:s14] =	ssyncset.done $0x0  }
0x1d1: {  	[sflag:s14] =	ssyncadd.s32 $0xFFFFFF80  }
0x1d2: {  	[spmem:s1] =	stream.indirect.scatter.add.f32 [tilespmem:s26], [sflag:$0x2], $0x1, s17, s19, $0xb8;
	[tilespmem:$0xC390] =	vst v63  }
0x1d3: {  	_ =	swait.ge [sflag:s14], $0x80  }
0x1d4: {  	[sflag:s14] =	ssyncset.done $0x0  }
0x1d5: {  	[sflag:s14] =	ssyncadd.s32 $0xFFFFFF80  }
0x1d6: {  	[spmem:s2] =	stream.indirect.scatter.add.f32 [tilespmem:s24], [sflag:$0x2], $0x1, s17, s19, $0xb8;
	[tilespmem:$0xC390] =	vst v63  }
0x1d7: {  	_ =	swait.ge [sflag:s14], $0x80  }
0x1d8: {  	[sflag:s14] =	ssyncset.done $0x0  }
0x1d9: {  	[sflag:s14] =	ssyncadd.s32 $0xFFFFFF80  }
0x1da: {  	[spmem:s1] =	stream.indirect.scatter.add.f32 [tilespmem:s29], [sflag:$0x2], $0x1, s28, s19, $0xb8;
	[tilespmem:$0xC390] =	vst v63  }
0x1db: {  	_ =	swait.ge [sflag:s14], $0x80  }
0x1dc: {  	[sflag:s14] =	ssyncset.done $0x0  }
0x1dd: {  	[sflag:s14] =	ssyncadd.s32 $0xFFFFFF80  }
0x1de: {  	[spmem:s2] =	stream.indirect.scatter.add.f32 [tilespmem:s24], [sflag:$0x2], $0x1, s28, s19, $0xb8;
	[tilespmem:$0xC390] =	vst v63  }
0x1df: {  	_ =	swait.ge [sflag:s14], $0x80  }
0x1e0: {  	[sflag:s14] =	ssyncset.done $0x0  }
0x1e1: {  	[sflag:s14] =	ssyncadd.s32 $0xFFFFFF80  }
0x1e2: {  	[spmem:s1] =	stream.indirect.scatter.add.f32 [tilespmem:s31], [sflag:$0x2], $0x1, s3, s19, $0xb8;
	[tilespmem:$0xC390] =	vst v63  }
0x1e3: {  	s0 =	sadd.s32 $0x1, s0;
	_ =	swait.ge [sflag:s14], $0x80  }
0x1e4: {  	p0 =	sne.s32 s0, s10;
	[sflag:s14] =	ssyncset.done $0x0  }
.Ltmp1:
0x1e5: {  	[sflag:s14] =	ssyncadd.s32 $0xFFFFFF80;
	(pc) =	sbr.rel @p0 .LBB2_2-.Ltmp1, $4  }
0x1e6: {  	[spmem:s2] =	stream.indirect.scatter.add.f32 [tilespmem:s24], [sflag:$0x2], $0x1, s3, s19, $0xb8;
	[tilespmem:$0xC390] =	vst v63  }
0x1e7: {  	_ =	swait.ge [sflag:s14], $0x80  }
0x1e8: {  	[sflag:s14] =	ssyncset.done $0x0  }
0x1e9: {  	[sflag:s14] =	ssyncadd.s32 $0xFFFFFF80  }
0x1ea: {  	[bflag:$0x0] =	sbarrier.arrive $0xFFFF  }
0x1eb: {  	s16 =	rddreg [dreg:$0x8]  }
0x1ec: {  	s15 =	rddreg [dreg:$0x9]  }
0x1ed: {  	s0 =	rddreg [dreg:$0xb]  }
0x1ee: {  	[hbm:s0], [sflag:s16] =	dma.local [spmem:s15], $0x310  }
0x1ef: {  	_ =	swait.ge [sflag:s14], $0x310  }
0x1f0: {  	[sflag:s14] =	ssyncset.done $0x0;
	s22 =	rddreg [dreg:$0xa]  }
0x1f1: {  	s9 =	rddreg [dreg:$0xc];
	[sflag:s14] =	ssyncadd.s32 $0xFFFFFCF0  }
0x1f2: {  	[hbm:s9], [sflag:s16] =	dma.local [spmem:s22], $0x310  }
0x1f3: {  	_ =	swait.ge [sflag:s14], $0x310  }
0x1f4: {  	s9 =	rddreg [dreg:$0xd]  }
0x1f5: {  	s4 =	rddreg [dreg:$0x7];
	s9 =	sadd.s32 $0x1, s9  }
0x1f6: {  	p0 =	sne.s32 s9, s4  }
.Ltmp2:
0x1f7: {  	_ = 	snop;
	(pc) =	sbr.rel @p0 .LBB2_1-.Ltmp2, $3  }
0x1f8: {  	_ =	sdelay $0x1  }
0x1f9: {  	[sflag:s14] =	ssyncset.done $0x0  }
0x1fa: {  	[sflag:s14] =	ssyncadd.s32 $0xFFFFFCF0  }
0x1fb: {  	_ =	sfence.sel $0x180000  }
0x1fc: {  	[bflag:$0x0] =	sbarrier.arrive $0xFFFF  }
0x1fd: {  	_ =	strace $0x90000047  }
0x1fe: {  	s0 =	stileid.u32;
	[bflag:$0x2] =	sbarrier.arrive $0xFFFF  }
0x1ff: {  	p0 =	sne.s32 s0, $0x0;
	s0 =	rddreg [dreg:$0x4]  }
0x200: {  	s0 =	sadd.s32 @!p0 $0x100000, s0  }
0x201: {  	[sflag:s0] =	ssyncadd.tile.s32 @!p0 $0x1;
	_ =	shalt  }
.Lfunc_end2:
_tile_overlayer_lowered:
.L_overlay_start_2:
0x202: {  	(tag) =	ssettag $0x2  }
0x203: {  	s0 =	rddreg [dreg:$0x0];
	s2 =	stileid.u32  }
0x204: {  	s1 =	rddreg [dreg:$0x1];
	p0 =	sne.s32 s2, $0x0  }
0x205: {  	s3 =	rddreg [dreg:$0x2];
	[bflag:$0x3] =	sbarrier.arrive $0xFFFF;
	s2 =	simm.s32 @!p0 $0x1C02  }
0x206: {  	[timem:s3], [sflag:s2] =	dma.local @!p0 [hbm:s0], s1  }
0x207: {  	s0 =	simm.s32 @!p0 $0x2  }
0x208: {  	_ =	swait.ge @!p0 [sflag:s0], s1  }
0x209: {  	s1 =	ssub.s32 @!p0 $0x0, s1;
	[sflag:s0] =	ssyncset.done @!p0 $0x0  }
0x20a: {  	[sflag:s0] =	ssyncadd.s32 @!p0 s1  }
0x20b: {  	[bflag:$0x3] =	sbarrier.arrive $0xFFFF  }
0x20c: {  	_ =	shalt  }

</sc_bundles>
